<compile_context>
chip_gen: v7x
topology: tpu7x:2x2x1
jax: 0.10.2.dev20260603
libtpu: 0.0.44.dev20260713+nightly
codegen_flags: <defaults>
</compile_context>

<pallas_src>
import functools

import jax
import jax.numpy as jnp
from jax import lax
from jax.experimental import pallas as pl
from jax.experimental.pallas import tpu as pltpu
from jax.experimental.pallas import tpu_sc as plsc

ROWS = 6400000
COLS = 5
SEGS = 100000

SB = 400
NBLK = 50000 // SB


def _hcols_body(x_ref, h0, h1, h2, h3, h4):
    xb = x_ref[...]
    m = jnp.max(xb, axis=0)
    sh = xb - m[None]
    ls = jnp.log(jnp.sum(jnp.exp(sh), axis=0))
    outs = (h0, h1, h2, h3, h4)
    for j in range(COLS):
        outs[j][...] = (sh[j] - ls).reshape(SB * 128)


def _h_columns(x):
    xt3 = x.reshape(50000, 128, COLS).transpose(2, 0, 1)
    return pl.pallas_call(
        _hcols_body,
        out_shape=[jax.ShapeDtypeStruct((ROWS,), jnp.float32)] * COLS,
        grid=(NBLK,),
        in_specs=[pl.BlockSpec((COLS, SB, 128), lambda i: (0, i, 0))],
        out_specs=[pl.BlockSpec((SB * 128,), lambda i: (i,))] * COLS,
        compiler_params=pltpu.CompilerParams(
            dimension_semantics=("arbitrary",),
        ),
    )(xt3)


NC = 2
NS = 16
NW = NC * NS
RPW = ROWS // NW
P = 10000
CH = RPW // P
SEG_PAD = 100096
RG = SEG_PAD // NS
NA = COLS + 1


def _segsum_body(h0, h1, h2, h3, h4, batch_hbm, out_hbm,
                 bv0, bv1, vv0, vv1, zv,
                 semb, semv0, semv1,
                 sh0, sh1, sh2, sh3, sh4):
    cid = lax.axis_index("c")
    sid = lax.axis_index("s")
    wid = cid * NS + sid
    hs = (h0, h1, h2, h3, h4)
    shs = (sh0, sh1, sh2, sh3, sh4)
    bvs = (bv0, bv1)
    vvs = (vv0, vv1)
    semvs = (semv0, semv1)

    def zfill(i, _):
        zv[pl.ds(i * 16, 16)] = jnp.zeros((16,), jnp.float32)
        return 0
    lax.fori_loop(0, RG // 16, zfill, 0)

    reg = pl.ds(sid * RG, RG)
    for a in range(COLS):
        pltpu.sync_copy(zv, shs[a].at[reg])
    plsc.subcore_barrier()

    base = wid * RPW

    def off(c):
        return pl.ds(pl.multiple_of(base + c * P, 16), P)

    pend_b = pltpu.async_copy(batch_hbm.at[off(0)], bv0, semb)
    pend_v = pltpu.async_copy(h0.at[off(0)], vv0, semv0)
    t = 0
    for c in range(CH):
        pend_b.wait()
        bvc = bvs[c % 2]
        if c + 1 < CH:
            pend_b = pltpu.async_copy(batch_hbm.at[off(c + 1)],
                                      bvs[(c + 1) % 2], semb)
        for j in range(COLS):
            pend_v.wait()
            cur = vvs[t % 2]
            nxt = vvs[(t + 1) % 2]
            if j + 1 < COLS:
                pend_v = pltpu.async_copy(hs[j + 1].at[off(c)], nxt,
                                          semvs[(t + 1) % 2])
            elif c + 1 < CH:
                pend_v = pltpu.async_copy(h0.at[off(c + 1)], nxt,
                                          semvs[(t + 1) % 2])
            t += 1
            pltpu.sync_copy(cur, shs[j].at[bvc], add=True)

    plsc.subcore_barrier()
    for a in range(COLS):
        ooff = pl.multiple_of((cid * COLS + a) * SEG_PAD + sid * RG, 16)
        pltpu.sync_copy(shs[a].at[reg], zv)
        pltpu.sync_copy(zv, out_hbm.at[pl.ds(ooff, RG)])


def _segment_sums(hcols, batch):
    mesh = plsc.VectorSubcoreMesh(core_axis_name="c", subcore_axis_name="s")
    f = functools.partial(
        pl.kernel,
        out_type=jax.ShapeDtypeStruct((NC * COLS * SEG_PAD,), jnp.float32),
        mesh=mesh,
        scratch_types=[
            pltpu.VMEM((P,), jnp.int32),
            pltpu.VMEM((P,), jnp.int32),
            pltpu.VMEM((P,), jnp.float32),
            pltpu.VMEM((P,), jnp.float32),
            pltpu.VMEM((RG,), jnp.float32),
            pltpu.SemaphoreType.DMA,
            pltpu.SemaphoreType.DMA,
            pltpu.SemaphoreType.DMA,
        ] + [pltpu.VMEM_SHARED((SEG_PAD,), jnp.float32)] * COLS,
    )(_segsum_body)
    return f(*hcols, batch)



def _counts_body(batch_hbm, out_hbm, bv0, bv1, ones_v, zv, semb, shc):
    cid = lax.axis_index("c")
    sid = lax.axis_index("s")
    wid = cid * NS + sid
    bvs = (bv0, bv1)

    def zfill(i, _):
        zv[pl.ds(i * 16, 16)] = jnp.zeros((16,), jnp.float32)
        return 0
    lax.fori_loop(0, RG // 16, zfill, 0)

    def ofill(i, _):
        ones_v[pl.ds(i * 16, 16)] = jnp.ones((16,), jnp.float32)
        return 0
    lax.fori_loop(0, P // 16, ofill, 0)

    reg = pl.ds(sid * RG, RG)
    pltpu.sync_copy(zv, shc.at[reg])
    plsc.subcore_barrier()

    base = wid * RPW

    def off(c):
        return pl.ds(pl.multiple_of(base + c * P, 16), P)

    pend_b = pltpu.async_copy(batch_hbm.at[off(0)], bv0, semb)
    for c in range(CH):
        pend_b.wait()
        bvc = bvs[c % 2]
        if c + 1 < CH:
            pend_b = pltpu.async_copy(batch_hbm.at[off(c + 1)],
                                      bvs[(c + 1) % 2], semb)
        pltpu.sync_copy(ones_v, shc.at[bvc], add=True)

    plsc.subcore_barrier()
    ooff = pl.multiple_of(cid * SEG_PAD + sid * RG, 16)
    pltpu.sync_copy(shc.at[reg], zv)
    pltpu.sync_copy(zv, out_hbm.at[pl.ds(ooff, RG)])


def _count_sums(batch):
    mesh = plsc.VectorSubcoreMesh(core_axis_name="c", subcore_axis_name="s")
    f = functools.partial(
        pl.kernel,
        out_type=jax.ShapeDtypeStruct((NC * SEG_PAD,), jnp.float32),
        mesh=mesh,
        scratch_types=[
            pltpu.VMEM((P,), jnp.int32),
            pltpu.VMEM((P,), jnp.int32),
            pltpu.VMEM((P,), jnp.float32),
            pltpu.VMEM((RG,), jnp.float32),
            pltpu.SemaphoreType.DMA,
            pltpu.VMEM_SHARED((SEG_PAD,), jnp.float32),
        ],
    )(_counts_body)
    return f(batch)


def _final_body(acc_ref, cacc_ref, wb_ref, b_ref, out_ref):
    def region(a):
        lo = acc_ref[pl.ds(a * SEG_PAD, SEG_PAD)]
        hi = acc_ref[pl.ds((COLS + a) * SEG_PAD, SEG_PAD)]
        return lo + hi

    def cnts():
        return (cacc_ref[pl.ds(0, SEG_PAD)]
                + cacc_ref[pl.ds(SEG_PAD, SEG_PAD)])

    def round_bf16(v):
        bits = lax.bitcast_convert_type(v, jnp.int32)
        lsb = lax.shift_right_logical(bits, 16) & 1
        bits = (bits + 0x7FFF + lsb) & jnp.int32(-65536)
        return lax.bitcast_convert_type(bits, jnp.float32)

    n = jnp.maximum(cnts(), 1.0)
    out = jnp.zeros((SEG_PAD,), jnp.float32) + b_ref[0]
    for j in range(COLS):
        mj = round_bf16(region(j) / n)
        out = out + mj * round_bf16(wb_ref[0, j])
    out_ref[...] = out


def _finalize(acc, cacc, wb, b):
    return pl.pallas_call(
        _final_body,
        out_shape=jax.ShapeDtypeStruct((SEG_PAD,), jnp.float32),
        in_specs=[
            pl.BlockSpec((NC * COLS * SEG_PAD,), lambda: (0,)),
            pl.BlockSpec((NC * SEG_PAD,), lambda: (0,)),
            pl.BlockSpec(memory_space=pltpu.SMEM),
            pl.BlockSpec(memory_space=pltpu.SMEM),
        ],
        out_specs=pl.BlockSpec((SEG_PAD,), lambda: (0,)),
    )(acc, cacc, wb, b)


def kernel(x, batch, W, b):
    bi = batch.astype(jnp.int32)
    cacc = _count_sums(bi)
    hcols = _h_columns(x)
    acc = _segment_sums(hcols, bi)
    out1 = _finalize(acc, cacc, W.astype(jnp.float32),
                     b.astype(jnp.float32))
    return out1[:SEGS].reshape(SEGS, 1)

# --- scband reference (transcript-rebuilt; emitter-appended) ---
"""Pipeline reference for scband-final-layer-74380243632650 (READ-ONLY COPY).

The authoritative reference and input builder live on the scoring server;
editing this copy changes nothing except your own understanding.
"""

import jax, jax.numpy as jnp
import numpy as np

NUM_SEGMENTS = 100000

def setup_inputs(seed: int = 0) -> dict:
    key = jax.random.key(seed)
    k1, k2, k3, k4 = jax.random.split(key, 4)
    x = jax.random.normal(k1, (6400000, 5), dtype=jnp.float32)
    batch = jnp.sort(jax.random.randint(k2, (6400000,), 0, NUM_SEGMENTS, dtype=jnp.int64))
    # Linear(5, 1) parameters (PyTorch default init: U(-1/sqrt(5), 1/sqrt(5)))
    bound = 1.0 / np.sqrt(5.0)
    W = jax.random.uniform(k3, (1, 5), dtype=jnp.float32, minval=-bound, maxval=bound)
    b = jax.random.uniform(k4, (1,), dtype=jnp.float32, minval=-bound, maxval=bound)
    return {"x": x, "batch": batch, "W": W, "b": b}

def reference(x, batch, W, b):
    # x = F.log_softmax(x, dim=1)
    h = jax.nn.log_softmax(x, axis=1)
    # global_mean_pool(x, batch): segment mean over batch ids
    sums = jax.ops.segment_sum(h, batch, num_segments=NUM_SEGMENTS)
    counts = jax.ops.segment_sum(jnp.ones((h.shape[0],), dtype=h.dtype), batch, num_segments=NUM_SEGMENTS)
    mean = sums / jnp.maximum(counts, 1.0)[:, None]
    # self.lin(x)
    out = mean @ W.T + b
    return out

if __name__ == "__main__":
    import jax
    _d = setup_inputs()
    print(jax.jit(kernel)(*tuple(_d.values())))

</pallas_src>

<mosaic_0001>
#map = affine_map<(d0, d1) -> (0)>
module attributes {stable_mosaic.version = 14 : i64} {
  func.func @_counts_body(%arg0: i32, %arg1: i32, %arg2: memref<6400000xi32, #tpu.memory_space<hbm>>, %arg3: memref<200192xf32, #tpu.memory_space<hbm>>, %arg4: memref<10000xi32, #tpu.memory_space<vmem>>, %arg5: memref<10000xi32, #tpu.memory_space<vmem>>, %arg6: memref<10000xf32, #tpu.memory_space<vmem>>, %arg7: memref<6256xf32, #tpu.memory_space<vmem>>, %arg8: memref<!tpu.dma_semaphore, #tpu.memory_space<semaphore_mem>>, %arg9: memref<100096xf32, #tpu.memory_space<vmem_shared>>) attributes {dimension_semantics = [#tpu.dimension_semantics<core_parallel>, #tpu.dimension_semantics<subcore_parallel>], iteration_bounds = array<i64: 2, 16>, scalar_prefetch = 0 : i64, scratch_operands = 6 : i64, tpu.core_type = #tpu.core_type<sc_vector_subcore>, window_params = [{transform_indices = #map}, {transform_indices = #map}]} {
    %mul3A = arith.constant 16 : i32
    %mul3A_0 = arith.muli %arg0, %mul3A : i32
    %add3A = arith.addi %mul3A_0, %arg1 : i32
    %scan3A = arith.constant 0 : i32
    %scan3A_1 = arith.constant 0 : i32
    %scan3A_2 = arith.constant 391 : i32
    %scan3A_3 = arith.addi %scan3A_1, %scan3A_2 : i32
    %scan3A_4 = arith.constant 1 : i32
    %scan3A_5 = scf.for %scan3A_162 = %scan3A_1 to %scan3A_3 step %scan3A_4 iter_args(%scan3A_163 = %scan3A) -> (i32)  : i32 {
      %broadcast_in_dim3A = arith.constant 0.000000e+00 : f32
      %broadcast_in_dim3A_164 = vector.broadcast %broadcast_in_dim3A : f32 to vector<16xf32>
      %mul3A_165 = arith.constant 16 : i32
      %mul3A_166 = arith.muli %scan3A_162, %mul3A_165 : i32
      %swap3A = arith.index_cast %mul3A_166 : i32 to index
      %swap3A_167 = tpu.vector_load %arg7[%swap3A] {strides = array<i32>} : memref<6256xf32, #tpu.memory_space<vmem>>, vector<16xf32>,
      %swap3A_168 = vector.shape_cast %swap3A_167 : vector<16xf32> to vector<16xf32>
      %swap3A_169 = vector.shape_cast %broadcast_in_dim3A_164 : vector<16xf32> to vector<16xf32>
      tpu.vector_store %arg7[%swap3A], %swap3A_169 {strides = array<i32>} : memref<6256xf32, #tpu.memory_space<vmem>>, vector<16xf32>,
      %scan3A_170 = arith.constant 0 : i32
      scf.yield %scan3A_170 : i32
    }
    %scan3A_6 = arith.constant 391 : i32
    %scan3A_7 = arith.constant 0 : i32
    %scan3A_8 = arith.constant 0 : i32
    %scan3A_9 = arith.constant 625 : i32
    %scan3A_10 = arith.addi %scan3A_8, %scan3A_9 : i32
    %scan3A_11 = arith.constant 1 : i32
    %scan3A_12 = scf.for %scan3A_162 = %scan3A_8 to %scan3A_10 step %scan3A_11 iter_args(%scan3A_163 = %scan3A_7) -> (i32)  : i32 {
      %broadcast_in_dim3A = arith.constant 1.000000e+00 : f32
      %broadcast_in_dim3A_164 = vector.broadcast %broadcast_in_dim3A : f32 to vector<16xf32>
      %mul3A_165 = arith.constant 16 : i32
      %mul3A_166 = arith.muli %scan3A_162, %mul3A_165 : i32
      %swap3A = arith.index_cast %mul3A_166 : i32 to index
      %swap3A_167 = tpu.vector_load %arg6[%swap3A] {strides = array<i32>} : memref<10000xf32, #tpu.memory_space<vmem>>, vector<16xf32>,
      %swap3A_168 = vector.shape_cast %swap3A_167 : vector<16xf32> to vector<16xf32>
      %swap3A_169 = vector.shape_cast %broadcast_in_dim3A_164 : vector<16xf32> to vector<16xf32>
      tpu.vector_store %arg6[%swap3A], %swap3A_169 {strides = array<i32>} : memref<10000xf32, #tpu.memory_space<vmem>>, vector<16xf32>,
      %scan3A_170 = arith.constant 0 : i32
      scf.yield %scan3A_170 : i32
    }
    %scan3A_13 = arith.constant 625 : i32
    %mul3A_14 = arith.constant 6256 : i32
    %mul3A_15 = arith.muli %arg1, %mul3A_14 : i32
    "tpu.region"() ({
      %run_scoped3A = tpu.sem_alloc : memref<!tpu.dma_semaphore, #tpu.memory_space<semaphore_mem>>
      %dma_start3A_162 = tpu.memref_slice %arg9[%mul3A_15] : memref<100096xf32, #tpu.memory_space<vmem_shared>> -> memref<6256xf32, #tpu.memory_space<vmem_shared>>
      %dma_start3A_163 = tpu.memref_slice %arg9[%mul3A_15] : memref<100096xf32, #tpu.memory_space<vmem_shared>> -> memref<6256xf32, #tpu.memory_space<vmem_shared>>
      tpu.enqueue_dma source(%arg7 : memref<6256xf32, #tpu.memory_space<vmem>>) target(%dma_start3A_163 : memref<6256xf32, #tpu.memory_space<vmem_shared>>) target_semaphore(%run_scoped3A : memref<!tpu.dma_semaphore, #tpu.memory_space<semaphore_mem>>)
      %dma_wait3A_164 = tpu.memref_slice %arg9[%mul3A_15] : memref<100096xf32, #tpu.memory_space<vmem_shared>> -> memref<6256xf32, #tpu.memory_space<vmem_shared>>
      %dma_wait3A_165 = tpu.memref_slice %arg9[%mul3A_15] : memref<100096xf32, #tpu.memory_space<vmem_shared>> -> memref<6256xf32, #tpu.memory_space<vmem_shared>>
      tpu.wait_dma2 semaphore(%run_scoped3A : memref<!tpu.dma_semaphore, #tpu.memory_space<semaphore_mem>>) src(%arg7 : memref<6256xf32, #tpu.memory_space<vmem>>) dst(%dma_wait3A_165 : memref<6256xf32, #tpu.memory_space<vmem_shared>>)
      tpu.yield
    }) : () -> ()
    %barrier3A = arith.constant 0 : index
    tpu.barrier barrier_id(%barrier3A)
    %mul3A_16 = arith.constant 200000 : i32
    %mul3A_17 = arith.muli %add3A, %mul3A_16 : i32
    %add3A_18 = arith.constant 0 : i32
    %add3A_19 = arith.addi %mul3A_17, %add3A_18 : i32
    %multiple_of3A = tpu.assume_multiple %add3A_19, 16 : i32
    %dma_start3A = tpu.memref_slice %arg2[%multiple_of3A] : memref<6400000xi32, #tpu.memory_space<hbm>> -> memref<10000xi32, #tpu.memory_space<hbm>>
    %dma_start3A_20 = tpu.memref_slice %arg2[%multiple_of3A] : memref<6400000xi32, #tpu.memory_space<hbm>> -> memref<10000xi32, #tpu.memory_space<hbm>>
    tpu.enqueue_dma source(%dma_start3A_20 : memref<10000xi32, #tpu.memory_space<hbm>>) target(%arg4 : memref<10000xi32, #tpu.memory_space<vmem>>) target_semaphore(%arg8 : memref<!tpu.dma_semaphore, #tpu.memory_space<semaphore_mem>>)
    %dma_wait3A = tpu.memref_slice %arg2[%multiple_of3A] : memref<6400000xi32, #tpu.memory_space<hbm>> -> memref<10000xi32, #tpu.memory_space<hbm>>
    %dma_wait3A_21 = tpu.memref_slice %arg2[%multiple_of3A] : memref<6400000xi32, #tpu.memory_space<hbm>> -> memref<10000xi32, #tpu.memory_space<hbm>>
    tpu.wait_dma2 semaphore(%arg8 : memref<!tpu.dma_semaphore, #tpu.memory_space<semaphore_mem>>) src(%dma_wait3A_21 : memref<10000xi32, #tpu.memory_space<hbm>>) dst(%arg4 : memref<10000xi32, #tpu.memory_space<vmem>>)
    %add3A_22 = arith.constant 10000 : i32
    %add3A_23 = arith.addi %mul3A_17, %add3A_22 : i32
    %multiple_of3A_24 = tpu.assume_multiple %add3A_23, 16 : i32
    %dma_start3A_25 = tpu.memref_slice %arg2[%multiple_of3A_24] : memref<6400000xi32, #tpu.memory_space<hbm>> -> memref<10000xi32, #tpu.memory_space<hbm>>
    %dma_start3A_26 = tpu.memref_slice %arg2[%multiple_of3A_24] : memref<6400000xi32, #tpu.memory_space<hbm>> -> memref<10000xi32, #tpu.memory_space<hbm>>
    tpu.enqueue_dma source(%dma_start3A_26 : memref<10000xi32, #tpu.memory_space<hbm>>) target(%arg5 : memref<10000xi32, #tpu.memory_space<vmem>>) target_semaphore(%arg8 : memref<!tpu.dma_semaphore, #tpu.memory_space<semaphore_mem>>)
    "tpu.region"() ({
      %run_scoped3A = tpu.sem_alloc : memref<!tpu.dma_semaphore, #tpu.memory_space<semaphore_mem>>
      %dma_start3A_162 = arith.constant 0 : i32
      %dma_start3A_163 = tpu.memref_slice %arg9[%dma_start3A_162] : memref<100096xf32, #tpu.memory_space<vmem_shared>> -> memref<100096xf32, #tpu.memory_space<vmem_shared>>
      tpu.enqueue_indirect_dma source(%arg6 : memref<10000xf32, #tpu.memory_space<vmem>>) target(%dma_start3A_163 : memref<100096xf32, #tpu.memory_space<vmem_shared>>) offsets(%arg4 : memref<10000xi32, #tpu.memory_space<vmem>>) semaphore(%run_scoped3A : memref<!tpu.dma_semaphore, #tpu.memory_space<semaphore_mem>>) {add = true}
      %dma_wait3A_164 = arith.constant 0 : i32
      %dma_wait3A_165 = tpu.memref_slice %arg9[%dma_wait3A_164] : memref<100096xf32, #tpu.memory_space<vmem_shared>> -> memref<100096xf32, #tpu.memory_space<vmem_shared>>
      tpu.wait_indirect_dma semaphore(%run_scoped3A : memref<!tpu.dma_semaphore, #tpu.memory_space<semaphore_mem>>) src(%arg6 : memref<10000xf32, #tpu.memory_space<vmem>>) dst(%dma_wait3A_165 : memref<100096xf32, #tpu.memory_space<vmem_shared>>)
      tpu.yield
    }) : () -> ()
    %dma_wait3A_27 = tpu.memref_slice %arg2[%multiple_of3A_24] : memref<6400000xi32, #tpu.memory_space<hbm>> -> memref<10000xi32, #tpu.memory_space<hbm>>
    %dma_wait3A_28 = tpu.memref_slice %arg2[%multiple_of3A_24] : memref<6400000xi32, #tpu.memory_space<hbm>> -> memref<10000xi32, #tpu.memory_space<hbm>>
    tpu.wait_dma2 semaphore(%arg8 : memref<!tpu.dma_semaphore, #tpu.memory_space<semaphore_mem>>) src(%dma_wait3A_28 : memref<10000xi32, #tpu.memory_space<hbm>>) dst(%arg5 : memref<10000xi32, #tpu.memory_space<vmem>>)
    %add3A_29 = arith.constant 20000 : i32
    %add3A_30 = arith.addi %mul3A_17, %add3A_29 : i32
    %multiple_of3A_31 = tpu.assume_multiple %add3A_30, 16 : i32
    %dma_start3A_32 = tpu.memref_slice %arg2[%multiple_of3A_31] : memref<6400000xi32, #tpu.memory_space<hbm>> -> memref<10000xi32, #tpu.memory_space<hbm>>
    %dma_start3A_33 = tpu.memref_slice %arg2[%multiple_of3A_31] : memref<6400000xi32, #tpu.memory_space<hbm>> -> memref<10000xi32, #tpu.memory_space<hbm>>
    tpu.enqueue_dma source(%dma_start3A_33 : memref<10000xi32, #tpu.memory_space<hbm>>) target(%arg4 : memref<10000xi32, #tpu.memory_space<vmem>>) target_semaphore(%arg8 : memref<!tpu.dma_semaphore, #tpu.memory_space<semaphore_mem>>)
    "tpu.region"() ({
      %run_scoped3A = tpu.sem_alloc : memref<!tpu.dma_semaphore, #tpu.memory_space<semaphore_mem>>
      %dma_start3A_162 = arith.constant 0 : i32
      %dma_start3A_163 = tpu.memref_slice %arg9[%dma_start3A_162] : memref<100096xf32, #tpu.memory_space<vmem_shared>> -> memref<100096xf32, #tpu.memory_space<vmem_shared>>
      tpu.enqueue_indirect_dma source(%arg6 : memref<10000xf32, #tpu.memory_space<vmem>>) target(%dma_start3A_163 : memref<100096xf32, #tpu.memory_space<vmem_shared>>) offsets(%arg5 : memref<10000xi32, #tpu.memory_space<vmem>>) semaphore(%run_scoped3A : memref<!tpu.dma_semaphore, #tpu.memory_space<semaphore_mem>>) {add = true}
      %dma_wait3A_164 = arith.constant 0 : i32
      %dma_wait3A_165 = tpu.memref_slice %arg9[%dma_wait3A_164] : memref<100096xf32, #tpu.memory_space<vmem_shared>> -> memref<100096xf32, #tpu.memory_space<vmem_shared>>
      tpu.wait_indirect_dma semaphore(%run_scoped3A : memref<!tpu.dma_semaphore, #tpu.memory_space<semaphore_mem>>) src(%arg6 : memref<10000xf32, #tpu.memory_space<vmem>>) dst(%dma_wait3A_165 : memref<100096xf32, #tpu.memory_space<vmem_shared>>)
      tpu.yield
    }) : () -> ()
    %dma_wait3A_34 = tpu.memref_slice %arg2[%multiple_of3A_31] : memref<6400000xi32, #tpu.memory_space<hbm>> -> memref<10000xi32, #tpu.memory_space<hbm>>
    %dma_wait3A_35 = tpu.memref_slice %arg2[%multiple_of3A_31] : memref<6400000xi32, #tpu.memory_space<hbm>> -> memref<10000xi32, #tpu.memory_space<hbm>>
    tpu.wait_dma2 semaphore(%arg8 : memref<!tpu.dma_semaphore, #tpu.memory_space<semaphore_mem>>) src(%dma_wait3A_35 : memref<10000xi32, #tpu.memory_space<hbm>>) dst(%arg4 : memref<10000xi32, #tpu.memory_space<vmem>>)
    %add3A_36 = arith.constant 30000 : i32
    %add3A_37 = arith.addi %mul3A_17, %add3A_36 : i32
    %multiple_of3A_38 = tpu.assume_multiple %add3A_37, 16 : i32
    %dma_start3A_39 = tpu.memref_slice %arg2[%multiple_of3A_38] : memref<6400000xi32, #tpu.memory_space<hbm>> -> memref<10000xi32, #tpu.memory_space<hbm>>
    %dma_start3A_40 = tpu.memref_slice %arg2[%multiple_of3A_38] : memref<6400000xi32, #tpu.memory_space<hbm>> -> memref<10000xi32, #tpu.memory_space<hbm>>
    tpu.enqueue_dma source(%dma_start3A_40 : memref<10000xi32, #tpu.memory_space<hbm>>) target(%arg5 : memref<10000xi32, #tpu.memory_space<vmem>>) target_semaphore(%arg8 : memref<!tpu.dma_semaphore, #tpu.memory_space<semaphore_mem>>)
    "tpu.region"() ({
      %run_scoped3A = tpu.sem_alloc : memref<!tpu.dma_semaphore, #tpu.memory_space<semaphore_mem>>
      %dma_start3A_162 = arith.constant 0 : i32
      %dma_start3A_163 = tpu.memref_slice %arg9[%dma_start3A_162] : memref<100096xf32, #tpu.memory_space<vmem_shared>> -> memref<100096xf32, #tpu.memory_space<vmem_shared>>
      tpu.enqueue_indirect_dma source(%arg6 : memref<10000xf32, #tpu.memory_space<vmem>>) target(%dma_start3A_163 : memref<100096xf32, #tpu.memory_space<vmem_shared>>) offsets(%arg4 : memref<10000xi32, #tpu.memory_space<vmem>>) semaphore(%run_scoped3A : memref<!tpu.dma_semaphore, #tpu.memory_space<semaphore_mem>>) {add = true}
      %dma_wait3A_164 = arith.constant 0 : i32
      %dma_wait3A_165 = tpu.memref_slice %arg9[%dma_wait3A_164] : memref<100096xf32, #tpu.memory_space<vmem_shared>> -> memref<100096xf32, #tpu.memory_space<vmem_shared>>
      tpu.wait_indirect_dma semaphore(%run_scoped3A : memref<!tpu.dma_semaphore, #tpu.memory_space<semaphore_mem>>) src(%arg6 : memref<10000xf32, #tpu.memory_space<vmem>>) dst(%dma_wait3A_165 : memref<100096xf32, #tpu.memory_space<vmem_shared>>)
      tpu.yield
    }) : () -> ()
    %dma_wait3A_41 = tpu.memref_slice %arg2[%multiple_of3A_38] : memref<6400000xi32, #tpu.memory_space<hbm>> -> memref<10000xi32, #tpu.memory_space<hbm>>
    %dma_wait3A_42 = tpu.memref_slice %arg2[%multiple_of3A_38] : memref<6400000xi32, #tpu.memory_space<hbm>> -> memref<10000xi32, #tpu.memory_space<hbm>>
    tpu.wait_dma2 semaphore(%arg8 : memref<!tpu.dma_semaphore, #tpu.memory_space<semaphore_mem>>) src(%dma_wait3A_42 : memref<10000xi32, #tpu.memory_space<hbm>>) dst(%arg5 : memref<10000xi32, #tpu.memory_space<vmem>>)
    %add3A_43 = arith.constant 40000 : i32
    %add3A_44 = arith.addi %mul3A_17, %add3A_43 : i32
    %multiple_of3A_45 = tpu.assume_multiple %add3A_44, 16 : i32
    %dma_start3A_46 = tpu.memref_slice %arg2[%multiple_of3A_45] : memref<6400000xi32, #tpu.memory_space<hbm>> -> memref<10000xi32, #tpu.memory_space<hbm>>
    %dma_start3A_47 = tpu.memref_slice %arg2[%multiple_of3A_45] : memref<6400000xi32, #tpu.memory_space<hbm>> -> memref<10000xi32, #tpu.memory_space<hbm>>
    tpu.enqueue_dma source(%dma_start3A_47 : memref<10000xi32, #tpu.memory_space<hbm>>) target(%arg4 : memref<10000xi32, #tpu.memory_space<vmem>>) target_semaphore(%arg8 : memref<!tpu.dma_semaphore, #tpu.memory_space<semaphore_mem>>)
    "tpu.region"() ({
      %run_scoped3A = tpu.sem_alloc : memref<!tpu.dma_semaphore, #tpu.memory_space<semaphore_mem>>
      %dma_start3A_162 = arith.constant 0 : i32
      %dma_start3A_163 = tpu.memref_slice %arg9[%dma_start3A_162] : memref<100096xf32, #tpu.memory_space<vmem_shared>> -> memref<100096xf32, #tpu.memory_space<vmem_shared>>
      tpu.enqueue_indirect_dma source(%arg6 : memref<10000xf32, #tpu.memory_space<vmem>>) target(%dma_start3A_163 : memref<100096xf32, #tpu.memory_space<vmem_shared>>) offsets(%arg5 : memref<10000xi32, #tpu.memory_space<vmem>>) semaphore(%run_scoped3A : memref<!tpu.dma_semaphore, #tpu.memory_space<semaphore_mem>>) {add = true}
      %dma_wait3A_164 = arith.constant 0 : i32
      %dma_wait3A_165 = tpu.memref_slice %arg9[%dma_wait3A_164] : memref<100096xf32, #tpu.memory_space<vmem_shared>> -> memref<100096xf32, #tpu.memory_space<vmem_shared>>
      tpu.wait_indirect_dma semaphore(%run_scoped3A : memref<!tpu.dma_semaphore, #tpu.memory_space<semaphore_mem>>) src(%arg6 : memref<10000xf32, #tpu.memory_space<vmem>>) dst(%dma_wait3A_165 : memref<100096xf32, #tpu.memory_space<vmem_shared>>)
      tpu.yield
    }) : () -> ()
    %dma_wait3A_48 = tpu.memref_slice %arg2[%multiple_of3A_45] : memref<6400000xi32, #tpu.memory_space<hbm>> -> memref<10000xi32, #tpu.memory_space<hbm>>
    %dma_wait3A_49 = tpu.memref_slice %arg2[%multiple_of3A_45] : memref<6400000xi32, #tpu.memory_space<hbm>> -> memref<10000xi32, #tpu.memory_space<hbm>>
    tpu.wait_dma2 semaphore(%arg8 : memref<!tpu.dma_semaphore, #tpu.memory_space<semaphore_mem>>) src(%dma_wait3A_49 : memref<10000xi32, #tpu.memory_space<hbm>>) dst(%arg4 : memref<10000xi32, #tpu.memory_space<vmem>>)
    %add3A_50 = arith.constant 50000 : i32
    %add3A_51 = arith.addi %mul3A_17, %add3A_50 : i32
    %multiple_of3A_52 = tpu.assume_multiple %add3A_51, 16 : i32
    %dma_start3A_53 = tpu.memref_slice %arg2[%multiple_of3A_52] : memref<6400000xi32, #tpu.memory_space<hbm>> -> memref<10000xi32, #tpu.memory_space<hbm>>
    %dma_start3A_54 = tpu.memref_slice %arg2[%multiple_of3A_52] : memref<6400000xi32, #tpu.memory_space<hbm>> -> memref<10000xi32, #tpu.memory_space<hbm>>
    tpu.enqueue_dma source(%dma_start3A_54 : memref<10000xi32, #tpu.memory_space<hbm>>) target(%arg5 : memref<10000xi32, #tpu.memory_space<vmem>>) target_semaphore(%arg8 : memref<!tpu.dma_semaphore, #tpu.memory_space<semaphore_mem>>)
    "tpu.region"() ({
      %run_scoped3A = tpu.sem_alloc : memref<!tpu.dma_semaphore, #tpu.memory_space<semaphore_mem>>
      %dma_start3A_162 = arith.constant 0 : i32
      %dma_start3A_163 = tpu.memref_slice %arg9[%dma_start3A_162] : memref<100096xf32, #tpu.memory_space<vmem_shared>> -> memref<100096xf32, #tpu.memory_space<vmem_shared>>
      tpu.enqueue_indirect_dma source(%arg6 : memref<10000xf32, #tpu.memory_space<vmem>>) target(%dma_start3A_163 : memref<100096xf32, #tpu.memory_space<vmem_shared>>) offsets(%arg4 : memref<10000xi32, #tpu.memory_space<vmem>>) semaphore(%run_scoped3A : memref<!tpu.dma_semaphore, #tpu.memory_space<semaphore_mem>>) {add = true}
      %dma_wait3A_164 = arith.constant 0 : i32
      %dma_wait3A_165 = tpu.memref_slice %arg9[%dma_wait3A_164] : memref<100096xf32, #tpu.memory_space<vmem_shared>> -> memref<100096xf32, #tpu.memory_space<vmem_shared>>
      tpu.wait_indirect_dma semaphore(%run_scoped3A : memref<!tpu.dma_semaphore, #tpu.memory_space<semaphore_mem>>) src(%arg6 : memref<10000xf32, #tpu.memory_space<vmem>>) dst(%dma_wait3A_165 : memref<100096xf32, #tpu.memory_space<vmem_shared>>)
      tpu.yield
    }) : () -> ()
    %dma_wait3A_55 = tpu.memref_slice %arg2[%multiple_of3A_52] : memref<6400000xi32, #tpu.memory_space<hbm>> -> memref<10000xi32, #tpu.memory_space<hbm>>
    %dma_wait3A_56 = tpu.memref_slice %arg2[%multiple_of3A_52] : memref<6400000xi32, #tpu.memory_space<hbm>> -> memref<10000xi32, #tpu.memory_space<hbm>>
    tpu.wait_dma2 semaphore(%arg8 : memref<!tpu.dma_semaphore, #tpu.memory_space<semaphore_mem>>) src(%dma_wait3A_56 : memref<10000xi32, #tpu.memory_space<hbm>>) dst(%arg5 : memref<10000xi32, #tpu.memory_space<vmem>>)
    %add3A_57 = arith.constant 60000 : i32
    %add3A_58 = arith.addi %mul3A_17, %add3A_57 : i32
    %multiple_of3A_59 = tpu.assume_multiple %add3A_58, 16 : i32
    %dma_start3A_60 = tpu.memref_slice %arg2[%multiple_of3A_59] : memref<6400000xi32, #tpu.memory_space<hbm>> -> memref<10000xi32, #tpu.memory_space<hbm>>
    %dma_start3A_61 = tpu.memref_slice %arg2[%multiple_of3A_59] : memref<6400000xi32, #tpu.memory_space<hbm>> -> memref<10000xi32, #tpu.memory_space<hbm>>
    tpu.enqueue_dma source(%dma_start3A_61 : memref<10000xi32, #tpu.memory_space<hbm>>) target(%arg4 : memref<10000xi32, #tpu.memory_space<vmem>>) target_semaphore(%arg8 : memref<!tpu.dma_semaphore, #tpu.memory_space<semaphore_mem>>)
    "tpu.region"() ({
      %run_scoped3A = tpu.sem_alloc : memref<!tpu.dma_semaphore, #tpu.memory_space<semaphore_mem>>
      %dma_start3A_162 = arith.constant 0 : i32
      %dma_start3A_163 = tpu.memref_slice %arg9[%dma_start3A_162] : memref<100096xf32, #tpu.memory_space<vmem_shared>> -> memref<100096xf32, #tpu.memory_space<vmem_shared>>
      tpu.enqueue_indirect_dma source(%arg6 : memref<10000xf32, #tpu.memory_space<vmem>>) target(%dma_start3A_163 : memref<100096xf32, #tpu.memory_space<vmem_shared>>) offsets(%arg5 : memref<10000xi32, #tpu.memory_space<vmem>>) semaphore(%run_scoped3A : memref<!tpu.dma_semaphore, #tpu.memory_space<semaphore_mem>>) {add = true}
      %dma_wait3A_164 = arith.constant 0 : i32
      %dma_wait3A_165 = tpu.memref_slice %arg9[%dma_wait3A_164] : memref<100096xf32, #tpu.memory_space<vmem_shared>> -> memref<100096xf32, #tpu.memory_space<vmem_shared>>
      tpu.wait_indirect_dma semaphore(%run_scoped3A : memref<!tpu.dma_semaphore, #tpu.memory_space<semaphore_mem>>) src(%arg6 : memref<10000xf32, #tpu.memory_space<vmem>>) dst(%dma_wait3A_165 : memref<100096xf32, #tpu.memory_space<vmem_shared>>)
      tpu.yield
    }) : () -> ()
    %dma_wait3A_62 = tpu.memref_slice %arg2[%multiple_of3A_59] : memref<6400000xi32, #tpu.memory_space<hbm>> -> memref<10000xi32, #tpu.memory_space<hbm>>
    %dma_wait3A_63 = tpu.memref_slice %arg2[%multiple_of3A_59] : memref<6400000xi32, #tpu.memory_space<hbm>> -> memref<10000xi32, #tpu.memory_space<hbm>>
    tpu.wait_dma2 semaphore(%arg8 : memref<!tpu.dma_semaphore, #tpu.memory_space<semaphore_mem>>) src(%dma_wait3A_63 : memref<10000xi32, #tpu.memory_space<hbm>>) dst(%arg4 : memref<10000xi32, #tpu.memory_space<vmem>>)
    %add3A_64 = arith.constant 70000 : i32
    %add3A_65 = arith.addi %mul3A_17, %add3A_64 : i32
    %multiple_of3A_66 = tpu.assume_multiple %add3A_65, 16 : i32
    %dma_start3A_67 = tpu.memref_slice %arg2[%multiple_of3A_66] : memref<6400000xi32, #tpu.memory_space<hbm>> -> memref<10000xi32, #tpu.memory_space<hbm>>
    %dma_start3A_68 = tpu.memref_slice %arg2[%multiple_of3A_66] : memref<6400000xi32, #tpu.memory_space<hbm>> -> memref<10000xi32, #tpu.memory_space<hbm>>
    tpu.enqueue_dma source(%dma_start3A_68 : memref<10000xi32, #tpu.memory_space<hbm>>) target(%arg5 : memref<10000xi32, #tpu.memory_space<vmem>>) target_semaphore(%arg8 : memref<!tpu.dma_semaphore, #tpu.memory_space<semaphore_mem>>)
    "tpu.region"() ({
      %run_scoped3A = tpu.sem_alloc : memref<!tpu.dma_semaphore, #tpu.memory_space<semaphore_mem>>
      %dma_start3A_162 = arith.constant 0 : i32
      %dma_start3A_163 = tpu.memref_slice %arg9[%dma_start3A_162] : memref<100096xf32, #tpu.memory_space<vmem_shared>> -> memref<100096xf32, #tpu.memory_space<vmem_shared>>
      tpu.enqueue_indirect_dma source(%arg6 : memref<10000xf32, #tpu.memory_space<vmem>>) target(%dma_start3A_163 : memref<100096xf32, #tpu.memory_space<vmem_shared>>) offsets(%arg4 : memref<10000xi32, #tpu.memory_space<vmem>>) semaphore(%run_scoped3A : memref<!tpu.dma_semaphore, #tpu.memory_space<semaphore_mem>>) {add = true}
      %dma_wait3A_164 = arith.constant 0 : i32
      %dma_wait3A_165 = tpu.memref_slice %arg9[%dma_wait3A_164] : memref<100096xf32, #tpu.memory_space<vmem_shared>> -> memref<100096xf32, #tpu.memory_space<vmem_shared>>
      tpu.wait_indirect_dma semaphore(%run_scoped3A : memref<!tpu.dma_semaphore, #tpu.memory_space<semaphore_mem>>) src(%arg6 : memref<10000xf32, #tpu.memory_space<vmem>>) dst(%dma_wait3A_165 : memref<100096xf32, #tpu.memory_space<vmem_shared>>)
      tpu.yield
    }) : () -> ()
    %dma_wait3A_69 = tpu.memref_slice %arg2[%multiple_of3A_66] : memref<6400000xi32, #tpu.memory_space<hbm>> -> memref<10000xi32, #tpu.memory_space<hbm>>
    %dma_wait3A_70 = tpu.memref_slice %arg2[%multiple_of3A_66] : memref<6400000xi32, #tpu.memory_space<hbm>> -> memref<10000xi32, #tpu.memory_space<hbm>>
    tpu.wait_dma2 semaphore(%arg8 : memref<!tpu.dma_semaphore, #tpu.memory_space<semaphore_mem>>) src(%dma_wait3A_70 : memref<10000xi32, #tpu.memory_space<hbm>>) dst(%arg5 : memref<10000xi32, #tpu.memory_space<vmem>>)
    %add3A_71 = arith.constant 80000 : i32
    %add3A_72 = arith.addi %mul3A_17, %add3A_71 : i32
    %multiple_of3A_73 = tpu.assume_multiple %add3A_72, 16 : i32
    %dma_start3A_74 = tpu.memref_slice %arg2[%multiple_of3A_73] : memref<6400000xi32, #tpu.memory_space<hbm>> -> memref<10000xi32, #tpu.memory_space<hbm>>
    %dma_start3A_75 = tpu.memref_slice %arg2[%multiple_of3A_73] : memref<6400000xi32, #tpu.memory_space<hbm>> -> memref<10000xi32, #tpu.memory_space<hbm>>
    tpu.enqueue_dma source(%dma_start3A_75 : memref<10000xi32, #tpu.memory_space<hbm>>) target(%arg4 : memref<10000xi32, #tpu.memory_space<vmem>>) target_semaphore(%arg8 : memref<!tpu.dma_semaphore, #tpu.memory_space<semaphore_mem>>)
    "tpu.region"() ({
      %run_scoped3A = tpu.sem_alloc : memref<!tpu.dma_semaphore, #tpu.memory_space<semaphore_mem>>
      %dma_start3A_162 = arith.constant 0 : i32
      %dma_start3A_163 = tpu.memref_slice %arg9[%dma_start3A_162] : memref<100096xf32, #tpu.memory_space<vmem_shared>> -> memref<100096xf32, #tpu.memory_space<vmem_shared>>
      tpu.enqueue_indirect_dma source(%arg6 : memref<10000xf32, #tpu.memory_space<vmem>>) target(%dma_start3A_163 : memref<100096xf32, #tpu.memory_space<vmem_shared>>) offsets(%arg5 : memref<10000xi32, #tpu.memory_space<vmem>>) semaphore(%run_scoped3A : memref<!tpu.dma_semaphore, #tpu.memory_space<semaphore_mem>>) {add = true}
      %dma_wait3A_164 = arith.constant 0 : i32
      %dma_wait3A_165 = tpu.memref_slice %arg9[%dma_wait3A_164] : memref<100096xf32, #tpu.memory_space<vmem_shared>> -> memref<100096xf32, #tpu.memory_space<vmem_shared>>
      tpu.wait_indirect_dma semaphore(%run_scoped3A : memref<!tpu.dma_semaphore, #tpu.memory_space<semaphore_mem>>) src(%arg6 : memref<10000xf32, #tpu.memory_space<vmem>>) dst(%dma_wait3A_165 : memref<100096xf32, #tpu.memory_space<vmem_shared>>)
      tpu.yield
    }) : () -> ()
    %dma_wait3A_76 = tpu.memref_slice %arg2[%multiple_of3A_73] : memref<6400000xi32, #tpu.memory_space<hbm>> -> memref<10000xi32, #tpu.memory_space<hbm>>
    %dma_wait3A_77 = tpu.memref_slice %arg2[%multiple_of3A_73] : memref<6400000xi32, #tpu.memory_space<hbm>> -> memref<10000xi32, #tpu.memory_space<hbm>>
    tpu.wait_dma2 semaphore(%arg8 : memref<!tpu.dma_semaphore, #tpu.memory_space<semaphore_mem>>) src(%dma_wait3A_77 : memref<10000xi32, #tpu.memory_space<hbm>>) dst(%arg4 : memref<10000xi32, #tpu.memory_space<vmem>>)
    %add3A_78 = arith.constant 90000 : i32
    %add3A_79 = arith.addi %mul3A_17, %add3A_78 : i32
    %multiple_of3A_80 = tpu.assume_multiple %add3A_79, 16 : i32
    %dma_start3A_81 = tpu.memref_slice %arg2[%multiple_of3A_80] : memref<6400000xi32, #tpu.memory_space<hbm>> -> memref<10000xi32, #tpu.memory_space<hbm>>
    %dma_start3A_82 = tpu.memref_slice %arg2[%multiple_of3A_80] : memref<6400000xi32, #tpu.memory_space<hbm>> -> memref<10000xi32, #tpu.memory_space<hbm>>
    tpu.enqueue_dma source(%dma_start3A_82 : memref<10000xi32, #tpu.memory_space<hbm>>) target(%arg5 : memref<10000xi32, #tpu.memory_space<vmem>>) target_semaphore(%arg8 : memref<!tpu.dma_semaphore, #tpu.memory_space<semaphore_mem>>)
    "tpu.region"() ({
      %run_scoped3A = tpu.sem_alloc : memref<!tpu.dma_semaphore, #tpu.memory_space<semaphore_mem>>
      %dma_start3A_162 = arith.constant 0 : i32
      %dma_start3A_163 = tpu.memref_slice %arg9[%dma_start3A_162] : memref<100096xf32, #tpu.memory_space<vmem_shared>> -> memref<100096xf32, #tpu.memory_space<vmem_shared>>
      tpu.enqueue_indirect_dma source(%arg6 : memref<10000xf32, #tpu.memory_space<vmem>>) target(%dma_start3A_163 : memref<100096xf32, #tpu.memory_space<vmem_shared>>) offsets(%arg4 : memref<10000xi32, #tpu.memory_space<vmem>>) semaphore(%run_scoped3A : memref<!tpu.dma_semaphore, #tpu.memory_space<semaphore_mem>>) {add = true}
      %dma_wait3A_164 = arith.constant 0 : i32
      %dma_wait3A_165 = tpu.memref_slice %arg9[%dma_wait3A_164] : memref<100096xf32, #tpu.memory_space<vmem_shared>> -> memref<100096xf32, #tpu.memory_space<vmem_shared>>
      tpu.wait_indirect_dma semaphore(%run_scoped3A : memref<!tpu.dma_semaphore, #tpu.memory_space<semaphore_mem>>) src(%arg6 : memref<10000xf32, #tpu.memory_space<vmem>>) dst(%dma_wait3A_165 : memref<100096xf32, #tpu.memory_space<vmem_shared>>)
      tpu.yield
    }) : () -> ()
    %dma_wait3A_83 = tpu.memref_slice %arg2[%multiple_of3A_80] : memref<6400000xi32, #tpu.memory_space<hbm>> -> memref<10000xi32, #tpu.memory_space<hbm>>
    %dma_wait3A_84 = tpu.memref_slice %arg2[%multiple_of3A_80] : memref<6400000xi32, #tpu.memory_space<hbm>> -> memref<10000xi32, #tpu.memory_space<hbm>>
    tpu.wait_dma2 semaphore(%arg8 : memref<!tpu.dma_semaphore, #tpu.memory_space<semaphore_mem>>) src(%dma_wait3A_84 : memref<10000xi32, #tpu.memory_space<hbm>>) dst(%arg5 : memref<10000xi32, #tpu.memory_space<vmem>>)
    %add3A_85 = arith.constant 100000 : i32
    %add3A_86 = arith.addi %mul3A_17, %add3A_85 : i32
    %multiple_of3A_87 = tpu.assume_multiple %add3A_86, 16 : i32
    %dma_start3A_88 = tpu.memref_slice %arg2[%multiple_of3A_87] : memref<6400000xi32, #tpu.memory_space<hbm>> -> memref<10000xi32, #tpu.memory_space<hbm>>
    %dma_start3A_89 = tpu.memref_slice %arg2[%multiple_of3A_87] : memref<6400000xi32, #tpu.memory_space<hbm>> -> memref<10000xi32, #tpu.memory_space<hbm>>
    tpu.enqueue_dma source(%dma_start3A_89 : memref<10000xi32, #tpu.memory_space<hbm>>) target(%arg4 : memref<10000xi32, #tpu.memory_space<vmem>>) target_semaphore(%arg8 : memref<!tpu.dma_semaphore, #tpu.memory_space<semaphore_mem>>)
    "tpu.region"() ({
      %run_scoped3A = tpu.sem_alloc : memref<!tpu.dma_semaphore, #tpu.memory_space<semaphore_mem>>
      %dma_start3A_162 = arith.constant 0 : i32
      %dma_start3A_163 = tpu.memref_slice %arg9[%dma_start3A_162] : memref<100096xf32, #tpu.memory_space<vmem_shared>> -> memref<100096xf32, #tpu.memory_space<vmem_shared>>
      tpu.enqueue_indirect_dma source(%arg6 : memref<10000xf32, #tpu.memory_space<vmem>>) target(%dma_start3A_163 : memref<100096xf32, #tpu.memory_space<vmem_shared>>) offsets(%arg5 : memref<10000xi32, #tpu.memory_space<vmem>>) semaphore(%run_scoped3A : memref<!tpu.dma_semaphore, #tpu.memory_space<semaphore_mem>>) {add = true}
      %dma_wait3A_164 = arith.constant 0 : i32
      %dma_wait3A_165 = tpu.memref_slice %arg9[%dma_wait3A_164] : memref<100096xf32, #tpu.memory_space<vmem_shared>> -> memref<100096xf32, #tpu.memory_space<vmem_shared>>
      tpu.wait_indirect_dma semaphore(%run_scoped3A : memref<!tpu.dma_semaphore, #tpu.memory_space<semaphore_mem>>) src(%arg6 : memref<10000xf32, #tpu.memory_space<vmem>>) dst(%dma_wait3A_165 : memref<100096xf32, #tpu.memory_space<vmem_shared>>)
      tpu.yield
    }) : () -> ()
    %dma_wait3A_90 = tpu.memref_slice %arg2[%multiple_of3A_87] : memref<6400000xi32, #tpu.memory_space<hbm>> -> memref<10000xi32, #tpu.memory_space<hbm>>
    %dma_wait3A_91 = tpu.memref_slice %arg2[%multiple_of3A_87] : memref<6400000xi32, #tpu.memory_space<hbm>> -> memref<10000xi32, #tpu.memory_space<hbm>>
    tpu.wait_dma2 semaphore(%arg8 : memref<!tpu.dma_semaphore, #tpu.memory_space<semaphore_mem>>) src(%dma_wait3A_91 : memref<10000xi32, #tpu.memory_space<hbm>>) dst(%arg4 : memref<10000xi32, #tpu.memory_space<vmem>>)
    %add3A_92 = arith.constant 110000 : i32
    %add3A_93 = arith.addi %mul3A_17, %add3A_92 : i32
    %multiple_of3A_94 = tpu.assume_multiple %add3A_93, 16 : i32
    %dma_start3A_95 = tpu.memref_slice %arg2[%multiple_of3A_94] : memref<6400000xi32, #tpu.memory_space<hbm>> -> memref<10000xi32, #tpu.memory_space<hbm>>
    %dma_start3A_96 = tpu.memref_slice %arg2[%multiple_of3A_94] : memref<6400000xi32, #tpu.memory_space<hbm>> -> memref<10000xi32, #tpu.memory_space<hbm>>
    tpu.enqueue_dma source(%dma_start3A_96 : memref<10000xi32, #tpu.memory_space<hbm>>) target(%arg5 : memref<10000xi32, #tpu.memory_space<vmem>>) target_semaphore(%arg8 : memref<!tpu.dma_semaphore, #tpu.memory_space<semaphore_mem>>)
    "tpu.region"() ({
      %run_scoped3A = tpu.sem_alloc : memref<!tpu.dma_semaphore, #tpu.memory_space<semaphore_mem>>
      %dma_start3A_162 = arith.constant 0 : i32
      %dma_start3A_163 = tpu.memref_slice %arg9[%dma_start3A_162] : memref<100096xf32, #tpu.memory_space<vmem_shared>> -> memref<100096xf32, #tpu.memory_space<vmem_shared>>
      tpu.enqueue_indirect_dma source(%arg6 : memref<10000xf32, #tpu.memory_space<vmem>>) target(%dma_start3A_163 : memref<100096xf32, #tpu.memory_space<vmem_shared>>) offsets(%arg4 : memref<10000xi32, #tpu.memory_space<vmem>>) semaphore(%run_scoped3A : memref<!tpu.dma_semaphore, #tpu.memory_space<semaphore_mem>>) {add = true}
      %dma_wait3A_164 = arith.constant 0 : i32
      %dma_wait3A_165 = tpu.memref_slice %arg9[%dma_wait3A_164] : memref<100096xf32, #tpu.memory_space<vmem_shared>> -> memref<100096xf32, #tpu.memory_space<vmem_shared>>
      tpu.wait_indirect_dma semaphore(%run_scoped3A : memref<!tpu.dma_semaphore, #tpu.memory_space<semaphore_mem>>) src(%arg6 : memref<10000xf32, #tpu.memory_space<vmem>>) dst(%dma_wait3A_165 : memref<100096xf32, #tpu.memory_space<vmem_shared>>)
      tpu.yield
    }) : () -> ()
    %dma_wait3A_97 = tpu.memref_slice %arg2[%multiple_of3A_94] : memref<6400000xi32, #tpu.memory_space<hbm>> -> memref<10000xi32, #tpu.memory_space<hbm>>
    %dma_wait3A_98 = tpu.memref_slice %arg2[%multiple_of3A_94] : memref<6400000xi32, #tpu.memory_space<hbm>> -> memref<10000xi32, #tpu.memory_space<hbm>>
    tpu.wait_dma2 semaphore(%arg8 : memref<!tpu.dma_semaphore, #tpu.memory_space<semaphore_mem>>) src(%dma_wait3A_98 : memref<10000xi32, #tpu.memory_space<hbm>>) dst(%arg5 : memref<10000xi32, #tpu.memory_space<vmem>>)
    %add3A_99 = arith.constant 120000 : i32
    %add3A_100 = arith.addi %mul3A_17, %add3A_99 : i32
    %multiple_of3A_101 = tpu.assume_multiple %add3A_100, 16 : i32
    %dma_start3A_102 = tpu.memref_slice %arg2[%multiple_of3A_101] : memref<6400000xi32, #tpu.memory_space<hbm>> -> memref<10000xi32, #tpu.memory_space<hbm>>
    %dma_start3A_103 = tpu.memref_slice %arg2[%multiple_of3A_101] : memref<6400000xi32, #tpu.memory_space<hbm>> -> memref<10000xi32, #tpu.memory_space<hbm>>
    tpu.enqueue_dma source(%dma_start3A_103 : memref<10000xi32, #tpu.memory_space<hbm>>) target(%arg4 : memref<10000xi32, #tpu.memory_space<vmem>>) target_semaphore(%arg8 : memref<!tpu.dma_semaphore, #tpu.memory_space<semaphore_mem>>)
    "tpu.region"() ({
      %run_scoped3A = tpu.sem_alloc : memref<!tpu.dma_semaphore, #tpu.memory_space<semaphore_mem>>
      %dma_start3A_162 = arith.constant 0 : i32
      %dma_start3A_163 = tpu.memref_slice %arg9[%dma_start3A_162] : memref<100096xf32, #tpu.memory_space<vmem_shared>> -> memref<100096xf32, #tpu.memory_space<vmem_shared>>
      tpu.enqueue_indirect_dma source(%arg6 : memref<10000xf32, #tpu.memory_space<vmem>>) target(%dma_start3A_163 : memref<100096xf32, #tpu.memory_space<vmem_shared>>) offsets(%arg5 : memref<10000xi32, #tpu.memory_space<vmem>>) semaphore(%run_scoped3A : memref<!tpu.dma_semaphore, #tpu.memory_space<semaphore_mem>>) {add = true}
      %dma_wait3A_164 = arith.constant 0 : i32
      %dma_wait3A_165 = tpu.memref_slice %arg9[%dma_wait3A_164] : memref<100096xf32, #tpu.memory_space<vmem_shared>> -> memref<100096xf32, #tpu.memory_space<vmem_shared>>
      tpu.wait_indirect_dma semaphore(%run_scoped3A : memref<!tpu.dma_semaphore, #tpu.memory_space<semaphore_mem>>) src(%arg6 : memref<10000xf32, #tpu.memory_space<vmem>>) dst(%dma_wait3A_165 : memref<100096xf32, #tpu.memory_space<vmem_shared>>)
      tpu.yield
    }) : () -> ()
    %dma_wait3A_104 = tpu.memref_slice %arg2[%multiple_of3A_101] : memref<6400000xi32, #tpu.memory_space<hbm>> -> memref<10000xi32, #tpu.memory_space<hbm>>
    %dma_wait3A_105 = tpu.memref_slice %arg2[%multiple_of3A_101] : memref<6400000xi32, #tpu.memory_space<hbm>> -> memref<10000xi32, #tpu.memory_space<hbm>>
    tpu.wait_dma2 semaphore(%arg8 : memref<!tpu.dma_semaphore, #tpu.memory_space<semaphore_mem>>) src(%dma_wait3A_105 : memref<10000xi32, #tpu.memory_space<hbm>>) dst(%arg4 : memref<10000xi32, #tpu.memory_space<vmem>>)
    %add3A_106 = arith.constant 130000 : i32
    %add3A_107 = arith.addi %mul3A_17, %add3A_106 : i32
    %multiple_of3A_108 = tpu.assume_multiple %add3A_107, 16 : i32
    %dma_start3A_109 = tpu.memref_slice %arg2[%multiple_of3A_108] : memref<6400000xi32, #tpu.memory_space<hbm>> -> memref<10000xi32, #tpu.memory_space<hbm>>
    %dma_start3A_110 = tpu.memref_slice %arg2[%multiple_of3A_108] : memref<6400000xi32, #tpu.memory_space<hbm>> -> memref<10000xi32, #tpu.memory_space<hbm>>
    tpu.enqueue_dma source(%dma_start3A_110 : memref<10000xi32, #tpu.memory_space<hbm>>) target(%arg5 : memref<10000xi32, #tpu.memory_space<vmem>>) target_semaphore(%arg8 : memref<!tpu.dma_semaphore, #tpu.memory_space<semaphore_mem>>)
    "tpu.region"() ({
      %run_scoped3A = tpu.sem_alloc : memref<!tpu.dma_semaphore, #tpu.memory_space<semaphore_mem>>
      %dma_start3A_162 = arith.constant 0 : i32
      %dma_start3A_163 = tpu.memref_slice %arg9[%dma_start3A_162] : memref<100096xf32, #tpu.memory_space<vmem_shared>> -> memref<100096xf32, #tpu.memory_space<vmem_shared>>
      tpu.enqueue_indirect_dma source(%arg6 : memref<10000xf32, #tpu.memory_space<vmem>>) target(%dma_start3A_163 : memref<100096xf32, #tpu.memory_space<vmem_shared>>) offsets(%arg4 : memref<10000xi32, #tpu.memory_space<vmem>>) semaphore(%run_scoped3A : memref<!tpu.dma_semaphore, #tpu.memory_space<semaphore_mem>>) {add = true}
      %dma_wait3A_164 = arith.constant 0 : i32
      %dma_wait3A_165 = tpu.memref_slice %arg9[%dma_wait3A_164] : memref<100096xf32, #tpu.memory_space<vmem_shared>> -> memref<100096xf32, #tpu.memory_space<vmem_shared>>
      tpu.wait_indirect_dma semaphore(%run_scoped3A : memref<!tpu.dma_semaphore, #tpu.memory_space<semaphore_mem>>) src(%arg6 : memref<10000xf32, #tpu.memory_space<vmem>>) dst(%dma_wait3A_165 : memref<100096xf32, #tpu.memory_space<vmem_shared>>)
      tpu.yield
    }) : () -> ()
    %dma_wait3A_111 = tpu.memref_slice %arg2[%multiple_of3A_108] : memref<6400000xi32, #tpu.memory_space<hbm>> -> memref<10000xi32, #tpu.memory_space<hbm>>
    %dma_wait3A_112 = tpu.memref_slice %arg2[%multiple_of3A_108] : memref<6400000xi32, #tpu.memory_space<hbm>> -> memref<10000xi32, #tpu.memory_space<hbm>>
    tpu.wait_dma2 semaphore(%arg8 : memref<!tpu.dma_semaphore, #tpu.memory_space<semaphore_mem>>) src(%dma_wait3A_112 : memref<10000xi32, #tpu.memory_space<hbm>>) dst(%arg5 : memref<10000xi32, #tpu.memory_space<vmem>>)
    %add3A_113 = arith.constant 140000 : i32
    %add3A_114 = arith.addi %mul3A_17, %add3A_113 : i32
    %multiple_of3A_115 = tpu.assume_multiple %add3A_114, 16 : i32
    %dma_start3A_116 = tpu.memref_slice %arg2[%multiple_of3A_115] : memref<6400000xi32, #tpu.memory_space<hbm>> -> memref<10000xi32, #tpu.memory_space<hbm>>
    %dma_start3A_117 = tpu.memref_slice %arg2[%multiple_of3A_115] : memref<6400000xi32, #tpu.memory_space<hbm>> -> memref<10000xi32, #tpu.memory_space<hbm>>
    tpu.enqueue_dma source(%dma_start3A_117 : memref<10000xi32, #tpu.memory_space<hbm>>) target(%arg4 : memref<10000xi32, #tpu.memory_space<vmem>>) target_semaphore(%arg8 : memref<!tpu.dma_semaphore, #tpu.memory_space<semaphore_mem>>)
    "tpu.region"() ({
      %run_scoped3A = tpu.sem_alloc : memref<!tpu.dma_semaphore, #tpu.memory_space<semaphore_mem>>
      %dma_start3A_162 = arith.constant 0 : i32
      %dma_start3A_163 = tpu.memref_slice %arg9[%dma_start3A_162] : memref<100096xf32, #tpu.memory_space<vmem_shared>> -> memref<100096xf32, #tpu.memory_space<vmem_shared>>
      tpu.enqueue_indirect_dma source(%arg6 : memref<10000xf32, #tpu.memory_space<vmem>>) target(%dma_start3A_163 : memref<100096xf32, #tpu.memory_space<vmem_shared>>) offsets(%arg5 : memref<10000xi32, #tpu.memory_space<vmem>>) semaphore(%run_scoped3A : memref<!tpu.dma_semaphore, #tpu.memory_space<semaphore_mem>>) {add = true}
      %dma_wait3A_164 = arith.constant 0 : i32
      %dma_wait3A_165 = tpu.memref_slice %arg9[%dma_wait3A_164] : memref<100096xf32, #tpu.memory_space<vmem_shared>> -> memref<100096xf32, #tpu.memory_space<vmem_shared>>
      tpu.wait_indirect_dma semaphore(%run_scoped3A : memref<!tpu.dma_semaphore, #tpu.memory_space<semaphore_mem>>) src(%arg6 : memref<10000xf32, #tpu.memory_space<vmem>>) dst(%dma_wait3A_165 : memref<100096xf32, #tpu.memory_space<vmem_shared>>)
      tpu.yield
    }) : () -> ()
    %dma_wait3A_118 = tpu.memref_slice %arg2[%multiple_of3A_115] : memref<6400000xi32, #tpu.memory_space<hbm>> -> memref<10000xi32, #tpu.memory_space<hbm>>
    %dma_wait3A_119 = tpu.memref_slice %arg2[%multiple_of3A_115] : memref<6400000xi32, #tpu.memory_space<hbm>> -> memref<10000xi32, #tpu.memory_space<hbm>>
    tpu.wait_dma2 semaphore(%arg8 : memref<!tpu.dma_semaphore, #tpu.memory_space<semaphore_mem>>) src(%dma_wait3A_119 : memref<10000xi32, #tpu.memory_space<hbm>>) dst(%arg4 : memref<10000xi32, #tpu.memory_space<vmem>>)
    %add3A_120 = arith.constant 150000 : i32
    %add3A_121 = arith.addi %mul3A_17, %add3A_120 : i32
    %multiple_of3A_122 = tpu.assume_multiple %add3A_121, 16 : i32
    %dma_start3A_123 = tpu.memref_slice %arg2[%multiple_of3A_122] : memref<6400000xi32, #tpu.memory_space<hbm>> -> memref<10000xi32, #tpu.memory_space<hbm>>
    %dma_start3A_124 = tpu.memref_slice %arg2[%multiple_of3A_122] : memref<6400000xi32, #tpu.memory_space<hbm>> -> memref<10000xi32, #tpu.memory_space<hbm>>
    tpu.enqueue_dma source(%dma_start3A_124 : memref<10000xi32, #tpu.memory_space<hbm>>) target(%arg5 : memref<10000xi32, #tpu.memory_space<vmem>>) target_semaphore(%arg8 : memref<!tpu.dma_semaphore, #tpu.memory_space<semaphore_mem>>)
    "tpu.region"() ({
      %run_scoped3A = tpu.sem_alloc : memref<!tpu.dma_semaphore, #tpu.memory_space<semaphore_mem>>
      %dma_start3A_162 = arith.constant 0 : i32
      %dma_start3A_163 = tpu.memref_slice %arg9[%dma_start3A_162] : memref<100096xf32, #tpu.memory_space<vmem_shared>> -> memref<100096xf32, #tpu.memory_space<vmem_shared>>
      tpu.enqueue_indirect_dma source(%arg6 : memref<10000xf32, #tpu.memory_space<vmem>>) target(%dma_start3A_163 : memref<100096xf32, #tpu.memory_space<vmem_shared>>) offsets(%arg4 : memref<10000xi32, #tpu.memory_space<vmem>>) semaphore(%run_scoped3A : memref<!tpu.dma_semaphore, #tpu.memory_space<semaphore_mem>>) {add = true}
      %dma_wait3A_164 = arith.constant 0 : i32
      %dma_wait3A_165 = tpu.memref_slice %arg9[%dma_wait3A_164] : memref<100096xf32, #tpu.memory_space<vmem_shared>> -> memref<100096xf32, #tpu.memory_space<vmem_shared>>
      tpu.wait_indirect_dma semaphore(%run_scoped3A : memref<!tpu.dma_semaphore, #tpu.memory_space<semaphore_mem>>) src(%arg6 : memref<10000xf32, #tpu.memory_space<vmem>>) dst(%dma_wait3A_165 : memref<100096xf32, #tpu.memory_space<vmem_shared>>)
      tpu.yield
    }) : () -> ()
    %dma_wait3A_125 = tpu.memref_slice %arg2[%multiple_of3A_122] : memref<6400000xi32, #tpu.memory_space<hbm>> -> memref<10000xi32, #tpu.memory_space<hbm>>
    %dma_wait3A_126 = tpu.memref_slice %arg2[%multiple_of3A_122] : memref<6400000xi32, #tpu.memory_space<hbm>> -> memref<10000xi32, #tpu.memory_space<hbm>>
    tpu.wait_dma2 semaphore(%arg8 : memref<!tpu.dma_semaphore, #tpu.memory_space<semaphore_mem>>) src(%dma_wait3A_126 : memref<10000xi32, #tpu.memory_space<hbm>>) dst(%arg5 : memref<10000xi32, #tpu.memory_space<vmem>>)
    %add3A_127 = arith.constant 160000 : i32
    %add3A_128 = arith.addi %mul3A_17, %add3A_127 : i32
    %multiple_of3A_129 = tpu.assume_multiple %add3A_128, 16 : i32
    %dma_start3A_130 = tpu.memref_slice %arg2[%multiple_of3A_129] : memref<6400000xi32, #tpu.memory_space<hbm>> -> memref<10000xi32, #tpu.memory_space<hbm>>
    %dma_start3A_131 = tpu.memref_slice %arg2[%multiple_of3A_129] : memref<6400000xi32, #tpu.memory_space<hbm>> -> memref<10000xi32, #tpu.memory_space<hbm>>
    tpu.enqueue_dma source(%dma_start3A_131 : memref<10000xi32, #tpu.memory_space<hbm>>) target(%arg4 : memref<10000xi32, #tpu.memory_space<vmem>>) target_semaphore(%arg8 : memref<!tpu.dma_semaphore, #tpu.memory_space<semaphore_mem>>)
    "tpu.region"() ({
      %run_scoped3A = tpu.sem_alloc : memref<!tpu.dma_semaphore, #tpu.memory_space<semaphore_mem>>
      %dma_start3A_162 = arith.constant 0 : i32
      %dma_start3A_163 = tpu.memref_slice %arg9[%dma_start3A_162] : memref<100096xf32, #tpu.memory_space<vmem_shared>> -> memref<100096xf32, #tpu.memory_space<vmem_shared>>
      tpu.enqueue_indirect_dma source(%arg6 : memref<10000xf32, #tpu.memory_space<vmem>>) target(%dma_start3A_163 : memref<100096xf32, #tpu.memory_space<vmem_shared>>) offsets(%arg5 : memref<10000xi32, #tpu.memory_space<vmem>>) semaphore(%run_scoped3A : memref<!tpu.dma_semaphore, #tpu.memory_space<semaphore_mem>>) {add = true}
      %dma_wait3A_164 = arith.constant 0 : i32
      %dma_wait3A_165 = tpu.memref_slice %arg9[%dma_wait3A_164] : memref<100096xf32, #tpu.memory_space<vmem_shared>> -> memref<100096xf32, #tpu.memory_space<vmem_shared>>
      tpu.wait_indirect_dma semaphore(%run_scoped3A : memref<!tpu.dma_semaphore, #tpu.memory_space<semaphore_mem>>) src(%arg6 : memref<10000xf32, #tpu.memory_space<vmem>>) dst(%dma_wait3A_165 : memref<100096xf32, #tpu.memory_space<vmem_shared>>)
      tpu.yield
    }) : () -> ()
    %dma_wait3A_132 = tpu.memref_slice %arg2[%multiple_of3A_129] : memref<6400000xi32, #tpu.memory_space<hbm>> -> memref<10000xi32, #tpu.memory_space<hbm>>
    %dma_wait3A_133 = tpu.memref_slice %arg2[%multiple_of3A_129] : memref<6400000xi32, #tpu.memory_space<hbm>> -> memref<10000xi32, #tpu.memory_space<hbm>>
    tpu.wait_dma2 semaphore(%arg8 : memref<!tpu.dma_semaphore, #tpu.memory_space<semaphore_mem>>) src(%dma_wait3A_133 : memref<10000xi32, #tpu.memory_space<hbm>>) dst(%arg4 : memref<10000xi32, #tpu.memory_space<vmem>>)
    %add3A_134 = arith.constant 170000 : i32
    %add3A_135 = arith.addi %mul3A_17, %add3A_134 : i32
    %multiple_of3A_136 = tpu.assume_multiple %add3A_135, 16 : i32
    %dma_start3A_137 = tpu.memref_slice %arg2[%multiple_of3A_136] : memref<6400000xi32, #tpu.memory_space<hbm>> -> memref<10000xi32, #tpu.memory_space<hbm>>
    %dma_start3A_138 = tpu.memref_slice %arg2[%multiple_of3A_136] : memref<6400000xi32, #tpu.memory_space<hbm>> -> memref<10000xi32, #tpu.memory_space<hbm>>
    tpu.enqueue_dma source(%dma_start3A_138 : memref<10000xi32, #tpu.memory_space<hbm>>) target(%arg5 : memref<10000xi32, #tpu.memory_space<vmem>>) target_semaphore(%arg8 : memref<!tpu.dma_semaphore, #tpu.memory_space<semaphore_mem>>)
    "tpu.region"() ({
      %run_scoped3A = tpu.sem_alloc : memref<!tpu.dma_semaphore, #tpu.memory_space<semaphore_mem>>
      %dma_start3A_162 = arith.constant 0 : i32
      %dma_start3A_163 = tpu.memref_slice %arg9[%dma_start3A_162] : memref<100096xf32, #tpu.memory_space<vmem_shared>> -> memref<100096xf32, #tpu.memory_space<vmem_shared>>
      tpu.enqueue_indirect_dma source(%arg6 : memref<10000xf32, #tpu.memory_space<vmem>>) target(%dma_start3A_163 : memref<100096xf32, #tpu.memory_space<vmem_shared>>) offsets(%arg4 : memref<10000xi32, #tpu.memory_space<vmem>>) semaphore(%run_scoped3A : memref<!tpu.dma_semaphore, #tpu.memory_space<semaphore_mem>>) {add = true}
      %dma_wait3A_164 = arith.constant 0 : i32
      %dma_wait3A_165 = tpu.memref_slice %arg9[%dma_wait3A_164] : memref<100096xf32, #tpu.memory_space<vmem_shared>> -> memref<100096xf32, #tpu.memory_space<vmem_shared>>
      tpu.wait_indirect_dma semaphore(%run_scoped3A : memref<!tpu.dma_semaphore, #tpu.memory_space<semaphore_mem>>) src(%arg6 : memref<10000xf32, #tpu.memory_space<vmem>>) dst(%dma_wait3A_165 : memref<100096xf32, #tpu.memory_space<vmem_shared>>)
      tpu.yield
    }) : () -> ()
    %dma_wait3A_139 = tpu.memref_slice %arg2[%multiple_of3A_136] : memref<6400000xi32, #tpu.memory_space<hbm>> -> memref<10000xi32, #tpu.memory_space<hbm>>
    %dma_wait3A_140 = tpu.memref_slice %arg2[%multiple_of3A_136] : memref<6400000xi32, #tpu.memory_space<hbm>> -> memref<10000xi32, #tpu.memory_space<hbm>>
    tpu.wait_dma2 semaphore(%arg8 : memref<!tpu.dma_semaphore, #tpu.memory_space<semaphore_mem>>) src(%dma_wait3A_140 : memref<10000xi32, #tpu.memory_space<hbm>>) dst(%arg5 : memref<10000xi32, #tpu.memory_space<vmem>>)
    %add3A_141 = arith.constant 180000 : i32
    %add3A_142 = arith.addi %mul3A_17, %add3A_141 : i32
    %multiple_of3A_143 = tpu.assume_multiple %add3A_142, 16 : i32
    %dma_start3A_144 = tpu.memref_slice %arg2[%multiple_of3A_143] : memref<6400000xi32, #tpu.memory_space<hbm>> -> memref<10000xi32, #tpu.memory_space<hbm>>
    %dma_start3A_145 = tpu.memref_slice %arg2[%multiple_of3A_143] : memref<6400000xi32, #tpu.memory_space<hbm>> -> memref<10000xi32, #tpu.memory_space<hbm>>
    tpu.enqueue_dma source(%dma_start3A_145 : memref<10000xi32, #tpu.memory_space<hbm>>) target(%arg4 : memref<10000xi32, #tpu.memory_space<vmem>>) target_semaphore(%arg8 : memref<!tpu.dma_semaphore, #tpu.memory_space<semaphore_mem>>)
    "tpu.region"() ({
      %run_scoped3A = tpu.sem_alloc : memref<!tpu.dma_semaphore, #tpu.memory_space<semaphore_mem>>
      %dma_start3A_162 = arith.constant 0 : i32
      %dma_start3A_163 = tpu.memref_slice %arg9[%dma_start3A_162] : memref<100096xf32, #tpu.memory_space<vmem_shared>> -> memref<100096xf32, #tpu.memory_space<vmem_shared>>
      tpu.enqueue_indirect_dma source(%arg6 : memref<10000xf32, #tpu.memory_space<vmem>>) target(%dma_start3A_163 : memref<100096xf32, #tpu.memory_space<vmem_shared>>) offsets(%arg5 : memref<10000xi32, #tpu.memory_space<vmem>>) semaphore(%run_scoped3A : memref<!tpu.dma_semaphore, #tpu.memory_space<semaphore_mem>>) {add = true}
      %dma_wait3A_164 = arith.constant 0 : i32
      %dma_wait3A_165 = tpu.memref_slice %arg9[%dma_wait3A_164] : memref<100096xf32, #tpu.memory_space<vmem_shared>> -> memref<100096xf32, #tpu.memory_space<vmem_shared>>
      tpu.wait_indirect_dma semaphore(%run_scoped3A : memref<!tpu.dma_semaphore, #tpu.memory_space<semaphore_mem>>) src(%arg6 : memref<10000xf32, #tpu.memory_space<vmem>>) dst(%dma_wait3A_165 : memref<100096xf32, #tpu.memory_space<vmem_shared>>)
      tpu.yield
    }) : () -> ()
    %dma_wait3A_146 = tpu.memref_slice %arg2[%multiple_of3A_143] : memref<6400000xi32, #tpu.memory_space<hbm>> -> memref<10000xi32, #tpu.memory_space<hbm>>
    %dma_wait3A_147 = tpu.memref_slice %arg2[%multiple_of3A_143] : memref<6400000xi32, #tpu.memory_space<hbm>> -> memref<10000xi32, #tpu.memory_space<hbm>>
    tpu.wait_dma2 semaphore(%arg8 : memref<!tpu.dma_semaphore, #tpu.memory_space<semaphore_mem>>) src(%dma_wait3A_147 : memref<10000xi32, #tpu.memory_space<hbm>>) dst(%arg4 : memref<10000xi32, #tpu.memory_space<vmem>>)
    %add3A_148 = arith.constant 190000 : i32
    %add3A_149 = arith.addi %mul3A_17, %add3A_148 : i32
    %multiple_of3A_150 = tpu.assume_multiple %add3A_149, 16 : i32
    %dma_start3A_151 = tpu.memref_slice %arg2[%multiple_of3A_150] : memref<6400000xi32, #tpu.memory_space<hbm>> -> memref<10000xi32, #tpu.memory_space<hbm>>
    %dma_start3A_152 = tpu.memref_slice %arg2[%multiple_of3A_150] : memref<6400000xi32, #tpu.memory_space<hbm>> -> memref<10000xi32, #tpu.memory_space<hbm>>
    tpu.enqueue_dma source(%dma_start3A_152 : memref<10000xi32, #tpu.memory_space<hbm>>) target(%arg5 : memref<10000xi32, #tpu.memory_space<vmem>>) target_semaphore(%arg8 : memref<!tpu.dma_semaphore, #tpu.memory_space<semaphore_mem>>)
    "tpu.region"() ({
      %run_scoped3A = tpu.sem_alloc : memref<!tpu.dma_semaphore, #tpu.memory_space<semaphore_mem>>
      %dma_start3A_162 = arith.constant 0 : i32
      %dma_start3A_163 = tpu.memref_slice %arg9[%dma_start3A_162] : memref<100096xf32, #tpu.memory_space<vmem_shared>> -> memref<100096xf32, #tpu.memory_space<vmem_shared>>
      tpu.enqueue_indirect_dma source(%arg6 : memref<10000xf32, #tpu.memory_space<vmem>>) target(%dma_start3A_163 : memref<100096xf32, #tpu.memory_space<vmem_shared>>) offsets(%arg4 : memref<10000xi32, #tpu.memory_space<vmem>>) semaphore(%run_scoped3A : memref<!tpu.dma_semaphore, #tpu.memory_space<semaphore_mem>>) {add = true}
      %dma_wait3A_164 = arith.constant 0 : i32
      %dma_wait3A_165 = tpu.memref_slice %arg9[%dma_wait3A_164] : memref<100096xf32, #tpu.memory_space<vmem_shared>> -> memref<100096xf32, #tpu.memory_space<vmem_shared>>
      tpu.wait_indirect_dma semaphore(%run_scoped3A : memref<!tpu.dma_semaphore, #tpu.memory_space<semaphore_mem>>) src(%arg6 : memref<10000xf32, #tpu.memory_space<vmem>>) dst(%dma_wait3A_165 : memref<100096xf32, #tpu.memory_space<vmem_shared>>)
      tpu.yield
    }) : () -> ()
    %dma_wait3A_153 = tpu.memref_slice %arg2[%multiple_of3A_150] : memref<6400000xi32, #tpu.memory_space<hbm>> -> memref<10000xi32, #tpu.memory_space<hbm>>
    %dma_wait3A_154 = tpu.memref_slice %arg2[%multiple_of3A_150] : memref<6400000xi32, #tpu.memory_space<hbm>> -> memref<10000xi32, #tpu.memory_space<hbm>>
    tpu.wait_dma2 semaphore(%arg8 : memref<!tpu.dma_semaphore, #tpu.memory_space<semaphore_mem>>) src(%dma_wait3A_154 : memref<10000xi32, #tpu.memory_space<hbm>>) dst(%arg5 : memref<10000xi32, #tpu.memory_space<vmem>>)
    "tpu.region"() ({
      %run_scoped3A = tpu.sem_alloc : memref<!tpu.dma_semaphore, #tpu.memory_space<semaphore_mem>>
      %dma_start3A_162 = arith.constant 0 : i32
      %dma_start3A_163 = tpu.memref_slice %arg9[%dma_start3A_162] : memref<100096xf32, #tpu.memory_space<vmem_shared>> -> memref<100096xf32, #tpu.memory_space<vmem_shared>>
      tpu.enqueue_indirect_dma source(%arg6 : memref<10000xf32, #tpu.memory_space<vmem>>) target(%dma_start3A_163 : memref<100096xf32, #tpu.memory_space<vmem_shared>>) offsets(%arg5 : memref<10000xi32, #tpu.memory_space<vmem>>) semaphore(%run_scoped3A : memref<!tpu.dma_semaphore, #tpu.memory_space<semaphore_mem>>) {add = true}
      %dma_wait3A_164 = arith.constant 0 : i32
      %dma_wait3A_165 = tpu.memref_slice %arg9[%dma_wait3A_164] : memref<100096xf32, #tpu.memory_space<vmem_shared>> -> memref<100096xf32, #tpu.memory_space<vmem_shared>>
      tpu.wait_indirect_dma semaphore(%run_scoped3A : memref<!tpu.dma_semaphore, #tpu.memory_space<semaphore_mem>>) src(%arg6 : memref<10000xf32, #tpu.memory_space<vmem>>) dst(%dma_wait3A_165 : memref<100096xf32, #tpu.memory_space<vmem_shared>>)
      tpu.yield
    }) : () -> ()
    %barrier3A_155 = arith.constant 0 : index
    tpu.barrier barrier_id(%barrier3A_155)
    %mul3A_156 = arith.constant 100096 : i32
    %mul3A_157 = arith.muli %arg0, %mul3A_156 : i32
    %mul3A_158 = arith.constant 6256 : i32
    %mul3A_159 = arith.muli %arg1, %mul3A_158 : i32
    %add3A_160 = arith.addi %mul3A_157, %mul3A_159 : i32
    %multiple_of3A_161 = tpu.assume_multiple %add3A_160, 16 : i32
    "tpu.region"() ({
      %run_scoped3A = tpu.sem_alloc : memref<!tpu.dma_semaphore, #tpu.memory_space<semaphore_mem>>
      %dma_start3A_162 = tpu.memref_slice %arg9[%mul3A_15] : memref<100096xf32, #tpu.memory_space<vmem_shared>> -> memref<6256xf32, #tpu.memory_space<vmem_shared>>
      %dma_start3A_163 = tpu.memref_slice %arg9[%mul3A_15] : memref<100096xf32, #tpu.memory_space<vmem_shared>> -> memref<6256xf32, #tpu.memory_space<vmem_shared>>
      tpu.enqueue_dma source(%dma_start3A_163 : memref<6256xf32, #tpu.memory_space<vmem_shared>>) target(%arg7 : memref<6256xf32, #tpu.memory_space<vmem>>) target_semaphore(%run_scoped3A : memref<!tpu.dma_semaphore, #tpu.memory_space<semaphore_mem>>)
      %dma_wait3A_164 = tpu.memref_slice %arg9[%mul3A_15] : memref<100096xf32, #tpu.memory_space<vmem_shared>> -> memref<6256xf32, #tpu.memory_space<vmem_shared>>
      %dma_wait3A_165 = tpu.memref_slice %arg9[%mul3A_15] : memref<100096xf32, #tpu.memory_space<vmem_shared>> -> memref<6256xf32, #tpu.memory_space<vmem_shared>>
      tpu.wait_dma2 semaphore(%run_scoped3A : memref<!tpu.dma_semaphore, #tpu.memory_space<semaphore_mem>>) src(%dma_wait3A_165 : memref<6256xf32, #tpu.memory_space<vmem_shared>>) dst(%arg7 : memref<6256xf32, #tpu.memory_space<vmem>>)
      tpu.yield
    }) : () -> ()
    "tpu.region"() ({
      %run_scoped3A = tpu.sem_alloc : memref<!tpu.dma_semaphore, #tpu.memory_space<semaphore_mem>>
      %dma_start3A_162 = tpu.memref_slice %arg3[%multiple_of3A_161] : memref<200192xf32, #tpu.memory_space<hbm>> -> memref<6256xf32, #tpu.memory_space<hbm>>
      %dma_start3A_163 = tpu.memref_slice %arg3[%multiple_of3A_161] : memref<200192xf32, #tpu.memory_space<hbm>> -> memref<6256xf32, #tpu.memory_space<hbm>>
      tpu.enqueue_dma source(%arg7 : memref<6256xf32, #tpu.memory_space<vmem>>) target(%dma_start3A_163 : memref<6256xf32, #tpu.memory_space<hbm>>) target_semaphore(%run_scoped3A : memref<!tpu.dma_semaphore, #tpu.memory_space<semaphore_mem>>)
      %dma_wait3A_164 = tpu.memref_slice %arg3[%multiple_of3A_161] : memref<200192xf32, #tpu.memory_space<hbm>> -> memref<6256xf32, #tpu.memory_space<hbm>>
      %dma_wait3A_165 = tpu.memref_slice %arg3[%multiple_of3A_161] : memref<200192xf32, #tpu.memory_space<hbm>> -> memref<6256xf32, #tpu.memory_space<hbm>>
      tpu.wait_dma2 semaphore(%run_scoped3A : memref<!tpu.dma_semaphore, #tpu.memory_space<semaphore_mem>>) src(%arg7 : memref<6256xf32, #tpu.memory_space<vmem>>) dst(%dma_wait3A_165 : memref<6256xf32, #tpu.memory_space<hbm>>)
      tpu.yield
    }) : () -> ()
    return
  }
}

#map = affine_map<(d0, d1) -> (0)>
module attributes {stable_mosaic.version = 14 : i64} {
  func.func @_segsum_body(%arg0: i32, %arg1: i32, %arg2: memref<6400000xf32, #tpu.memory_space<hbm>>, %arg3: memref<6400000xf32, #tpu.memory_space<hbm>>, %arg4: memref<6400000xf32, #tpu.memory_space<hbm>>, %arg5: memref<6400000xf32, #tpu.memory_space<hbm>>, %arg6: memref<6400000xf32, #tpu.memory_space<hbm>>, %arg7: memref<6400000xi32, #tpu.memory_space<hbm>>, %arg8: memref<1000960xf32, #tpu.memory_space<hbm>>, %arg9: memref<10000xi32, #tpu.memory_space<vmem>>, %arg10: memref<10000xi32, #tpu.memory_space<vmem>>, %arg11: memref<10000xf32, #tpu.memory_space<vmem>>, %arg12: memref<10000xf32, #tpu.memory_space<vmem>>, %arg13: memref<6256xf32, #tpu.memory_space<vmem>>, %arg14: memref<!tpu.dma_semaphore, #tpu.memory_space<semaphore_mem>>, %arg15: memref<!tpu.dma_semaphore, #tpu.memory_space<semaphore_mem>>, %arg16: memref<!tpu.dma_semaphore, #tpu.memory_space<semaphore_mem>>, %arg17: memref<100096xf32, #tpu.memory_space<vmem_shared>>, %arg18: memref<100096xf32, #tpu.memory_space<vmem_shared>>, %arg19: memref<100096xf32, #tpu.memory_space<vmem_shared>>, %arg20: memref<100096xf32, #tpu.memory_space<vmem_shared>>, %arg21: memref<100096xf32, #tpu.memory_space<vmem_shared>>) attributes {dimension_semantics = [#tpu.dimension_semantics<core_parallel>, #tpu.dimension_semantics<subcore_parallel>], iteration_bounds = array<i64: 2, 16>, scalar_prefetch = 0 : i64, scratch_operands = 13 : i64, tpu.core_type = #tpu.core_type<sc_vector_subcore>, window_params = [{transform_indices = #map}, {transform_indices = #map}, {transform_indices = #map}, {transform_indices = #map}, {transform_indices = #map}, {transform_indices = #map}, {transform_indices = #map}]} {
    %mul3A = arith.constant 16 : i32
    %mul3A_0 = arith.muli %arg0, %mul3A : i32
    %add3A = arith.addi %mul3A_0, %arg1 : i32
    %scan3A = arith.constant 0 : i32
    %scan3A_1 = arith.constant 0 : i32
    %scan3A_2 = arith.constant 391 : i32
    %scan3A_3 = arith.addi %scan3A_1, %scan3A_2 : i32
    %scan3A_4 = arith.constant 1 : i32
    %scan3A_5 = scf.for %scan3A_899 = %scan3A_1 to %scan3A_3 step %scan3A_4 iter_args(%scan3A_900 = %scan3A) -> (i32)  : i32 {
      %broadcast_in_dim3A = arith.constant 0.000000e+00 : f32
      %broadcast_in_dim3A_901 = vector.broadcast %broadcast_in_dim3A : f32 to vector<16xf32>
      %mul3A_902 = arith.constant 16 : i32
      %mul3A_903 = arith.muli %scan3A_899, %mul3A_902 : i32
      %swap3A = arith.index_cast %mul3A_903 : i32 to index
      %swap3A_904 = tpu.vector_load %arg13[%swap3A] {strides = array<i32>} : memref<6256xf32, #tpu.memory_space<vmem>>, vector<16xf32>,
      %swap3A_905 = vector.shape_cast %swap3A_904 : vector<16xf32> to vector<16xf32>
      %swap3A_906 = vector.shape_cast %broadcast_in_dim3A_901 : vector<16xf32> to vector<16xf32>
      tpu.vector_store %arg13[%swap3A], %swap3A_906 {strides = array<i32>} : memref<6256xf32, #tpu.memory_space<vmem>>, vector<16xf32>,
      %scan3A_907 = arith.constant 0 : i32
      scf.yield %scan3A_907 : i32
    }
    %scan3A_6 = arith.constant 391 : i32
    %mul3A_7 = arith.constant 6256 : i32
    %mul3A_8 = arith.muli %arg1, %mul3A_7 : i32
    "tpu.region"() ({
      %run_scoped3A = tpu.sem_alloc : memref<!tpu.dma_semaphore, #tpu.memory_space<semaphore_mem>>
      %dma_start3A_899 = tpu.memref_slice %arg17[%mul3A_8] : memref<100096xf32, #tpu.memory_space<vmem_shared>> -> memref<6256xf32, #tpu.memory_space<vmem_shared>>
      %dma_start3A_900 = tpu.memref_slice %arg17[%mul3A_8] : memref<100096xf32, #tpu.memory_space<vmem_shared>> -> memref<6256xf32, #tpu.memory_space<vmem_shared>>
      tpu.enqueue_dma source(%arg13 : memref<6256xf32, #tpu.memory_space<vmem>>) target(%dma_start3A_900 : memref<6256xf32, #tpu.memory_space<vmem_shared>>) target_semaphore(%run_scoped3A : memref<!tpu.dma_semaphore, #tpu.memory_space<semaphore_mem>>)
      %dma_wait3A_901 = tpu.memref_slice %arg17[%mul3A_8] : memref<100096xf32, #tpu.memory_space<vmem_shared>> -> memref<6256xf32, #tpu.memory_space<vmem_shared>>
      %dma_wait3A_902 = tpu.memref_slice %arg17[%mul3A_8] : memref<100096xf32, #tpu.memory_space<vmem_shared>> -> memref<6256xf32, #tpu.memory_space<vmem_shared>>
      tpu.wait_dma2 semaphore(%run_scoped3A : memref<!tpu.dma_semaphore, #tpu.memory_space<semaphore_mem>>) src(%arg13 : memref<6256xf32, #tpu.memory_space<vmem>>) dst(%dma_wait3A_902 : memref<6256xf32, #tpu.memory_space<vmem_shared>>)
      tpu.yield
    }) : () -> ()
    "tpu.region"() ({
      %run_scoped3A = tpu.sem_alloc : memref<!tpu.dma_semaphore, #tpu.memory_space<semaphore_mem>>
      %dma_start3A_899 = tpu.memref_slice %arg18[%mul3A_8] : memref<100096xf32, #tpu.memory_space<vmem_shared>> -> memref<6256xf32, #tpu.memory_space<vmem_shared>>
      %dma_start3A_900 = tpu.memref_slice %arg18[%mul3A_8] : memref<100096xf32, #tpu.memory_space<vmem_shared>> -> memref<6256xf32, #tpu.memory_space<vmem_shared>>
      tpu.enqueue_dma source(%arg13 : memref<6256xf32, #tpu.memory_space<vmem>>) target(%dma_start3A_900 : memref<6256xf32, #tpu.memory_space<vmem_shared>>) target_semaphore(%run_scoped3A : memref<!tpu.dma_semaphore, #tpu.memory_space<semaphore_mem>>)
      %dma_wait3A_901 = tpu.memref_slice %arg18[%mul3A_8] : memref<100096xf32, #tpu.memory_space<vmem_shared>> -> memref<6256xf32, #tpu.memory_space<vmem_shared>>
      %dma_wait3A_902 = tpu.memref_slice %arg18[%mul3A_8] : memref<100096xf32, #tpu.memory_space<vmem_shared>> -> memref<6256xf32, #tpu.memory_space<vmem_shared>>
      tpu.wait_dma2 semaphore(%run_scoped3A : memref<!tpu.dma_semaphore, #tpu.memory_space<semaphore_mem>>) src(%arg13 : memref<6256xf32, #tpu.memory_space<vmem>>) dst(%dma_wait3A_902 : memref<6256xf32, #tpu.memory_space<vmem_shared>>)
      tpu.yield
    }) : () -> ()
    "tpu.region"() ({
      %run_scoped3A = tpu.sem_alloc : memref<!tpu.dma_semaphore, #tpu.memory_space<semaphore_mem>>
      %dma_start3A_899 = tpu.memref_slice %arg19[%mul3A_8] : memref<100096xf32, #tpu.memory_space<vmem_shared>> -> memref<6256xf32, #tpu.memory_space<vmem_shared>>
      %dma_start3A_900 = tpu.memref_slice %arg19[%mul3A_8] : memref<100096xf32, #tpu.memory_space<vmem_shared>> -> memref<6256xf32, #tpu.memory_space<vmem_shared>>
      tpu.enqueue_dma source(%arg13 : memref<6256xf32, #tpu.memory_space<vmem>>) target(%dma_start3A_900 : memref<6256xf32, #tpu.memory_space<vmem_shared>>) target_semaphore(%run_scoped3A : memref<!tpu.dma_semaphore, #tpu.memory_space<semaphore_mem>>)
      %dma_wait3A_901 = tpu.memref_slice %arg19[%mul3A_8] : memref<100096xf32, #tpu.memory_space<vmem_shared>> -> memref<6256xf32, #tpu.memory_space<vmem_shared>>
      %dma_wait3A_902 = tpu.memref_slice %arg19[%mul3A_8] : memref<100096xf32, #tpu.memory_space<vmem_shared>> -> memref<6256xf32, #tpu.memory_space<vmem_shared>>
      tpu.wait_dma2 semaphore(%run_scoped3A : memref<!tpu.dma_semaphore, #tpu.memory_space<semaphore_mem>>) src(%arg13 : memref<6256xf32, #tpu.memory_space<vmem>>) dst(%dma_wait3A_902 : memref<6256xf32, #tpu.memory_space<vmem_shared>>)
      tpu.yield
    }) : () -> ()
    "tpu.region"() ({
      %run_scoped3A = tpu.sem_alloc : memref<!tpu.dma_semaphore, #tpu.memory_space<semaphore_mem>>
      %dma_start3A_899 = tpu.memref_slice %arg20[%mul3A_8] : memref<100096xf32, #tpu.memory_space<vmem_shared>> -> memref<6256xf32, #tpu.memory_space<vmem_shared>>
      %dma_start3A_900 = tpu.memref_slice %arg20[%mul3A_8] : memref<100096xf32, #tpu.memory_space<vmem_shared>> -> memref<6256xf32, #tpu.memory_space<vmem_shared>>
      tpu.enqueue_dma source(%arg13 : memref<6256xf32, #tpu.memory_space<vmem>>) target(%dma_start3A_900 : memref<6256xf32, #tpu.memory_space<vmem_shared>>) target_semaphore(%run_scoped3A : memref<!tpu.dma_semaphore, #tpu.memory_space<semaphore_mem>>)
      %dma_wait3A_901 = tpu.memref_slice %arg20[%mul3A_8] : memref<100096xf32, #tpu.memory_space<vmem_shared>> -> memref<6256xf32, #tpu.memory_space<vmem_shared>>
      %dma_wait3A_902 = tpu.memref_slice %arg20[%mul3A_8] : memref<100096xf32, #tpu.memory_space<vmem_shared>> -> memref<6256xf32, #tpu.memory_space<vmem_shared>>
      tpu.wait_dma2 semaphore(%run_scoped3A : memref<!tpu.dma_semaphore, #tpu.memory_space<semaphore_mem>>) src(%arg13 : memref<6256xf32, #tpu.memory_space<vmem>>) dst(%dma_wait3A_902 : memref<6256xf32, #tpu.memory_space<vmem_shared>>)
      tpu.yield
    }) : () -> ()
    "tpu.region"() ({
      %run_scoped3A = tpu.sem_alloc : memref<!tpu.dma_semaphore, #tpu.memory_space<semaphore_mem>>
      %dma_start3A_899 = tpu.memref_slice %arg21[%mul3A_8] : memref<100096xf32, #tpu.memory_space<vmem_shared>> -> memref<6256xf32, #tpu.memory_space<vmem_shared>>
      %dma_start3A_900 = tpu.memref_slice %arg21[%mul3A_8] : memref<100096xf32, #tpu.memory_space<vmem_shared>> -> memref<6256xf32, #tpu.memory_space<vmem_shared>>
      tpu.enqueue_dma source(%arg13 : memref<6256xf32, #tpu.memory_space<vmem>>) target(%dma_start3A_900 : memref<6256xf32, #tpu.memory_space<vmem_shared>>) target_semaphore(%run_scoped3A : memref<!tpu.dma_semaphore, #tpu.memory_space<semaphore_mem>>)
      %dma_wait3A_901 = tpu.memref_slice %arg21[%mul3A_8] : memref<100096xf32, #tpu.memory_space<vmem_shared>> -> memref<6256xf32, #tpu.memory_space<vmem_shared>>
      %dma_wait3A_902 = tpu.memref_slice %arg21[%mul3A_8] : memref<100096xf32, #tpu.memory_space<vmem_shared>> -> memref<6256xf32, #tpu.memory_space<vmem_shared>>
      tpu.wait_dma2 semaphore(%run_scoped3A : memref<!tpu.dma_semaphore, #tpu.memory_space<semaphore_mem>>) src(%arg13 : memref<6256xf32, #tpu.memory_space<vmem>>) dst(%dma_wait3A_902 : memref<6256xf32, #tpu.memory_space<vmem_shared>>)
      tpu.yield
    }) : () -> ()
    %barrier3A = arith.constant 0 : index
    tpu.barrier barrier_id(%barrier3A)
    %mul3A_9 = arith.constant 200000 : i32
    %mul3A_10 = arith.muli %add3A, %mul3A_9 : i32
    %add3A_11 = arith.constant 0 : i32
    %add3A_12 = arith.addi %mul3A_10, %add3A_11 : i32
    %multiple_of3A = tpu.assume_multiple %add3A_12, 16 : i32
    %dma_start3A = tpu.memref_slice %arg7[%multiple_of3A] : memref<6400000xi32, #tpu.memory_space<hbm>> -> memref<10000xi32, #tpu.memory_space<hbm>>
    %dma_start3A_13 = tpu.memref_slice %arg7[%multiple_of3A] : memref<6400000xi32, #tpu.memory_space<hbm>> -> memref<10000xi32, #tpu.memory_space<hbm>>
    tpu.enqueue_dma source(%dma_start3A_13 : memref<10000xi32, #tpu.memory_space<hbm>>) target(%arg9 : memref<10000xi32, #tpu.memory_space<vmem>>) target_semaphore(%arg14 : memref<!tpu.dma_semaphore, #tpu.memory_space<semaphore_mem>>)
    %add3A_14 = arith.constant 0 : i32
    %add3A_15 = arith.addi %mul3A_10, %add3A_14 : i32
    %multiple_of3A_16 = tpu.assume_multiple %add3A_15, 16 : i32
    %dma_start3A_17 = tpu.memref_slice %arg2[%multiple_of3A_16] : memref<6400000xf32, #tpu.memory_space<hbm>> -> memref<10000xf32, #tpu.memory_space<hbm>>
    %dma_start3A_18 = tpu.memref_slice %arg2[%multiple_of3A_16] : memref<6400000xf32, #tpu.memory_space<hbm>> -> memref<10000xf32, #tpu.memory_space<hbm>>
    tpu.enqueue_dma source(%dma_start3A_18 : memref<10000xf32, #tpu.memory_space<hbm>>) target(%arg11 : memref<10000xf32, #tpu.memory_space<vmem>>) target_semaphore(%arg15 : memref<!tpu.dma_semaphore, #tpu.memory_space<semaphore_mem>>)
    %dma_wait3A = tpu.memref_slice %arg7[%multiple_of3A] : memref<6400000xi32, #tpu.memory_space<hbm>> -> memref<10000xi32, #tpu.memory_space<hbm>>
    %dma_wait3A_19 = tpu.memref_slice %arg7[%multiple_of3A] : memref<6400000xi32, #tpu.memory_space<hbm>> -> memref<10000xi32, #tpu.memory_space<hbm>>
    tpu.wait_dma2 semaphore(%arg14 : memref<!tpu.dma_semaphore, #tpu.memory_space<semaphore_mem>>) src(%dma_wait3A_19 : memref<10000xi32, #tpu.memory_space<hbm>>) dst(%arg9 : memref<10000xi32, #tpu.memory_space<vmem>>)
    %add3A_20 = arith.constant 10000 : i32
    %add3A_21 = arith.addi %mul3A_10, %add3A_20 : i32
    %multiple_of3A_22 = tpu.assume_multiple %add3A_21, 16 : i32
    %dma_start3A_23 = tpu.memref_slice %arg7[%multiple_of3A_22] : memref<6400000xi32, #tpu.memory_space<hbm>> -> memref<10000xi32, #tpu.memory_space<hbm>>
    %dma_start3A_24 = tpu.memref_slice %arg7[%multiple_of3A_22] : memref<6400000xi32, #tpu.memory_space<hbm>> -> memref<10000xi32, #tpu.memory_space<hbm>>
    tpu.enqueue_dma source(%dma_start3A_24 : memref<10000xi32, #tpu.memory_space<hbm>>) target(%arg10 : memref<10000xi32, #tpu.memory_space<vmem>>) target_semaphore(%arg14 : memref<!tpu.dma_semaphore, #tpu.memory_space<semaphore_mem>>)
    %dma_wait3A_25 = tpu.memref_slice %arg2[%multiple_of3A_16] : memref<6400000xf32, #tpu.memory_space<hbm>> -> memref<10000xf32, #tpu.memory_space<hbm>>
    %dma_wait3A_26 = tpu.memref_slice %arg2[%multiple_of3A_16] : memref<6400000xf32, #tpu.memory_space<hbm>> -> memref<10000xf32, #tpu.memory_space<hbm>>
    tpu.wait_dma2 semaphore(%arg15 : memref<!tpu.dma_semaphore, #tpu.memory_space<semaphore_mem>>) src(%dma_wait3A_26 : memref<10000xf32, #tpu.memory_space<hbm>>) dst(%arg11 : memref<10000xf32, #tpu.memory_space<vmem>>)
    %add3A_27 = arith.constant 0 : i32
    %add3A_28 = arith.addi %mul3A_10, %add3A_27 : i32
    %multiple_of3A_29 = tpu.assume_multiple %add3A_28, 16 : i32
    %dma_start3A_30 = tpu.memref_slice %arg3[%multiple_of3A_29] : memref<6400000xf32, #tpu.memory_space<hbm>> -> memref<10000xf32, #tpu.memory_space<hbm>>
    %dma_start3A_31 = tpu.memref_slice %arg3[%multiple_of3A_29] : memref<6400000xf32, #tpu.memory_space<hbm>> -> memref<10000xf32, #tpu.memory_space<hbm>>
    tpu.enqueue_dma source(%dma_start3A_31 : memref<10000xf32, #tpu.memory_space<hbm>>) target(%arg12 : memref<10000xf32, #tpu.memory_space<vmem>>) target_semaphore(%arg16 : memref<!tpu.dma_semaphore, #tpu.memory_space<semaphore_mem>>)
    "tpu.region"() ({
      %run_scoped3A = tpu.sem_alloc : memref<!tpu.dma_semaphore, #tpu.memory_space<semaphore_mem>>
      %dma_start3A_899 = arith.constant 0 : i32
      %dma_start3A_900 = tpu.memref_slice %arg17[%dma_start3A_899] : memref<100096xf32, #tpu.memory_space<vmem_shared>> -> memref<100096xf32, #tpu.memory_space<vmem_shared>>
      tpu.enqueue_indirect_dma source(%arg11 : memref<10000xf32, #tpu.memory_space<vmem>>) target(%dma_start3A_900 : memref<100096xf32, #tpu.memory_space<vmem_shared>>) offsets(%arg9 : memref<10000xi32, #tpu.memory_space<vmem>>) semaphore(%run_scoped3A : memref<!tpu.dma_semaphore, #tpu.memory_space<semaphore_mem>>) {add = true}
      %dma_wait3A_901 = arith.constant 0 : i32
      %dma_wait3A_902 = tpu.memref_slice %arg17[%dma_wait3A_901] : memref<100096xf32, #tpu.memory_space<vmem_shared>> -> memref<100096xf32, #tpu.memory_space<vmem_shared>>
      tpu.wait_indirect_dma semaphore(%run_scoped3A : memref<!tpu.dma_semaphore, #tpu.memory_space<semaphore_mem>>) src(%arg11 : memref<10000xf32, #tpu.memory_space<vmem>>) dst(%dma_wait3A_902 : memref<100096xf32, #tpu.memory_space<vmem_shared>>)
      tpu.yield
    }) : () -> ()
    %dma_wait3A_32 = tpu.memref_slice %arg3[%multiple_of3A_29] : memref<6400000xf32, #tpu.memory_space<hbm>> -> memref<10000xf32, #tpu.memory_space<hbm>>
    %dma_wait3A_33 = tpu.memref_slice %arg3[%multiple_of3A_29] : memref<6400000xf32, #tpu.memory_space<hbm>> -> memref<10000xf32, #tpu.memory_space<hbm>>
    tpu.wait_dma2 semaphore(%arg16 : memref<!tpu.dma_semaphore, #tpu.memory_space<semaphore_mem>>) src(%dma_wait3A_33 : memref<10000xf32, #tpu.memory_space<hbm>>) dst(%arg12 : memref<10000xf32, #tpu.memory_space<vmem>>)
    %add3A_34 = arith.constant 0 : i32
    %add3A_35 = arith.addi %mul3A_10, %add3A_34 : i32
    %multiple_of3A_36 = tpu.assume_multiple %add3A_35, 16 : i32
    %dma_start3A_37 = tpu.memref_slice %arg4[%multiple_of3A_36] : memref<6400000xf32, #tpu.memory_space<hbm>> -> memref<10000xf32, #tpu.memory_space<hbm>>
    %dma_start3A_38 = tpu.memref_slice %arg4[%multiple_of3A_36] : memref<6400000xf32, #tpu.memory_space<hbm>> -> memref<10000xf32, #tpu.memory_space<hbm>>
    tpu.enqueue_dma source(%dma_start3A_38 : memref<10000xf32, #tpu.memory_space<hbm>>) target(%arg11 : memref<10000xf32, #tpu.memory_space<vmem>>) target_semaphore(%arg15 : memref<!tpu.dma_semaphore, #tpu.memory_space<semaphore_mem>>)
    "tpu.region"() ({
      %run_scoped3A = tpu.sem_alloc : memref<!tpu.dma_semaphore, #tpu.memory_space<semaphore_mem>>
      %dma_start3A_899 = arith.constant 0 : i32
      %dma_start3A_900 = tpu.memref_slice %arg18[%dma_start3A_899] : memref<100096xf32, #tpu.memory_space<vmem_shared>> -> memref<100096xf32, #tpu.memory_space<vmem_shared>>
      tpu.enqueue_indirect_dma source(%arg12 : memref<10000xf32, #tpu.memory_space<vmem>>) target(%dma_start3A_900 : memref<100096xf32, #tpu.memory_space<vmem_shared>>) offsets(%arg9 : memref<10000xi32, #tpu.memory_space<vmem>>) semaphore(%run_scoped3A : memref<!tpu.dma_semaphore, #tpu.memory_space<semaphore_mem>>) {add = true}
      %dma_wait3A_901 = arith.constant 0 : i32
      %dma_wait3A_902 = tpu.memref_slice %arg18[%dma_wait3A_901] : memref<100096xf32, #tpu.memory_space<vmem_shared>> -> memref<100096xf32, #tpu.memory_space<vmem_shared>>
      tpu.wait_indirect_dma semaphore(%run_scoped3A : memref<!tpu.dma_semaphore, #tpu.memory_space<semaphore_mem>>) src(%arg12 : memref<10000xf32, #tpu.memory_space<vmem>>) dst(%dma_wait3A_902 : memref<100096xf32, #tpu.memory_space<vmem_shared>>)
      tpu.yield
    }) : () -> ()
    %dma_wait3A_39 = tpu.memref_slice %arg4[%multiple_of3A_36] : memref<6400000xf32, #tpu.memory_space<hbm>> -> memref<10000xf32, #tpu.memory_space<hbm>>
    %dma_wait3A_40 = tpu.memref_slice %arg4[%multiple_of3A_36] : memref<6400000xf32, #tpu.memory_space<hbm>> -> memref<10000xf32, #tpu.memory_space<hbm>>
    tpu.wait_dma2 semaphore(%arg15 : memref<!tpu.dma_semaphore, #tpu.memory_space<semaphore_mem>>) src(%dma_wait3A_40 : memref<10000xf32, #tpu.memory_space<hbm>>) dst(%arg11 : memref<10000xf32, #tpu.memory_space<vmem>>)
    %add3A_41 = arith.constant 0 : i32
    %add3A_42 = arith.addi %mul3A_10, %add3A_41 : i32
    %multiple_of3A_43 = tpu.assume_multiple %add3A_42, 16 : i32
    %dma_start3A_44 = tpu.memref_slice %arg5[%multiple_of3A_43] : memref<6400000xf32, #tpu.memory_space<hbm>> -> memref<10000xf32, #tpu.memory_space<hbm>>
    %dma_start3A_45 = tpu.memref_slice %arg5[%multiple_of3A_43] : memref<6400000xf32, #tpu.memory_space<hbm>> -> memref<10000xf32, #tpu.memory_space<hbm>>
    tpu.enqueue_dma source(%dma_start3A_45 : memref<10000xf32, #tpu.memory_space<hbm>>) target(%arg12 : memref<10000xf32, #tpu.memory_space<vmem>>) target_semaphore(%arg16 : memref<!tpu.dma_semaphore, #tpu.memory_space<semaphore_mem>>)
    "tpu.region"() ({
      %run_scoped3A = tpu.sem_alloc : memref<!tpu.dma_semaphore, #tpu.memory_space<semaphore_mem>>
      %dma_start3A_899 = arith.constant 0 : i32
      %dma_start3A_900 = tpu.memref_slice %arg19[%dma_start3A_899] : memref<100096xf32, #tpu.memory_space<vmem_shared>> -> memref<100096xf32, #tpu.memory_space<vmem_shared>>
      tpu.enqueue_indirect_dma source(%arg11 : memref<10000xf32, #tpu.memory_space<vmem>>) target(%dma_start3A_900 : memref<100096xf32, #tpu.memory_space<vmem_shared>>) offsets(%arg9 : memref<10000xi32, #tpu.memory_space<vmem>>) semaphore(%run_scoped3A : memref<!tpu.dma_semaphore, #tpu.memory_space<semaphore_mem>>) {add = true}
      %dma_wait3A_901 = arith.constant 0 : i32
      %dma_wait3A_902 = tpu.memref_slice %arg19[%dma_wait3A_901] : memref<100096xf32, #tpu.memory_space<vmem_shared>> -> memref<100096xf32, #tpu.memory_space<vmem_shared>>
      tpu.wait_indirect_dma semaphore(%run_scoped3A : memref<!tpu.dma_semaphore, #tpu.memory_space<semaphore_mem>>) src(%arg11 : memref<10000xf32, #tpu.memory_space<vmem>>) dst(%dma_wait3A_902 : memref<100096xf32, #tpu.memory_space<vmem_shared>>)
      tpu.yield
    }) : () -> ()
    %dma_wait3A_46 = tpu.memref_slice %arg5[%multiple_of3A_43] : memref<6400000xf32, #tpu.memory_space<hbm>> -> memref<10000xf32, #tpu.memory_space<hbm>>
    %dma_wait3A_47 = tpu.memref_slice %arg5[%multiple_of3A_43] : memref<6400000xf32, #tpu.memory_space<hbm>> -> memref<10000xf32, #tpu.memory_space<hbm>>
    tpu.wait_dma2 semaphore(%arg16 : memref<!tpu.dma_semaphore, #tpu.memory_space<semaphore_mem>>) src(%dma_wait3A_47 : memref<10000xf32, #tpu.memory_space<hbm>>) dst(%arg12 : memref<10000xf32, #tpu.memory_space<vmem>>)
    %add3A_48 = arith.constant 0 : i32
    %add3A_49 = arith.addi %mul3A_10, %add3A_48 : i32
    %multiple_of3A_50 = tpu.assume_multiple %add3A_49, 16 : i32
    %dma_start3A_51 = tpu.memref_slice %arg6[%multiple_of3A_50] : memref<6400000xf32, #tpu.memory_space<hbm>> -> memref<10000xf32, #tpu.memory_space<hbm>>
    %dma_start3A_52 = tpu.memref_slice %arg6[%multiple_of3A_50] : memref<6400000xf32, #tpu.memory_space<hbm>> -> memref<10000xf32, #tpu.memory_space<hbm>>
    tpu.enqueue_dma source(%dma_start3A_52 : memref<10000xf32, #tpu.memory_space<hbm>>) target(%arg11 : memref<10000xf32, #tpu.memory_space<vmem>>) target_semaphore(%arg15 : memref<!tpu.dma_semaphore, #tpu.memory_space<semaphore_mem>>)
    "tpu.region"() ({
      %run_scoped3A = tpu.sem_alloc : memref<!tpu.dma_semaphore, #tpu.memory_space<semaphore_mem>>
      %dma_start3A_899 = arith.constant 0 : i32
      %dma_start3A_900 = tpu.memref_slice %arg20[%dma_start3A_899] : memref<100096xf32, #tpu.memory_space<vmem_shared>> -> memref<100096xf32, #tpu.memory_space<vmem_shared>>
      tpu.enqueue_indirect_dma source(%arg12 : memref<10000xf32, #tpu.memory_space<vmem>>) target(%dma_start3A_900 : memref<100096xf32, #tpu.memory_space<vmem_shared>>) offsets(%arg9 : memref<10000xi32, #tpu.memory_space<vmem>>) semaphore(%run_scoped3A : memref<!tpu.dma_semaphore, #tpu.memory_space<semaphore_mem>>) {add = true}
      %dma_wait3A_901 = arith.constant 0 : i32
      %dma_wait3A_902 = tpu.memref_slice %arg20[%dma_wait3A_901] : memref<100096xf32, #tpu.memory_space<vmem_shared>> -> memref<100096xf32, #tpu.memory_space<vmem_shared>>
      tpu.wait_indirect_dma semaphore(%run_scoped3A : memref<!tpu.dma_semaphore, #tpu.memory_space<semaphore_mem>>) src(%arg12 : memref<10000xf32, #tpu.memory_space<vmem>>) dst(%dma_wait3A_902 : memref<100096xf32, #tpu.memory_space<vmem_shared>>)
      tpu.yield
    }) : () -> ()
    %dma_wait3A_53 = tpu.memref_slice %arg6[%multiple_of3A_50] : memref<6400000xf32, #tpu.memory_space<hbm>> -> memref<10000xf32, #tpu.memory_space<hbm>>
    %dma_wait3A_54 = tpu.memref_slice %arg6[%multiple_of3A_50] : memref<6400000xf32, #tpu.memory_space<hbm>> -> memref<10000xf32, #tpu.memory_space<hbm>>
    tpu.wait_dma2 semaphore(%arg15 : memref<!tpu.dma_semaphore, #tpu.memory_space<semaphore_mem>>) src(%dma_wait3A_54 : memref<10000xf32, #tpu.memory_space<hbm>>) dst(%arg11 : memref<10000xf32, #tpu.memory_space<vmem>>)
    %add3A_55 = arith.constant 10000 : i32
    %add3A_56 = arith.addi %mul3A_10, %add3A_55 : i32
    %multiple_of3A_57 = tpu.assume_multiple %add3A_56, 16 : i32
    %dma_start3A_58 = tpu.memref_slice %arg2[%multiple_of3A_57] : memref<6400000xf32, #tpu.memory_space<hbm>> -> memref<10000xf32, #tpu.memory_space<hbm>>
    %dma_start3A_59 = tpu.memref_slice %arg2[%multiple_of3A_57] : memref<6400000xf32, #tpu.memory_space<hbm>> -> memref<10000xf32, #tpu.memory_space<hbm>>
    tpu.enqueue_dma source(%dma_start3A_59 : memref<10000xf32, #tpu.memory_space<hbm>>) target(%arg12 : memref<10000xf32, #tpu.memory_space<vmem>>) target_semaphore(%arg16 : memref<!tpu.dma_semaphore, #tpu.memory_space<semaphore_mem>>)
    "tpu.region"() ({
      %run_scoped3A = tpu.sem_alloc : memref<!tpu.dma_semaphore, #tpu.memory_space<semaphore_mem>>
      %dma_start3A_899 = arith.constant 0 : i32
      %dma_start3A_900 = tpu.memref_slice %arg21[%dma_start3A_899] : memref<100096xf32, #tpu.memory_space<vmem_shared>> -> memref<100096xf32, #tpu.memory_space<vmem_shared>>
      tpu.enqueue_indirect_dma source(%arg11 : memref<10000xf32, #tpu.memory_space<vmem>>) target(%dma_start3A_900 : memref<100096xf32, #tpu.memory_space<vmem_shared>>) offsets(%arg9 : memref<10000xi32, #tpu.memory_space<vmem>>) semaphore(%run_scoped3A : memref<!tpu.dma_semaphore, #tpu.memory_space<semaphore_mem>>) {add = true}
      %dma_wait3A_901 = arith.constant 0 : i32
      %dma_wait3A_902 = tpu.memref_slice %arg21[%dma_wait3A_901] : memref<100096xf32, #tpu.memory_space<vmem_shared>> -> memref<100096xf32, #tpu.memory_space<vmem_shared>>
      tpu.wait_indirect_dma semaphore(%run_scoped3A : memref<!tpu.dma_semaphore, #tpu.memory_space<semaphore_mem>>) src(%arg11 : memref<10000xf32, #tpu.memory_space<vmem>>) dst(%dma_wait3A_902 : memref<100096xf32, #tpu.memory_space<vmem_shared>>)
      tpu.yield
    }) : () -> ()
    %dma_wait3A_60 = tpu.memref_slice %arg7[%multiple_of3A_22] : memref<6400000xi32, #tpu.memory_space<hbm>> -> memref<10000xi32, #tpu.memory_space<hbm>>
    %dma_wait3A_61 = tpu.memref_slice %arg7[%multiple_of3A_22] : memref<6400000xi32, #tpu.memory_space<hbm>> -> memref<10000xi32, #tpu.memory_space<hbm>>
    tpu.wait_dma2 semaphore(%arg14 : memref<!tpu.dma_semaphore, #tpu.memory_space<semaphore_mem>>) src(%dma_wait3A_61 : memref<10000xi32, #tpu.memory_space<hbm>>) dst(%arg10 : memref<10000xi32, #tpu.memory_space<vmem>>)
    %add3A_62 = arith.constant 20000 : i32
    %add3A_63 = arith.addi %mul3A_10, %add3A_62 : i32
    %multiple_of3A_64 = tpu.assume_multiple %add3A_63, 16 : i32
    %dma_start3A_65 = tpu.memref_slice %arg7[%multiple_of3A_64] : memref<6400000xi32, #tpu.memory_space<hbm>> -> memref<10000xi32, #tpu.memory_space<hbm>>
    %dma_start3A_66 = tpu.memref_slice %arg7[%multiple_of3A_64] : memref<6400000xi32, #tpu.memory_space<hbm>> -> memref<10000xi32, #tpu.memory_space<hbm>>
    tpu.enqueue_dma source(%dma_start3A_66 : memref<10000xi32, #tpu.memory_space<hbm>>) target(%arg9 : memref<10000xi32, #tpu.memory_space<vmem>>) target_semaphore(%arg14 : memref<!tpu.dma_semaphore, #tpu.memory_space<semaphore_mem>>)
    %dma_wait3A_67 = tpu.memref_slice %arg2[%multiple_of3A_57] : memref<6400000xf32, #tpu.memory_space<hbm>> -> memref<10000xf32, #tpu.memory_space<hbm>>
    %dma_wait3A_68 = tpu.memref_slice %arg2[%multiple_of3A_57] : memref<6400000xf32, #tpu.memory_space<hbm>> -> memref<10000xf32, #tpu.memory_space<hbm>>
    tpu.wait_dma2 semaphore(%arg16 : memref<!tpu.dma_semaphore, #tpu.memory_space<semaphore_mem>>) src(%dma_wait3A_68 : memref<10000xf32, #tpu.memory_space<hbm>>) dst(%arg12 : memref<10000xf32, #tpu.memory_space<vmem>>)
    %add3A_69 = arith.constant 10000 : i32
    %add3A_70 = arith.addi %mul3A_10, %add3A_69 : i32
    %multiple_of3A_71 = tpu.assume_multiple %add3A_70, 16 : i32
    %dma_start3A_72 = tpu.memref_slice %arg3[%multiple_of3A_71] : memref<6400000xf32, #tpu.memory_space<hbm>> -> memref<10000xf32, #tpu.memory_space<hbm>>
    %dma_start3A_73 = tpu.memref_slice %arg3[%multiple_of3A_71] : memref<6400000xf32, #tpu.memory_space<hbm>> -> memref<10000xf32, #tpu.memory_space<hbm>>
    tpu.enqueue_dma source(%dma_start3A_73 : memref<10000xf32, #tpu.memory_space<hbm>>) target(%arg11 : memref<10000xf32, #tpu.memory_space<vmem>>) target_semaphore(%arg15 : memref<!tpu.dma_semaphore, #tpu.memory_space<semaphore_mem>>)
    "tpu.region"() ({
      %run_scoped3A = tpu.sem_alloc : memref<!tpu.dma_semaphore, #tpu.memory_space<semaphore_mem>>
      %dma_start3A_899 = arith.constant 0 : i32
      %dma_start3A_900 = tpu.memref_slice %arg17[%dma_start3A_899] : memref<100096xf32, #tpu.memory_space<vmem_shared>> -> memref<100096xf32, #tpu.memory_space<vmem_shared>>
      tpu.enqueue_indirect_dma source(%arg12 : memref<10000xf32, #tpu.memory_space<vmem>>) target(%dma_start3A_900 : memref<100096xf32, #tpu.memory_space<vmem_shared>>) offsets(%arg10 : memref<10000xi32, #tpu.memory_space<vmem>>) semaphore(%run_scoped3A : memref<!tpu.dma_semaphore, #tpu.memory_space<semaphore_mem>>) {add = true}
      %dma_wait3A_901 = arith.constant 0 : i32
      %dma_wait3A_902 = tpu.memref_slice %arg17[%dma_wait3A_901] : memref<100096xf32, #tpu.memory_space<vmem_shared>> -> memref<100096xf32, #tpu.memory_space<vmem_shared>>
      tpu.wait_indirect_dma semaphore(%run_scoped3A : memref<!tpu.dma_semaphore, #tpu.memory_space<semaphore_mem>>) src(%arg12 : memref<10000xf32, #tpu.memory_space<vmem>>) dst(%dma_wait3A_902 : memref<100096xf32, #tpu.memory_space<vmem_shared>>)
      tpu.yield
    }) : () -> ()
    %dma_wait3A_74 = tpu.memref_slice %arg3[%multiple_of3A_71] : memref<6400000xf32, #tpu.memory_space<hbm>> -> memref<10000xf32, #tpu.memory_space<hbm>>
    %dma_wait3A_75 = tpu.memref_slice %arg3[%multiple_of3A_71] : memref<6400000xf32, #tpu.memory_space<hbm>> -> memref<10000xf32, #tpu.memory_space<hbm>>
    tpu.wait_dma2 semaphore(%arg15 : memref<!tpu.dma_semaphore, #tpu.memory_space<semaphore_mem>>) src(%dma_wait3A_75 : memref<10000xf32, #tpu.memory_space<hbm>>) dst(%arg11 : memref<10000xf32, #tpu.memory_space<vmem>>)
    %add3A_76 = arith.constant 10000 : i32
    %add3A_77 = arith.addi %mul3A_10, %add3A_76 : i32
    %multiple_of3A_78 = tpu.assume_multiple %add3A_77, 16 : i32
    %dma_start3A_79 = tpu.memref_slice %arg4[%multiple_of3A_78] : memref<6400000xf32, #tpu.memory_space<hbm>> -> memref<10000xf32, #tpu.memory_space<hbm>>
    %dma_start3A_80 = tpu.memref_slice %arg4[%multiple_of3A_78] : memref<6400000xf32, #tpu.memory_space<hbm>> -> memref<10000xf32, #tpu.memory_space<hbm>>
    tpu.enqueue_dma source(%dma_start3A_80 : memref<10000xf32, #tpu.memory_space<hbm>>) target(%arg12 : memref<10000xf32, #tpu.memory_space<vmem>>) target_semaphore(%arg16 : memref<!tpu.dma_semaphore, #tpu.memory_space<semaphore_mem>>)
    "tpu.region"() ({
      %run_scoped3A = tpu.sem_alloc : memref<!tpu.dma_semaphore, #tpu.memory_space<semaphore_mem>>
      %dma_start3A_899 = arith.constant 0 : i32
      %dma_start3A_900 = tpu.memref_slice %arg18[%dma_start3A_899] : memref<100096xf32, #tpu.memory_space<vmem_shared>> -> memref<100096xf32, #tpu.memory_space<vmem_shared>>
      tpu.enqueue_indirect_dma source(%arg11 : memref<10000xf32, #tpu.memory_space<vmem>>) target(%dma_start3A_900 : memref<100096xf32, #tpu.memory_space<vmem_shared>>) offsets(%arg10 : memref<10000xi32, #tpu.memory_space<vmem>>) semaphore(%run_scoped3A : memref<!tpu.dma_semaphore, #tpu.memory_space<semaphore_mem>>) {add = true}
      %dma_wait3A_901 = arith.constant 0 : i32
      %dma_wait3A_902 = tpu.memref_slice %arg18[%dma_wait3A_901] : memref<100096xf32, #tpu.memory_space<vmem_shared>> -> memref<100096xf32, #tpu.memory_space<vmem_shared>>
      tpu.wait_indirect_dma semaphore(%run_scoped3A : memref<!tpu.dma_semaphore, #tpu.memory_space<semaphore_mem>>) src(%arg11 : memref<10000xf32, #tpu.memory_space<vmem>>) dst(%dma_wait3A_902 : memref<100096xf32, #tpu.memory_space<vmem_shared>>)
      tpu.yield
    }) : () -> ()
    %dma_wait3A_81 = tpu.memref_slice %arg4[%multiple_of3A_78] : memref<6400000xf32, #tpu.memory_space<hbm>> -> memref<10000xf32, #tpu.memory_space<hbm>>
    %dma_wait3A_82 = tpu.memref_slice %arg4[%multiple_of3A_78] : memref<6400000xf32, #tpu.memory_space<hbm>> -> memref<10000xf32, #tpu.memory_space<hbm>>
    tpu.wait_dma2 semaphore(%arg16 : memref<!tpu.dma_semaphore, #tpu.memory_space<semaphore_mem>>) src(%dma_wait3A_82 : memref<10000xf32, #tpu.memory_space<hbm>>) dst(%arg12 : memref<10000xf32, #tpu.memory_space<vmem>>)
    %add3A_83 = arith.constant 10000 : i32
    %add3A_84 = arith.addi %mul3A_10, %add3A_83 : i32
    %multiple_of3A_85 = tpu.assume_multiple %add3A_84, 16 : i32
    %dma_start3A_86 = tpu.memref_slice %arg5[%multiple_of3A_85] : memref<6400000xf32, #tpu.memory_space<hbm>> -> memref<10000xf32, #tpu.memory_space<hbm>>
    %dma_start3A_87 = tpu.memref_slice %arg5[%multiple_of3A_85] : memref<6400000xf32, #tpu.memory_space<hbm>> -> memref<10000xf32, #tpu.memory_space<hbm>>
    tpu.enqueue_dma source(%dma_start3A_87 : memref<10000xf32, #tpu.memory_space<hbm>>) target(%arg11 : memref<10000xf32, #tpu.memory_space<vmem>>) target_semaphore(%arg15 : memref<!tpu.dma_semaphore, #tpu.memory_space<semaphore_mem>>)
    "tpu.region"() ({
      %run_scoped3A = tpu.sem_alloc : memref<!tpu.dma_semaphore, #tpu.memory_space<semaphore_mem>>
      %dma_start3A_899 = arith.constant 0 : i32
      %dma_start3A_900 = tpu.memref_slice %arg19[%dma_start3A_899] : memref<100096xf32, #tpu.memory_space<vmem_shared>> -> memref<100096xf32, #tpu.memory_space<vmem_shared>>
      tpu.enqueue_indirect_dma source(%arg12 : memref<10000xf32, #tpu.memory_space<vmem>>) target(%dma_start3A_900 : memref<100096xf32, #tpu.memory_space<vmem_shared>>) offsets(%arg10 : memref<10000xi32, #tpu.memory_space<vmem>>) semaphore(%run_scoped3A : memref<!tpu.dma_semaphore, #tpu.memory_space<semaphore_mem>>) {add = true}
      %dma_wait3A_901 = arith.constant 0 : i32
      %dma_wait3A_902 = tpu.memref_slice %arg19[%dma_wait3A_901] : memref<100096xf32, #tpu.memory_space<vmem_shared>> -> memref<100096xf32, #tpu.memory_space<vmem_shared>>
      tpu.wait_indirect_dma semaphore(%run_scoped3A : memref<!tpu.dma_semaphore, #tpu.memory_space<semaphore_mem>>) src(%arg12 : memref<10000xf32, #tpu.memory_space<vmem>>) dst(%dma_wait3A_902 : memref<100096xf32, #tpu.memory_space<vmem_shared>>)
      tpu.yield
    }) : () -> ()
    %dma_wait3A_88 = tpu.memref_slice %arg5[%multiple_of3A_85] : memref<6400000xf32, #tpu.memory_space<hbm>> -> memref<10000xf32, #tpu.memory_space<hbm>>
    %dma_wait3A_89 = tpu.memref_slice %arg5[%multiple_of3A_85] : memref<6400000xf32, #tpu.memory_space<hbm>> -> memref<10000xf32, #tpu.memory_space<hbm>>
    tpu.wait_dma2 semaphore(%arg15 : memref<!tpu.dma_semaphore, #tpu.memory_space<semaphore_mem>>) src(%dma_wait3A_89 : memref<10000xf32, #tpu.memory_space<hbm>>) dst(%arg11 : memref<10000xf32, #tpu.memory_space<vmem>>)
    %add3A_90 = arith.constant 10000 : i32
    %add3A_91 = arith.addi %mul3A_10, %add3A_90 : i32
    %multiple_of3A_92 = tpu.assume_multiple %add3A_91, 16 : i32
    %dma_start3A_93 = tpu.memref_slice %arg6[%multiple_of3A_92] : memref<6400000xf32, #tpu.memory_space<hbm>> -> memref<10000xf32, #tpu.memory_space<hbm>>
    %dma_start3A_94 = tpu.memref_slice %arg6[%multiple_of3A_92] : memref<6400000xf32, #tpu.memory_space<hbm>> -> memref<10000xf32, #tpu.memory_space<hbm>>
    tpu.enqueue_dma source(%dma_start3A_94 : memref<10000xf32, #tpu.memory_space<hbm>>) target(%arg12 : memref<10000xf32, #tpu.memory_space<vmem>>) target_semaphore(%arg16 : memref<!tpu.dma_semaphore, #tpu.memory_space<semaphore_mem>>)
    "tpu.region"() ({
      %run_scoped3A = tpu.sem_alloc : memref<!tpu.dma_semaphore, #tpu.memory_space<semaphore_mem>>
      %dma_start3A_899 = arith.constant 0 : i32
      %dma_start3A_900 = tpu.memref_slice %arg20[%dma_start3A_899] : memref<100096xf32, #tpu.memory_space<vmem_shared>> -> memref<100096xf32, #tpu.memory_space<vmem_shared>>
      tpu.enqueue_indirect_dma source(%arg11 : memref<10000xf32, #tpu.memory_space<vmem>>) target(%dma_start3A_900 : memref<100096xf32, #tpu.memory_space<vmem_shared>>) offsets(%arg10 : memref<10000xi32, #tpu.memory_space<vmem>>) semaphore(%run_scoped3A : memref<!tpu.dma_semaphore, #tpu.memory_space<semaphore_mem>>) {add = true}
      %dma_wait3A_901 = arith.constant 0 : i32
      %dma_wait3A_902 = tpu.memref_slice %arg20[%dma_wait3A_901] : memref<100096xf32, #tpu.memory_space<vmem_shared>> -> memref<100096xf32, #tpu.memory_space<vmem_shared>>
      tpu.wait_indirect_dma semaphore(%run_scoped3A : memref<!tpu.dma_semaphore, #tpu.memory_space<semaphore_mem>>) src(%arg11 : memref<10000xf32, #tpu.memory_space<vmem>>) dst(%dma_wait3A_902 : memref<100096xf32, #tpu.memory_space<vmem_shared>>)
      tpu.yield
    }) : () -> ()
    %dma_wait3A_95 = tpu.memref_slice %arg6[%multiple_of3A_92] : memref<6400000xf32, #tpu.memory_space<hbm>> -> memref<10000xf32, #tpu.memory_space<hbm>>
    %dma_wait3A_96 = tpu.memref_slice %arg6[%multiple_of3A_92] : memref<6400000xf32, #tpu.memory_space<hbm>> -> memref<10000xf32, #tpu.memory_space<hbm>>
    tpu.wait_dma2 semaphore(%arg16 : memref<!tpu.dma_semaphore, #tpu.memory_space<semaphore_mem>>) src(%dma_wait3A_96 : memref<10000xf32, #tpu.memory_space<hbm>>) dst(%arg12 : memref<10000xf32, #tpu.memory_space<vmem>>)
    %add3A_97 = arith.constant 20000 : i32
    %add3A_98 = arith.addi %mul3A_10, %add3A_97 : i32
    %multiple_of3A_99 = tpu.assume_multiple %add3A_98, 16 : i32
    %dma_start3A_100 = tpu.memref_slice %arg2[%multiple_of3A_99] : memref<6400000xf32, #tpu.memory_space<hbm>> -> memref<10000xf32, #tpu.memory_space<hbm>>
    %dma_start3A_101 = tpu.memref_slice %arg2[%multiple_of3A_99] : memref<6400000xf32, #tpu.memory_space<hbm>> -> memref<10000xf32, #tpu.memory_space<hbm>>
    tpu.enqueue_dma source(%dma_start3A_101 : memref<10000xf32, #tpu.memory_space<hbm>>) target(%arg11 : memref<10000xf32, #tpu.memory_space<vmem>>) target_semaphore(%arg15 : memref<!tpu.dma_semaphore, #tpu.memory_space<semaphore_mem>>)
    "tpu.region"() ({
      %run_scoped3A = tpu.sem_alloc : memref<!tpu.dma_semaphore, #tpu.memory_space<semaphore_mem>>
      %dma_start3A_899 = arith.constant 0 : i32
      %dma_start3A_900 = tpu.memref_slice %arg21[%dma_start3A_899] : memref<100096xf32, #tpu.memory_space<vmem_shared>> -> memref<100096xf32, #tpu.memory_space<vmem_shared>>
      tpu.enqueue_indirect_dma source(%arg12 : memref<10000xf32, #tpu.memory_space<vmem>>) target(%dma_start3A_900 : memref<100096xf32, #tpu.memory_space<vmem_shared>>) offsets(%arg10 : memref<10000xi32, #tpu.memory_space<vmem>>) semaphore(%run_scoped3A : memref<!tpu.dma_semaphore, #tpu.memory_space<semaphore_mem>>) {add = true}
      %dma_wait3A_901 = arith.constant 0 : i32
      %dma_wait3A_902 = tpu.memref_slice %arg21[%dma_wait3A_901] : memref<100096xf32, #tpu.memory_space<vmem_shared>> -> memref<100096xf32, #tpu.memory_space<vmem_shared>>
      tpu.wait_indirect_dma semaphore(%run_scoped3A : memref<!tpu.dma_semaphore, #tpu.memory_space<semaphore_mem>>) src(%arg12 : memref<10000xf32, #tpu.memory_space<vmem>>) dst(%dma_wait3A_902 : memref<100096xf32, #tpu.memory_space<vmem_shared>>)
      tpu.yield
    }) : () -> ()
    %dma_wait3A_102 = tpu.memref_slice %arg7[%multiple_of3A_64] : memref<6400000xi32, #tpu.memory_space<hbm>> -> memref<10000xi32, #tpu.memory_space<hbm>>
    %dma_wait3A_103 = tpu.memref_slice %arg7[%multiple_of3A_64] : memref<6400000xi32, #tpu.memory_space<hbm>> -> memref<10000xi32, #tpu.memory_space<hbm>>
    tpu.wait_dma2 semaphore(%arg14 : memref<!tpu.dma_semaphore, #tpu.memory_space<semaphore_mem>>) src(%dma_wait3A_103 : memref<10000xi32, #tpu.memory_space<hbm>>) dst(%arg9 : memref<10000xi32, #tpu.memory_space<vmem>>)
    %add3A_104 = arith.constant 30000 : i32
    %add3A_105 = arith.addi %mul3A_10, %add3A_104 : i32
    %multiple_of3A_106 = tpu.assume_multiple %add3A_105, 16 : i32
    %dma_start3A_107 = tpu.memref_slice %arg7[%multiple_of3A_106] : memref<6400000xi32, #tpu.memory_space<hbm>> -> memref<10000xi32, #tpu.memory_space<hbm>>
    %dma_start3A_108 = tpu.memref_slice %arg7[%multiple_of3A_106] : memref<6400000xi32, #tpu.memory_space<hbm>> -> memref<10000xi32, #tpu.memory_space<hbm>>
    tpu.enqueue_dma source(%dma_start3A_108 : memref<10000xi32, #tpu.memory_space<hbm>>) target(%arg10 : memref<10000xi32, #tpu.memory_space<vmem>>) target_semaphore(%arg14 : memref<!tpu.dma_semaphore, #tpu.memory_space<semaphore_mem>>)
    %dma_wait3A_109 = tpu.memref_slice %arg2[%multiple_of3A_99] : memref<6400000xf32, #tpu.memory_space<hbm>> -> memref<10000xf32, #tpu.memory_space<hbm>>
    %dma_wait3A_110 = tpu.memref_slice %arg2[%multiple_of3A_99] : memref<6400000xf32, #tpu.memory_space<hbm>> -> memref<10000xf32, #tpu.memory_space<hbm>>
    tpu.wait_dma2 semaphore(%arg15 : memref<!tpu.dma_semaphore, #tpu.memory_space<semaphore_mem>>) src(%dma_wait3A_110 : memref<10000xf32, #tpu.memory_space<hbm>>) dst(%arg11 : memref<10000xf32, #tpu.memory_space<vmem>>)
    %add3A_111 = arith.constant 20000 : i32
    %add3A_112 = arith.addi %mul3A_10, %add3A_111 : i32
    %multiple_of3A_113 = tpu.assume_multiple %add3A_112, 16 : i32
    %dma_start3A_114 = tpu.memref_slice %arg3[%multiple_of3A_113] : memref<6400000xf32, #tpu.memory_space<hbm>> -> memref<10000xf32, #tpu.memory_space<hbm>>
    %dma_start3A_115 = tpu.memref_slice %arg3[%multiple_of3A_113] : memref<6400000xf32, #tpu.memory_space<hbm>> -> memref<10000xf32, #tpu.memory_space<hbm>>
    tpu.enqueue_dma source(%dma_start3A_115 : memref<10000xf32, #tpu.memory_space<hbm>>) target(%arg12 : memref<10000xf32, #tpu.memory_space<vmem>>) target_semaphore(%arg16 : memref<!tpu.dma_semaphore, #tpu.memory_space<semaphore_mem>>)
    "tpu.region"() ({
      %run_scoped3A = tpu.sem_alloc : memref<!tpu.dma_semaphore, #tpu.memory_space<semaphore_mem>>
      %dma_start3A_899 = arith.constant 0 : i32
      %dma_start3A_900 = tpu.memref_slice %arg17[%dma_start3A_899] : memref<100096xf32, #tpu.memory_space<vmem_shared>> -> memref<100096xf32, #tpu.memory_space<vmem_shared>>
      tpu.enqueue_indirect_dma source(%arg11 : memref<10000xf32, #tpu.memory_space<vmem>>) target(%dma_start3A_900 : memref<100096xf32, #tpu.memory_space<vmem_shared>>) offsets(%arg9 : memref<10000xi32, #tpu.memory_space<vmem>>) semaphore(%run_scoped3A : memref<!tpu.dma_semaphore, #tpu.memory_space<semaphore_mem>>) {add = true}
      %dma_wait3A_901 = arith.constant 0 : i32
      %dma_wait3A_902 = tpu.memref_slice %arg17[%dma_wait3A_901] : memref<100096xf32, #tpu.memory_space<vmem_shared>> -> memref<100096xf32, #tpu.memory_space<vmem_shared>>
      tpu.wait_indirect_dma semaphore(%run_scoped3A : memref<!tpu.dma_semaphore, #tpu.memory_space<semaphore_mem>>) src(%arg11 : memref<10000xf32, #tpu.memory_space<vmem>>) dst(%dma_wait3A_902 : memref<100096xf32, #tpu.memory_space<vmem_shared>>)
      tpu.yield
    }) : () -> ()
    %dma_wait3A_116 = tpu.memref_slice %arg3[%multiple_of3A_113] : memref<6400000xf32, #tpu.memory_space<hbm>> -> memref<10000xf32, #tpu.memory_space<hbm>>
    %dma_wait3A_117 = tpu.memref_slice %arg3[%multiple_of3A_113] : memref<6400000xf32, #tpu.memory_space<hbm>> -> memref<10000xf32, #tpu.memory_space<hbm>>
    tpu.wait_dma2 semaphore(%arg16 : memref<!tpu.dma_semaphore, #tpu.memory_space<semaphore_mem>>) src(%dma_wait3A_117 : memref<10000xf32, #tpu.memory_space<hbm>>) dst(%arg12 : memref<10000xf32, #tpu.memory_space<vmem>>)
    %add3A_118 = arith.constant 20000 : i32
    %add3A_119 = arith.addi %mul3A_10, %add3A_118 : i32
    %multiple_of3A_120 = tpu.assume_multiple %add3A_119, 16 : i32
    %dma_start3A_121 = tpu.memref_slice %arg4[%multiple_of3A_120] : memref<6400000xf32, #tpu.memory_space<hbm>> -> memref<10000xf32, #tpu.memory_space<hbm>>
    %dma_start3A_122 = tpu.memref_slice %arg4[%multiple_of3A_120] : memref<6400000xf32, #tpu.memory_space<hbm>> -> memref<10000xf32, #tpu.memory_space<hbm>>
    tpu.enqueue_dma source(%dma_start3A_122 : memref<10000xf32, #tpu.memory_space<hbm>>) target(%arg11 : memref<10000xf32, #tpu.memory_space<vmem>>) target_semaphore(%arg15 : memref<!tpu.dma_semaphore, #tpu.memory_space<semaphore_mem>>)
    "tpu.region"() ({
      %run_scoped3A = tpu.sem_alloc : memref<!tpu.dma_semaphore, #tpu.memory_space<semaphore_mem>>
      %dma_start3A_899 = arith.constant 0 : i32
      %dma_start3A_900 = tpu.memref_slice %arg18[%dma_start3A_899] : memref<100096xf32, #tpu.memory_space<vmem_shared>> -> memref<100096xf32, #tpu.memory_space<vmem_shared>>
      tpu.enqueue_indirect_dma source(%arg12 : memref<10000xf32, #tpu.memory_space<vmem>>) target(%dma_start3A_900 : memref<100096xf32, #tpu.memory_space<vmem_shared>>) offsets(%arg9 : memref<10000xi32, #tpu.memory_space<vmem>>) semaphore(%run_scoped3A : memref<!tpu.dma_semaphore, #tpu.memory_space<semaphore_mem>>) {add = true}
      %dma_wait3A_901 = arith.constant 0 : i32
      %dma_wait3A_902 = tpu.memref_slice %arg18[%dma_wait3A_901] : memref<100096xf32, #tpu.memory_space<vmem_shared>> -> memref<100096xf32, #tpu.memory_space<vmem_shared>>
      tpu.wait_indirect_dma semaphore(%run_scoped3A : memref<!tpu.dma_semaphore, #tpu.memory_space<semaphore_mem>>) src(%arg12 : memref<10000xf32, #tpu.memory_space<vmem>>) dst(%dma_wait3A_902 : memref<100096xf32, #tpu.memory_space<vmem_shared>>)
      tpu.yield
    }) : () -> ()
    %dma_wait3A_123 = tpu.memref_slice %arg4[%multiple_of3A_120] : memref<6400000xf32, #tpu.memory_space<hbm>> -> memref<10000xf32, #tpu.memory_space<hbm>>
    %dma_wait3A_124 = tpu.memref_slice %arg4[%multiple_of3A_120] : memref<6400000xf32, #tpu.memory_space<hbm>> -> memref<10000xf32, #tpu.memory_space<hbm>>
    tpu.wait_dma2 semaphore(%arg15 : memref<!tpu.dma_semaphore, #tpu.memory_space<semaphore_mem>>) src(%dma_wait3A_124 : memref<10000xf32, #tpu.memory_space<hbm>>) dst(%arg11 : memref<10000xf32, #tpu.memory_space<vmem>>)
    %add3A_125 = arith.constant 20000 : i32
    %add3A_126 = arith.addi %mul3A_10, %add3A_125 : i32
    %multiple_of3A_127 = tpu.assume_multiple %add3A_126, 16 : i32
    %dma_start3A_128 = tpu.memref_slice %arg5[%multiple_of3A_127] : memref<6400000xf32, #tpu.memory_space<hbm>> -> memref<10000xf32, #tpu.memory_space<hbm>>
    %dma_start3A_129 = tpu.memref_slice %arg5[%multiple_of3A_127] : memref<6400000xf32, #tpu.memory_space<hbm>> -> memref<10000xf32, #tpu.memory_space<hbm>>
    tpu.enqueue_dma source(%dma_start3A_129 : memref<10000xf32, #tpu.memory_space<hbm>>) target(%arg12 : memref<10000xf32, #tpu.memory_space<vmem>>) target_semaphore(%arg16 : memref<!tpu.dma_semaphore, #tpu.memory_space<semaphore_mem>>)
    "tpu.region"() ({
      %run_scoped3A = tpu.sem_alloc : memref<!tpu.dma_semaphore, #tpu.memory_space<semaphore_mem>>
      %dma_start3A_899 = arith.constant 0 : i32
      %dma_start3A_900 = tpu.memref_slice %arg19[%dma_start3A_899] : memref<100096xf32, #tpu.memory_space<vmem_shared>> -> memref<100096xf32, #tpu.memory_space<vmem_shared>>
      tpu.enqueue_indirect_dma source(%arg11 : memref<10000xf32, #tpu.memory_space<vmem>>) target(%dma_start3A_900 : memref<100096xf32, #tpu.memory_space<vmem_shared>>) offsets(%arg9 : memref<10000xi32, #tpu.memory_space<vmem>>) semaphore(%run_scoped3A : memref<!tpu.dma_semaphore, #tpu.memory_space<semaphore_mem>>) {add = true}
      %dma_wait3A_901 = arith.constant 0 : i32
      %dma_wait3A_902 = tpu.memref_slice %arg19[%dma_wait3A_901] : memref<100096xf32, #tpu.memory_space<vmem_shared>> -> memref<100096xf32, #tpu.memory_space<vmem_shared>>
      tpu.wait_indirect_dma semaphore(%run_scoped3A : memref<!tpu.dma_semaphore, #tpu.memory_space<semaphore_mem>>) src(%arg11 : memref<10000xf32, #tpu.memory_space<vmem>>) dst(%dma_wait3A_902 : memref<100096xf32, #tpu.memory_space<vmem_shared>>)
      tpu.yield
    }) : () -> ()
    %dma_wait3A_130 = tpu.memref_slice %arg5[%multiple_of3A_127] : memref<6400000xf32, #tpu.memory_space<hbm>> -> memref<10000xf32, #tpu.memory_space<hbm>>
    %dma_wait3A_131 = tpu.memref_slice %arg5[%multiple_of3A_127] : memref<6400000xf32, #tpu.memory_space<hbm>> -> memref<10000xf32, #tpu.memory_space<hbm>>
    tpu.wait_dma2 semaphore(%arg16 : memref<!tpu.dma_semaphore, #tpu.memory_space<semaphore_mem>>) src(%dma_wait3A_131 : memref<10000xf32, #tpu.memory_space<hbm>>) dst(%arg12 : memref<10000xf32, #tpu.memory_space<vmem>>)
    %add3A_132 = arith.constant 20000 : i32
    %add3A_133 = arith.addi %mul3A_10, %add3A_132 : i32
    %multiple_of3A_134 = tpu.assume_multiple %add3A_133, 16 : i32
    %dma_start3A_135 = tpu.memref_slice %arg6[%multiple_of3A_134] : memref<6400000xf32, #tpu.memory_space<hbm>> -> memref<10000xf32, #tpu.memory_space<hbm>>
    %dma_start3A_136 = tpu.memref_slice %arg6[%multiple_of3A_134] : memref<6400000xf32, #tpu.memory_space<hbm>> -> memref<10000xf32, #tpu.memory_space<hbm>>
    tpu.enqueue_dma source(%dma_start3A_136 : memref<10000xf32, #tpu.memory_space<hbm>>) target(%arg11 : memref<10000xf32, #tpu.memory_space<vmem>>) target_semaphore(%arg15 : memref<!tpu.dma_semaphore, #tpu.memory_space<semaphore_mem>>)
    "tpu.region"() ({
      %run_scoped3A = tpu.sem_alloc : memref<!tpu.dma_semaphore, #tpu.memory_space<semaphore_mem>>
      %dma_start3A_899 = arith.constant 0 : i32
      %dma_start3A_900 = tpu.memref_slice %arg20[%dma_start3A_899] : memref<100096xf32, #tpu.memory_space<vmem_shared>> -> memref<100096xf32, #tpu.memory_space<vmem_shared>>
      tpu.enqueue_indirect_dma source(%arg12 : memref<10000xf32, #tpu.memory_space<vmem>>) target(%dma_start3A_900 : memref<100096xf32, #tpu.memory_space<vmem_shared>>) offsets(%arg9 : memref<10000xi32, #tpu.memory_space<vmem>>) semaphore(%run_scoped3A : memref<!tpu.dma_semaphore, #tpu.memory_space<semaphore_mem>>) {add = true}
      %dma_wait3A_901 = arith.constant 0 : i32
      %dma_wait3A_902 = tpu.memref_slice %arg20[%dma_wait3A_901] : memref<100096xf32, #tpu.memory_space<vmem_shared>> -> memref<100096xf32, #tpu.memory_space<vmem_shared>>
      tpu.wait_indirect_dma semaphore(%run_scoped3A : memref<!tpu.dma_semaphore, #tpu.memory_space<semaphore_mem>>) src(%arg12 : memref<10000xf32, #tpu.memory_space<vmem>>) dst(%dma_wait3A_902 : memref<100096xf32, #tpu.memory_space<vmem_shared>>)
      tpu.yield
    }) : () -> ()
    %dma_wait3A_137 = tpu.memref_slice %arg6[%multiple_of3A_134] : memref<6400000xf32, #tpu.memory_space<hbm>> -> memref<10000xf32, #tpu.memory_space<hbm>>
    %dma_wait3A_138 = tpu.memref_slice %arg6[%multiple_of3A_134] : memref<6400000xf32, #tpu.memory_space<hbm>> -> memref<10000xf32, #tpu.memory_space<hbm>>
    tpu.wait_dma2 semaphore(%arg15 : memref<!tpu.dma_semaphore, #tpu.memory_space<semaphore_mem>>) src(%dma_wait3A_138 : memref<10000xf32, #tpu.memory_space<hbm>>) dst(%arg11 : memref<10000xf32, #tpu.memory_space<vmem>>)
    %add3A_139 = arith.constant 30000 : i32
    %add3A_140 = arith.addi %mul3A_10, %add3A_139 : i32
    %multiple_of3A_141 = tpu.assume_multiple %add3A_140, 16 : i32
    %dma_start3A_142 = tpu.memref_slice %arg2[%multiple_of3A_141] : memref<6400000xf32, #tpu.memory_space<hbm>> -> memref<10000xf32, #tpu.memory_space<hbm>>
    %dma_start3A_143 = tpu.memref_slice %arg2[%multiple_of3A_141] : memref<6400000xf32, #tpu.memory_space<hbm>> -> memref<10000xf32, #tpu.memory_space<hbm>>
    tpu.enqueue_dma source(%dma_start3A_143 : memref<10000xf32, #tpu.memory_space<hbm>>) target(%arg12 : memref<10000xf32, #tpu.memory_space<vmem>>) target_semaphore(%arg16 : memref<!tpu.dma_semaphore, #tpu.memory_space<semaphore_mem>>)
    "tpu.region"() ({
      %run_scoped3A = tpu.sem_alloc : memref<!tpu.dma_semaphore, #tpu.memory_space<semaphore_mem>>
      %dma_start3A_899 = arith.constant 0 : i32
      %dma_start3A_900 = tpu.memref_slice %arg21[%dma_start3A_899] : memref<100096xf32, #tpu.memory_space<vmem_shared>> -> memref<100096xf32, #tpu.memory_space<vmem_shared>>
      tpu.enqueue_indirect_dma source(%arg11 : memref<10000xf32, #tpu.memory_space<vmem>>) target(%dma_start3A_900 : memref<100096xf32, #tpu.memory_space<vmem_shared>>) offsets(%arg9 : memref<10000xi32, #tpu.memory_space<vmem>>) semaphore(%run_scoped3A : memref<!tpu.dma_semaphore, #tpu.memory_space<semaphore_mem>>) {add = true}
      %dma_wait3A_901 = arith.constant 0 : i32
      %dma_wait3A_902 = tpu.memref_slice %arg21[%dma_wait3A_901] : memref<100096xf32, #tpu.memory_space<vmem_shared>> -> memref<100096xf32, #tpu.memory_space<vmem_shared>>
      tpu.wait_indirect_dma semaphore(%run_scoped3A : memref<!tpu.dma_semaphore, #tpu.memory_space<semaphore_mem>>) src(%arg11 : memref<10000xf32, #tpu.memory_space<vmem>>) dst(%dma_wait3A_902 : memref<100096xf32, #tpu.memory_space<vmem_shared>>)
      tpu.yield
    }) : () -> ()
    %dma_wait3A_144 = tpu.memref_slice %arg7[%multiple_of3A_106] : memref<6400000xi32, #tpu.memory_space<hbm>> -> memref<10000xi32, #tpu.memory_space<hbm>>
    %dma_wait3A_145 = tpu.memref_slice %arg7[%multiple_of3A_106] : memref<6400000xi32, #tpu.memory_space<hbm>> -> memref<10000xi32, #tpu.memory_space<hbm>>
    tpu.wait_dma2 semaphore(%arg14 : memref<!tpu.dma_semaphore, #tpu.memory_space<semaphore_mem>>) src(%dma_wait3A_145 : memref<10000xi32, #tpu.memory_space<hbm>>) dst(%arg10 : memref<10000xi32, #tpu.memory_space<vmem>>)
    %add3A_146 = arith.constant 40000 : i32
    %add3A_147 = arith.addi %mul3A_10, %add3A_146 : i32
    %multiple_of3A_148 = tpu.assume_multiple %add3A_147, 16 : i32
    %dma_start3A_149 = tpu.memref_slice %arg7[%multiple_of3A_148] : memref<6400000xi32, #tpu.memory_space<hbm>> -> memref<10000xi32, #tpu.memory_space<hbm>>
    %dma_start3A_150 = tpu.memref_slice %arg7[%multiple_of3A_148] : memref<6400000xi32, #tpu.memory_space<hbm>> -> memref<10000xi32, #tpu.memory_space<hbm>>
    tpu.enqueue_dma source(%dma_start3A_150 : memref<10000xi32, #tpu.memory_space<hbm>>) target(%arg9 : memref<10000xi32, #tpu.memory_space<vmem>>) target_semaphore(%arg14 : memref<!tpu.dma_semaphore, #tpu.memory_space<semaphore_mem>>)
    %dma_wait3A_151 = tpu.memref_slice %arg2[%multiple_of3A_141] : memref<6400000xf32, #tpu.memory_space<hbm>> -> memref<10000xf32, #tpu.memory_space<hbm>>
    %dma_wait3A_152 = tpu.memref_slice %arg2[%multiple_of3A_141] : memref<6400000xf32, #tpu.memory_space<hbm>> -> memref<10000xf32, #tpu.memory_space<hbm>>
    tpu.wait_dma2 semaphore(%arg16 : memref<!tpu.dma_semaphore, #tpu.memory_space<semaphore_mem>>) src(%dma_wait3A_152 : memref<10000xf32, #tpu.memory_space<hbm>>) dst(%arg12 : memref<10000xf32, #tpu.memory_space<vmem>>)
    %add3A_153 = arith.constant 30000 : i32
    %add3A_154 = arith.addi %mul3A_10, %add3A_153 : i32
    %multiple_of3A_155 = tpu.assume_multiple %add3A_154, 16 : i32
    %dma_start3A_156 = tpu.memref_slice %arg3[%multiple_of3A_155] : memref<6400000xf32, #tpu.memory_space<hbm>> -> memref<10000xf32, #tpu.memory_space<hbm>>
    %dma_start3A_157 = tpu.memref_slice %arg3[%multiple_of3A_155] : memref<6400000xf32, #tpu.memory_space<hbm>> -> memref<10000xf32, #tpu.memory_space<hbm>>
    tpu.enqueue_dma source(%dma_start3A_157 : memref<10000xf32, #tpu.memory_space<hbm>>) target(%arg11 : memref<10000xf32, #tpu.memory_space<vmem>>) target_semaphore(%arg15 : memref<!tpu.dma_semaphore, #tpu.memory_space<semaphore_mem>>)
    "tpu.region"() ({
      %run_scoped3A = tpu.sem_alloc : memref<!tpu.dma_semaphore, #tpu.memory_space<semaphore_mem>>
      %dma_start3A_899 = arith.constant 0 : i32
      %dma_start3A_900 = tpu.memref_slice %arg17[%dma_start3A_899] : memref<100096xf32, #tpu.memory_space<vmem_shared>> -> memref<100096xf32, #tpu.memory_space<vmem_shared>>
      tpu.enqueue_indirect_dma source(%arg12 : memref<10000xf32, #tpu.memory_space<vmem>>) target(%dma_start3A_900 : memref<100096xf32, #tpu.memory_space<vmem_shared>>) offsets(%arg10 : memref<10000xi32, #tpu.memory_space<vmem>>) semaphore(%run_scoped3A : memref<!tpu.dma_semaphore, #tpu.memory_space<semaphore_mem>>) {add = true}
      %dma_wait3A_901 = arith.constant 0 : i32
      %dma_wait3A_902 = tpu.memref_slice %arg17[%dma_wait3A_901] : memref<100096xf32, #tpu.memory_space<vmem_shared>> -> memref<100096xf32, #tpu.memory_space<vmem_shared>>
      tpu.wait_indirect_dma semaphore(%run_scoped3A : memref<!tpu.dma_semaphore, #tpu.memory_space<semaphore_mem>>) src(%arg12 : memref<10000xf32, #tpu.memory_space<vmem>>) dst(%dma_wait3A_902 : memref<100096xf32, #tpu.memory_space<vmem_shared>>)
      tpu.yield
    }) : () -> ()
    %dma_wait3A_158 = tpu.memref_slice %arg3[%multiple_of3A_155] : memref<6400000xf32, #tpu.memory_space<hbm>> -> memref<10000xf32, #tpu.memory_space<hbm>>
    %dma_wait3A_159 = tpu.memref_slice %arg3[%multiple_of3A_155] : memref<6400000xf32, #tpu.memory_space<hbm>> -> memref<10000xf32, #tpu.memory_space<hbm>>
    tpu.wait_dma2 semaphore(%arg15 : memref<!tpu.dma_semaphore, #tpu.memory_space<semaphore_mem>>) src(%dma_wait3A_159 : memref<10000xf32, #tpu.memory_space<hbm>>) dst(%arg11 : memref<10000xf32, #tpu.memory_space<vmem>>)
    %add3A_160 = arith.constant 30000 : i32
    %add3A_161 = arith.addi %mul3A_10, %add3A_160 : i32
    %multiple_of3A_162 = tpu.assume_multiple %add3A_161, 16 : i32
    %dma_start3A_163 = tpu.memref_slice %arg4[%multiple_of3A_162] : memref<6400000xf32, #tpu.memory_space<hbm>> -> memref<10000xf32, #tpu.memory_space<hbm>>
    %dma_start3A_164 = tpu.memref_slice %arg4[%multiple_of3A_162] : memref<6400000xf32, #tpu.memory_space<hbm>> -> memref<10000xf32, #tpu.memory_space<hbm>>
    tpu.enqueue_dma source(%dma_start3A_164 : memref<10000xf32, #tpu.memory_space<hbm>>) target(%arg12 : memref<10000xf32, #tpu.memory_space<vmem>>) target_semaphore(%arg16 : memref<!tpu.dma_semaphore, #tpu.memory_space<semaphore_mem>>)
    "tpu.region"() ({
      %run_scoped3A = tpu.sem_alloc : memref<!tpu.dma_semaphore, #tpu.memory_space<semaphore_mem>>
      %dma_start3A_899 = arith.constant 0 : i32
      %dma_start3A_900 = tpu.memref_slice %arg18[%dma_start3A_899] : memref<100096xf32, #tpu.memory_space<vmem_shared>> -> memref<100096xf32, #tpu.memory_space<vmem_shared>>
      tpu.enqueue_indirect_dma source(%arg11 : memref<10000xf32, #tpu.memory_space<vmem>>) target(%dma_start3A_900 : memref<100096xf32, #tpu.memory_space<vmem_shared>>) offsets(%arg10 : memref<10000xi32, #tpu.memory_space<vmem>>) semaphore(%run_scoped3A : memref<!tpu.dma_semaphore, #tpu.memory_space<semaphore_mem>>) {add = true}
      %dma_wait3A_901 = arith.constant 0 : i32
      %dma_wait3A_902 = tpu.memref_slice %arg18[%dma_wait3A_901] : memref<100096xf32, #tpu.memory_space<vmem_shared>> -> memref<100096xf32, #tpu.memory_space<vmem_shared>>
      tpu.wait_indirect_dma semaphore(%run_scoped3A : memref<!tpu.dma_semaphore, #tpu.memory_space<semaphore_mem>>) src(%arg11 : memref<10000xf32, #tpu.memory_space<vmem>>) dst(%dma_wait3A_902 : memref<100096xf32, #tpu.memory_space<vmem_shared>>)
      tpu.yield
    }) : () -> ()
    %dma_wait3A_165 = tpu.memref_slice %arg4[%multiple_of3A_162] : memref<6400000xf32, #tpu.memory_space<hbm>> -> memref<10000xf32, #tpu.memory_space<hbm>>
    %dma_wait3A_166 = tpu.memref_slice %arg4[%multiple_of3A_162] : memref<6400000xf32, #tpu.memory_space<hbm>> -> memref<10000xf32, #tpu.memory_space<hbm>>
    tpu.wait_dma2 semaphore(%arg16 : memref<!tpu.dma_semaphore, #tpu.memory_space<semaphore_mem>>) src(%dma_wait3A_166 : memref<10000xf32, #tpu.memory_space<hbm>>) dst(%arg12 : memref<10000xf32, #tpu.memory_space<vmem>>)
    %add3A_167 = arith.constant 30000 : i32
    %add3A_168 = arith.addi %mul3A_10, %add3A_167 : i32
    %multiple_of3A_169 = tpu.assume_multiple %add3A_168, 16 : i32
    %dma_start3A_170 = tpu.memref_slice %arg5[%multiple_of3A_169] : memref<6400000xf32, #tpu.memory_space<hbm>> -> memref<10000xf32, #tpu.memory_space<hbm>>
    %dma_start3A_171 = tpu.memref_slice %arg5[%multiple_of3A_169] : memref<6400000xf32, #tpu.memory_space<hbm>> -> memref<10000xf32, #tpu.memory_space<hbm>>
    tpu.enqueue_dma source(%dma_start3A_171 : memref<10000xf32, #tpu.memory_space<hbm>>) target(%arg11 : memref<10000xf32, #tpu.memory_space<vmem>>) target_semaphore(%arg15 : memref<!tpu.dma_semaphore, #tpu.memory_space<semaphore_mem>>)
    "tpu.region"() ({
      %run_scoped3A = tpu.sem_alloc : memref<!tpu.dma_semaphore, #tpu.memory_space<semaphore_mem>>
      %dma_start3A_899 = arith.constant 0 : i32
      %dma_start3A_900 = tpu.memref_slice %arg19[%dma_start3A_899] : memref<100096xf32, #tpu.memory_space<vmem_shared>> -> memref<100096xf32, #tpu.memory_space<vmem_shared>>
      tpu.enqueue_indirect_dma source(%arg12 : memref<10000xf32, #tpu.memory_space<vmem>>) target(%dma_start3A_900 : memref<100096xf32, #tpu.memory_space<vmem_shared>>) offsets(%arg10 : memref<10000xi32, #tpu.memory_space<vmem>>) semaphore(%run_scoped3A : memref<!tpu.dma_semaphore, #tpu.memory_space<semaphore_mem>>) {add = true}
      %dma_wait3A_901 = arith.constant 0 : i32
      %dma_wait3A_902 = tpu.memref_slice %arg19[%dma_wait3A_901] : memref<100096xf32, #tpu.memory_space<vmem_shared>> -> memref<100096xf32, #tpu.memory_space<vmem_shared>>
      tpu.wait_indirect_dma semaphore(%run_scoped3A : memref<!tpu.dma_semaphore, #tpu.memory_space<semaphore_mem>>) src(%arg12 : memref<10000xf32, #tpu.memory_space<vmem>>) dst(%dma_wait3A_902 : memref<100096xf32, #tpu.memory_space<vmem_shared>>)
      tpu.yield
    }) : () -> ()
    %dma_wait3A_172 = tpu.memref_slice %arg5[%multiple_of3A_169] : memref<6400000xf32, #tpu.memory_space<hbm>> -> memref<10000xf32, #tpu.memory_space<hbm>>
    %dma_wait3A_173 = tpu.memref_slice %arg5[%multiple_of3A_169] : memref<6400000xf32, #tpu.memory_space<hbm>> -> memref<10000xf32, #tpu.memory_space<hbm>>
    tpu.wait_dma2 semaphore(%arg15 : memref<!tpu.dma_semaphore, #tpu.memory_space<semaphore_mem>>) src(%dma_wait3A_173 : memref<10000xf32, #tpu.memory_space<hbm>>) dst(%arg11 : memref<10000xf32, #tpu.memory_space<vmem>>)
    %add3A_174 = arith.constant 30000 : i32
    %add3A_175 = arith.addi %mul3A_10, %add3A_174 : i32
    %multiple_of3A_176 = tpu.assume_multiple %add3A_175, 16 : i32
    %dma_start3A_177 = tpu.memref_slice %arg6[%multiple_of3A_176] : memref<6400000xf32, #tpu.memory_space<hbm>> -> memref<10000xf32, #tpu.memory_space<hbm>>
    %dma_start3A_178 = tpu.memref_slice %arg6[%multiple_of3A_176] : memref<6400000xf32, #tpu.memory_space<hbm>> -> memref<10000xf32, #tpu.memory_space<hbm>>
    tpu.enqueue_dma source(%dma_start3A_178 : memref<10000xf32, #tpu.memory_space<hbm>>) target(%arg12 : memref<10000xf32, #tpu.memory_space<vmem>>) target_semaphore(%arg16 : memref<!tpu.dma_semaphore, #tpu.memory_space<semaphore_mem>>)
    "tpu.region"() ({
      %run_scoped3A = tpu.sem_alloc : memref<!tpu.dma_semaphore, #tpu.memory_space<semaphore_mem>>
      %dma_start3A_899 = arith.constant 0 : i32
      %dma_start3A_900 = tpu.memref_slice %arg20[%dma_start3A_899] : memref<100096xf32, #tpu.memory_space<vmem_shared>> -> memref<100096xf32, #tpu.memory_space<vmem_shared>>
      tpu.enqueue_indirect_dma source(%arg11 : memref<10000xf32, #tpu.memory_space<vmem>>) target(%dma_start3A_900 : memref<100096xf32, #tpu.memory_space<vmem_shared>>) offsets(%arg10 : memref<10000xi32, #tpu.memory_space<vmem>>) semaphore(%run_scoped3A : memref<!tpu.dma_semaphore, #tpu.memory_space<semaphore_mem>>) {add = true}
      %dma_wait3A_901 = arith.constant 0 : i32
      %dma_wait3A_902 = tpu.memref_slice %arg20[%dma_wait3A_901] : memref<100096xf32, #tpu.memory_space<vmem_shared>> -> memref<100096xf32, #tpu.memory_space<vmem_shared>>
      tpu.wait_indirect_dma semaphore(%run_scoped3A : memref<!tpu.dma_semaphore, #tpu.memory_space<semaphore_mem>>) src(%arg11 : memref<10000xf32, #tpu.memory_space<vmem>>) dst(%dma_wait3A_902 : memref<100096xf32, #tpu.memory_space<vmem_shared>>)
      tpu.yield
    }) : () -> ()
    %dma_wait3A_179 = tpu.memref_slice %arg6[%multiple_of3A_176] : memref<6400000xf32, #tpu.memory_space<hbm>> -> memref<10000xf32, #tpu.memory_space<hbm>>
    %dma_wait3A_180 = tpu.memref_slice %arg6[%multiple_of3A_176] : memref<6400000xf32, #tpu.memory_space<hbm>> -> memref<10000xf32, #tpu.memory_space<hbm>>
    tpu.wait_dma2 semaphore(%arg16 : memref<!tpu.dma_semaphore, #tpu.memory_space<semaphore_mem>>) src(%dma_wait3A_180 : memref<10000xf32, #tpu.memory_space<hbm>>) dst(%arg12 : memref<10000xf32, #tpu.memory_space<vmem>>)
    %add3A_181 = arith.constant 40000 : i32
    %add3A_182 = arith.addi %mul3A_10, %add3A_181 : i32
    %multiple_of3A_183 = tpu.assume_multiple %add3A_182, 16 : i32
    %dma_start3A_184 = tpu.memref_slice %arg2[%multiple_of3A_183] : memref<6400000xf32, #tpu.memory_space<hbm>> -> memref<10000xf32, #tpu.memory_space<hbm>>
    %dma_start3A_185 = tpu.memref_slice %arg2[%multiple_of3A_183] : memref<6400000xf32, #tpu.memory_space<hbm>> -> memref<10000xf32, #tpu.memory_space<hbm>>
    tpu.enqueue_dma source(%dma_start3A_185 : memref<10000xf32, #tpu.memory_space<hbm>>) target(%arg11 : memref<10000xf32, #tpu.memory_space<vmem>>) target_semaphore(%arg15 : memref<!tpu.dma_semaphore, #tpu.memory_space<semaphore_mem>>)
    "tpu.region"() ({
      %run_scoped3A = tpu.sem_alloc : memref<!tpu.dma_semaphore, #tpu.memory_space<semaphore_mem>>
      %dma_start3A_899 = arith.constant 0 : i32
      %dma_start3A_900 = tpu.memref_slice %arg21[%dma_start3A_899] : memref<100096xf32, #tpu.memory_space<vmem_shared>> -> memref<100096xf32, #tpu.memory_space<vmem_shared>>
      tpu.enqueue_indirect_dma source(%arg12 : memref<10000xf32, #tpu.memory_space<vmem>>) target(%dma_start3A_900 : memref<100096xf32, #tpu.memory_space<vmem_shared>>) offsets(%arg10 : memref<10000xi32, #tpu.memory_space<vmem>>) semaphore(%run_scoped3A : memref<!tpu.dma_semaphore, #tpu.memory_space<semaphore_mem>>) {add = true}
      %dma_wait3A_901 = arith.constant 0 : i32
      %dma_wait3A_902 = tpu.memref_slice %arg21[%dma_wait3A_901] : memref<100096xf32, #tpu.memory_space<vmem_shared>> -> memref<100096xf32, #tpu.memory_space<vmem_shared>>
      tpu.wait_indirect_dma semaphore(%run_scoped3A : memref<!tpu.dma_semaphore, #tpu.memory_space<semaphore_mem>>) src(%arg12 : memref<10000xf32, #tpu.memory_space<vmem>>) dst(%dma_wait3A_902 : memref<100096xf32, #tpu.memory_space<vmem_shared>>)
      tpu.yield
    }) : () -> ()
    %dma_wait3A_186 = tpu.memref_slice %arg7[%multiple_of3A_148] : memref<6400000xi32, #tpu.memory_space<hbm>> -> memref<10000xi32, #tpu.memory_space<hbm>>
    %dma_wait3A_187 = tpu.memref_slice %arg7[%multiple_of3A_148] : memref<6400000xi32, #tpu.memory_space<hbm>> -> memref<10000xi32, #tpu.memory_space<hbm>>
    tpu.wait_dma2 semaphore(%arg14 : memref<!tpu.dma_semaphore, #tpu.memory_space<semaphore_mem>>) src(%dma_wait3A_187 : memref<10000xi32, #tpu.memory_space<hbm>>) dst(%arg9 : memref<10000xi32, #tpu.memory_space<vmem>>)
    %add3A_188 = arith.constant 50000 : i32
    %add3A_189 = arith.addi %mul3A_10, %add3A_188 : i32
    %multiple_of3A_190 = tpu.assume_multiple %add3A_189, 16 : i32
    %dma_start3A_191 = tpu.memref_slice %arg7[%multiple_of3A_190] : memref<6400000xi32, #tpu.memory_space<hbm>> -> memref<10000xi32, #tpu.memory_space<hbm>>
    %dma_start3A_192 = tpu.memref_slice %arg7[%multiple_of3A_190] : memref<6400000xi32, #tpu.memory_space<hbm>> -> memref<10000xi32, #tpu.memory_space<hbm>>
    tpu.enqueue_dma source(%dma_start3A_192 : memref<10000xi32, #tpu.memory_space<hbm>>) target(%arg10 : memref<10000xi32, #tpu.memory_space<vmem>>) target_semaphore(%arg14 : memref<!tpu.dma_semaphore, #tpu.memory_space<semaphore_mem>>)
    %dma_wait3A_193 = tpu.memref_slice %arg2[%multiple_of3A_183] : memref<6400000xf32, #tpu.memory_space<hbm>> -> memref<10000xf32, #tpu.memory_space<hbm>>
    %dma_wait3A_194 = tpu.memref_slice %arg2[%multiple_of3A_183] : memref<6400000xf32, #tpu.memory_space<hbm>> -> memref<10000xf32, #tpu.memory_space<hbm>>
    tpu.wait_dma2 semaphore(%arg15 : memref<!tpu.dma_semaphore, #tpu.memory_space<semaphore_mem>>) src(%dma_wait3A_194 : memref<10000xf32, #tpu.memory_space<hbm>>) dst(%arg11 : memref<10000xf32, #tpu.memory_space<vmem>>)
    %add3A_195 = arith.constant 40000 : i32
    %add3A_196 = arith.addi %mul3A_10, %add3A_195 : i32
    %multiple_of3A_197 = tpu.assume_multiple %add3A_196, 16 : i32
    %dma_start3A_198 = tpu.memref_slice %arg3[%multiple_of3A_197] : memref<6400000xf32, #tpu.memory_space<hbm>> -> memref<10000xf32, #tpu.memory_space<hbm>>
    %dma_start3A_199 = tpu.memref_slice %arg3[%multiple_of3A_197] : memref<6400000xf32, #tpu.memory_space<hbm>> -> memref<10000xf32, #tpu.memory_space<hbm>>
    tpu.enqueue_dma source(%dma_start3A_199 : memref<10000xf32, #tpu.memory_space<hbm>>) target(%arg12 : memref<10000xf32, #tpu.memory_space<vmem>>) target_semaphore(%arg16 : memref<!tpu.dma_semaphore, #tpu.memory_space<semaphore_mem>>)
    "tpu.region"() ({
      %run_scoped3A = tpu.sem_alloc : memref<!tpu.dma_semaphore, #tpu.memory_space<semaphore_mem>>
      %dma_start3A_899 = arith.constant 0 : i32
      %dma_start3A_900 = tpu.memref_slice %arg17[%dma_start3A_899] : memref<100096xf32, #tpu.memory_space<vmem_shared>> -> memref<100096xf32, #tpu.memory_space<vmem_shared>>
      tpu.enqueue_indirect_dma source(%arg11 : memref<10000xf32, #tpu.memory_space<vmem>>) target(%dma_start3A_900 : memref<100096xf32, #tpu.memory_space<vmem_shared>>) offsets(%arg9 : memref<10000xi32, #tpu.memory_space<vmem>>) semaphore(%run_scoped3A : memref<!tpu.dma_semaphore, #tpu.memory_space<semaphore_mem>>) {add = true}
      %dma_wait3A_901 = arith.constant 0 : i32
      %dma_wait3A_902 = tpu.memref_slice %arg17[%dma_wait3A_901] : memref<100096xf32, #tpu.memory_space<vmem_shared>> -> memref<100096xf32, #tpu.memory_space<vmem_shared>>
      tpu.wait_indirect_dma semaphore(%run_scoped3A : memref<!tpu.dma_semaphore, #tpu.memory_space<semaphore_mem>>) src(%arg11 : memref<10000xf32, #tpu.memory_space<vmem>>) dst(%dma_wait3A_902 : memref<100096xf32, #tpu.memory_space<vmem_shared>>)
      tpu.yield
    }) : () -> ()
    %dma_wait3A_200 = tpu.memref_slice %arg3[%multiple_of3A_197] : memref<6400000xf32, #tpu.memory_space<hbm>> -> memref<10000xf32, #tpu.memory_space<hbm>>
    %dma_wait3A_201 = tpu.memref_slice %arg3[%multiple_of3A_197] : memref<6400000xf32, #tpu.memory_space<hbm>> -> memref<10000xf32, #tpu.memory_space<hbm>>
    tpu.wait_dma2 semaphore(%arg16 : memref<!tpu.dma_semaphore, #tpu.memory_space<semaphore_mem>>) src(%dma_wait3A_201 : memref<10000xf32, #tpu.memory_space<hbm>>) dst(%arg12 : memref<10000xf32, #tpu.memory_space<vmem>>)
    %add3A_202 = arith.constant 40000 : i32
    %add3A_203 = arith.addi %mul3A_10, %add3A_202 : i32
    %multiple_of3A_204 = tpu.assume_multiple %add3A_203, 16 : i32
    %dma_start3A_205 = tpu.memref_slice %arg4[%multiple_of3A_204] : memref<6400000xf32, #tpu.memory_space<hbm>> -> memref<10000xf32, #tpu.memory_space<hbm>>
    %dma_start3A_206 = tpu.memref_slice %arg4[%multiple_of3A_204] : memref<6400000xf32, #tpu.memory_space<hbm>> -> memref<10000xf32, #tpu.memory_space<hbm>>
    tpu.enqueue_dma source(%dma_start3A_206 : memref<10000xf32, #tpu.memory_space<hbm>>) target(%arg11 : memref<10000xf32, #tpu.memory_space<vmem>>) target_semaphore(%arg15 : memref<!tpu.dma_semaphore, #tpu.memory_space<semaphore_mem>>)
    "tpu.region"() ({
      %run_scoped3A = tpu.sem_alloc : memref<!tpu.dma_semaphore, #tpu.memory_space<semaphore_mem>>
      %dma_start3A_899 = arith.constant 0 : i32
      %dma_start3A_900 = tpu.memref_slice %arg18[%dma_start3A_899] : memref<100096xf32, #tpu.memory_space<vmem_shared>> -> memref<100096xf32, #tpu.memory_space<vmem_shared>>
      tpu.enqueue_indirect_dma source(%arg12 : memref<10000xf32, #tpu.memory_space<vmem>>) target(%dma_start3A_900 : memref<100096xf32, #tpu.memory_space<vmem_shared>>) offsets(%arg9 : memref<10000xi32, #tpu.memory_space<vmem>>) semaphore(%run_scoped3A : memref<!tpu.dma_semaphore, #tpu.memory_space<semaphore_mem>>) {add = true}
      %dma_wait3A_901 = arith.constant 0 : i32
      %dma_wait3A_902 = tpu.memref_slice %arg18[%dma_wait3A_901] : memref<100096xf32, #tpu.memory_space<vmem_shared>> -> memref<100096xf32, #tpu.memory_space<vmem_shared>>
      tpu.wait_indirect_dma semaphore(%run_scoped3A : memref<!tpu.dma_semaphore, #tpu.memory_space<semaphore_mem>>) src(%arg12 : memref<10000xf32, #tpu.memory_space<vmem>>) dst(%dma_wait3A_902 : memref<100096xf32, #tpu.memory_space<vmem_shared>>)
      tpu.yield
    }) : () -> ()
    %dma_wait3A_207 = tpu.memref_slice %arg4[%multiple_of3A_204] : memref<6400000xf32, #tpu.memory_space<hbm>> -> memref<10000xf32, #tpu.memory_space<hbm>>
    %dma_wait3A_208 = tpu.memref_slice %arg4[%multiple_of3A_204] : memref<6400000xf32, #tpu.memory_space<hbm>> -> memref<10000xf32, #tpu.memory_space<hbm>>
    tpu.wait_dma2 semaphore(%arg15 : memref<!tpu.dma_semaphore, #tpu.memory_space<semaphore_mem>>) src(%dma_wait3A_208 : memref<10000xf32, #tpu.memory_space<hbm>>) dst(%arg11 : memref<10000xf32, #tpu.memory_space<vmem>>)
    %add3A_209 = arith.constant 40000 : i32
    %add3A_210 = arith.addi %mul3A_10, %add3A_209 : i32
    %multiple_of3A_211 = tpu.assume_multiple %add3A_210, 16 : i32
    %dma_start3A_212 = tpu.memref_slice %arg5[%multiple_of3A_211] : memref<6400000xf32, #tpu.memory_space<hbm>> -> memref<10000xf32, #tpu.memory_space<hbm>>
    %dma_start3A_213 = tpu.memref_slice %arg5[%multiple_of3A_211] : memref<6400000xf32, #tpu.memory_space<hbm>> -> memref<10000xf32, #tpu.memory_space<hbm>>
    tpu.enqueue_dma source(%dma_start3A_213 : memref<10000xf32, #tpu.memory_space<hbm>>) target(%arg12 : memref<10000xf32, #tpu.memory_space<vmem>>) target_semaphore(%arg16 : memref<!tpu.dma_semaphore, #tpu.memory_space<semaphore_mem>>)
    "tpu.region"() ({
      %run_scoped3A = tpu.sem_alloc : memref<!tpu.dma_semaphore, #tpu.memory_space<semaphore_mem>>
      %dma_start3A_899 = arith.constant 0 : i32
      %dma_start3A_900 = tpu.memref_slice %arg19[%dma_start3A_899] : memref<100096xf32, #tpu.memory_space<vmem_shared>> -> memref<100096xf32, #tpu.memory_space<vmem_shared>>
      tpu.enqueue_indirect_dma source(%arg11 : memref<10000xf32, #tpu.memory_space<vmem>>) target(%dma_start3A_900 : memref<100096xf32, #tpu.memory_space<vmem_shared>>) offsets(%arg9 : memref<10000xi32, #tpu.memory_space<vmem>>) semaphore(%run_scoped3A : memref<!tpu.dma_semaphore, #tpu.memory_space<semaphore_mem>>) {add = true}
      %dma_wait3A_901 = arith.constant 0 : i32
      %dma_wait3A_902 = tpu.memref_slice %arg19[%dma_wait3A_901] : memref<100096xf32, #tpu.memory_space<vmem_shared>> -> memref<100096xf32, #tpu.memory_space<vmem_shared>>
      tpu.wait_indirect_dma semaphore(%run_scoped3A : memref<!tpu.dma_semaphore, #tpu.memory_space<semaphore_mem>>) src(%arg11 : memref<10000xf32, #tpu.memory_space<vmem>>) dst(%dma_wait3A_902 : memref<100096xf32, #tpu.memory_space<vmem_shared>>)
      tpu.yield
    }) : () -> ()
    %dma_wait3A_214 = tpu.memref_slice %arg5[%multiple_of3A_211] : memref<6400000xf32, #tpu.memory_space<hbm>> -> memref<10000xf32, #tpu.memory_space<hbm>>
    %dma_wait3A_215 = tpu.memref_slice %arg5[%multiple_of3A_211] : memref<6400000xf32, #tpu.memory_space<hbm>> -> memref<10000xf32, #tpu.memory_space<hbm>>
    tpu.wait_dma2 semaphore(%arg16 : memref<!tpu.dma_semaphore, #tpu.memory_space<semaphore_mem>>) src(%dma_wait3A_215 : memref<10000xf32, #tpu.memory_space<hbm>>) dst(%arg12 : memref<10000xf32, #tpu.memory_space<vmem>>)
    %add3A_216 = arith.constant 40000 : i32
    %add3A_217 = arith.addi %mul3A_10, %add3A_216 : i32
    %multiple_of3A_218 = tpu.assume_multiple %add3A_217, 16 : i32
    %dma_start3A_219 = tpu.memref_slice %arg6[%multiple_of3A_218] : memref<6400000xf32, #tpu.memory_space<hbm>> -> memref<10000xf32, #tpu.memory_space<hbm>>
    %dma_start3A_220 = tpu.memref_slice %arg6[%multiple_of3A_218] : memref<6400000xf32, #tpu.memory_space<hbm>> -> memref<10000xf32, #tpu.memory_space<hbm>>
    tpu.enqueue_dma source(%dma_start3A_220 : memref<10000xf32, #tpu.memory_space<hbm>>) target(%arg11 : memref<10000xf32, #tpu.memory_space<vmem>>) target_semaphore(%arg15 : memref<!tpu.dma_semaphore, #tpu.memory_space<semaphore_mem>>)
    "tpu.region"() ({
      %run_scoped3A = tpu.sem_alloc : memref<!tpu.dma_semaphore, #tpu.memory_space<semaphore_mem>>
      %dma_start3A_899 = arith.constant 0 : i32
      %dma_start3A_900 = tpu.memref_slice %arg20[%dma_start3A_899] : memref<100096xf32, #tpu.memory_space<vmem_shared>> -> memref<100096xf32, #tpu.memory_space<vmem_shared>>
      tpu.enqueue_indirect_dma source(%arg12 : memref<10000xf32, #tpu.memory_space<vmem>>) target(%dma_start3A_900 : memref<100096xf32, #tpu.memory_space<vmem_shared>>) offsets(%arg9 : memref<10000xi32, #tpu.memory_space<vmem>>) semaphore(%run_scoped3A : memref<!tpu.dma_semaphore, #tpu.memory_space<semaphore_mem>>) {add = true}
      %dma_wait3A_901 = arith.constant 0 : i32
      %dma_wait3A_902 = tpu.memref_slice %arg20[%dma_wait3A_901] : memref<100096xf32, #tpu.memory_space<vmem_shared>> -> memref<100096xf32, #tpu.memory_space<vmem_shared>>
      tpu.wait_indirect_dma semaphore(%run_scoped3A : memref<!tpu.dma_semaphore, #tpu.memory_space<semaphore_mem>>) src(%arg12 : memref<10000xf32, #tpu.memory_space<vmem>>) dst(%dma_wait3A_902 : memref<100096xf32, #tpu.memory_space<vmem_shared>>)
      tpu.yield
    }) : () -> ()
    %dma_wait3A_221 = tpu.memref_slice %arg6[%multiple_of3A_218] : memref<6400000xf32, #tpu.memory_space<hbm>> -> memref<10000xf32, #tpu.memory_space<hbm>>
    %dma_wait3A_222 = tpu.memref_slice %arg6[%multiple_of3A_218] : memref<6400000xf32, #tpu.memory_space<hbm>> -> memref<10000xf32, #tpu.memory_space<hbm>>
    tpu.wait_dma2 semaphore(%arg15 : memref<!tpu.dma_semaphore, #tpu.memory_space<semaphore_mem>>) src(%dma_wait3A_222 : memref<10000xf32, #tpu.memory_space<hbm>>) dst(%arg11 : memref<10000xf32, #tpu.memory_space<vmem>>)
    %add3A_223 = arith.constant 50000 : i32
    %add3A_224 = arith.addi %mul3A_10, %add3A_223 : i32
    %multiple_of3A_225 = tpu.assume_multiple %add3A_224, 16 : i32
    %dma_start3A_226 = tpu.memref_slice %arg2[%multiple_of3A_225] : memref<6400000xf32, #tpu.memory_space<hbm>> -> memref<10000xf32, #tpu.memory_space<hbm>>
    %dma_start3A_227 = tpu.memref_slice %arg2[%multiple_of3A_225] : memref<6400000xf32, #tpu.memory_space<hbm>> -> memref<10000xf32, #tpu.memory_space<hbm>>
    tpu.enqueue_dma source(%dma_start3A_227 : memref<10000xf32, #tpu.memory_space<hbm>>) target(%arg12 : memref<10000xf32, #tpu.memory_space<vmem>>) target_semaphore(%arg16 : memref<!tpu.dma_semaphore, #tpu.memory_space<semaphore_mem>>)
    "tpu.region"() ({
      %run_scoped3A = tpu.sem_alloc : memref<!tpu.dma_semaphore, #tpu.memory_space<semaphore_mem>>
      %dma_start3A_899 = arith.constant 0 : i32
      %dma_start3A_900 = tpu.memref_slice %arg21[%dma_start3A_899] : memref<100096xf32, #tpu.memory_space<vmem_shared>> -> memref<100096xf32, #tpu.memory_space<vmem_shared>>
      tpu.enqueue_indirect_dma source(%arg11 : memref<10000xf32, #tpu.memory_space<vmem>>) target(%dma_start3A_900 : memref<100096xf32, #tpu.memory_space<vmem_shared>>) offsets(%arg9 : memref<10000xi32, #tpu.memory_space<vmem>>) semaphore(%run_scoped3A : memref<!tpu.dma_semaphore, #tpu.memory_space<semaphore_mem>>) {add = true}
      %dma_wait3A_901 = arith.constant 0 : i32
      %dma_wait3A_902 = tpu.memref_slice %arg21[%dma_wait3A_901] : memref<100096xf32, #tpu.memory_space<vmem_shared>> -> memref<100096xf32, #tpu.memory_space<vmem_shared>>
      tpu.wait_indirect_dma semaphore(%run_scoped3A : memref<!tpu.dma_semaphore, #tpu.memory_space<semaphore_mem>>) src(%arg11 : memref<10000xf32, #tpu.memory_space<vmem>>) dst(%dma_wait3A_902 : memref<100096xf32, #tpu.memory_space<vmem_shared>>)
      tpu.yield
    }) : () -> ()
    %dma_wait3A_228 = tpu.memref_slice %arg7[%multiple_of3A_190] : memref<6400000xi32, #tpu.memory_space<hbm>> -> memref<10000xi32, #tpu.memory_space<hbm>>
    %dma_wait3A_229 = tpu.memref_slice %arg7[%multiple_of3A_190] : memref<6400000xi32, #tpu.memory_space<hbm>> -> memref<10000xi32, #tpu.memory_space<hbm>>
    tpu.wait_dma2 semaphore(%arg14 : memref<!tpu.dma_semaphore, #tpu.memory_space<semaphore_mem>>) src(%dma_wait3A_229 : memref<10000xi32, #tpu.memory_space<hbm>>) dst(%arg10 : memref<10000xi32, #tpu.memory_space<vmem>>)
    %add3A_230 = arith.constant 60000 : i32
    %add3A_231 = arith.addi %mul3A_10, %add3A_230 : i32
    %multiple_of3A_232 = tpu.assume_multiple %add3A_231, 16 : i32
    %dma_start3A_233 = tpu.memref_slice %arg7[%multiple_of3A_232] : memref<6400000xi32, #tpu.memory_space<hbm>> -> memref<10000xi32, #tpu.memory_space<hbm>>
    %dma_start3A_234 = tpu.memref_slice %arg7[%multiple_of3A_232] : memref<6400000xi32, #tpu.memory_space<hbm>> -> memref<10000xi32, #tpu.memory_space<hbm>>
    tpu.enqueue_dma source(%dma_start3A_234 : memref<10000xi32, #tpu.memory_space<hbm>>) target(%arg9 : memref<10000xi32, #tpu.memory_space<vmem>>) target_semaphore(%arg14 : memref<!tpu.dma_semaphore, #tpu.memory_space<semaphore_mem>>)
    %dma_wait3A_235 = tpu.memref_slice %arg2[%multiple_of3A_225] : memref<6400000xf32, #tpu.memory_space<hbm>> -> memref<10000xf32, #tpu.memory_space<hbm>>
    %dma_wait3A_236 = tpu.memref_slice %arg2[%multiple_of3A_225] : memref<6400000xf32, #tpu.memory_space<hbm>> -> memref<10000xf32, #tpu.memory_space<hbm>>
    tpu.wait_dma2 semaphore(%arg16 : memref<!tpu.dma_semaphore, #tpu.memory_space<semaphore_mem>>) src(%dma_wait3A_236 : memref<10000xf32, #tpu.memory_space<hbm>>) dst(%arg12 : memref<10000xf32, #tpu.memory_space<vmem>>)
    %add3A_237 = arith.constant 50000 : i32
    %add3A_238 = arith.addi %mul3A_10, %add3A_237 : i32
    %multiple_of3A_239 = tpu.assume_multiple %add3A_238, 16 : i32
    %dma_start3A_240 = tpu.memref_slice %arg3[%multiple_of3A_239] : memref<6400000xf32, #tpu.memory_space<hbm>> -> memref<10000xf32, #tpu.memory_space<hbm>>
    %dma_start3A_241 = tpu.memref_slice %arg3[%multiple_of3A_239] : memref<6400000xf32, #tpu.memory_space<hbm>> -> memref<10000xf32, #tpu.memory_space<hbm>>
    tpu.enqueue_dma source(%dma_start3A_241 : memref<10000xf32, #tpu.memory_space<hbm>>) target(%arg11 : memref<10000xf32, #tpu.memory_space<vmem>>) target_semaphore(%arg15 : memref<!tpu.dma_semaphore, #tpu.memory_space<semaphore_mem>>)
    "tpu.region"() ({
      %run_scoped3A = tpu.sem_alloc : memref<!tpu.dma_semaphore, #tpu.memory_space<semaphore_mem>>
      %dma_start3A_899 = arith.constant 0 : i32
      %dma_start3A_900 = tpu.memref_slice %arg17[%dma_start3A_899] : memref<100096xf32, #tpu.memory_space<vmem_shared>> -> memref<100096xf32, #tpu.memory_space<vmem_shared>>
      tpu.enqueue_indirect_dma source(%arg12 : memref<10000xf32, #tpu.memory_space<vmem>>) target(%dma_start3A_900 : memref<100096xf32, #tpu.memory_space<vmem_shared>>) offsets(%arg10 : memref<10000xi32, #tpu.memory_space<vmem>>) semaphore(%run_scoped3A : memref<!tpu.dma_semaphore, #tpu.memory_space<semaphore_mem>>) {add = true}
      %dma_wait3A_901 = arith.constant 0 : i32
      %dma_wait3A_902 = tpu.memref_slice %arg17[%dma_wait3A_901] : memref<100096xf32, #tpu.memory_space<vmem_shared>> -> memref<100096xf32, #tpu.memory_space<vmem_shared>>
      tpu.wait_indirect_dma semaphore(%run_scoped3A : memref<!tpu.dma_semaphore, #tpu.memory_space<semaphore_mem>>) src(%arg12 : memref<10000xf32, #tpu.memory_space<vmem>>) dst(%dma_wait3A_902 : memref<100096xf32, #tpu.memory_space<vmem_shared>>)
      tpu.yield
    }) : () -> ()
    %dma_wait3A_242 = tpu.memref_slice %arg3[%multiple_of3A_239] : memref<6400000xf32, #tpu.memory_space<hbm>> -> memref<10000xf32, #tpu.memory_space<hbm>>
    %dma_wait3A_243 = tpu.memref_slice %arg3[%multiple_of3A_239] : memref<6400000xf32, #tpu.memory_space<hbm>> -> memref<10000xf32, #tpu.memory_space<hbm>>
    tpu.wait_dma2 semaphore(%arg15 : memref<!tpu.dma_semaphore, #tpu.memory_space<semaphore_mem>>) src(%dma_wait3A_243 : memref<10000xf32, #tpu.memory_space<hbm>>) dst(%arg11 : memref<10000xf32, #tpu.memory_space<vmem>>)
    %add3A_244 = arith.constant 50000 : i32
    %add3A_245 = arith.addi %mul3A_10, %add3A_244 : i32
    %multiple_of3A_246 = tpu.assume_multiple %add3A_245, 16 : i32
    %dma_start3A_247 = tpu.memref_slice %arg4[%multiple_of3A_246] : memref<6400000xf32, #tpu.memory_space<hbm>> -> memref<10000xf32, #tpu.memory_space<hbm>>
    %dma_start3A_248 = tpu.memref_slice %arg4[%multiple_of3A_246] : memref<6400000xf32, #tpu.memory_space<hbm>> -> memref<10000xf32, #tpu.memory_space<hbm>>
    tpu.enqueue_dma source(%dma_start3A_248 : memref<10000xf32, #tpu.memory_space<hbm>>) target(%arg12 : memref<10000xf32, #tpu.memory_space<vmem>>) target_semaphore(%arg16 : memref<!tpu.dma_semaphore, #tpu.memory_space<semaphore_mem>>)
    "tpu.region"() ({
      %run_scoped3A = tpu.sem_alloc : memref<!tpu.dma_semaphore, #tpu.memory_space<semaphore_mem>>
      %dma_start3A_899 = arith.constant 0 : i32
      %dma_start3A_900 = tpu.memref_slice %arg18[%dma_start3A_899] : memref<100096xf32, #tpu.memory_space<vmem_shared>> -> memref<100096xf32, #tpu.memory_space<vmem_shared>>
      tpu.enqueue_indirect_dma source(%arg11 : memref<10000xf32, #tpu.memory_space<vmem>>) target(%dma_start3A_900 : memref<100096xf32, #tpu.memory_space<vmem_shared>>) offsets(%arg10 : memref<10000xi32, #tpu.memory_space<vmem>>) semaphore(%run_scoped3A : memref<!tpu.dma_semaphore, #tpu.memory_space<semaphore_mem>>) {add = true}
      %dma_wait3A_901 = arith.constant 0 : i32
      %dma_wait3A_902 = tpu.memref_slice %arg18[%dma_wait3A_901] : memref<100096xf32, #tpu.memory_space<vmem_shared>> -> memref<100096xf32, #tpu.memory_space<vmem_shared>>
      tpu.wait_indirect_dma semaphore(%run_scoped3A : memref<!tpu.dma_semaphore, #tpu.memory_space<semaphore_mem>>) src(%arg11 : memref<10000xf32, #tpu.memory_space<vmem>>) dst(%dma_wait3A_902 : memref<100096xf32, #tpu.memory_space<vmem_shared>>)
      tpu.yield
    }) : () -> ()
    %dma_wait3A_249 = tpu.memref_slice %arg4[%multiple_of3A_246] : memref<6400000xf32, #tpu.memory_space<hbm>> -> memref<10000xf32, #tpu.memory_space<hbm>>
    %dma_wait3A_250 = tpu.memref_slice %arg4[%multiple_of3A_246] : memref<6400000xf32, #tpu.memory_space<hbm>> -> memref<10000xf32, #tpu.memory_space<hbm>>
    tpu.wait_dma2 semaphore(%arg16 : memref<!tpu.dma_semaphore, #tpu.memory_space<semaphore_mem>>) src(%dma_wait3A_250 : memref<10000xf32, #tpu.memory_space<hbm>>) dst(%arg12 : memref<10000xf32, #tpu.memory_space<vmem>>)
    %add3A_251 = arith.constant 50000 : i32
    %add3A_252 = arith.addi %mul3A_10, %add3A_251 : i32
    %multiple_of3A_253 = tpu.assume_multiple %add3A_252, 16 : i32
    %dma_start3A_254 = tpu.memref_slice %arg5[%multiple_of3A_253] : memref<6400000xf32, #tpu.memory_space<hbm>> -> memref<10000xf32, #tpu.memory_space<hbm>>
    %dma_start3A_255 = tpu.memref_slice %arg5[%multiple_of3A_253] : memref<6400000xf32, #tpu.memory_space<hbm>> -> memref<10000xf32, #tpu.memory_space<hbm>>
    tpu.enqueue_dma source(%dma_start3A_255 : memref<10000xf32, #tpu.memory_space<hbm>>) target(%arg11 : memref<10000xf32, #tpu.memory_space<vmem>>) target_semaphore(%arg15 : memref<!tpu.dma_semaphore, #tpu.memory_space<semaphore_mem>>)
    "tpu.region"() ({
      %run_scoped3A = tpu.sem_alloc : memref<!tpu.dma_semaphore, #tpu.memory_space<semaphore_mem>>
      %dma_start3A_899 = arith.constant 0 : i32
      %dma_start3A_900 = tpu.memref_slice %arg19[%dma_start3A_899] : memref<100096xf32, #tpu.memory_space<vmem_shared>> -> memref<100096xf32, #tpu.memory_space<vmem_shared>>
      tpu.enqueue_indirect_dma source(%arg12 : memref<10000xf32, #tpu.memory_space<vmem>>) target(%dma_start3A_900 : memref<100096xf32, #tpu.memory_space<vmem_shared>>) offsets(%arg10 : memref<10000xi32, #tpu.memory_space<vmem>>) semaphore(%run_scoped3A : memref<!tpu.dma_semaphore, #tpu.memory_space<semaphore_mem>>) {add = true}
      %dma_wait3A_901 = arith.constant 0 : i32
      %dma_wait3A_902 = tpu.memref_slice %arg19[%dma_wait3A_901] : memref<100096xf32, #tpu.memory_space<vmem_shared>> -> memref<100096xf32, #tpu.memory_space<vmem_shared>>
      tpu.wait_indirect_dma semaphore(%run_scoped3A : memref<!tpu.dma_semaphore, #tpu.memory_space<semaphore_mem>>) src(%arg12 : memref<10000xf32, #tpu.memory_space<vmem>>) dst(%dma_wait3A_902 : memref<100096xf32, #tpu.memory_space<vmem_shared>>)
      tpu.yield
    }) : () -> ()
    %dma_wait3A_256 = tpu.memref_slice %arg5[%multiple_of3A_253] : memref<6400000xf32, #tpu.memory_space<hbm>> -> memref<10000xf32, #tpu.memory_space<hbm>>
    %dma_wait3A_257 = tpu.memref_slice %arg5[%multiple_of3A_253] : memref<6400000xf32, #tpu.memory_space<hbm>> -> memref<10000xf32, #tpu.memory_space<hbm>>
    tpu.wait_dma2 semaphore(%arg15 : memref<!tpu.dma_semaphore, #tpu.memory_space<semaphore_mem>>) src(%dma_wait3A_257 : memref<10000xf32, #tpu.memory_space<hbm>>) dst(%arg11 : memref<10000xf32, #tpu.memory_space<vmem>>)
    %add3A_258 = arith.constant 50000 : i32
    %add3A_259 = arith.addi %mul3A_10, %add3A_258 : i32
    %multiple_of3A_260 = tpu.assume_multiple %add3A_259, 16 : i32
    %dma_start3A_261 = tpu.memref_slice %arg6[%multiple_of3A_260] : memref<6400000xf32, #tpu.memory_space<hbm>> -> memref<10000xf32, #tpu.memory_space<hbm>>
    %dma_start3A_262 = tpu.memref_slice %arg6[%multiple_of3A_260] : memref<6400000xf32, #tpu.memory_space<hbm>> -> memref<10000xf32, #tpu.memory_space<hbm>>
    tpu.enqueue_dma source(%dma_start3A_262 : memref<10000xf32, #tpu.memory_space<hbm>>) target(%arg12 : memref<10000xf32, #tpu.memory_space<vmem>>) target_semaphore(%arg16 : memref<!tpu.dma_semaphore, #tpu.memory_space<semaphore_mem>>)
    "tpu.region"() ({
      %run_scoped3A = tpu.sem_alloc : memref<!tpu.dma_semaphore, #tpu.memory_space<semaphore_mem>>
      %dma_start3A_899 = arith.constant 0 : i32
      %dma_start3A_900 = tpu.memref_slice %arg20[%dma_start3A_899] : memref<100096xf32, #tpu.memory_space<vmem_shared>> -> memref<100096xf32, #tpu.memory_space<vmem_shared>>
      tpu.enqueue_indirect_dma source(%arg11 : memref<10000xf32, #tpu.memory_space<vmem>>) target(%dma_start3A_900 : memref<100096xf32, #tpu.memory_space<vmem_shared>>) offsets(%arg10 : memref<10000xi32, #tpu.memory_space<vmem>>) semaphore(%run_scoped3A : memref<!tpu.dma_semaphore, #tpu.memory_space<semaphore_mem>>) {add = true}
      %dma_wait3A_901 = arith.constant 0 : i32
      %dma_wait3A_902 = tpu.memref_slice %arg20[%dma_wait3A_901] : memref<100096xf32, #tpu.memory_space<vmem_shared>> -> memref<100096xf32, #tpu.memory_space<vmem_shared>>
      tpu.wait_indirect_dma semaphore(%run_scoped3A : memref<!tpu.dma_semaphore, #tpu.memory_space<semaphore_mem>>) src(%arg11 : memref<10000xf32, #tpu.memory_space<vmem>>) dst(%dma_wait3A_902 : memref<100096xf32, #tpu.memory_space<vmem_shared>>)
      tpu.yield
    }) : () -> ()
    %dma_wait3A_263 = tpu.memref_slice %arg6[%multiple_of3A_260] : memref<6400000xf32, #tpu.memory_space<hbm>> -> memref<10000xf32, #tpu.memory_space<hbm>>
    %dma_wait3A_264 = tpu.memref_slice %arg6[%multiple_of3A_260] : memref<6400000xf32, #tpu.memory_space<hbm>> -> memref<10000xf32, #tpu.memory_space<hbm>>
    tpu.wait_dma2 semaphore(%arg16 : memref<!tpu.dma_semaphore, #tpu.memory_space<semaphore_mem>>) src(%dma_wait3A_264 : memref<10000xf32, #tpu.memory_space<hbm>>) dst(%arg12 : memref<10000xf32, #tpu.memory_space<vmem>>)
    %add3A_265 = arith.constant 60000 : i32
    %add3A_266 = arith.addi %mul3A_10, %add3A_265 : i32
    %multiple_of3A_267 = tpu.assume_multiple %add3A_266, 16 : i32
    %dma_start3A_268 = tpu.memref_slice %arg2[%multiple_of3A_267] : memref<6400000xf32, #tpu.memory_space<hbm>> -> memref<10000xf32, #tpu.memory_space<hbm>>
    %dma_start3A_269 = tpu.memref_slice %arg2[%multiple_of3A_267] : memref<6400000xf32, #tpu.memory_space<hbm>> -> memref<10000xf32, #tpu.memory_space<hbm>>
    tpu.enqueue_dma source(%dma_start3A_269 : memref<10000xf32, #tpu.memory_space<hbm>>) target(%arg11 : memref<10000xf32, #tpu.memory_space<vmem>>) target_semaphore(%arg15 : memref<!tpu.dma_semaphore, #tpu.memory_space<semaphore_mem>>)
    "tpu.region"() ({
      %run_scoped3A = tpu.sem_alloc : memref<!tpu.dma_semaphore, #tpu.memory_space<semaphore_mem>>
      %dma_start3A_899 = arith.constant 0 : i32
      %dma_start3A_900 = tpu.memref_slice %arg21[%dma_start3A_899] : memref<100096xf32, #tpu.memory_space<vmem_shared>> -> memref<100096xf32, #tpu.memory_space<vmem_shared>>
      tpu.enqueue_indirect_dma source(%arg12 : memref<10000xf32, #tpu.memory_space<vmem>>) target(%dma_start3A_900 : memref<100096xf32, #tpu.memory_space<vmem_shared>>) offsets(%arg10 : memref<10000xi32, #tpu.memory_space<vmem>>) semaphore(%run_scoped3A : memref<!tpu.dma_semaphore, #tpu.memory_space<semaphore_mem>>) {add = true}
      %dma_wait3A_901 = arith.constant 0 : i32
      %dma_wait3A_902 = tpu.memref_slice %arg21[%dma_wait3A_901] : memref<100096xf32, #tpu.memory_space<vmem_shared>> -> memref<100096xf32, #tpu.memory_space<vmem_shared>>
      tpu.wait_indirect_dma semaphore(%run_scoped3A : memref<!tpu.dma_semaphore, #tpu.memory_space<semaphore_mem>>) src(%arg12 : memref<10000xf32, #tpu.memory_space<vmem>>) dst(%dma_wait3A_902 : memref<100096xf32, #tpu.memory_space<vmem_shared>>)
      tpu.yield
    }) : () -> ()
    %dma_wait3A_270 = tpu.memref_slice %arg7[%multiple_of3A_232] : memref<6400000xi32, #tpu.memory_space<hbm>> -> memref<10000xi32, #tpu.memory_space<hbm>>
    %dma_wait3A_271 = tpu.memref_slice %arg7[%multiple_of3A_232] : memref<6400000xi32, #tpu.memory_space<hbm>> -> memref<10000xi32, #tpu.memory_space<hbm>>
    tpu.wait_dma2 semaphore(%arg14 : memref<!tpu.dma_semaphore, #tpu.memory_space<semaphore_mem>>) src(%dma_wait3A_271 : memref<10000xi32, #tpu.memory_space<hbm>>) dst(%arg9 : memref<10000xi32, #tpu.memory_space<vmem>>)
    %add3A_272 = arith.constant 70000 : i32
    %add3A_273 = arith.addi %mul3A_10, %add3A_272 : i32
    %multiple_of3A_274 = tpu.assume_multiple %add3A_273, 16 : i32
    %dma_start3A_275 = tpu.memref_slice %arg7[%multiple_of3A_274] : memref<6400000xi32, #tpu.memory_space<hbm>> -> memref<10000xi32, #tpu.memory_space<hbm>>
    %dma_start3A_276 = tpu.memref_slice %arg7[%multiple_of3A_274] : memref<6400000xi32, #tpu.memory_space<hbm>> -> memref<10000xi32, #tpu.memory_space<hbm>>
    tpu.enqueue_dma source(%dma_start3A_276 : memref<10000xi32, #tpu.memory_space<hbm>>) target(%arg10 : memref<10000xi32, #tpu.memory_space<vmem>>) target_semaphore(%arg14 : memref<!tpu.dma_semaphore, #tpu.memory_space<semaphore_mem>>)
    %dma_wait3A_277 = tpu.memref_slice %arg2[%multiple_of3A_267] : memref<6400000xf32, #tpu.memory_space<hbm>> -> memref<10000xf32, #tpu.memory_space<hbm>>
    %dma_wait3A_278 = tpu.memref_slice %arg2[%multiple_of3A_267] : memref<6400000xf32, #tpu.memory_space<hbm>> -> memref<10000xf32, #tpu.memory_space<hbm>>
    tpu.wait_dma2 semaphore(%arg15 : memref<!tpu.dma_semaphore, #tpu.memory_space<semaphore_mem>>) src(%dma_wait3A_278 : memref<10000xf32, #tpu.memory_space<hbm>>) dst(%arg11 : memref<10000xf32, #tpu.memory_space<vmem>>)
    %add3A_279 = arith.constant 60000 : i32
    %add3A_280 = arith.addi %mul3A_10, %add3A_279 : i32
    %multiple_of3A_281 = tpu.assume_multiple %add3A_280, 16 : i32
    %dma_start3A_282 = tpu.memref_slice %arg3[%multiple_of3A_281] : memref<6400000xf32, #tpu.memory_space<hbm>> -> memref<10000xf32, #tpu.memory_space<hbm>>
    %dma_start3A_283 = tpu.memref_slice %arg3[%multiple_of3A_281] : memref<6400000xf32, #tpu.memory_space<hbm>> -> memref<10000xf32, #tpu.memory_space<hbm>>
    tpu.enqueue_dma source(%dma_start3A_283 : memref<10000xf32, #tpu.memory_space<hbm>>) target(%arg12 : memref<10000xf32, #tpu.memory_space<vmem>>) target_semaphore(%arg16 : memref<!tpu.dma_semaphore, #tpu.memory_space<semaphore_mem>>)
    "tpu.region"() ({
      %run_scoped3A = tpu.sem_alloc : memref<!tpu.dma_semaphore, #tpu.memory_space<semaphore_mem>>
      %dma_start3A_899 = arith.constant 0 : i32
      %dma_start3A_900 = tpu.memref_slice %arg17[%dma_start3A_899] : memref<100096xf32, #tpu.memory_space<vmem_shared>> -> memref<100096xf32, #tpu.memory_space<vmem_shared>>
      tpu.enqueue_indirect_dma source(%arg11 : memref<10000xf32, #tpu.memory_space<vmem>>) target(%dma_start3A_900 : memref<100096xf32, #tpu.memory_space<vmem_shared>>) offsets(%arg9 : memref<10000xi32, #tpu.memory_space<vmem>>) semaphore(%run_scoped3A : memref<!tpu.dma_semaphore, #tpu.memory_space<semaphore_mem>>) {add = true}
      %dma_wait3A_901 = arith.constant 0 : i32
      %dma_wait3A_902 = tpu.memref_slice %arg17[%dma_wait3A_901] : memref<100096xf32, #tpu.memory_space<vmem_shared>> -> memref<100096xf32, #tpu.memory_space<vmem_shared>>
      tpu.wait_indirect_dma semaphore(%run_scoped3A : memref<!tpu.dma_semaphore, #tpu.memory_space<semaphore_mem>>) src(%arg11 : memref<10000xf32, #tpu.memory_space<vmem>>) dst(%dma_wait3A_902 : memref<100096xf32, #tpu.memory_space<vmem_shared>>)
      tpu.yield
    }) : () -> ()
    %dma_wait3A_284 = tpu.memref_slice %arg3[%multiple_of3A_281] : memref<6400000xf32, #tpu.memory_space<hbm>> -> memref<10000xf32, #tpu.memory_space<hbm>>
    %dma_wait3A_285 = tpu.memref_slice %arg3[%multiple_of3A_281] : memref<6400000xf32, #tpu.memory_space<hbm>> -> memref<10000xf32, #tpu.memory_space<hbm>>
    tpu.wait_dma2 semaphore(%arg16 : memref<!tpu.dma_semaphore, #tpu.memory_space<semaphore_mem>>) src(%dma_wait3A_285 : memref<10000xf32, #tpu.memory_space<hbm>>) dst(%arg12 : memref<10000xf32, #tpu.memory_space<vmem>>)
    %add3A_286 = arith.constant 60000 : i32
    %add3A_287 = arith.addi %mul3A_10, %add3A_286 : i32
    %multiple_of3A_288 = tpu.assume_multiple %add3A_287, 16 : i32
    %dma_start3A_289 = tpu.memref_slice %arg4[%multiple_of3A_288] : memref<6400000xf32, #tpu.memory_space<hbm>> -> memref<10000xf32, #tpu.memory_space<hbm>>
    %dma_start3A_290 = tpu.memref_slice %arg4[%multiple_of3A_288] : memref<6400000xf32, #tpu.memory_space<hbm>> -> memref<10000xf32, #tpu.memory_space<hbm>>
    tpu.enqueue_dma source(%dma_start3A_290 : memref<10000xf32, #tpu.memory_space<hbm>>) target(%arg11 : memref<10000xf32, #tpu.memory_space<vmem>>) target_semaphore(%arg15 : memref<!tpu.dma_semaphore, #tpu.memory_space<semaphore_mem>>)
    "tpu.region"() ({
      %run_scoped3A = tpu.sem_alloc : memref<!tpu.dma_semaphore, #tpu.memory_space<semaphore_mem>>
      %dma_start3A_899 = arith.constant 0 : i32
      %dma_start3A_900 = tpu.memref_slice %arg18[%dma_start3A_899] : memref<100096xf32, #tpu.memory_space<vmem_shared>> -> memref<100096xf32, #tpu.memory_space<vmem_shared>>
      tpu.enqueue_indirect_dma source(%arg12 : memref<10000xf32, #tpu.memory_space<vmem>>) target(%dma_start3A_900 : memref<100096xf32, #tpu.memory_space<vmem_shared>>) offsets(%arg9 : memref<10000xi32, #tpu.memory_space<vmem>>) semaphore(%run_scoped3A : memref<!tpu.dma_semaphore, #tpu.memory_space<semaphore_mem>>) {add = true}
      %dma_wait3A_901 = arith.constant 0 : i32
      %dma_wait3A_902 = tpu.memref_slice %arg18[%dma_wait3A_901] : memref<100096xf32, #tpu.memory_space<vmem_shared>> -> memref<100096xf32, #tpu.memory_space<vmem_shared>>
      tpu.wait_indirect_dma semaphore(%run_scoped3A : memref<!tpu.dma_semaphore, #tpu.memory_space<semaphore_mem>>) src(%arg12 : memref<10000xf32, #tpu.memory_space<vmem>>) dst(%dma_wait3A_902 : memref<100096xf32, #tpu.memory_space<vmem_shared>>)
      tpu.yield
    }) : () -> ()
    %dma_wait3A_291 = tpu.memref_slice %arg4[%multiple_of3A_288] : memref<6400000xf32, #tpu.memory_space<hbm>> -> memref<10000xf32, #tpu.memory_space<hbm>>
    %dma_wait3A_292 = tpu.memref_slice %arg4[%multiple_of3A_288] : memref<6400000xf32, #tpu.memory_space<hbm>> -> memref<10000xf32, #tpu.memory_space<hbm>>
    tpu.wait_dma2 semaphore(%arg15 : memref<!tpu.dma_semaphore, #tpu.memory_space<semaphore_mem>>) src(%dma_wait3A_292 : memref<10000xf32, #tpu.memory_space<hbm>>) dst(%arg11 : memref<10000xf32, #tpu.memory_space<vmem>>)
    %add3A_293 = arith.constant 60000 : i32
    %add3A_294 = arith.addi %mul3A_10, %add3A_293 : i32
    %multiple_of3A_295 = tpu.assume_multiple %add3A_294, 16 : i32
    %dma_start3A_296 = tpu.memref_slice %arg5[%multiple_of3A_295] : memref<6400000xf32, #tpu.memory_space<hbm>> -> memref<10000xf32, #tpu.memory_space<hbm>>
    %dma_start3A_297 = tpu.memref_slice %arg5[%multiple_of3A_295] : memref<6400000xf32, #tpu.memory_space<hbm>> -> memref<10000xf32, #tpu.memory_space<hbm>>
    tpu.enqueue_dma source(%dma_start3A_297 : memref<10000xf32, #tpu.memory_space<hbm>>) target(%arg12 : memref<10000xf32, #tpu.memory_space<vmem>>) target_semaphore(%arg16 : memref<!tpu.dma_semaphore, #tpu.memory_space<semaphore_mem>>)
    "tpu.region"() ({
      %run_scoped3A = tpu.sem_alloc : memref<!tpu.dma_semaphore, #tpu.memory_space<semaphore_mem>>
      %dma_start3A_899 = arith.constant 0 : i32
      %dma_start3A_900 = tpu.memref_slice %arg19[%dma_start3A_899] : memref<100096xf32, #tpu.memory_space<vmem_shared>> -> memref<100096xf32, #tpu.memory_space<vmem_shared>>
      tpu.enqueue_indirect_dma source(%arg11 : memref<10000xf32, #tpu.memory_space<vmem>>) target(%dma_start3A_900 : memref<100096xf32, #tpu.memory_space<vmem_shared>>) offsets(%arg9 : memref<10000xi32, #tpu.memory_space<vmem>>) semaphore(%run_scoped3A : memref<!tpu.dma_semaphore, #tpu.memory_space<semaphore_mem>>) {add = true}
      %dma_wait3A_901 = arith.constant 0 : i32
      %dma_wait3A_902 = tpu.memref_slice %arg19[%dma_wait3A_901] : memref<100096xf32, #tpu.memory_space<vmem_shared>> -> memref<100096xf32, #tpu.memory_space<vmem_shared>>
      tpu.wait_indirect_dma semaphore(%run_scoped3A : memref<!tpu.dma_semaphore, #tpu.memory_space<semaphore_mem>>) src(%arg11 : memref<10000xf32, #tpu.memory_space<vmem>>) dst(%dma_wait3A_902 : memref<100096xf32, #tpu.memory_space<vmem_shared>>)
      tpu.yield
    }) : () -> ()
    %dma_wait3A_298 = tpu.memref_slice %arg5[%multiple_of3A_295] : memref<6400000xf32, #tpu.memory_space<hbm>> -> memref<10000xf32, #tpu.memory_space<hbm>>
    %dma_wait3A_299 = tpu.memref_slice %arg5[%multiple_of3A_295] : memref<6400000xf32, #tpu.memory_space<hbm>> -> memref<10000xf32, #tpu.memory_space<hbm>>
    tpu.wait_dma2 semaphore(%arg16 : memref<!tpu.dma_semaphore, #tpu.memory_space<semaphore_mem>>) src(%dma_wait3A_299 : memref<10000xf32, #tpu.memory_space<hbm>>) dst(%arg12 : memref<10000xf32, #tpu.memory_space<vmem>>)
    %add3A_300 = arith.constant 60000 : i32
    %add3A_301 = arith.addi %mul3A_10, %add3A_300 : i32
    %multiple_of3A_302 = tpu.assume_multiple %add3A_301, 16 : i32
    %dma_start3A_303 = tpu.memref_slice %arg6[%multiple_of3A_302] : memref<6400000xf32, #tpu.memory_space<hbm>> -> memref<10000xf32, #tpu.memory_space<hbm>>
    %dma_start3A_304 = tpu.memref_slice %arg6[%multiple_of3A_302] : memref<6400000xf32, #tpu.memory_space<hbm>> -> memref<10000xf32, #tpu.memory_space<hbm>>
    tpu.enqueue_dma source(%dma_start3A_304 : memref<10000xf32, #tpu.memory_space<hbm>>) target(%arg11 : memref<10000xf32, #tpu.memory_space<vmem>>) target_semaphore(%arg15 : memref<!tpu.dma_semaphore, #tpu.memory_space<semaphore_mem>>)
    "tpu.region"() ({
      %run_scoped3A = tpu.sem_alloc : memref<!tpu.dma_semaphore, #tpu.memory_space<semaphore_mem>>
      %dma_start3A_899 = arith.constant 0 : i32
      %dma_start3A_900 = tpu.memref_slice %arg20[%dma_start3A_899] : memref<100096xf32, #tpu.memory_space<vmem_shared>> -> memref<100096xf32, #tpu.memory_space<vmem_shared>>
      tpu.enqueue_indirect_dma source(%arg12 : memref<10000xf32, #tpu.memory_space<vmem>>) target(%dma_start3A_900 : memref<100096xf32, #tpu.memory_space<vmem_shared>>) offsets(%arg9 : memref<10000xi32, #tpu.memory_space<vmem>>) semaphore(%run_scoped3A : memref<!tpu.dma_semaphore, #tpu.memory_space<semaphore_mem>>) {add = true}
      %dma_wait3A_901 = arith.constant 0 : i32
      %dma_wait3A_902 = tpu.memref_slice %arg20[%dma_wait3A_901] : memref<100096xf32, #tpu.memory_space<vmem_shared>> -> memref<100096xf32, #tpu.memory_space<vmem_shared>>
      tpu.wait_indirect_dma semaphore(%run_scoped3A : memref<!tpu.dma_semaphore, #tpu.memory_space<semaphore_mem>>) src(%arg12 : memref<10000xf32, #tpu.memory_space<vmem>>) dst(%dma_wait3A_902 : memref<100096xf32, #tpu.memory_space<vmem_shared>>)
      tpu.yield
    }) : () -> ()
    %dma_wait3A_305 = tpu.memref_slice %arg6[%multiple_of3A_302] : memref<6400000xf32, #tpu.memory_space<hbm>> -> memref<10000xf32, #tpu.memory_space<hbm>>
    %dma_wait3A_306 = tpu.memref_slice %arg6[%multiple_of3A_302] : memref<6400000xf32, #tpu.memory_space<hbm>> -> memref<10000xf32, #tpu.memory_space<hbm>>
    tpu.wait_dma2 semaphore(%arg15 : memref<!tpu.dma_semaphore, #tpu.memory_space<semaphore_mem>>) src(%dma_wait3A_306 : memref<10000xf32, #tpu.memory_space<hbm>>) dst(%arg11 : memref<10000xf32, #tpu.memory_space<vmem>>)
    %add3A_307 = arith.constant 70000 : i32
    %add3A_308 = arith.addi %mul3A_10, %add3A_307 : i32
    %multiple_of3A_309 = tpu.assume_multiple %add3A_308, 16 : i32
    %dma_start3A_310 = tpu.memref_slice %arg2[%multiple_of3A_309] : memref<6400000xf32, #tpu.memory_space<hbm>> -> memref<10000xf32, #tpu.memory_space<hbm>>
    %dma_start3A_311 = tpu.memref_slice %arg2[%multiple_of3A_309] : memref<6400000xf32, #tpu.memory_space<hbm>> -> memref<10000xf32, #tpu.memory_space<hbm>>
    tpu.enqueue_dma source(%dma_start3A_311 : memref<10000xf32, #tpu.memory_space<hbm>>) target(%arg12 : memref<10000xf32, #tpu.memory_space<vmem>>) target_semaphore(%arg16 : memref<!tpu.dma_semaphore, #tpu.memory_space<semaphore_mem>>)
    "tpu.region"() ({
      %run_scoped3A = tpu.sem_alloc : memref<!tpu.dma_semaphore, #tpu.memory_space<semaphore_mem>>
      %dma_start3A_899 = arith.constant 0 : i32
      %dma_start3A_900 = tpu.memref_slice %arg21[%dma_start3A_899] : memref<100096xf32, #tpu.memory_space<vmem_shared>> -> memref<100096xf32, #tpu.memory_space<vmem_shared>>
      tpu.enqueue_indirect_dma source(%arg11 : memref<10000xf32, #tpu.memory_space<vmem>>) target(%dma_start3A_900 : memref<100096xf32, #tpu.memory_space<vmem_shared>>) offsets(%arg9 : memref<10000xi32, #tpu.memory_space<vmem>>) semaphore(%run_scoped3A : memref<!tpu.dma_semaphore, #tpu.memory_space<semaphore_mem>>) {add = true}
      %dma_wait3A_901 = arith.constant 0 : i32
      %dma_wait3A_902 = tpu.memref_slice %arg21[%dma_wait3A_901] : memref<100096xf32, #tpu.memory_space<vmem_shared>> -> memref<100096xf32, #tpu.memory_space<vmem_shared>>
      tpu.wait_indirect_dma semaphore(%run_scoped3A : memref<!tpu.dma_semaphore, #tpu.memory_space<semaphore_mem>>) src(%arg11 : memref<10000xf32, #tpu.memory_space<vmem>>) dst(%dma_wait3A_902 : memref<100096xf32, #tpu.memory_space<vmem_shared>>)
      tpu.yield
    }) : () -> ()
    %dma_wait3A_312 = tpu.memref_slice %arg7[%multiple_of3A_274] : memref<6400000xi32, #tpu.memory_space<hbm>> -> memref<10000xi32, #tpu.memory_space<hbm>>
    %dma_wait3A_313 = tpu.memref_slice %arg7[%multiple_of3A_274] : memref<6400000xi32, #tpu.memory_space<hbm>> -> memref<10000xi32, #tpu.memory_space<hbm>>
    tpu.wait_dma2 semaphore(%arg14 : memref<!tpu.dma_semaphore, #tpu.memory_space<semaphore_mem>>) src(%dma_wait3A_313 : memref<10000xi32, #tpu.memory_space<hbm>>) dst(%arg10 : memref<10000xi32, #tpu.memory_space<vmem>>)
    %add3A_314 = arith.constant 80000 : i32
    %add3A_315 = arith.addi %mul3A_10, %add3A_314 : i32
    %multiple_of3A_316 = tpu.assume_multiple %add3A_315, 16 : i32
    %dma_start3A_317 = tpu.memref_slice %arg7[%multiple_of3A_316] : memref<6400000xi32, #tpu.memory_space<hbm>> -> memref<10000xi32, #tpu.memory_space<hbm>>
    %dma_start3A_318 = tpu.memref_slice %arg7[%multiple_of3A_316] : memref<6400000xi32, #tpu.memory_space<hbm>> -> memref<10000xi32, #tpu.memory_space<hbm>>
    tpu.enqueue_dma source(%dma_start3A_318 : memref<10000xi32, #tpu.memory_space<hbm>>) target(%arg9 : memref<10000xi32, #tpu.memory_space<vmem>>) target_semaphore(%arg14 : memref<!tpu.dma_semaphore, #tpu.memory_space<semaphore_mem>>)
    %dma_wait3A_319 = tpu.memref_slice %arg2[%multiple_of3A_309] : memref<6400000xf32, #tpu.memory_space<hbm>> -> memref<10000xf32, #tpu.memory_space<hbm>>
    %dma_wait3A_320 = tpu.memref_slice %arg2[%multiple_of3A_309] : memref<6400000xf32, #tpu.memory_space<hbm>> -> memref<10000xf32, #tpu.memory_space<hbm>>
    tpu.wait_dma2 semaphore(%arg16 : memref<!tpu.dma_semaphore, #tpu.memory_space<semaphore_mem>>) src(%dma_wait3A_320 : memref<10000xf32, #tpu.memory_space<hbm>>) dst(%arg12 : memref<10000xf32, #tpu.memory_space<vmem>>)
    %add3A_321 = arith.constant 70000 : i32
    %add3A_322 = arith.addi %mul3A_10, %add3A_321 : i32
    %multiple_of3A_323 = tpu.assume_multiple %add3A_322, 16 : i32
    %dma_start3A_324 = tpu.memref_slice %arg3[%multiple_of3A_323] : memref<6400000xf32, #tpu.memory_space<hbm>> -> memref<10000xf32, #tpu.memory_space<hbm>>
    %dma_start3A_325 = tpu.memref_slice %arg3[%multiple_of3A_323] : memref<6400000xf32, #tpu.memory_space<hbm>> -> memref<10000xf32, #tpu.memory_space<hbm>>
    tpu.enqueue_dma source(%dma_start3A_325 : memref<10000xf32, #tpu.memory_space<hbm>>) target(%arg11 : memref<10000xf32, #tpu.memory_space<vmem>>) target_semaphore(%arg15 : memref<!tpu.dma_semaphore, #tpu.memory_space<semaphore_mem>>)
    "tpu.region"() ({
      %run_scoped3A = tpu.sem_alloc : memref<!tpu.dma_semaphore, #tpu.memory_space<semaphore_mem>>
      %dma_start3A_899 = arith.constant 0 : i32
      %dma_start3A_900 = tpu.memref_slice %arg17[%dma_start3A_899] : memref<100096xf32, #tpu.memory_space<vmem_shared>> -> memref<100096xf32, #tpu.memory_space<vmem_shared>>
      tpu.enqueue_indirect_dma source(%arg12 : memref<10000xf32, #tpu.memory_space<vmem>>) target(%dma_start3A_900 : memref<100096xf32, #tpu.memory_space<vmem_shared>>) offsets(%arg10 : memref<10000xi32, #tpu.memory_space<vmem>>) semaphore(%run_scoped3A : memref<!tpu.dma_semaphore, #tpu.memory_space<semaphore_mem>>) {add = true}
      %dma_wait3A_901 = arith.constant 0 : i32
      %dma_wait3A_902 = tpu.memref_slice %arg17[%dma_wait3A_901] : memref<100096xf32, #tpu.memory_space<vmem_shared>> -> memref<100096xf32, #tpu.memory_space<vmem_shared>>
      tpu.wait_indirect_dma semaphore(%run_scoped3A : memref<!tpu.dma_semaphore, #tpu.memory_space<semaphore_mem>>) src(%arg12 : memref<10000xf32, #tpu.memory_space<vmem>>) dst(%dma_wait3A_902 : memref<100096xf32, #tpu.memory_space<vmem_shared>>)
      tpu.yield
    }) : () -> ()
    %dma_wait3A_326 = tpu.memref_slice %arg3[%multiple_of3A_323] : memref<6400000xf32, #tpu.memory_space<hbm>> -> memref<10000xf32, #tpu.memory_space<hbm>>
    %dma_wait3A_327 = tpu.memref_slice %arg3[%multiple_of3A_323] : memref<6400000xf32, #tpu.memory_space<hbm>> -> memref<10000xf32, #tpu.memory_space<hbm>>
    tpu.wait_dma2 semaphore(%arg15 : memref<!tpu.dma_semaphore, #tpu.memory_space<semaphore_mem>>) src(%dma_wait3A_327 : memref<10000xf32, #tpu.memory_space<hbm>>) dst(%arg11 : memref<10000xf32, #tpu.memory_space<vmem>>)
    %add3A_328 = arith.constant 70000 : i32
    %add3A_329 = arith.addi %mul3A_10, %add3A_328 : i32
    %multiple_of3A_330 = tpu.assume_multiple %add3A_329, 16 : i32
    %dma_start3A_331 = tpu.memref_slice %arg4[%multiple_of3A_330] : memref<6400000xf32, #tpu.memory_space<hbm>> -> memref<10000xf32, #tpu.memory_space<hbm>>
    %dma_start3A_332 = tpu.memref_slice %arg4[%multiple_of3A_330] : memref<6400000xf32, #tpu.memory_space<hbm>> -> memref<10000xf32, #tpu.memory_space<hbm>>
    tpu.enqueue_dma source(%dma_start3A_332 : memref<10000xf32, #tpu.memory_space<hbm>>) target(%arg12 : memref<10000xf32, #tpu.memory_space<vmem>>) target_semaphore(%arg16 : memref<!tpu.dma_semaphore, #tpu.memory_space<semaphore_mem>>)
    "tpu.region"() ({
      %run_scoped3A = tpu.sem_alloc : memref<!tpu.dma_semaphore, #tpu.memory_space<semaphore_mem>>
      %dma_start3A_899 = arith.constant 0 : i32
      %dma_start3A_900 = tpu.memref_slice %arg18[%dma_start3A_899] : memref<100096xf32, #tpu.memory_space<vmem_shared>> -> memref<100096xf32, #tpu.memory_space<vmem_shared>>
      tpu.enqueue_indirect_dma source(%arg11 : memref<10000xf32, #tpu.memory_space<vmem>>) target(%dma_start3A_900 : memref<100096xf32, #tpu.memory_space<vmem_shared>>) offsets(%arg10 : memref<10000xi32, #tpu.memory_space<vmem>>) semaphore(%run_scoped3A : memref<!tpu.dma_semaphore, #tpu.memory_space<semaphore_mem>>) {add = true}
      %dma_wait3A_901 = arith.constant 0 : i32
      %dma_wait3A_902 = tpu.memref_slice %arg18[%dma_wait3A_901] : memref<100096xf32, #tpu.memory_space<vmem_shared>> -> memref<100096xf32, #tpu.memory_space<vmem_shared>>
      tpu.wait_indirect_dma semaphore(%run_scoped3A : memref<!tpu.dma_semaphore, #tpu.memory_space<semaphore_mem>>) src(%arg11 : memref<10000xf32, #tpu.memory_space<vmem>>) dst(%dma_wait3A_902 : memref<100096xf32, #tpu.memory_space<vmem_shared>>)
      tpu.yield
    }) : () -> ()
    %dma_wait3A_333 = tpu.memref_slice %arg4[%multiple_of3A_330] : memref<6400000xf32, #tpu.memory_space<hbm>> -> memref<10000xf32, #tpu.memory_space<hbm>>
    %dma_wait3A_334 = tpu.memref_slice %arg4[%multiple_of3A_330] : memref<6400000xf32, #tpu.memory_space<hbm>> -> memref<10000xf32, #tpu.memory_space<hbm>>
    tpu.wait_dma2 semaphore(%arg16 : memref<!tpu.dma_semaphore, #tpu.memory_space<semaphore_mem>>) src(%dma_wait3A_334 : memref<10000xf32, #tpu.memory_space<hbm>>) dst(%arg12 : memref<10000xf32, #tpu.memory_space<vmem>>)
    %add3A_335 = arith.constant 70000 : i32
    %add3A_336 = arith.addi %mul3A_10, %add3A_335 : i32
    %multiple_of3A_337 = tpu.assume_multiple %add3A_336, 16 : i32
    %dma_start3A_338 = tpu.memref_slice %arg5[%multiple_of3A_337] : memref<6400000xf32, #tpu.memory_space<hbm>> -> memref<10000xf32, #tpu.memory_space<hbm>>
    %dma_start3A_339 = tpu.memref_slice %arg5[%multiple_of3A_337] : memref<6400000xf32, #tpu.memory_space<hbm>> -> memref<10000xf32, #tpu.memory_space<hbm>>
    tpu.enqueue_dma source(%dma_start3A_339 : memref<10000xf32, #tpu.memory_space<hbm>>) target(%arg11 : memref<10000xf32, #tpu.memory_space<vmem>>) target_semaphore(%arg15 : memref<!tpu.dma_semaphore, #tpu.memory_space<semaphore_mem>>)
    "tpu.region"() ({
      %run_scoped3A = tpu.sem_alloc : memref<!tpu.dma_semaphore, #tpu.memory_space<semaphore_mem>>
      %dma_start3A_899 = arith.constant 0 : i32
      %dma_start3A_900 = tpu.memref_slice %arg19[%dma_start3A_899] : memref<100096xf32, #tpu.memory_space<vmem_shared>> -> memref<100096xf32, #tpu.memory_space<vmem_shared>>
      tpu.enqueue_indirect_dma source(%arg12 : memref<10000xf32, #tpu.memory_space<vmem>>) target(%dma_start3A_900 : memref<100096xf32, #tpu.memory_space<vmem_shared>>) offsets(%arg10 : memref<10000xi32, #tpu.memory_space<vmem>>) semaphore(%run_scoped3A : memref<!tpu.dma_semaphore, #tpu.memory_space<semaphore_mem>>) {add = true}
      %dma_wait3A_901 = arith.constant 0 : i32
      %dma_wait3A_902 = tpu.memref_slice %arg19[%dma_wait3A_901] : memref<100096xf32, #tpu.memory_space<vmem_shared>> -> memref<100096xf32, #tpu.memory_space<vmem_shared>>
      tpu.wait_indirect_dma semaphore(%run_scoped3A : memref<!tpu.dma_semaphore, #tpu.memory_space<semaphore_mem>>) src(%arg12 : memref<10000xf32, #tpu.memory_space<vmem>>) dst(%dma_wait3A_902 : memref<100096xf32, #tpu.memory_space<vmem_shared>>)
      tpu.yield
    }) : () -> ()
    %dma_wait3A_340 = tpu.memref_slice %arg5[%multiple_of3A_337] : memref<6400000xf32, #tpu.memory_space<hbm>> -> memref<10000xf32, #tpu.memory_space<hbm>>
    %dma_wait3A_341 = tpu.memref_slice %arg5[%multiple_of3A_337] : memref<6400000xf32, #tpu.memory_space<hbm>> -> memref<10000xf32, #tpu.memory_space<hbm>>
    tpu.wait_dma2 semaphore(%arg15 : memref<!tpu.dma_semaphore, #tpu.memory_space<semaphore_mem>>) src(%dma_wait3A_341 : memref<10000xf32, #tpu.memory_space<hbm>>) dst(%arg11 : memref<10000xf32, #tpu.memory_space<vmem>>)
    %add3A_342 = arith.constant 70000 : i32
    %add3A_343 = arith.addi %mul3A_10, %add3A_342 : i32
    %multiple_of3A_344 = tpu.assume_multiple %add3A_343, 16 : i32
    %dma_start3A_345 = tpu.memref_slice %arg6[%multiple_of3A_344] : memref<6400000xf32, #tpu.memory_space<hbm>> -> memref<10000xf32, #tpu.memory_space<hbm>>
    %dma_start3A_346 = tpu.memref_slice %arg6[%multiple_of3A_344] : memref<6400000xf32, #tpu.memory_space<hbm>> -> memref<10000xf32, #tpu.memory_space<hbm>>
    tpu.enqueue_dma source(%dma_start3A_346 : memref<10000xf32, #tpu.memory_space<hbm>>) target(%arg12 : memref<10000xf32, #tpu.memory_space<vmem>>) target_semaphore(%arg16 : memref<!tpu.dma_semaphore, #tpu.memory_space<semaphore_mem>>)
    "tpu.region"() ({
      %run_scoped3A = tpu.sem_alloc : memref<!tpu.dma_semaphore, #tpu.memory_space<semaphore_mem>>
      %dma_start3A_899 = arith.constant 0 : i32
      %dma_start3A_900 = tpu.memref_slice %arg20[%dma_start3A_899] : memref<100096xf32, #tpu.memory_space<vmem_shared>> -> memref<100096xf32, #tpu.memory_space<vmem_shared>>
      tpu.enqueue_indirect_dma source(%arg11 : memref<10000xf32, #tpu.memory_space<vmem>>) target(%dma_start3A_900 : memref<100096xf32, #tpu.memory_space<vmem_shared>>) offsets(%arg10 : memref<10000xi32, #tpu.memory_space<vmem>>) semaphore(%run_scoped3A : memref<!tpu.dma_semaphore, #tpu.memory_space<semaphore_mem>>) {add = true}
      %dma_wait3A_901 = arith.constant 0 : i32
      %dma_wait3A_902 = tpu.memref_slice %arg20[%dma_wait3A_901] : memref<100096xf32, #tpu.memory_space<vmem_shared>> -> memref<100096xf32, #tpu.memory_space<vmem_shared>>
      tpu.wait_indirect_dma semaphore(%run_scoped3A : memref<!tpu.dma_semaphore, #tpu.memory_space<semaphore_mem>>) src(%arg11 : memref<10000xf32, #tpu.memory_space<vmem>>) dst(%dma_wait3A_902 : memref<100096xf32, #tpu.memory_space<vmem_shared>>)
      tpu.yield
    }) : () -> ()
    %dma_wait3A_347 = tpu.memref_slice %arg6[%multiple_of3A_344] : memref<6400000xf32, #tpu.memory_space<hbm>> -> memref<10000xf32, #tpu.memory_space<hbm>>
    %dma_wait3A_348 = tpu.memref_slice %arg6[%multiple_of3A_344] : memref<6400000xf32, #tpu.memory_space<hbm>> -> memref<10000xf32, #tpu.memory_space<hbm>>
    tpu.wait_dma2 semaphore(%arg16 : memref<!tpu.dma_semaphore, #tpu.memory_space<semaphore_mem>>) src(%dma_wait3A_348 : memref<10000xf32, #tpu.memory_space<hbm>>) dst(%arg12 : memref<10000xf32, #tpu.memory_space<vmem>>)
    %add3A_349 = arith.constant 80000 : i32
    %add3A_350 = arith.addi %mul3A_10, %add3A_349 : i32
    %multiple_of3A_351 = tpu.assume_multiple %add3A_350, 16 : i32
    %dma_start3A_352 = tpu.memref_slice %arg2[%multiple_of3A_351] : memref<6400000xf32, #tpu.memory_space<hbm>> -> memref<10000xf32, #tpu.memory_space<hbm>>
    %dma_start3A_353 = tpu.memref_slice %arg2[%multiple_of3A_351] : memref<6400000xf32, #tpu.memory_space<hbm>> -> memref<10000xf32, #tpu.memory_space<hbm>>
    tpu.enqueue_dma source(%dma_start3A_353 : memref<10000xf32, #tpu.memory_space<hbm>>) target(%arg11 : memref<10000xf32, #tpu.memory_space<vmem>>) target_semaphore(%arg15 : memref<!tpu.dma_semaphore, #tpu.memory_space<semaphore_mem>>)
    "tpu.region"() ({
      %run_scoped3A = tpu.sem_alloc : memref<!tpu.dma_semaphore, #tpu.memory_space<semaphore_mem>>
      %dma_start3A_899 = arith.constant 0 : i32
      %dma_start3A_900 = tpu.memref_slice %arg21[%dma_start3A_899] : memref<100096xf32, #tpu.memory_space<vmem_shared>> -> memref<100096xf32, #tpu.memory_space<vmem_shared>>
      tpu.enqueue_indirect_dma source(%arg12 : memref<10000xf32, #tpu.memory_space<vmem>>) target(%dma_start3A_900 : memref<100096xf32, #tpu.memory_space<vmem_shared>>) offsets(%arg10 : memref<10000xi32, #tpu.memory_space<vmem>>) semaphore(%run_scoped3A : memref<!tpu.dma_semaphore, #tpu.memory_space<semaphore_mem>>) {add = true}
      %dma_wait3A_901 = arith.constant 0 : i32
      %dma_wait3A_902 = tpu.memref_slice %arg21[%dma_wait3A_901] : memref<100096xf32, #tpu.memory_space<vmem_shared>> -> memref<100096xf32, #tpu.memory_space<vmem_shared>>
      tpu.wait_indirect_dma semaphore(%run_scoped3A : memref<!tpu.dma_semaphore, #tpu.memory_space<semaphore_mem>>) src(%arg12 : memref<10000xf32, #tpu.memory_space<vmem>>) dst(%dma_wait3A_902 : memref<100096xf32, #tpu.memory_space<vmem_shared>>)
      tpu.yield
    }) : () -> ()
    %dma_wait3A_354 = tpu.memref_slice %arg7[%multiple_of3A_316] : memref<6400000xi32, #tpu.memory_space<hbm>> -> memref<10000xi32, #tpu.memory_space<hbm>>
    %dma_wait3A_355 = tpu.memref_slice %arg7[%multiple_of3A_316] : memref<6400000xi32, #tpu.memory_space<hbm>> -> memref<10000xi32, #tpu.memory_space<hbm>>
    tpu.wait_dma2 semaphore(%arg14 : memref<!tpu.dma_semaphore, #tpu.memory_space<semaphore_mem>>) src(%dma_wait3A_355 : memref<10000xi32, #tpu.memory_space<hbm>>) dst(%arg9 : memref<10000xi32, #tpu.memory_space<vmem>>)
    %add3A_356 = arith.constant 90000 : i32
    %add3A_357 = arith.addi %mul3A_10, %add3A_356 : i32
    %multiple_of3A_358 = tpu.assume_multiple %add3A_357, 16 : i32
    %dma_start3A_359 = tpu.memref_slice %arg7[%multiple_of3A_358] : memref<6400000xi32, #tpu.memory_space<hbm>> -> memref<10000xi32, #tpu.memory_space<hbm>>
    %dma_start3A_360 = tpu.memref_slice %arg7[%multiple_of3A_358] : memref<6400000xi32, #tpu.memory_space<hbm>> -> memref<10000xi32, #tpu.memory_space<hbm>>
    tpu.enqueue_dma source(%dma_start3A_360 : memref<10000xi32, #tpu.memory_space<hbm>>) target(%arg10 : memref<10000xi32, #tpu.memory_space<vmem>>) target_semaphore(%arg14 : memref<!tpu.dma_semaphore, #tpu.memory_space<semaphore_mem>>)
    %dma_wait3A_361 = tpu.memref_slice %arg2[%multiple_of3A_351] : memref<6400000xf32, #tpu.memory_space<hbm>> -> memref<10000xf32, #tpu.memory_space<hbm>>
    %dma_wait3A_362 = tpu.memref_slice %arg2[%multiple_of3A_351] : memref<6400000xf32, #tpu.memory_space<hbm>> -> memref<10000xf32, #tpu.memory_space<hbm>>
    tpu.wait_dma2 semaphore(%arg15 : memref<!tpu.dma_semaphore, #tpu.memory_space<semaphore_mem>>) src(%dma_wait3A_362 : memref<10000xf32, #tpu.memory_space<hbm>>) dst(%arg11 : memref<10000xf32, #tpu.memory_space<vmem>>)
    %add3A_363 = arith.constant 80000 : i32
    %add3A_364 = arith.addi %mul3A_10, %add3A_363 : i32
    %multiple_of3A_365 = tpu.assume_multiple %add3A_364, 16 : i32
    %dma_start3A_366 = tpu.memref_slice %arg3[%multiple_of3A_365] : memref<6400000xf32, #tpu.memory_space<hbm>> -> memref<10000xf32, #tpu.memory_space<hbm>>
    %dma_start3A_367 = tpu.memref_slice %arg3[%multiple_of3A_365] : memref<6400000xf32, #tpu.memory_space<hbm>> -> memref<10000xf32, #tpu.memory_space<hbm>>
    tpu.enqueue_dma source(%dma_start3A_367 : memref<10000xf32, #tpu.memory_space<hbm>>) target(%arg12 : memref<10000xf32, #tpu.memory_space<vmem>>) target_semaphore(%arg16 : memref<!tpu.dma_semaphore, #tpu.memory_space<semaphore_mem>>)
    "tpu.region"() ({
      %run_scoped3A = tpu.sem_alloc : memref<!tpu.dma_semaphore, #tpu.memory_space<semaphore_mem>>
      %dma_start3A_899 = arith.constant 0 : i32
      %dma_start3A_900 = tpu.memref_slice %arg17[%dma_start3A_899] : memref<100096xf32, #tpu.memory_space<vmem_shared>> -> memref<100096xf32, #tpu.memory_space<vmem_shared>>
      tpu.enqueue_indirect_dma source(%arg11 : memref<10000xf32, #tpu.memory_space<vmem>>) target(%dma_start3A_900 : memref<100096xf32, #tpu.memory_space<vmem_shared>>) offsets(%arg9 : memref<10000xi32, #tpu.memory_space<vmem>>) semaphore(%run_scoped3A : memref<!tpu.dma_semaphore, #tpu.memory_space<semaphore_mem>>) {add = true}
      %dma_wait3A_901 = arith.constant 0 : i32
      %dma_wait3A_902 = tpu.memref_slice %arg17[%dma_wait3A_901] : memref<100096xf32, #tpu.memory_space<vmem_shared>> -> memref<100096xf32, #tpu.memory_space<vmem_shared>>
      tpu.wait_indirect_dma semaphore(%run_scoped3A : memref<!tpu.dma_semaphore, #tpu.memory_space<semaphore_mem>>) src(%arg11 : memref<10000xf32, #tpu.memory_space<vmem>>) dst(%dma_wait3A_902 : memref<100096xf32, #tpu.memory_space<vmem_shared>>)
      tpu.yield
    }) : () -> ()
    %dma_wait3A_368 = tpu.memref_slice %arg3[%multiple_of3A_365] : memref<6400000xf32, #tpu.memory_space<hbm>> -> memref<10000xf32, #tpu.memory_space<hbm>>
    %dma_wait3A_369 = tpu.memref_slice %arg3[%multiple_of3A_365] : memref<6400000xf32, #tpu.memory_space<hbm>> -> memref<10000xf32, #tpu.memory_space<hbm>>
    tpu.wait_dma2 semaphore(%arg16 : memref<!tpu.dma_semaphore, #tpu.memory_space<semaphore_mem>>) src(%dma_wait3A_369 : memref<10000xf32, #tpu.memory_space<hbm>>) dst(%arg12 : memref<10000xf32, #tpu.memory_space<vmem>>)
    %add3A_370 = arith.constant 80000 : i32
    %add3A_371 = arith.addi %mul3A_10, %add3A_370 : i32
    %multiple_of3A_372 = tpu.assume_multiple %add3A_371, 16 : i32
    %dma_start3A_373 = tpu.memref_slice %arg4[%multiple_of3A_372] : memref<6400000xf32, #tpu.memory_space<hbm>> -> memref<10000xf32, #tpu.memory_space<hbm>>
    %dma_start3A_374 = tpu.memref_slice %arg4[%multiple_of3A_372] : memref<6400000xf32, #tpu.memory_space<hbm>> -> memref<10000xf32, #tpu.memory_space<hbm>>
    tpu.enqueue_dma source(%dma_start3A_374 : memref<10000xf32, #tpu.memory_space<hbm>>) target(%arg11 : memref<10000xf32, #tpu.memory_space<vmem>>) target_semaphore(%arg15 : memref<!tpu.dma_semaphore, #tpu.memory_space<semaphore_mem>>)
    "tpu.region"() ({
      %run_scoped3A = tpu.sem_alloc : memref<!tpu.dma_semaphore, #tpu.memory_space<semaphore_mem>>
      %dma_start3A_899 = arith.constant 0 : i32
      %dma_start3A_900 = tpu.memref_slice %arg18[%dma_start3A_899] : memref<100096xf32, #tpu.memory_space<vmem_shared>> -> memref<100096xf32, #tpu.memory_space<vmem_shared>>
      tpu.enqueue_indirect_dma source(%arg12 : memref<10000xf32, #tpu.memory_space<vmem>>) target(%dma_start3A_900 : memref<100096xf32, #tpu.memory_space<vmem_shared>>) offsets(%arg9 : memref<10000xi32, #tpu.memory_space<vmem>>) semaphore(%run_scoped3A : memref<!tpu.dma_semaphore, #tpu.memory_space<semaphore_mem>>) {add = true}
      %dma_wait3A_901 = arith.constant 0 : i32
      %dma_wait3A_902 = tpu.memref_slice %arg18[%dma_wait3A_901] : memref<100096xf32, #tpu.memory_space<vmem_shared>> -> memref<100096xf32, #tpu.memory_space<vmem_shared>>
      tpu.wait_indirect_dma semaphore(%run_scoped3A : memref<!tpu.dma_semaphore, #tpu.memory_space<semaphore_mem>>) src(%arg12 : memref<10000xf32, #tpu.memory_space<vmem>>) dst(%dma_wait3A_902 : memref<100096xf32, #tpu.memory_space<vmem_shared>>)
      tpu.yield
    }) : () -> ()
    %dma_wait3A_375 = tpu.memref_slice %arg4[%multiple_of3A_372] : memref<6400000xf32, #tpu.memory_space<hbm>> -> memref<10000xf32, #tpu.memory_space<hbm>>
    %dma_wait3A_376 = tpu.memref_slice %arg4[%multiple_of3A_372] : memref<6400000xf32, #tpu.memory_space<hbm>> -> memref<10000xf32, #tpu.memory_space<hbm>>
    tpu.wait_dma2 semaphore(%arg15 : memref<!tpu.dma_semaphore, #tpu.memory_space<semaphore_mem>>) src(%dma_wait3A_376 : memref<10000xf32, #tpu.memory_space<hbm>>) dst(%arg11 : memref<10000xf32, #tpu.memory_space<vmem>>)
    %add3A_377 = arith.constant 80000 : i32
    %add3A_378 = arith.addi %mul3A_10, %add3A_377 : i32
    %multiple_of3A_379 = tpu.assume_multiple %add3A_378, 16 : i32
    %dma_start3A_380 = tpu.memref_slice %arg5[%multiple_of3A_379] : memref<6400000xf32, #tpu.memory_space<hbm>> -> memref<10000xf32, #tpu.memory_space<hbm>>
    %dma_start3A_381 = tpu.memref_slice %arg5[%multiple_of3A_379] : memref<6400000xf32, #tpu.memory_space<hbm>> -> memref<10000xf32, #tpu.memory_space<hbm>>
    tpu.enqueue_dma source(%dma_start3A_381 : memref<10000xf32, #tpu.memory_space<hbm>>) target(%arg12 : memref<10000xf32, #tpu.memory_space<vmem>>) target_semaphore(%arg16 : memref<!tpu.dma_semaphore, #tpu.memory_space<semaphore_mem>>)
    "tpu.region"() ({
      %run_scoped3A = tpu.sem_alloc : memref<!tpu.dma_semaphore, #tpu.memory_space<semaphore_mem>>
      %dma_start3A_899 = arith.constant 0 : i32
      %dma_start3A_900 = tpu.memref_slice %arg19[%dma_start3A_899] : memref<100096xf32, #tpu.memory_space<vmem_shared>> -> memref<100096xf32, #tpu.memory_space<vmem_shared>>
      tpu.enqueue_indirect_dma source(%arg11 : memref<10000xf32, #tpu.memory_space<vmem>>) target(%dma_start3A_900 : memref<100096xf32, #tpu.memory_space<vmem_shared>>) offsets(%arg9 : memref<10000xi32, #tpu.memory_space<vmem>>) semaphore(%run_scoped3A : memref<!tpu.dma_semaphore, #tpu.memory_space<semaphore_mem>>) {add = true}
      %dma_wait3A_901 = arith.constant 0 : i32
      %dma_wait3A_902 = tpu.memref_slice %arg19[%dma_wait3A_901] : memref<100096xf32, #tpu.memory_space<vmem_shared>> -> memref<100096xf32, #tpu.memory_space<vmem_shared>>
      tpu.wait_indirect_dma semaphore(%run_scoped3A : memref<!tpu.dma_semaphore, #tpu.memory_space<semaphore_mem>>) src(%arg11 : memref<10000xf32, #tpu.memory_space<vmem>>) dst(%dma_wait3A_902 : memref<100096xf32, #tpu.memory_space<vmem_shared>>)
      tpu.yield
    }) : () -> ()
    %dma_wait3A_382 = tpu.memref_slice %arg5[%multiple_of3A_379] : memref<6400000xf32, #tpu.memory_space<hbm>> -> memref<10000xf32, #tpu.memory_space<hbm>>
    %dma_wait3A_383 = tpu.memref_slice %arg5[%multiple_of3A_379] : memref<6400000xf32, #tpu.memory_space<hbm>> -> memref<10000xf32, #tpu.memory_space<hbm>>
    tpu.wait_dma2 semaphore(%arg16 : memref<!tpu.dma_semaphore, #tpu.memory_space<semaphore_mem>>) src(%dma_wait3A_383 : memref<10000xf32, #tpu.memory_space<hbm>>) dst(%arg12 : memref<10000xf32, #tpu.memory_space<vmem>>)
    %add3A_384 = arith.constant 80000 : i32
    %add3A_385 = arith.addi %mul3A_10, %add3A_384 : i32
    %multiple_of3A_386 = tpu.assume_multiple %add3A_385, 16 : i32
    %dma_start3A_387 = tpu.memref_slice %arg6[%multiple_of3A_386] : memref<6400000xf32, #tpu.memory_space<hbm>> -> memref<10000xf32, #tpu.memory_space<hbm>>
    %dma_start3A_388 = tpu.memref_slice %arg6[%multiple_of3A_386] : memref<6400000xf32, #tpu.memory_space<hbm>> -> memref<10000xf32, #tpu.memory_space<hbm>>
    tpu.enqueue_dma source(%dma_start3A_388 : memref<10000xf32, #tpu.memory_space<hbm>>) target(%arg11 : memref<10000xf32, #tpu.memory_space<vmem>>) target_semaphore(%arg15 : memref<!tpu.dma_semaphore, #tpu.memory_space<semaphore_mem>>)
    "tpu.region"() ({
      %run_scoped3A = tpu.sem_alloc : memref<!tpu.dma_semaphore, #tpu.memory_space<semaphore_mem>>
      %dma_start3A_899 = arith.constant 0 : i32
      %dma_start3A_900 = tpu.memref_slice %arg20[%dma_start3A_899] : memref<100096xf32, #tpu.memory_space<vmem_shared>> -> memref<100096xf32, #tpu.memory_space<vmem_shared>>
      tpu.enqueue_indirect_dma source(%arg12 : memref<10000xf32, #tpu.memory_space<vmem>>) target(%dma_start3A_900 : memref<100096xf32, #tpu.memory_space<vmem_shared>>) offsets(%arg9 : memref<10000xi32, #tpu.memory_space<vmem>>) semaphore(%run_scoped3A : memref<!tpu.dma_semaphore, #tpu.memory_space<semaphore_mem>>) {add = true}
      %dma_wait3A_901 = arith.constant 0 : i32
      %dma_wait3A_902 = tpu.memref_slice %arg20[%dma_wait3A_901] : memref<100096xf32, #tpu.memory_space<vmem_shared>> -> memref<100096xf32, #tpu.memory_space<vmem_shared>>
      tpu.wait_indirect_dma semaphore(%run_scoped3A : memref<!tpu.dma_semaphore, #tpu.memory_space<semaphore_mem>>) src(%arg12 : memref<10000xf32, #tpu.memory_space<vmem>>) dst(%dma_wait3A_902 : memref<100096xf32, #tpu.memory_space<vmem_shared>>)
      tpu.yield
    }) : () -> ()
    %dma_wait3A_389 = tpu.memref_slice %arg6[%multiple_of3A_386] : memref<6400000xf32, #tpu.memory_space<hbm>> -> memref<10000xf32, #tpu.memory_space<hbm>>
    %dma_wait3A_390 = tpu.memref_slice %arg6[%multiple_of3A_386] : memref<6400000xf32, #tpu.memory_space<hbm>> -> memref<10000xf32, #tpu.memory_space<hbm>>
    tpu.wait_dma2 semaphore(%arg15 : memref<!tpu.dma_semaphore, #tpu.memory_space<semaphore_mem>>) src(%dma_wait3A_390 : memref<10000xf32, #tpu.memory_space<hbm>>) dst(%arg11 : memref<10000xf32, #tpu.memory_space<vmem>>)
    %add3A_391 = arith.constant 90000 : i32
    %add3A_392 = arith.addi %mul3A_10, %add3A_391 : i32
    %multiple_of3A_393 = tpu.assume_multiple %add3A_392, 16 : i32
    %dma_start3A_394 = tpu.memref_slice %arg2[%multiple_of3A_393] : memref<6400000xf32, #tpu.memory_space<hbm>> -> memref<10000xf32, #tpu.memory_space<hbm>>
    %dma_start3A_395 = tpu.memref_slice %arg2[%multiple_of3A_393] : memref<6400000xf32, #tpu.memory_space<hbm>> -> memref<10000xf32, #tpu.memory_space<hbm>>
    tpu.enqueue_dma source(%dma_start3A_395 : memref<10000xf32, #tpu.memory_space<hbm>>) target(%arg12 : memref<10000xf32, #tpu.memory_space<vmem>>) target_semaphore(%arg16 : memref<!tpu.dma_semaphore, #tpu.memory_space<semaphore_mem>>)
    "tpu.region"() ({
      %run_scoped3A = tpu.sem_alloc : memref<!tpu.dma_semaphore, #tpu.memory_space<semaphore_mem>>
      %dma_start3A_899 = arith.constant 0 : i32
      %dma_start3A_900 = tpu.memref_slice %arg21[%dma_start3A_899] : memref<100096xf32, #tpu.memory_space<vmem_shared>> -> memref<100096xf32, #tpu.memory_space<vmem_shared>>
      tpu.enqueue_indirect_dma source(%arg11 : memref<10000xf32, #tpu.memory_space<vmem>>) target(%dma_start3A_900 : memref<100096xf32, #tpu.memory_space<vmem_shared>>) offsets(%arg9 : memref<10000xi32, #tpu.memory_space<vmem>>) semaphore(%run_scoped3A : memref<!tpu.dma_semaphore, #tpu.memory_space<semaphore_mem>>) {add = true}
      %dma_wait3A_901 = arith.constant 0 : i32
      %dma_wait3A_902 = tpu.memref_slice %arg21[%dma_wait3A_901] : memref<100096xf32, #tpu.memory_space<vmem_shared>> -> memref<100096xf32, #tpu.memory_space<vmem_shared>>
      tpu.wait_indirect_dma semaphore(%run_scoped3A : memref<!tpu.dma_semaphore, #tpu.memory_space<semaphore_mem>>) src(%arg11 : memref<10000xf32, #tpu.memory_space<vmem>>) dst(%dma_wait3A_902 : memref<100096xf32, #tpu.memory_space<vmem_shared>>)
      tpu.yield
    }) : () -> ()
    %dma_wait3A_396 = tpu.memref_slice %arg7[%multiple_of3A_358] : memref<6400000xi32, #tpu.memory_space<hbm>> -> memref<10000xi32, #tpu.memory_space<hbm>>
    %dma_wait3A_397 = tpu.memref_slice %arg7[%multiple_of3A_358] : memref<6400000xi32, #tpu.memory_space<hbm>> -> memref<10000xi32, #tpu.memory_space<hbm>>
    tpu.wait_dma2 semaphore(%arg14 : memref<!tpu.dma_semaphore, #tpu.memory_space<semaphore_mem>>) src(%dma_wait3A_397 : memref<10000xi32, #tpu.memory_space<hbm>>) dst(%arg10 : memref<10000xi32, #tpu.memory_space<vmem>>)
    %add3A_398 = arith.constant 100000 : i32
    %add3A_399 = arith.addi %mul3A_10, %add3A_398 : i32
    %multiple_of3A_400 = tpu.assume_multiple %add3A_399, 16 : i32
    %dma_start3A_401 = tpu.memref_slice %arg7[%multiple_of3A_400] : memref<6400000xi32, #tpu.memory_space<hbm>> -> memref<10000xi32, #tpu.memory_space<hbm>>
    %dma_start3A_402 = tpu.memref_slice %arg7[%multiple_of3A_400] : memref<6400000xi32, #tpu.memory_space<hbm>> -> memref<10000xi32, #tpu.memory_space<hbm>>
    tpu.enqueue_dma source(%dma_start3A_402 : memref<10000xi32, #tpu.memory_space<hbm>>) target(%arg9 : memref<10000xi32, #tpu.memory_space<vmem>>) target_semaphore(%arg14 : memref<!tpu.dma_semaphore, #tpu.memory_space<semaphore_mem>>)
    %dma_wait3A_403 = tpu.memref_slice %arg2[%multiple_of3A_393] : memref<6400000xf32, #tpu.memory_space<hbm>> -> memref<10000xf32, #tpu.memory_space<hbm>>
    %dma_wait3A_404 = tpu.memref_slice %arg2[%multiple_of3A_393] : memref<6400000xf32, #tpu.memory_space<hbm>> -> memref<10000xf32, #tpu.memory_space<hbm>>
    tpu.wait_dma2 semaphore(%arg16 : memref<!tpu.dma_semaphore, #tpu.memory_space<semaphore_mem>>) src(%dma_wait3A_404 : memref<10000xf32, #tpu.memory_space<hbm>>) dst(%arg12 : memref<10000xf32, #tpu.memory_space<vmem>>)
    %add3A_405 = arith.constant 90000 : i32
    %add3A_406 = arith.addi %mul3A_10, %add3A_405 : i32
    %multiple_of3A_407 = tpu.assume_multiple %add3A_406, 16 : i32
    %dma_start3A_408 = tpu.memref_slice %arg3[%multiple_of3A_407] : memref<6400000xf32, #tpu.memory_space<hbm>> -> memref<10000xf32, #tpu.memory_space<hbm>>
    %dma_start3A_409 = tpu.memref_slice %arg3[%multiple_of3A_407] : memref<6400000xf32, #tpu.memory_space<hbm>> -> memref<10000xf32, #tpu.memory_space<hbm>>
    tpu.enqueue_dma source(%dma_start3A_409 : memref<10000xf32, #tpu.memory_space<hbm>>) target(%arg11 : memref<10000xf32, #tpu.memory_space<vmem>>) target_semaphore(%arg15 : memref<!tpu.dma_semaphore, #tpu.memory_space<semaphore_mem>>)
    "tpu.region"() ({
      %run_scoped3A = tpu.sem_alloc : memref<!tpu.dma_semaphore, #tpu.memory_space<semaphore_mem>>
      %dma_start3A_899 = arith.constant 0 : i32
      %dma_start3A_900 = tpu.memref_slice %arg17[%dma_start3A_899] : memref<100096xf32, #tpu.memory_space<vmem_shared>> -> memref<100096xf32, #tpu.memory_space<vmem_shared>>
      tpu.enqueue_indirect_dma source(%arg12 : memref<10000xf32, #tpu.memory_space<vmem>>) target(%dma_start3A_900 : memref<100096xf32, #tpu.memory_space<vmem_shared>>) offsets(%arg10 : memref<10000xi32, #tpu.memory_space<vmem>>) semaphore(%run_scoped3A : memref<!tpu.dma_semaphore, #tpu.memory_space<semaphore_mem>>) {add = true}
      %dma_wait3A_901 = arith.constant 0 : i32
      %dma_wait3A_902 = tpu.memref_slice %arg17[%dma_wait3A_901] : memref<100096xf32, #tpu.memory_space<vmem_shared>> -> memref<100096xf32, #tpu.memory_space<vmem_shared>>
      tpu.wait_indirect_dma semaphore(%run_scoped3A : memref<!tpu.dma_semaphore, #tpu.memory_space<semaphore_mem>>) src(%arg12 : memref<10000xf32, #tpu.memory_space<vmem>>) dst(%dma_wait3A_902 : memref<100096xf32, #tpu.memory_space<vmem_shared>>)
      tpu.yield
    }) : () -> ()
    %dma_wait3A_410 = tpu.memref_slice %arg3[%multiple_of3A_407] : memref<6400000xf32, #tpu.memory_space<hbm>> -> memref<10000xf32, #tpu.memory_space<hbm>>
    %dma_wait3A_411 = tpu.memref_slice %arg3[%multiple_of3A_407] : memref<6400000xf32, #tpu.memory_space<hbm>> -> memref<10000xf32, #tpu.memory_space<hbm>>
    tpu.wait_dma2 semaphore(%arg15 : memref<!tpu.dma_semaphore, #tpu.memory_space<semaphore_mem>>) src(%dma_wait3A_411 : memref<10000xf32, #tpu.memory_space<hbm>>) dst(%arg11 : memref<10000xf32, #tpu.memory_space<vmem>>)
    %add3A_412 = arith.constant 90000 : i32
    %add3A_413 = arith.addi %mul3A_10, %add3A_412 : i32
    %multiple_of3A_414 = tpu.assume_multiple %add3A_413, 16 : i32
    %dma_start3A_415 = tpu.memref_slice %arg4[%multiple_of3A_414] : memref<6400000xf32, #tpu.memory_space<hbm>> -> memref<10000xf32, #tpu.memory_space<hbm>>
    %dma_start3A_416 = tpu.memref_slice %arg4[%multiple_of3A_414] : memref<6400000xf32, #tpu.memory_space<hbm>> -> memref<10000xf32, #tpu.memory_space<hbm>>
    tpu.enqueue_dma source(%dma_start3A_416 : memref<10000xf32, #tpu.memory_space<hbm>>) target(%arg12 : memref<10000xf32, #tpu.memory_space<vmem>>) target_semaphore(%arg16 : memref<!tpu.dma_semaphore, #tpu.memory_space<semaphore_mem>>)
    "tpu.region"() ({
      %run_scoped3A = tpu.sem_alloc : memref<!tpu.dma_semaphore, #tpu.memory_space<semaphore_mem>>
      %dma_start3A_899 = arith.constant 0 : i32
      %dma_start3A_900 = tpu.memref_slice %arg18[%dma_start3A_899] : memref<100096xf32, #tpu.memory_space<vmem_shared>> -> memref<100096xf32, #tpu.memory_space<vmem_shared>>
      tpu.enqueue_indirect_dma source(%arg11 : memref<10000xf32, #tpu.memory_space<vmem>>) target(%dma_start3A_900 : memref<100096xf32, #tpu.memory_space<vmem_shared>>) offsets(%arg10 : memref<10000xi32, #tpu.memory_space<vmem>>) semaphore(%run_scoped3A : memref<!tpu.dma_semaphore, #tpu.memory_space<semaphore_mem>>) {add = true}
      %dma_wait3A_901 = arith.constant 0 : i32
      %dma_wait3A_902 = tpu.memref_slice %arg18[%dma_wait3A_901] : memref<100096xf32, #tpu.memory_space<vmem_shared>> -> memref<100096xf32, #tpu.memory_space<vmem_shared>>
      tpu.wait_indirect_dma semaphore(%run_scoped3A : memref<!tpu.dma_semaphore, #tpu.memory_space<semaphore_mem>>) src(%arg11 : memref<10000xf32, #tpu.memory_space<vmem>>) dst(%dma_wait3A_902 : memref<100096xf32, #tpu.memory_space<vmem_shared>>)
      tpu.yield
    }) : () -> ()
    %dma_wait3A_417 = tpu.memref_slice %arg4[%multiple_of3A_414] : memref<6400000xf32, #tpu.memory_space<hbm>> -> memref<10000xf32, #tpu.memory_space<hbm>>
    %dma_wait3A_418 = tpu.memref_slice %arg4[%multiple_of3A_414] : memref<6400000xf32, #tpu.memory_space<hbm>> -> memref<10000xf32, #tpu.memory_space<hbm>>
    tpu.wait_dma2 semaphore(%arg16 : memref<!tpu.dma_semaphore, #tpu.memory_space<semaphore_mem>>) src(%dma_wait3A_418 : memref<10000xf32, #tpu.memory_space<hbm>>) dst(%arg12 : memref<10000xf32, #tpu.memory_space<vmem>>)
    %add3A_419 = arith.constant 90000 : i32
    %add3A_420 = arith.addi %mul3A_10, %add3A_419 : i32
    %multiple_of3A_421 = tpu.assume_multiple %add3A_420, 16 : i32
    %dma_start3A_422 = tpu.memref_slice %arg5[%multiple_of3A_421] : memref<6400000xf32, #tpu.memory_space<hbm>> -> memref<10000xf32, #tpu.memory_space<hbm>>
    %dma_start3A_423 = tpu.memref_slice %arg5[%multiple_of3A_421] : memref<6400000xf32, #tpu.memory_space<hbm>> -> memref<10000xf32, #tpu.memory_space<hbm>>
    tpu.enqueue_dma source(%dma_start3A_423 : memref<10000xf32, #tpu.memory_space<hbm>>) target(%arg11 : memref<10000xf32, #tpu.memory_space<vmem>>) target_semaphore(%arg15 : memref<!tpu.dma_semaphore, #tpu.memory_space<semaphore_mem>>)
    "tpu.region"() ({
      %run_scoped3A = tpu.sem_alloc : memref<!tpu.dma_semaphore, #tpu.memory_space<semaphore_mem>>
      %dma_start3A_899 = arith.constant 0 : i32
      %dma_start3A_900 = tpu.memref_slice %arg19[%dma_start3A_899] : memref<100096xf32, #tpu.memory_space<vmem_shared>> -> memref<100096xf32, #tpu.memory_space<vmem_shared>>
      tpu.enqueue_indirect_dma source(%arg12 : memref<10000xf32, #tpu.memory_space<vmem>>) target(%dma_start3A_900 : memref<100096xf32, #tpu.memory_space<vmem_shared>>) offsets(%arg10 : memref<10000xi32, #tpu.memory_space<vmem>>) semaphore(%run_scoped3A : memref<!tpu.dma_semaphore, #tpu.memory_space<semaphore_mem>>) {add = true}
      %dma_wait3A_901 = arith.constant 0 : i32
      %dma_wait3A_902 = tpu.memref_slice %arg19[%dma_wait3A_901] : memref<100096xf32, #tpu.memory_space<vmem_shared>> -> memref<100096xf32, #tpu.memory_space<vmem_shared>>
      tpu.wait_indirect_dma semaphore(%run_scoped3A : memref<!tpu.dma_semaphore, #tpu.memory_space<semaphore_mem>>) src(%arg12 : memref<10000xf32, #tpu.memory_space<vmem>>) dst(%dma_wait3A_902 : memref<100096xf32, #tpu.memory_space<vmem_shared>>)
      tpu.yield
    }) : () -> ()
    %dma_wait3A_424 = tpu.memref_slice %arg5[%multiple_of3A_421] : memref<6400000xf32, #tpu.memory_space<hbm>> -> memref<10000xf32, #tpu.memory_space<hbm>>
    %dma_wait3A_425 = tpu.memref_slice %arg5[%multiple_of3A_421] : memref<6400000xf32, #tpu.memory_space<hbm>> -> memref<10000xf32, #tpu.memory_space<hbm>>
    tpu.wait_dma2 semaphore(%arg15 : memref<!tpu.dma_semaphore, #tpu.memory_space<semaphore_mem>>) src(%dma_wait3A_425 : memref<10000xf32, #tpu.memory_space<hbm>>) dst(%arg11 : memref<10000xf32, #tpu.memory_space<vmem>>)
    %add3A_426 = arith.constant 90000 : i32
    %add3A_427 = arith.addi %mul3A_10, %add3A_426 : i32
    %multiple_of3A_428 = tpu.assume_multiple %add3A_427, 16 : i32
    %dma_start3A_429 = tpu.memref_slice %arg6[%multiple_of3A_428] : memref<6400000xf32, #tpu.memory_space<hbm>> -> memref<10000xf32, #tpu.memory_space<hbm>>
    %dma_start3A_430 = tpu.memref_slice %arg6[%multiple_of3A_428] : memref<6400000xf32, #tpu.memory_space<hbm>> -> memref<10000xf32, #tpu.memory_space<hbm>>
    tpu.enqueue_dma source(%dma_start3A_430 : memref<10000xf32, #tpu.memory_space<hbm>>) target(%arg12 : memref<10000xf32, #tpu.memory_space<vmem>>) target_semaphore(%arg16 : memref<!tpu.dma_semaphore, #tpu.memory_space<semaphore_mem>>)
    "tpu.region"() ({
      %run_scoped3A = tpu.sem_alloc : memref<!tpu.dma_semaphore, #tpu.memory_space<semaphore_mem>>
      %dma_start3A_899 = arith.constant 0 : i32
      %dma_start3A_900 = tpu.memref_slice %arg20[%dma_start3A_899] : memref<100096xf32, #tpu.memory_space<vmem_shared>> -> memref<100096xf32, #tpu.memory_space<vmem_shared>>
      tpu.enqueue_indirect_dma source(%arg11 : memref<10000xf32, #tpu.memory_space<vmem>>) target(%dma_start3A_900 : memref<100096xf32, #tpu.memory_space<vmem_shared>>) offsets(%arg10 : memref<10000xi32, #tpu.memory_space<vmem>>) semaphore(%run_scoped3A : memref<!tpu.dma_semaphore, #tpu.memory_space<semaphore_mem>>) {add = true}
      %dma_wait3A_901 = arith.constant 0 : i32
      %dma_wait3A_902 = tpu.memref_slice %arg20[%dma_wait3A_901] : memref<100096xf32, #tpu.memory_space<vmem_shared>> -> memref<100096xf32, #tpu.memory_space<vmem_shared>>
      tpu.wait_indirect_dma semaphore(%run_scoped3A : memref<!tpu.dma_semaphore, #tpu.memory_space<semaphore_mem>>) src(%arg11 : memref<10000xf32, #tpu.memory_space<vmem>>) dst(%dma_wait3A_902 : memref<100096xf32, #tpu.memory_space<vmem_shared>>)
      tpu.yield
    }) : () -> ()
    %dma_wait3A_431 = tpu.memref_slice %arg6[%multiple_of3A_428] : memref<6400000xf32, #tpu.memory_space<hbm>> -> memref<10000xf32, #tpu.memory_space<hbm>>
    %dma_wait3A_432 = tpu.memref_slice %arg6[%multiple_of3A_428] : memref<6400000xf32, #tpu.memory_space<hbm>> -> memref<10000xf32, #tpu.memory_space<hbm>>
    tpu.wait_dma2 semaphore(%arg16 : memref<!tpu.dma_semaphore, #tpu.memory_space<semaphore_mem>>) src(%dma_wait3A_432 : memref<10000xf32, #tpu.memory_space<hbm>>) dst(%arg12 : memref<10000xf32, #tpu.memory_space<vmem>>)
    %add3A_433 = arith.constant 100000 : i32
    %add3A_434 = arith.addi %mul3A_10, %add3A_433 : i32
    %multiple_of3A_435 = tpu.assume_multiple %add3A_434, 16 : i32
    %dma_start3A_436 = tpu.memref_slice %arg2[%multiple_of3A_435] : memref<6400000xf32, #tpu.memory_space<hbm>> -> memref<10000xf32, #tpu.memory_space<hbm>>
    %dma_start3A_437 = tpu.memref_slice %arg2[%multiple_of3A_435] : memref<6400000xf32, #tpu.memory_space<hbm>> -> memref<10000xf32, #tpu.memory_space<hbm>>
    tpu.enqueue_dma source(%dma_start3A_437 : memref<10000xf32, #tpu.memory_space<hbm>>) target(%arg11 : memref<10000xf32, #tpu.memory_space<vmem>>) target_semaphore(%arg15 : memref<!tpu.dma_semaphore, #tpu.memory_space<semaphore_mem>>)
    "tpu.region"() ({
      %run_scoped3A = tpu.sem_alloc : memref<!tpu.dma_semaphore, #tpu.memory_space<semaphore_mem>>
      %dma_start3A_899 = arith.constant 0 : i32
      %dma_start3A_900 = tpu.memref_slice %arg21[%dma_start3A_899] : memref<100096xf32, #tpu.memory_space<vmem_shared>> -> memref<100096xf32, #tpu.memory_space<vmem_shared>>
      tpu.enqueue_indirect_dma source(%arg12 : memref<10000xf32, #tpu.memory_space<vmem>>) target(%dma_start3A_900 : memref<100096xf32, #tpu.memory_space<vmem_shared>>) offsets(%arg10 : memref<10000xi32, #tpu.memory_space<vmem>>) semaphore(%run_scoped3A : memref<!tpu.dma_semaphore, #tpu.memory_space<semaphore_mem>>) {add = true}
      %dma_wait3A_901 = arith.constant 0 : i32
      %dma_wait3A_902 = tpu.memref_slice %arg21[%dma_wait3A_901] : memref<100096xf32, #tpu.memory_space<vmem_shared>> -> memref<100096xf32, #tpu.memory_space<vmem_shared>>
      tpu.wait_indirect_dma semaphore(%run_scoped3A : memref<!tpu.dma_semaphore, #tpu.memory_space<semaphore_mem>>) src(%arg12 : memref<10000xf32, #tpu.memory_space<vmem>>) dst(%dma_wait3A_902 : memref<100096xf32, #tpu.memory_space<vmem_shared>>)
      tpu.yield
    }) : () -> ()
    %dma_wait3A_438 = tpu.memref_slice %arg7[%multiple_of3A_400] : memref<6400000xi32, #tpu.memory_space<hbm>> -> memref<10000xi32, #tpu.memory_space<hbm>>
    %dma_wait3A_439 = tpu.memref_slice %arg7[%multiple_of3A_400] : memref<6400000xi32, #tpu.memory_space<hbm>> -> memref<10000xi32, #tpu.memory_space<hbm>>
    tpu.wait_dma2 semaphore(%arg14 : memref<!tpu.dma_semaphore, #tpu.memory_space<semaphore_mem>>) src(%dma_wait3A_439 : memref<10000xi32, #tpu.memory_space<hbm>>) dst(%arg9 : memref<10000xi32, #tpu.memory_space<vmem>>)
    %add3A_440 = arith.constant 110000 : i32
    %add3A_441 = arith.addi %mul3A_10, %add3A_440 : i32
    %multiple_of3A_442 = tpu.assume_multiple %add3A_441, 16 : i32
    %dma_start3A_443 = tpu.memref_slice %arg7[%multiple_of3A_442] : memref<6400000xi32, #tpu.memory_space<hbm>> -> memref<10000xi32, #tpu.memory_space<hbm>>
    %dma_start3A_444 = tpu.memref_slice %arg7[%multiple_of3A_442] : memref<6400000xi32, #tpu.memory_space<hbm>> -> memref<10000xi32, #tpu.memory_space<hbm>>
    tpu.enqueue_dma source(%dma_start3A_444 : memref<10000xi32, #tpu.memory_space<hbm>>) target(%arg10 : memref<10000xi32, #tpu.memory_space<vmem>>) target_semaphore(%arg14 : memref<!tpu.dma_semaphore, #tpu.memory_space<semaphore_mem>>)
    %dma_wait3A_445 = tpu.memref_slice %arg2[%multiple_of3A_435] : memref<6400000xf32, #tpu.memory_space<hbm>> -> memref<10000xf32, #tpu.memory_space<hbm>>
    %dma_wait3A_446 = tpu.memref_slice %arg2[%multiple_of3A_435] : memref<6400000xf32, #tpu.memory_space<hbm>> -> memref<10000xf32, #tpu.memory_space<hbm>>
    tpu.wait_dma2 semaphore(%arg15 : memref<!tpu.dma_semaphore, #tpu.memory_space<semaphore_mem>>) src(%dma_wait3A_446 : memref<10000xf32, #tpu.memory_space<hbm>>) dst(%arg11 : memref<10000xf32, #tpu.memory_space<vmem>>)
    %add3A_447 = arith.constant 100000 : i32
    %add3A_448 = arith.addi %mul3A_10, %add3A_447 : i32
    %multiple_of3A_449 = tpu.assume_multiple %add3A_448, 16 : i32
    %dma_start3A_450 = tpu.memref_slice %arg3[%multiple_of3A_449] : memref<6400000xf32, #tpu.memory_space<hbm>> -> memref<10000xf32, #tpu.memory_space<hbm>>
    %dma_start3A_451 = tpu.memref_slice %arg3[%multiple_of3A_449] : memref<6400000xf32, #tpu.memory_space<hbm>> -> memref<10000xf32, #tpu.memory_space<hbm>>
    tpu.enqueue_dma source(%dma_start3A_451 : memref<10000xf32, #tpu.memory_space<hbm>>) target(%arg12 : memref<10000xf32, #tpu.memory_space<vmem>>) target_semaphore(%arg16 : memref<!tpu.dma_semaphore, #tpu.memory_space<semaphore_mem>>)
    "tpu.region"() ({
      %run_scoped3A = tpu.sem_alloc : memref<!tpu.dma_semaphore, #tpu.memory_space<semaphore_mem>>
      %dma_start3A_899 = arith.constant 0 : i32
      %dma_start3A_900 = tpu.memref_slice %arg17[%dma_start3A_899] : memref<100096xf32, #tpu.memory_space<vmem_shared>> -> memref<100096xf32, #tpu.memory_space<vmem_shared>>
      tpu.enqueue_indirect_dma source(%arg11 : memref<10000xf32, #tpu.memory_space<vmem>>) target(%dma_start3A_900 : memref<100096xf32, #tpu.memory_space<vmem_shared>>) offsets(%arg9 : memref<10000xi32, #tpu.memory_space<vmem>>) semaphore(%run_scoped3A : memref<!tpu.dma_semaphore, #tpu.memory_space<semaphore_mem>>) {add = true}
      %dma_wait3A_901 = arith.constant 0 : i32
      %dma_wait3A_902 = tpu.memref_slice %arg17[%dma_wait3A_901] : memref<100096xf32, #tpu.memory_space<vmem_shared>> -> memref<100096xf32, #tpu.memory_space<vmem_shared>>
      tpu.wait_indirect_dma semaphore(%run_scoped3A : memref<!tpu.dma_semaphore, #tpu.memory_space<semaphore_mem>>) src(%arg11 : memref<10000xf32, #tpu.memory_space<vmem>>) dst(%dma_wait3A_902 : memref<100096xf32, #tpu.memory_space<vmem_shared>>)
      tpu.yield
    }) : () -> ()
    %dma_wait3A_452 = tpu.memref_slice %arg3[%multiple_of3A_449] : memref<6400000xf32, #tpu.memory_space<hbm>> -> memref<10000xf32, #tpu.memory_space<hbm>>
    %dma_wait3A_453 = tpu.memref_slice %arg3[%multiple_of3A_449] : memref<6400000xf32, #tpu.memory_space<hbm>> -> memref<10000xf32, #tpu.memory_space<hbm>>
    tpu.wait_dma2 semaphore(%arg16 : memref<!tpu.dma_semaphore, #tpu.memory_space<semaphore_mem>>) src(%dma_wait3A_453 : memref<10000xf32, #tpu.memory_space<hbm>>) dst(%arg12 : memref<10000xf32, #tpu.memory_space<vmem>>)
    %add3A_454 = arith.constant 100000 : i32
    %add3A_455 = arith.addi %mul3A_10, %add3A_454 : i32
    %multiple_of3A_456 = tpu.assume_multiple %add3A_455, 16 : i32
    %dma_start3A_457 = tpu.memref_slice %arg4[%multiple_of3A_456] : memref<6400000xf32, #tpu.memory_space<hbm>> -> memref<10000xf32, #tpu.memory_space<hbm>>
    %dma_start3A_458 = tpu.memref_slice %arg4[%multiple_of3A_456] : memref<6400000xf32, #tpu.memory_space<hbm>> -> memref<10000xf32, #tpu.memory_space<hbm>>
    tpu.enqueue_dma source(%dma_start3A_458 : memref<10000xf32, #tpu.memory_space<hbm>>) target(%arg11 : memref<10000xf32, #tpu.memory_space<vmem>>) target_semaphore(%arg15 : memref<!tpu.dma_semaphore, #tpu.memory_space<semaphore_mem>>)
    "tpu.region"() ({
      %run_scoped3A = tpu.sem_alloc : memref<!tpu.dma_semaphore, #tpu.memory_space<semaphore_mem>>
      %dma_start3A_899 = arith.constant 0 : i32
      %dma_start3A_900 = tpu.memref_slice %arg18[%dma_start3A_899] : memref<100096xf32, #tpu.memory_space<vmem_shared>> -> memref<100096xf32, #tpu.memory_space<vmem_shared>>
      tpu.enqueue_indirect_dma source(%arg12 : memref<10000xf32, #tpu.memory_space<vmem>>) target(%dma_start3A_900 : memref<100096xf32, #tpu.memory_space<vmem_shared>>) offsets(%arg9 : memref<10000xi32, #tpu.memory_space<vmem>>) semaphore(%run_scoped3A : memref<!tpu.dma_semaphore, #tpu.memory_space<semaphore_mem>>) {add = true}
      %dma_wait3A_901 = arith.constant 0 : i32
      %dma_wait3A_902 = tpu.memref_slice %arg18[%dma_wait3A_901] : memref<100096xf32, #tpu.memory_space<vmem_shared>> -> memref<100096xf32, #tpu.memory_space<vmem_shared>>
      tpu.wait_indirect_dma semaphore(%run_scoped3A : memref<!tpu.dma_semaphore, #tpu.memory_space<semaphore_mem>>) src(%arg12 : memref<10000xf32, #tpu.memory_space<vmem>>) dst(%dma_wait3A_902 : memref<100096xf32, #tpu.memory_space<vmem_shared>>)
      tpu.yield
    }) : () -> ()
    %dma_wait3A_459 = tpu.memref_slice %arg4[%multiple_of3A_456] : memref<6400000xf32, #tpu.memory_space<hbm>> -> memref<10000xf32, #tpu.memory_space<hbm>>
    %dma_wait3A_460 = tpu.memref_slice %arg4[%multiple_of3A_456] : memref<6400000xf32, #tpu.memory_space<hbm>> -> memref<10000xf32, #tpu.memory_space<hbm>>
    tpu.wait_dma2 semaphore(%arg15 : memref<!tpu.dma_semaphore, #tpu.memory_space<semaphore_mem>>) src(%dma_wait3A_460 : memref<10000xf32, #tpu.memory_space<hbm>>) dst(%arg11 : memref<10000xf32, #tpu.memory_space<vmem>>)
    %add3A_461 = arith.constant 100000 : i32
    %add3A_462 = arith.addi %mul3A_10, %add3A_461 : i32
    %multiple_of3A_463 = tpu.assume_multiple %add3A_462, 16 : i32
    %dma_start3A_464 = tpu.memref_slice %arg5[%multiple_of3A_463] : memref<6400000xf32, #tpu.memory_space<hbm>> -> memref<10000xf32, #tpu.memory_space<hbm>>
    %dma_start3A_465 = tpu.memref_slice %arg5[%multiple_of3A_463] : memref<6400000xf32, #tpu.memory_space<hbm>> -> memref<10000xf32, #tpu.memory_space<hbm>>
    tpu.enqueue_dma source(%dma_start3A_465 : memref<10000xf32, #tpu.memory_space<hbm>>) target(%arg12 : memref<10000xf32, #tpu.memory_space<vmem>>) target_semaphore(%arg16 : memref<!tpu.dma_semaphore, #tpu.memory_space<semaphore_mem>>)
    "tpu.region"() ({
      %run_scoped3A = tpu.sem_alloc : memref<!tpu.dma_semaphore, #tpu.memory_space<semaphore_mem>>
      %dma_start3A_899 = arith.constant 0 : i32
      %dma_start3A_900 = tpu.memref_slice %arg19[%dma_start3A_899] : memref<100096xf32, #tpu.memory_space<vmem_shared>> -> memref<100096xf32, #tpu.memory_space<vmem_shared>>
      tpu.enqueue_indirect_dma source(%arg11 : memref<10000xf32, #tpu.memory_space<vmem>>) target(%dma_start3A_900 : memref<100096xf32, #tpu.memory_space<vmem_shared>>) offsets(%arg9 : memref<10000xi32, #tpu.memory_space<vmem>>) semaphore(%run_scoped3A : memref<!tpu.dma_semaphore, #tpu.memory_space<semaphore_mem>>) {add = true}
      %dma_wait3A_901 = arith.constant 0 : i32
      %dma_wait3A_902 = tpu.memref_slice %arg19[%dma_wait3A_901] : memref<100096xf32, #tpu.memory_space<vmem_shared>> -> memref<100096xf32, #tpu.memory_space<vmem_shared>>
      tpu.wait_indirect_dma semaphore(%run_scoped3A : memref<!tpu.dma_semaphore, #tpu.memory_space<semaphore_mem>>) src(%arg11 : memref<10000xf32, #tpu.memory_space<vmem>>) dst(%dma_wait3A_902 : memref<100096xf32, #tpu.memory_space<vmem_shared>>)
      tpu.yield
    }) : () -> ()
    %dma_wait3A_466 = tpu.memref_slice %arg5[%multiple_of3A_463] : memref<6400000xf32, #tpu.memory_space<hbm>> -> memref<10000xf32, #tpu.memory_space<hbm>>
    %dma_wait3A_467 = tpu.memref_slice %arg5[%multiple_of3A_463] : memref<6400000xf32, #tpu.memory_space<hbm>> -> memref<10000xf32, #tpu.memory_space<hbm>>
    tpu.wait_dma2 semaphore(%arg16 : memref<!tpu.dma_semaphore, #tpu.memory_space<semaphore_mem>>) src(%dma_wait3A_467 : memref<10000xf32, #tpu.memory_space<hbm>>) dst(%arg12 : memref<10000xf32, #tpu.memory_space<vmem>>)
    %add3A_468 = arith.constant 100000 : i32
    %add3A_469 = arith.addi %mul3A_10, %add3A_468 : i32
    %multiple_of3A_470 = tpu.assume_multiple %add3A_469, 16 : i32
    %dma_start3A_471 = tpu.memref_slice %arg6[%multiple_of3A_470] : memref<6400000xf32, #tpu.memory_space<hbm>> -> memref<10000xf32, #tpu.memory_space<hbm>>
    %dma_start3A_472 = tpu.memref_slice %arg6[%multiple_of3A_470] : memref<6400000xf32, #tpu.memory_space<hbm>> -> memref<10000xf32, #tpu.memory_space<hbm>>
    tpu.enqueue_dma source(%dma_start3A_472 : memref<10000xf32, #tpu.memory_space<hbm>>) target(%arg11 : memref<10000xf32, #tpu.memory_space<vmem>>) target_semaphore(%arg15 : memref<!tpu.dma_semaphore, #tpu.memory_space<semaphore_mem>>)
    "tpu.region"() ({
      %run_scoped3A = tpu.sem_alloc : memref<!tpu.dma_semaphore, #tpu.memory_space<semaphore_mem>>
      %dma_start3A_899 = arith.constant 0 : i32
      %dma_start3A_900 = tpu.memref_slice %arg20[%dma_start3A_899] : memref<100096xf32, #tpu.memory_space<vmem_shared>> -> memref<100096xf32, #tpu.memory_space<vmem_shared>>
      tpu.enqueue_indirect_dma source(%arg12 : memref<10000xf32, #tpu.memory_space<vmem>>) target(%dma_start3A_900 : memref<100096xf32, #tpu.memory_space<vmem_shared>>) offsets(%arg9 : memref<10000xi32, #tpu.memory_space<vmem>>) semaphore(%run_scoped3A : memref<!tpu.dma_semaphore, #tpu.memory_space<semaphore_mem>>) {add = true}
      %dma_wait3A_901 = arith.constant 0 : i32
      %dma_wait3A_902 = tpu.memref_slice %arg20[%dma_wait3A_901] : memref<100096xf32, #tpu.memory_space<vmem_shared>> -> memref<100096xf32, #tpu.memory_space<vmem_shared>>
      tpu.wait_indirect_dma semaphore(%run_scoped3A : memref<!tpu.dma_semaphore, #tpu.memory_space<semaphore_mem>>) src(%arg12 : memref<10000xf32, #tpu.memory_space<vmem>>) dst(%dma_wait3A_902 : memref<100096xf32, #tpu.memory_space<vmem_shared>>)
      tpu.yield
    }) : () -> ()
    %dma_wait3A_473 = tpu.memref_slice %arg6[%multiple_of3A_470] : memref<6400000xf32, #tpu.memory_space<hbm>> -> memref<10000xf32, #tpu.memory_space<hbm>>
    %dma_wait3A_474 = tpu.memref_slice %arg6[%multiple_of3A_470] : memref<6400000xf32, #tpu.memory_space<hbm>> -> memref<10000xf32, #tpu.memory_space<hbm>>
    tpu.wait_dma2 semaphore(%arg15 : memref<!tpu.dma_semaphore, #tpu.memory_space<semaphore_mem>>) src(%dma_wait3A_474 : memref<10000xf32, #tpu.memory_space<hbm>>) dst(%arg11 : memref<10000xf32, #tpu.memory_space<vmem>>)
    %add3A_475 = arith.constant 110000 : i32
    %add3A_476 = arith.addi %mul3A_10, %add3A_475 : i32
    %multiple_of3A_477 = tpu.assume_multiple %add3A_476, 16 : i32
    %dma_start3A_478 = tpu.memref_slice %arg2[%multiple_of3A_477] : memref<6400000xf32, #tpu.memory_space<hbm>> -> memref<10000xf32, #tpu.memory_space<hbm>>
    %dma_start3A_479 = tpu.memref_slice %arg2[%multiple_of3A_477] : memref<6400000xf32, #tpu.memory_space<hbm>> -> memref<10000xf32, #tpu.memory_space<hbm>>
    tpu.enqueue_dma source(%dma_start3A_479 : memref<10000xf32, #tpu.memory_space<hbm>>) target(%arg12 : memref<10000xf32, #tpu.memory_space<vmem>>) target_semaphore(%arg16 : memref<!tpu.dma_semaphore, #tpu.memory_space<semaphore_mem>>)
    "tpu.region"() ({
      %run_scoped3A = tpu.sem_alloc : memref<!tpu.dma_semaphore, #tpu.memory_space<semaphore_mem>>
      %dma_start3A_899 = arith.constant 0 : i32
      %dma_start3A_900 = tpu.memref_slice %arg21[%dma_start3A_899] : memref<100096xf32, #tpu.memory_space<vmem_shared>> -> memref<100096xf32, #tpu.memory_space<vmem_shared>>
      tpu.enqueue_indirect_dma source(%arg11 : memref<10000xf32, #tpu.memory_space<vmem>>) target(%dma_start3A_900 : memref<100096xf32, #tpu.memory_space<vmem_shared>>) offsets(%arg9 : memref<10000xi32, #tpu.memory_space<vmem>>) semaphore(%run_scoped3A : memref<!tpu.dma_semaphore, #tpu.memory_space<semaphore_mem>>) {add = true}
      %dma_wait3A_901 = arith.constant 0 : i32
      %dma_wait3A_902 = tpu.memref_slice %arg21[%dma_wait3A_901] : memref<100096xf32, #tpu.memory_space<vmem_shared>> -> memref<100096xf32, #tpu.memory_space<vmem_shared>>
      tpu.wait_indirect_dma semaphore(%run_scoped3A : memref<!tpu.dma_semaphore, #tpu.memory_space<semaphore_mem>>) src(%arg11 : memref<10000xf32, #tpu.memory_space<vmem>>) dst(%dma_wait3A_902 : memref<100096xf32, #tpu.memory_space<vmem_shared>>)
      tpu.yield
    }) : () -> ()
    %dma_wait3A_480 = tpu.memref_slice %arg7[%multiple_of3A_442] : memref<6400000xi32, #tpu.memory_space<hbm>> -> memref<10000xi32, #tpu.memory_space<hbm>>
    %dma_wait3A_481 = tpu.memref_slice %arg7[%multiple_of3A_442] : memref<6400000xi32, #tpu.memory_space<hbm>> -> memref<10000xi32, #tpu.memory_space<hbm>>
    tpu.wait_dma2 semaphore(%arg14 : memref<!tpu.dma_semaphore, #tpu.memory_space<semaphore_mem>>) src(%dma_wait3A_481 : memref<10000xi32, #tpu.memory_space<hbm>>) dst(%arg10 : memref<10000xi32, #tpu.memory_space<vmem>>)
    %add3A_482 = arith.constant 120000 : i32
    %add3A_483 = arith.addi %mul3A_10, %add3A_482 : i32
    %multiple_of3A_484 = tpu.assume_multiple %add3A_483, 16 : i32
    %dma_start3A_485 = tpu.memref_slice %arg7[%multiple_of3A_484] : memref<6400000xi32, #tpu.memory_space<hbm>> -> memref<10000xi32, #tpu.memory_space<hbm>>
    %dma_start3A_486 = tpu.memref_slice %arg7[%multiple_of3A_484] : memref<6400000xi32, #tpu.memory_space<hbm>> -> memref<10000xi32, #tpu.memory_space<hbm>>
    tpu.enqueue_dma source(%dma_start3A_486 : memref<10000xi32, #tpu.memory_space<hbm>>) target(%arg9 : memref<10000xi32, #tpu.memory_space<vmem>>) target_semaphore(%arg14 : memref<!tpu.dma_semaphore, #tpu.memory_space<semaphore_mem>>)
    %dma_wait3A_487 = tpu.memref_slice %arg2[%multiple_of3A_477] : memref<6400000xf32, #tpu.memory_space<hbm>> -> memref<10000xf32, #tpu.memory_space<hbm>>
    %dma_wait3A_488 = tpu.memref_slice %arg2[%multiple_of3A_477] : memref<6400000xf32, #tpu.memory_space<hbm>> -> memref<10000xf32, #tpu.memory_space<hbm>>
    tpu.wait_dma2 semaphore(%arg16 : memref<!tpu.dma_semaphore, #tpu.memory_space<semaphore_mem>>) src(%dma_wait3A_488 : memref<10000xf32, #tpu.memory_space<hbm>>) dst(%arg12 : memref<10000xf32, #tpu.memory_space<vmem>>)
    %add3A_489 = arith.constant 110000 : i32
    %add3A_490 = arith.addi %mul3A_10, %add3A_489 : i32
    %multiple_of3A_491 = tpu.assume_multiple %add3A_490, 16 : i32
    %dma_start3A_492 = tpu.memref_slice %arg3[%multiple_of3A_491] : memref<6400000xf32, #tpu.memory_space<hbm>> -> memref<10000xf32, #tpu.memory_space<hbm>>
    %dma_start3A_493 = tpu.memref_slice %arg3[%multiple_of3A_491] : memref<6400000xf32, #tpu.memory_space<hbm>> -> memref<10000xf32, #tpu.memory_space<hbm>>
    tpu.enqueue_dma source(%dma_start3A_493 : memref<10000xf32, #tpu.memory_space<hbm>>) target(%arg11 : memref<10000xf32, #tpu.memory_space<vmem>>) target_semaphore(%arg15 : memref<!tpu.dma_semaphore, #tpu.memory_space<semaphore_mem>>)
    "tpu.region"() ({
      %run_scoped3A = tpu.sem_alloc : memref<!tpu.dma_semaphore, #tpu.memory_space<semaphore_mem>>
      %dma_start3A_899 = arith.constant 0 : i32
      %dma_start3A_900 = tpu.memref_slice %arg17[%dma_start3A_899] : memref<100096xf32, #tpu.memory_space<vmem_shared>> -> memref<100096xf32, #tpu.memory_space<vmem_shared>>
      tpu.enqueue_indirect_dma source(%arg12 : memref<10000xf32, #tpu.memory_space<vmem>>) target(%dma_start3A_900 : memref<100096xf32, #tpu.memory_space<vmem_shared>>) offsets(%arg10 : memref<10000xi32, #tpu.memory_space<vmem>>) semaphore(%run_scoped3A : memref<!tpu.dma_semaphore, #tpu.memory_space<semaphore_mem>>) {add = true}
      %dma_wait3A_901 = arith.constant 0 : i32
      %dma_wait3A_902 = tpu.memref_slice %arg17[%dma_wait3A_901] : memref<100096xf32, #tpu.memory_space<vmem_shared>> -> memref<100096xf32, #tpu.memory_space<vmem_shared>>
      tpu.wait_indirect_dma semaphore(%run_scoped3A : memref<!tpu.dma_semaphore, #tpu.memory_space<semaphore_mem>>) src(%arg12 : memref<10000xf32, #tpu.memory_space<vmem>>) dst(%dma_wait3A_902 : memref<100096xf32, #tpu.memory_space<vmem_shared>>)
      tpu.yield
    }) : () -> ()
    %dma_wait3A_494 = tpu.memref_slice %arg3[%multiple_of3A_491] : memref<6400000xf32, #tpu.memory_space<hbm>> -> memref<10000xf32, #tpu.memory_space<hbm>>
    %dma_wait3A_495 = tpu.memref_slice %arg3[%multiple_of3A_491] : memref<6400000xf32, #tpu.memory_space<hbm>> -> memref<10000xf32, #tpu.memory_space<hbm>>
    tpu.wait_dma2 semaphore(%arg15 : memref<!tpu.dma_semaphore, #tpu.memory_space<semaphore_mem>>) src(%dma_wait3A_495 : memref<10000xf32, #tpu.memory_space<hbm>>) dst(%arg11 : memref<10000xf32, #tpu.memory_space<vmem>>)
    %add3A_496 = arith.constant 110000 : i32
    %add3A_497 = arith.addi %mul3A_10, %add3A_496 : i32
    %multiple_of3A_498 = tpu.assume_multiple %add3A_497, 16 : i32
    %dma_start3A_499 = tpu.memref_slice %arg4[%multiple_of3A_498] : memref<6400000xf32, #tpu.memory_space<hbm>> -> memref<10000xf32, #tpu.memory_space<hbm>>
    %dma_start3A_500 = tpu.memref_slice %arg4[%multiple_of3A_498] : memref<6400000xf32, #tpu.memory_space<hbm>> -> memref<10000xf32, #tpu.memory_space<hbm>>
    tpu.enqueue_dma source(%dma_start3A_500 : memref<10000xf32, #tpu.memory_space<hbm>>) target(%arg12 : memref<10000xf32, #tpu.memory_space<vmem>>) target_semaphore(%arg16 : memref<!tpu.dma_semaphore, #tpu.memory_space<semaphore_mem>>)
    "tpu.region"() ({
      %run_scoped3A = tpu.sem_alloc : memref<!tpu.dma_semaphore, #tpu.memory_space<semaphore_mem>>
      %dma_start3A_899 = arith.constant 0 : i32
      %dma_start3A_900 = tpu.memref_slice %arg18[%dma_start3A_899] : memref<100096xf32, #tpu.memory_space<vmem_shared>> -> memref<100096xf32, #tpu.memory_space<vmem_shared>>
      tpu.enqueue_indirect_dma source(%arg11 : memref<10000xf32, #tpu.memory_space<vmem>>) target(%dma_start3A_900 : memref<100096xf32, #tpu.memory_space<vmem_shared>>) offsets(%arg10 : memref<10000xi32, #tpu.memory_space<vmem>>) semaphore(%run_scoped3A : memref<!tpu.dma_semaphore, #tpu.memory_space<semaphore_mem>>) {add = true}
      %dma_wait3A_901 = arith.constant 0 : i32
      %dma_wait3A_902 = tpu.memref_slice %arg18[%dma_wait3A_901] : memref<100096xf32, #tpu.memory_space<vmem_shared>> -> memref<100096xf32, #tpu.memory_space<vmem_shared>>
      tpu.wait_indirect_dma semaphore(%run_scoped3A : memref<!tpu.dma_semaphore, #tpu.memory_space<semaphore_mem>>) src(%arg11 : memref<10000xf32, #tpu.memory_space<vmem>>) dst(%dma_wait3A_902 : memref<100096xf32, #tpu.memory_space<vmem_shared>>)
      tpu.yield
    }) : () -> ()
    %dma_wait3A_501 = tpu.memref_slice %arg4[%multiple_of3A_498] : memref<6400000xf32, #tpu.memory_space<hbm>> -> memref<10000xf32, #tpu.memory_space<hbm>>
    %dma_wait3A_502 = tpu.memref_slice %arg4[%multiple_of3A_498] : memref<6400000xf32, #tpu.memory_space<hbm>> -> memref<10000xf32, #tpu.memory_space<hbm>>
    tpu.wait_dma2 semaphore(%arg16 : memref<!tpu.dma_semaphore, #tpu.memory_space<semaphore_mem>>) src(%dma_wait3A_502 : memref<10000xf32, #tpu.memory_space<hbm>>) dst(%arg12 : memref<10000xf32, #tpu.memory_space<vmem>>)
    %add3A_503 = arith.constant 110000 : i32
    %add3A_504 = arith.addi %mul3A_10, %add3A_503 : i32
    %multiple_of3A_505 = tpu.assume_multiple %add3A_504, 16 : i32
    %dma_start3A_506 = tpu.memref_slice %arg5[%multiple_of3A_505] : memref<6400000xf32, #tpu.memory_space<hbm>> -> memref<10000xf32, #tpu.memory_space<hbm>>
    %dma_start3A_507 = tpu.memref_slice %arg5[%multiple_of3A_505] : memref<6400000xf32, #tpu.memory_space<hbm>> -> memref<10000xf32, #tpu.memory_space<hbm>>
    tpu.enqueue_dma source(%dma_start3A_507 : memref<10000xf32, #tpu.memory_space<hbm>>) target(%arg11 : memref<10000xf32, #tpu.memory_space<vmem>>) target_semaphore(%arg15 : memref<!tpu.dma_semaphore, #tpu.memory_space<semaphore_mem>>)
    "tpu.region"() ({
      %run_scoped3A = tpu.sem_alloc : memref<!tpu.dma_semaphore, #tpu.memory_space<semaphore_mem>>
      %dma_start3A_899 = arith.constant 0 : i32
      %dma_start3A_900 = tpu.memref_slice %arg19[%dma_start3A_899] : memref<100096xf32, #tpu.memory_space<vmem_shared>> -> memref<100096xf32, #tpu.memory_space<vmem_shared>>
      tpu.enqueue_indirect_dma source(%arg12 : memref<10000xf32, #tpu.memory_space<vmem>>) target(%dma_start3A_900 : memref<100096xf32, #tpu.memory_space<vmem_shared>>) offsets(%arg10 : memref<10000xi32, #tpu.memory_space<vmem>>) semaphore(%run_scoped3A : memref<!tpu.dma_semaphore, #tpu.memory_space<semaphore_mem>>) {add = true}
      %dma_wait3A_901 = arith.constant 0 : i32
      %dma_wait3A_902 = tpu.memref_slice %arg19[%dma_wait3A_901] : memref<100096xf32, #tpu.memory_space<vmem_shared>> -> memref<100096xf32, #tpu.memory_space<vmem_shared>>
      tpu.wait_indirect_dma semaphore(%run_scoped3A : memref<!tpu.dma_semaphore, #tpu.memory_space<semaphore_mem>>) src(%arg12 : memref<10000xf32, #tpu.memory_space<vmem>>) dst(%dma_wait3A_902 : memref<100096xf32, #tpu.memory_space<vmem_shared>>)
      tpu.yield
    }) : () -> ()
    %dma_wait3A_508 = tpu.memref_slice %arg5[%multiple_of3A_505] : memref<6400000xf32, #tpu.memory_space<hbm>> -> memref<10000xf32, #tpu.memory_space<hbm>>
    %dma_wait3A_509 = tpu.memref_slice %arg5[%multiple_of3A_505] : memref<6400000xf32, #tpu.memory_space<hbm>> -> memref<10000xf32, #tpu.memory_space<hbm>>
    tpu.wait_dma2 semaphore(%arg15 : memref<!tpu.dma_semaphore, #tpu.memory_space<semaphore_mem>>) src(%dma_wait3A_509 : memref<10000xf32, #tpu.memory_space<hbm>>) dst(%arg11 : memref<10000xf32, #tpu.memory_space<vmem>>)
    %add3A_510 = arith.constant 110000 : i32
    %add3A_511 = arith.addi %mul3A_10, %add3A_510 : i32
    %multiple_of3A_512 = tpu.assume_multiple %add3A_511, 16 : i32
    %dma_start3A_513 = tpu.memref_slice %arg6[%multiple_of3A_512] : memref<6400000xf32, #tpu.memory_space<hbm>> -> memref<10000xf32, #tpu.memory_space<hbm>>
    %dma_start3A_514 = tpu.memref_slice %arg6[%multiple_of3A_512] : memref<6400000xf32, #tpu.memory_space<hbm>> -> memref<10000xf32, #tpu.memory_space<hbm>>
    tpu.enqueue_dma source(%dma_start3A_514 : memref<10000xf32, #tpu.memory_space<hbm>>) target(%arg12 : memref<10000xf32, #tpu.memory_space<vmem>>) target_semaphore(%arg16 : memref<!tpu.dma_semaphore, #tpu.memory_space<semaphore_mem>>)
    "tpu.region"() ({
      %run_scoped3A = tpu.sem_alloc : memref<!tpu.dma_semaphore, #tpu.memory_space<semaphore_mem>>
      %dma_start3A_899 = arith.constant 0 : i32
      %dma_start3A_900 = tpu.memref_slice %arg20[%dma_start3A_899] : memref<100096xf32, #tpu.memory_space<vmem_shared>> -> memref<100096xf32, #tpu.memory_space<vmem_shared>>
      tpu.enqueue_indirect_dma source(%arg11 : memref<10000xf32, #tpu.memory_space<vmem>>) target(%dma_start3A_900 : memref<100096xf32, #tpu.memory_space<vmem_shared>>) offsets(%arg10 : memref<10000xi32, #tpu.memory_space<vmem>>) semaphore(%run_scoped3A : memref<!tpu.dma_semaphore, #tpu.memory_space<semaphore_mem>>) {add = true}
      %dma_wait3A_901 = arith.constant 0 : i32
      %dma_wait3A_902 = tpu.memref_slice %arg20[%dma_wait3A_901] : memref<100096xf32, #tpu.memory_space<vmem_shared>> -> memref<100096xf32, #tpu.memory_space<vmem_shared>>
      tpu.wait_indirect_dma semaphore(%run_scoped3A : memref<!tpu.dma_semaphore, #tpu.memory_space<semaphore_mem>>) src(%arg11 : memref<10000xf32, #tpu.memory_space<vmem>>) dst(%dma_wait3A_902 : memref<100096xf32, #tpu.memory_space<vmem_shared>>)
      tpu.yield
    }) : () -> ()
    %dma_wait3A_515 = tpu.memref_slice %arg6[%multiple_of3A_512] : memref<6400000xf32, #tpu.memory_space<hbm>> -> memref<10000xf32, #tpu.memory_space<hbm>>
    %dma_wait3A_516 = tpu.memref_slice %arg6[%multiple_of3A_512] : memref<6400000xf32, #tpu.memory_space<hbm>> -> memref<10000xf32, #tpu.memory_space<hbm>>
    tpu.wait_dma2 semaphore(%arg16 : memref<!tpu.dma_semaphore, #tpu.memory_space<semaphore_mem>>) src(%dma_wait3A_516 : memref<10000xf32, #tpu.memory_space<hbm>>) dst(%arg12 : memref<10000xf32, #tpu.memory_space<vmem>>)
    %add3A_517 = arith.constant 120000 : i32
    %add3A_518 = arith.addi %mul3A_10, %add3A_517 : i32
    %multiple_of3A_519 = tpu.assume_multiple %add3A_518, 16 : i32
    %dma_start3A_520 = tpu.memref_slice %arg2[%multiple_of3A_519] : memref<6400000xf32, #tpu.memory_space<hbm>> -> memref<10000xf32, #tpu.memory_space<hbm>>
    %dma_start3A_521 = tpu.memref_slice %arg2[%multiple_of3A_519] : memref<6400000xf32, #tpu.memory_space<hbm>> -> memref<10000xf32, #tpu.memory_space<hbm>>
    tpu.enqueue_dma source(%dma_start3A_521 : memref<10000xf32, #tpu.memory_space<hbm>>) target(%arg11 : memref<10000xf32, #tpu.memory_space<vmem>>) target_semaphore(%arg15 : memref<!tpu.dma_semaphore, #tpu.memory_space<semaphore_mem>>)
    "tpu.region"() ({
      %run_scoped3A = tpu.sem_alloc : memref<!tpu.dma_semaphore, #tpu.memory_space<semaphore_mem>>
      %dma_start3A_899 = arith.constant 0 : i32
      %dma_start3A_900 = tpu.memref_slice %arg21[%dma_start3A_899] : memref<100096xf32, #tpu.memory_space<vmem_shared>> -> memref<100096xf32, #tpu.memory_space<vmem_shared>>
      tpu.enqueue_indirect_dma source(%arg12 : memref<10000xf32, #tpu.memory_space<vmem>>) target(%dma_start3A_900 : memref<100096xf32, #tpu.memory_space<vmem_shared>>) offsets(%arg10 : memref<10000xi32, #tpu.memory_space<vmem>>) semaphore(%run_scoped3A : memref<!tpu.dma_semaphore, #tpu.memory_space<semaphore_mem>>) {add = true}
      %dma_wait3A_901 = arith.constant 0 : i32
      %dma_wait3A_902 = tpu.memref_slice %arg21[%dma_wait3A_901] : memref<100096xf32, #tpu.memory_space<vmem_shared>> -> memref<100096xf32, #tpu.memory_space<vmem_shared>>
      tpu.wait_indirect_dma semaphore(%run_scoped3A : memref<!tpu.dma_semaphore, #tpu.memory_space<semaphore_mem>>) src(%arg12 : memref<10000xf32, #tpu.memory_space<vmem>>) dst(%dma_wait3A_902 : memref<100096xf32, #tpu.memory_space<vmem_shared>>)
      tpu.yield
    }) : () -> ()
    %dma_wait3A_522 = tpu.memref_slice %arg7[%multiple_of3A_484] : memref<6400000xi32, #tpu.memory_space<hbm>> -> memref<10000xi32, #tpu.memory_space<hbm>>
    %dma_wait3A_523 = tpu.memref_slice %arg7[%multiple_of3A_484] : memref<6400000xi32, #tpu.memory_space<hbm>> -> memref<10000xi32, #tpu.memory_space<hbm>>
    tpu.wait_dma2 semaphore(%arg14 : memref<!tpu.dma_semaphore, #tpu.memory_space<semaphore_mem>>) src(%dma_wait3A_523 : memref<10000xi32, #tpu.memory_space<hbm>>) dst(%arg9 : memref<10000xi32, #tpu.memory_space<vmem>>)
    %add3A_524 = arith.constant 130000 : i32
    %add3A_525 = arith.addi %mul3A_10, %add3A_524 : i32
    %multiple_of3A_526 = tpu.assume_multiple %add3A_525, 16 : i32
    %dma_start3A_527 = tpu.memref_slice %arg7[%multiple_of3A_526] : memref<6400000xi32, #tpu.memory_space<hbm>> -> memref<10000xi32, #tpu.memory_space<hbm>>
    %dma_start3A_528 = tpu.memref_slice %arg7[%multiple_of3A_526] : memref<6400000xi32, #tpu.memory_space<hbm>> -> memref<10000xi32, #tpu.memory_space<hbm>>
    tpu.enqueue_dma source(%dma_start3A_528 : memref<10000xi32, #tpu.memory_space<hbm>>) target(%arg10 : memref<10000xi32, #tpu.memory_space<vmem>>) target_semaphore(%arg14 : memref<!tpu.dma_semaphore, #tpu.memory_space<semaphore_mem>>)
    %dma_wait3A_529 = tpu.memref_slice %arg2[%multiple_of3A_519] : memref<6400000xf32, #tpu.memory_space<hbm>> -> memref<10000xf32, #tpu.memory_space<hbm>>
    %dma_wait3A_530 = tpu.memref_slice %arg2[%multiple_of3A_519] : memref<6400000xf32, #tpu.memory_space<hbm>> -> memref<10000xf32, #tpu.memory_space<hbm>>
    tpu.wait_dma2 semaphore(%arg15 : memref<!tpu.dma_semaphore, #tpu.memory_space<semaphore_mem>>) src(%dma_wait3A_530 : memref<10000xf32, #tpu.memory_space<hbm>>) dst(%arg11 : memref<10000xf32, #tpu.memory_space<vmem>>)
    %add3A_531 = arith.constant 120000 : i32
    %add3A_532 = arith.addi %mul3A_10, %add3A_531 : i32
    %multiple_of3A_533 = tpu.assume_multiple %add3A_532, 16 : i32
    %dma_start3A_534 = tpu.memref_slice %arg3[%multiple_of3A_533] : memref<6400000xf32, #tpu.memory_space<hbm>> -> memref<10000xf32, #tpu.memory_space<hbm>>
    %dma_start3A_535 = tpu.memref_slice %arg3[%multiple_of3A_533] : memref<6400000xf32, #tpu.memory_space<hbm>> -> memref<10000xf32, #tpu.memory_space<hbm>>
    tpu.enqueue_dma source(%dma_start3A_535 : memref<10000xf32, #tpu.memory_space<hbm>>) target(%arg12 : memref<10000xf32, #tpu.memory_space<vmem>>) target_semaphore(%arg16 : memref<!tpu.dma_semaphore, #tpu.memory_space<semaphore_mem>>)
    "tpu.region"() ({
      %run_scoped3A = tpu.sem_alloc : memref<!tpu.dma_semaphore, #tpu.memory_space<semaphore_mem>>
      %dma_start3A_899 = arith.constant 0 : i32
      %dma_start3A_900 = tpu.memref_slice %arg17[%dma_start3A_899] : memref<100096xf32, #tpu.memory_space<vmem_shared>> -> memref<100096xf32, #tpu.memory_space<vmem_shared>>
      tpu.enqueue_indirect_dma source(%arg11 : memref<10000xf32, #tpu.memory_space<vmem>>) target(%dma_start3A_900 : memref<100096xf32, #tpu.memory_space<vmem_shared>>) offsets(%arg9 : memref<10000xi32, #tpu.memory_space<vmem>>) semaphore(%run_scoped3A : memref<!tpu.dma_semaphore, #tpu.memory_space<semaphore_mem>>) {add = true}
      %dma_wait3A_901 = arith.constant 0 : i32
      %dma_wait3A_902 = tpu.memref_slice %arg17[%dma_wait3A_901] : memref<100096xf32, #tpu.memory_space<vmem_shared>> -> memref<100096xf32, #tpu.memory_space<vmem_shared>>
      tpu.wait_indirect_dma semaphore(%run_scoped3A : memref<!tpu.dma_semaphore, #tpu.memory_space<semaphore_mem>>) src(%arg11 : memref<10000xf32, #tpu.memory_space<vmem>>) dst(%dma_wait3A_902 : memref<100096xf32, #tpu.memory_space<vmem_shared>>)
      tpu.yield
    }) : () -> ()
    %dma_wait3A_536 = tpu.memref_slice %arg3[%multiple_of3A_533] : memref<6400000xf32, #tpu.memory_space<hbm>> -> memref<10000xf32, #tpu.memory_space<hbm>>
    %dma_wait3A_537 = tpu.memref_slice %arg3[%multiple_of3A_533] : memref<6400000xf32, #tpu.memory_space<hbm>> -> memref<10000xf32, #tpu.memory_space<hbm>>
    tpu.wait_dma2 semaphore(%arg16 : memref<!tpu.dma_semaphore, #tpu.memory_space<semaphore_mem>>) src(%dma_wait3A_537 : memref<10000xf32, #tpu.memory_space<hbm>>) dst(%arg12 : memref<10000xf32, #tpu.memory_space<vmem>>)
    %add3A_538 = arith.constant 120000 : i32
    %add3A_539 = arith.addi %mul3A_10, %add3A_538 : i32
    %multiple_of3A_540 = tpu.assume_multiple %add3A_539, 16 : i32
    %dma_start3A_541 = tpu.memref_slice %arg4[%multiple_of3A_540] : memref<6400000xf32, #tpu.memory_space<hbm>> -> memref<10000xf32, #tpu.memory_space<hbm>>
    %dma_start3A_542 = tpu.memref_slice %arg4[%multiple_of3A_540] : memref<6400000xf32, #tpu.memory_space<hbm>> -> memref<10000xf32, #tpu.memory_space<hbm>>
    tpu.enqueue_dma source(%dma_start3A_542 : memref<10000xf32, #tpu.memory_space<hbm>>) target(%arg11 : memref<10000xf32, #tpu.memory_space<vmem>>) target_semaphore(%arg15 : memref<!tpu.dma_semaphore, #tpu.memory_space<semaphore_mem>>)
    "tpu.region"() ({
      %run_scoped3A = tpu.sem_alloc : memref<!tpu.dma_semaphore, #tpu.memory_space<semaphore_mem>>
      %dma_start3A_899 = arith.constant 0 : i32
      %dma_start3A_900 = tpu.memref_slice %arg18[%dma_start3A_899] : memref<100096xf32, #tpu.memory_space<vmem_shared>> -> memref<100096xf32, #tpu.memory_space<vmem_shared>>
      tpu.enqueue_indirect_dma source(%arg12 : memref<10000xf32, #tpu.memory_space<vmem>>) target(%dma_start3A_900 : memref<100096xf32, #tpu.memory_space<vmem_shared>>) offsets(%arg9 : memref<10000xi32, #tpu.memory_space<vmem>>) semaphore(%run_scoped3A : memref<!tpu.dma_semaphore, #tpu.memory_space<semaphore_mem>>) {add = true}
      %dma_wait3A_901 = arith.constant 0 : i32
      %dma_wait3A_902 = tpu.memref_slice %arg18[%dma_wait3A_901] : memref<100096xf32, #tpu.memory_space<vmem_shared>> -> memref<100096xf32, #tpu.memory_space<vmem_shared>>
      tpu.wait_indirect_dma semaphore(%run_scoped3A : memref<!tpu.dma_semaphore, #tpu.memory_space<semaphore_mem>>) src(%arg12 : memref<10000xf32, #tpu.memory_space<vmem>>) dst(%dma_wait3A_902 : memref<100096xf32, #tpu.memory_space<vmem_shared>>)
      tpu.yield
    }) : () -> ()
    %dma_wait3A_543 = tpu.memref_slice %arg4[%multiple_of3A_540] : memref<6400000xf32, #tpu.memory_space<hbm>> -> memref<10000xf32, #tpu.memory_space<hbm>>
    %dma_wait3A_544 = tpu.memref_slice %arg4[%multiple_of3A_540] : memref<6400000xf32, #tpu.memory_space<hbm>> -> memref<10000xf32, #tpu.memory_space<hbm>>
    tpu.wait_dma2 semaphore(%arg15 : memref<!tpu.dma_semaphore, #tpu.memory_space<semaphore_mem>>) src(%dma_wait3A_544 : memref<10000xf32, #tpu.memory_space<hbm>>) dst(%arg11 : memref<10000xf32, #tpu.memory_space<vmem>>)
    %add3A_545 = arith.constant 120000 : i32
    %add3A_546 = arith.addi %mul3A_10, %add3A_545 : i32
    %multiple_of3A_547 = tpu.assume_multiple %add3A_546, 16 : i32
    %dma_start3A_548 = tpu.memref_slice %arg5[%multiple_of3A_547] : memref<6400000xf32, #tpu.memory_space<hbm>> -> memref<10000xf32, #tpu.memory_space<hbm>>
    %dma_start3A_549 = tpu.memref_slice %arg5[%multiple_of3A_547] : memref<6400000xf32, #tpu.memory_space<hbm>> -> memref<10000xf32, #tpu.memory_space<hbm>>
    tpu.enqueue_dma source(%dma_start3A_549 : memref<10000xf32, #tpu.memory_space<hbm>>) target(%arg12 : memref<10000xf32, #tpu.memory_space<vmem>>) target_semaphore(%arg16 : memref<!tpu.dma_semaphore, #tpu.memory_space<semaphore_mem>>)
    "tpu.region"() ({
      %run_scoped3A = tpu.sem_alloc : memref<!tpu.dma_semaphore, #tpu.memory_space<semaphore_mem>>
      %dma_start3A_899 = arith.constant 0 : i32
      %dma_start3A_900 = tpu.memref_slice %arg19[%dma_start3A_899] : memref<100096xf32, #tpu.memory_space<vmem_shared>> -> memref<100096xf32, #tpu.memory_space<vmem_shared>>
      tpu.enqueue_indirect_dma source(%arg11 : memref<10000xf32, #tpu.memory_space<vmem>>) target(%dma_start3A_900 : memref<100096xf32, #tpu.memory_space<vmem_shared>>) offsets(%arg9 : memref<10000xi32, #tpu.memory_space<vmem>>) semaphore(%run_scoped3A : memref<!tpu.dma_semaphore, #tpu.memory_space<semaphore_mem>>) {add = true}
      %dma_wait3A_901 = arith.constant 0 : i32
      %dma_wait3A_902 = tpu.memref_slice %arg19[%dma_wait3A_901] : memref<100096xf32, #tpu.memory_space<vmem_shared>> -> memref<100096xf32, #tpu.memory_space<vmem_shared>>
      tpu.wait_indirect_dma semaphore(%run_scoped3A : memref<!tpu.dma_semaphore, #tpu.memory_space<semaphore_mem>>) src(%arg11 : memref<10000xf32, #tpu.memory_space<vmem>>) dst(%dma_wait3A_902 : memref<100096xf32, #tpu.memory_space<vmem_shared>>)
      tpu.yield
    }) : () -> ()
    %dma_wait3A_550 = tpu.memref_slice %arg5[%multiple_of3A_547] : memref<6400000xf32, #tpu.memory_space<hbm>> -> memref<10000xf32, #tpu.memory_space<hbm>>
    %dma_wait3A_551 = tpu.memref_slice %arg5[%multiple_of3A_547] : memref<6400000xf32, #tpu.memory_space<hbm>> -> memref<10000xf32, #tpu.memory_space<hbm>>
    tpu.wait_dma2 semaphore(%arg16 : memref<!tpu.dma_semaphore, #tpu.memory_space<semaphore_mem>>) src(%dma_wait3A_551 : memref<10000xf32, #tpu.memory_space<hbm>>) dst(%arg12 : memref<10000xf32, #tpu.memory_space<vmem>>)
    %add3A_552 = arith.constant 120000 : i32
    %add3A_553 = arith.addi %mul3A_10, %add3A_552 : i32
    %multiple_of3A_554 = tpu.assume_multiple %add3A_553, 16 : i32
    %dma_start3A_555 = tpu.memref_slice %arg6[%multiple_of3A_554] : memref<6400000xf32, #tpu.memory_space<hbm>> -> memref<10000xf32, #tpu.memory_space<hbm>>
    %dma_start3A_556 = tpu.memref_slice %arg6[%multiple_of3A_554] : memref<6400000xf32, #tpu.memory_space<hbm>> -> memref<10000xf32, #tpu.memory_space<hbm>>
    tpu.enqueue_dma source(%dma_start3A_556 : memref<10000xf32, #tpu.memory_space<hbm>>) target(%arg11 : memref<10000xf32, #tpu.memory_space<vmem>>) target_semaphore(%arg15 : memref<!tpu.dma_semaphore, #tpu.memory_space<semaphore_mem>>)
    "tpu.region"() ({
      %run_scoped3A = tpu.sem_alloc : memref<!tpu.dma_semaphore, #tpu.memory_space<semaphore_mem>>
      %dma_start3A_899 = arith.constant 0 : i32
      %dma_start3A_900 = tpu.memref_slice %arg20[%dma_start3A_899] : memref<100096xf32, #tpu.memory_space<vmem_shared>> -> memref<100096xf32, #tpu.memory_space<vmem_shared>>
      tpu.enqueue_indirect_dma source(%arg12 : memref<10000xf32, #tpu.memory_space<vmem>>) target(%dma_start3A_900 : memref<100096xf32, #tpu.memory_space<vmem_shared>>) offsets(%arg9 : memref<10000xi32, #tpu.memory_space<vmem>>) semaphore(%run_scoped3A : memref<!tpu.dma_semaphore, #tpu.memory_space<semaphore_mem>>) {add = true}
      %dma_wait3A_901 = arith.constant 0 : i32
      %dma_wait3A_902 = tpu.memref_slice %arg20[%dma_wait3A_901] : memref<100096xf32, #tpu.memory_space<vmem_shared>> -> memref<100096xf32, #tpu.memory_space<vmem_shared>>
      tpu.wait_indirect_dma semaphore(%run_scoped3A : memref<!tpu.dma_semaphore, #tpu.memory_space<semaphore_mem>>) src(%arg12 : memref<10000xf32, #tpu.memory_space<vmem>>) dst(%dma_wait3A_902 : memref<100096xf32, #tpu.memory_space<vmem_shared>>)
      tpu.yield
    }) : () -> ()
    %dma_wait3A_557 = tpu.memref_slice %arg6[%multiple_of3A_554] : memref<6400000xf32, #tpu.memory_space<hbm>> -> memref<10000xf32, #tpu.memory_space<hbm>>
    %dma_wait3A_558 = tpu.memref_slice %arg6[%multiple_of3A_554] : memref<6400000xf32, #tpu.memory_space<hbm>> -> memref<10000xf32, #tpu.memory_space<hbm>>
    tpu.wait_dma2 semaphore(%arg15 : memref<!tpu.dma_semaphore, #tpu.memory_space<semaphore_mem>>) src(%dma_wait3A_558 : memref<10000xf32, #tpu.memory_space<hbm>>) dst(%arg11 : memref<10000xf32, #tpu.memory_space<vmem>>)
    %add3A_559 = arith.constant 130000 : i32
    %add3A_560 = arith.addi %mul3A_10, %add3A_559 : i32
    %multiple_of3A_561 = tpu.assume_multiple %add3A_560, 16 : i32
    %dma_start3A_562 = tpu.memref_slice %arg2[%multiple_of3A_561] : memref<6400000xf32, #tpu.memory_space<hbm>> -> memref<10000xf32, #tpu.memory_space<hbm>>
    %dma_start3A_563 = tpu.memref_slice %arg2[%multiple_of3A_561] : memref<6400000xf32, #tpu.memory_space<hbm>> -> memref<10000xf32, #tpu.memory_space<hbm>>
    tpu.enqueue_dma source(%dma_start3A_563 : memref<10000xf32, #tpu.memory_space<hbm>>) target(%arg12 : memref<10000xf32, #tpu.memory_space<vmem>>) target_semaphore(%arg16 : memref<!tpu.dma_semaphore, #tpu.memory_space<semaphore_mem>>)
    "tpu.region"() ({
      %run_scoped3A = tpu.sem_alloc : memref<!tpu.dma_semaphore, #tpu.memory_space<semaphore_mem>>
      %dma_start3A_899 = arith.constant 0 : i32
      %dma_start3A_900 = tpu.memref_slice %arg21[%dma_start3A_899] : memref<100096xf32, #tpu.memory_space<vmem_shared>> -> memref<100096xf32, #tpu.memory_space<vmem_shared>>
      tpu.enqueue_indirect_dma source(%arg11 : memref<10000xf32, #tpu.memory_space<vmem>>) target(%dma_start3A_900 : memref<100096xf32, #tpu.memory_space<vmem_shared>>) offsets(%arg9 : memref<10000xi32, #tpu.memory_space<vmem>>) semaphore(%run_scoped3A : memref<!tpu.dma_semaphore, #tpu.memory_space<semaphore_mem>>) {add = true}
      %dma_wait3A_901 = arith.constant 0 : i32
      %dma_wait3A_902 = tpu.memref_slice %arg21[%dma_wait3A_901] : memref<100096xf32, #tpu.memory_space<vmem_shared>> -> memref<100096xf32, #tpu.memory_space<vmem_shared>>
      tpu.wait_indirect_dma semaphore(%run_scoped3A : memref<!tpu.dma_semaphore, #tpu.memory_space<semaphore_mem>>) src(%arg11 : memref<10000xf32, #tpu.memory_space<vmem>>) dst(%dma_wait3A_902 : memref<100096xf32, #tpu.memory_space<vmem_shared>>)
      tpu.yield
    }) : () -> ()
    %dma_wait3A_564 = tpu.memref_slice %arg7[%multiple_of3A_526] : memref<6400000xi32, #tpu.memory_space<hbm>> -> memref<10000xi32, #tpu.memory_space<hbm>>
    %dma_wait3A_565 = tpu.memref_slice %arg7[%multiple_of3A_526] : memref<6400000xi32, #tpu.memory_space<hbm>> -> memref<10000xi32, #tpu.memory_space<hbm>>
    tpu.wait_dma2 semaphore(%arg14 : memref<!tpu.dma_semaphore, #tpu.memory_space<semaphore_mem>>) src(%dma_wait3A_565 : memref<10000xi32, #tpu.memory_space<hbm>>) dst(%arg10 : memref<10000xi32, #tpu.memory_space<vmem>>)
    %add3A_566 = arith.constant 140000 : i32
    %add3A_567 = arith.addi %mul3A_10, %add3A_566 : i32
    %multiple_of3A_568 = tpu.assume_multiple %add3A_567, 16 : i32
    %dma_start3A_569 = tpu.memref_slice %arg7[%multiple_of3A_568] : memref<6400000xi32, #tpu.memory_space<hbm>> -> memref<10000xi32, #tpu.memory_space<hbm>>
    %dma_start3A_570 = tpu.memref_slice %arg7[%multiple_of3A_568] : memref<6400000xi32, #tpu.memory_space<hbm>> -> memref<10000xi32, #tpu.memory_space<hbm>>
    tpu.enqueue_dma source(%dma_start3A_570 : memref<10000xi32, #tpu.memory_space<hbm>>) target(%arg9 : memref<10000xi32, #tpu.memory_space<vmem>>) target_semaphore(%arg14 : memref<!tpu.dma_semaphore, #tpu.memory_space<semaphore_mem>>)
    %dma_wait3A_571 = tpu.memref_slice %arg2[%multiple_of3A_561] : memref<6400000xf32, #tpu.memory_space<hbm>> -> memref<10000xf32, #tpu.memory_space<hbm>>
    %dma_wait3A_572 = tpu.memref_slice %arg2[%multiple_of3A_561] : memref<6400000xf32, #tpu.memory_space<hbm>> -> memref<10000xf32, #tpu.memory_space<hbm>>
    tpu.wait_dma2 semaphore(%arg16 : memref<!tpu.dma_semaphore, #tpu.memory_space<semaphore_mem>>) src(%dma_wait3A_572 : memref<10000xf32, #tpu.memory_space<hbm>>) dst(%arg12 : memref<10000xf32, #tpu.memory_space<vmem>>)
    %add3A_573 = arith.constant 130000 : i32
    %add3A_574 = arith.addi %mul3A_10, %add3A_573 : i32
    %multiple_of3A_575 = tpu.assume_multiple %add3A_574, 16 : i32
    %dma_start3A_576 = tpu.memref_slice %arg3[%multiple_of3A_575] : memref<6400000xf32, #tpu.memory_space<hbm>> -> memref<10000xf32, #tpu.memory_space<hbm>>
    %dma_start3A_577 = tpu.memref_slice %arg3[%multiple_of3A_575] : memref<6400000xf32, #tpu.memory_space<hbm>> -> memref<10000xf32, #tpu.memory_space<hbm>>
    tpu.enqueue_dma source(%dma_start3A_577 : memref<10000xf32, #tpu.memory_space<hbm>>) target(%arg11 : memref<10000xf32, #tpu.memory_space<vmem>>) target_semaphore(%arg15 : memref<!tpu.dma_semaphore, #tpu.memory_space<semaphore_mem>>)
    "tpu.region"() ({
      %run_scoped3A = tpu.sem_alloc : memref<!tpu.dma_semaphore, #tpu.memory_space<semaphore_mem>>
      %dma_start3A_899 = arith.constant 0 : i32
      %dma_start3A_900 = tpu.memref_slice %arg17[%dma_start3A_899] : memref<100096xf32, #tpu.memory_space<vmem_shared>> -> memref<100096xf32, #tpu.memory_space<vmem_shared>>
      tpu.enqueue_indirect_dma source(%arg12 : memref<10000xf32, #tpu.memory_space<vmem>>) target(%dma_start3A_900 : memref<100096xf32, #tpu.memory_space<vmem_shared>>) offsets(%arg10 : memref<10000xi32, #tpu.memory_space<vmem>>) semaphore(%run_scoped3A : memref<!tpu.dma_semaphore, #tpu.memory_space<semaphore_mem>>) {add = true}
      %dma_wait3A_901 = arith.constant 0 : i32
      %dma_wait3A_902 = tpu.memref_slice %arg17[%dma_wait3A_901] : memref<100096xf32, #tpu.memory_space<vmem_shared>> -> memref<100096xf32, #tpu.memory_space<vmem_shared>>
      tpu.wait_indirect_dma semaphore(%run_scoped3A : memref<!tpu.dma_semaphore, #tpu.memory_space<semaphore_mem>>) src(%arg12 : memref<10000xf32, #tpu.memory_space<vmem>>) dst(%dma_wait3A_902 : memref<100096xf32, #tpu.memory_space<vmem_shared>>)
      tpu.yield
    }) : () -> ()
    %dma_wait3A_578 = tpu.memref_slice %arg3[%multiple_of3A_575] : memref<6400000xf32, #tpu.memory_space<hbm>> -> memref<10000xf32, #tpu.memory_space<hbm>>
    %dma_wait3A_579 = tpu.memref_slice %arg3[%multiple_of3A_575] : memref<6400000xf32, #tpu.memory_space<hbm>> -> memref<10000xf32, #tpu.memory_space<hbm>>
    tpu.wait_dma2 semaphore(%arg15 : memref<!tpu.dma_semaphore, #tpu.memory_space<semaphore_mem>>) src(%dma_wait3A_579 : memref<10000xf32, #tpu.memory_space<hbm>>) dst(%arg11 : memref<10000xf32, #tpu.memory_space<vmem>>)
    %add3A_580 = arith.constant 130000 : i32
    %add3A_581 = arith.addi %mul3A_10, %add3A_580 : i32
    %multiple_of3A_582 = tpu.assume_multiple %add3A_581, 16 : i32
    %dma_start3A_583 = tpu.memref_slice %arg4[%multiple_of3A_582] : memref<6400000xf32, #tpu.memory_space<hbm>> -> memref<10000xf32, #tpu.memory_space<hbm>>
    %dma_start3A_584 = tpu.memref_slice %arg4[%multiple_of3A_582] : memref<6400000xf32, #tpu.memory_space<hbm>> -> memref<10000xf32, #tpu.memory_space<hbm>>
    tpu.enqueue_dma source(%dma_start3A_584 : memref<10000xf32, #tpu.memory_space<hbm>>) target(%arg12 : memref<10000xf32, #tpu.memory_space<vmem>>) target_semaphore(%arg16 : memref<!tpu.dma_semaphore, #tpu.memory_space<semaphore_mem>>)
    "tpu.region"() ({
      %run_scoped3A = tpu.sem_alloc : memref<!tpu.dma_semaphore, #tpu.memory_space<semaphore_mem>>
      %dma_start3A_899 = arith.constant 0 : i32
      %dma_start3A_900 = tpu.memref_slice %arg18[%dma_start3A_899] : memref<100096xf32, #tpu.memory_space<vmem_shared>> -> memref<100096xf32, #tpu.memory_space<vmem_shared>>
      tpu.enqueue_indirect_dma source(%arg11 : memref<10000xf32, #tpu.memory_space<vmem>>) target(%dma_start3A_900 : memref<100096xf32, #tpu.memory_space<vmem_shared>>) offsets(%arg10 : memref<10000xi32, #tpu.memory_space<vmem>>) semaphore(%run_scoped3A : memref<!tpu.dma_semaphore, #tpu.memory_space<semaphore_mem>>) {add = true}
      %dma_wait3A_901 = arith.constant 0 : i32
      %dma_wait3A_902 = tpu.memref_slice %arg18[%dma_wait3A_901] : memref<100096xf32, #tpu.memory_space<vmem_shared>> -> memref<100096xf32, #tpu.memory_space<vmem_shared>>
      tpu.wait_indirect_dma semaphore(%run_scoped3A : memref<!tpu.dma_semaphore, #tpu.memory_space<semaphore_mem>>) src(%arg11 : memref<10000xf32, #tpu.memory_space<vmem>>) dst(%dma_wait3A_902 : memref<100096xf32, #tpu.memory_space<vmem_shared>>)
      tpu.yield
    }) : () -> ()
    %dma_wait3A_585 = tpu.memref_slice %arg4[%multiple_of3A_582] : memref<6400000xf32, #tpu.memory_space<hbm>> -> memref<10000xf32, #tpu.memory_space<hbm>>
    %dma_wait3A_586 = tpu.memref_slice %arg4[%multiple_of3A_582] : memref<6400000xf32, #tpu.memory_space<hbm>> -> memref<10000xf32, #tpu.memory_space<hbm>>
    tpu.wait_dma2 semaphore(%arg16 : memref<!tpu.dma_semaphore, #tpu.memory_space<semaphore_mem>>) src(%dma_wait3A_586 : memref<10000xf32, #tpu.memory_space<hbm>>) dst(%arg12 : memref<10000xf32, #tpu.memory_space<vmem>>)
    %add3A_587 = arith.constant 130000 : i32
    %add3A_588 = arith.addi %mul3A_10, %add3A_587 : i32
    %multiple_of3A_589 = tpu.assume_multiple %add3A_588, 16 : i32
    %dma_start3A_590 = tpu.memref_slice %arg5[%multiple_of3A_589] : memref<6400000xf32, #tpu.memory_space<hbm>> -> memref<10000xf32, #tpu.memory_space<hbm>>
    %dma_start3A_591 = tpu.memref_slice %arg5[%multiple_of3A_589] : memref<6400000xf32, #tpu.memory_space<hbm>> -> memref<10000xf32, #tpu.memory_space<hbm>>
    tpu.enqueue_dma source(%dma_start3A_591 : memref<10000xf32, #tpu.memory_space<hbm>>) target(%arg11 : memref<10000xf32, #tpu.memory_space<vmem>>) target_semaphore(%arg15 : memref<!tpu.dma_semaphore, #tpu.memory_space<semaphore_mem>>)
    "tpu.region"() ({
      %run_scoped3A = tpu.sem_alloc : memref<!tpu.dma_semaphore, #tpu.memory_space<semaphore_mem>>
      %dma_start3A_899 = arith.constant 0 : i32
      %dma_start3A_900 = tpu.memref_slice %arg19[%dma_start3A_899] : memref<100096xf32, #tpu.memory_space<vmem_shared>> -> memref<100096xf32, #tpu.memory_space<vmem_shared>>
      tpu.enqueue_indirect_dma source(%arg12 : memref<10000xf32, #tpu.memory_space<vmem>>) target(%dma_start3A_900 : memref<100096xf32, #tpu.memory_space<vmem_shared>>) offsets(%arg10 : memref<10000xi32, #tpu.memory_space<vmem>>) semaphore(%run_scoped3A : memref<!tpu.dma_semaphore, #tpu.memory_space<semaphore_mem>>) {add = true}
      %dma_wait3A_901 = arith.constant 0 : i32
      %dma_wait3A_902 = tpu.memref_slice %arg19[%dma_wait3A_901] : memref<100096xf32, #tpu.memory_space<vmem_shared>> -> memref<100096xf32, #tpu.memory_space<vmem_shared>>
      tpu.wait_indirect_dma semaphore(%run_scoped3A : memref<!tpu.dma_semaphore, #tpu.memory_space<semaphore_mem>>) src(%arg12 : memref<10000xf32, #tpu.memory_space<vmem>>) dst(%dma_wait3A_902 : memref<100096xf32, #tpu.memory_space<vmem_shared>>)
      tpu.yield
    }) : () -> ()
    %dma_wait3A_592 = tpu.memref_slice %arg5[%multiple_of3A_589] : memref<6400000xf32, #tpu.memory_space<hbm>> -> memref<10000xf32, #tpu.memory_space<hbm>>
    %dma_wait3A_593 = tpu.memref_slice %arg5[%multiple_of3A_589] : memref<6400000xf32, #tpu.memory_space<hbm>> -> memref<10000xf32, #tpu.memory_space<hbm>>
    tpu.wait_dma2 semaphore(%arg15 : memref<!tpu.dma_semaphore, #tpu.memory_space<semaphore_mem>>) src(%dma_wait3A_593 : memref<10000xf32, #tpu.memory_space<hbm>>) dst(%arg11 : memref<10000xf32, #tpu.memory_space<vmem>>)
    %add3A_594 = arith.constant 130000 : i32
    %add3A_595 = arith.addi %mul3A_10, %add3A_594 : i32
    %multiple_of3A_596 = tpu.assume_multiple %add3A_595, 16 : i32
    %dma_start3A_597 = tpu.memref_slice %arg6[%multiple_of3A_596] : memref<6400000xf32, #tpu.memory_space<hbm>> -> memref<10000xf32, #tpu.memory_space<hbm>>
    %dma_start3A_598 = tpu.memref_slice %arg6[%multiple_of3A_596] : memref<6400000xf32, #tpu.memory_space<hbm>> -> memref<10000xf32, #tpu.memory_space<hbm>>
    tpu.enqueue_dma source(%dma_start3A_598 : memref<10000xf32, #tpu.memory_space<hbm>>) target(%arg12 : memref<10000xf32, #tpu.memory_space<vmem>>) target_semaphore(%arg16 : memref<!tpu.dma_semaphore, #tpu.memory_space<semaphore_mem>>)
    "tpu.region"() ({
      %run_scoped3A = tpu.sem_alloc : memref<!tpu.dma_semaphore, #tpu.memory_space<semaphore_mem>>
      %dma_start3A_899 = arith.constant 0 : i32
      %dma_start3A_900 = tpu.memref_slice %arg20[%dma_start3A_899] : memref<100096xf32, #tpu.memory_space<vmem_shared>> -> memref<100096xf32, #tpu.memory_space<vmem_shared>>
      tpu.enqueue_indirect_dma source(%arg11 : memref<10000xf32, #tpu.memory_space<vmem>>) target(%dma_start3A_900 : memref<100096xf32, #tpu.memory_space<vmem_shared>>) offsets(%arg10 : memref<10000xi32, #tpu.memory_space<vmem>>) semaphore(%run_scoped3A : memref<!tpu.dma_semaphore, #tpu.memory_space<semaphore_mem>>) {add = true}
      %dma_wait3A_901 = arith.constant 0 : i32
      %dma_wait3A_902 = tpu.memref_slice %arg20[%dma_wait3A_901] : memref<100096xf32, #tpu.memory_space<vmem_shared>> -> memref<100096xf32, #tpu.memory_space<vmem_shared>>
      tpu.wait_indirect_dma semaphore(%run_scoped3A : memref<!tpu.dma_semaphore, #tpu.memory_space<semaphore_mem>>) src(%arg11 : memref<10000xf32, #tpu.memory_space<vmem>>) dst(%dma_wait3A_902 : memref<100096xf32, #tpu.memory_space<vmem_shared>>)
      tpu.yield
    }) : () -> ()
    %dma_wait3A_599 = tpu.memref_slice %arg6[%multiple_of3A_596] : memref<6400000xf32, #tpu.memory_space<hbm>> -> memref<10000xf32, #tpu.memory_space<hbm>>
    %dma_wait3A_600 = tpu.memref_slice %arg6[%multiple_of3A_596] : memref<6400000xf32, #tpu.memory_space<hbm>> -> memref<10000xf32, #tpu.memory_space<hbm>>
    tpu.wait_dma2 semaphore(%arg16 : memref<!tpu.dma_semaphore, #tpu.memory_space<semaphore_mem>>) src(%dma_wait3A_600 : memref<10000xf32, #tpu.memory_space<hbm>>) dst(%arg12 : memref<10000xf32, #tpu.memory_space<vmem>>)
    %add3A_601 = arith.constant 140000 : i32
    %add3A_602 = arith.addi %mul3A_10, %add3A_601 : i32
    %multiple_of3A_603 = tpu.assume_multiple %add3A_602, 16 : i32
    %dma_start3A_604 = tpu.memref_slice %arg2[%multiple_of3A_603] : memref<6400000xf32, #tpu.memory_space<hbm>> -> memref<10000xf32, #tpu.memory_space<hbm>>
    %dma_start3A_605 = tpu.memref_slice %arg2[%multiple_of3A_603] : memref<6400000xf32, #tpu.memory_space<hbm>> -> memref<10000xf32, #tpu.memory_space<hbm>>
    tpu.enqueue_dma source(%dma_start3A_605 : memref<10000xf32, #tpu.memory_space<hbm>>) target(%arg11 : memref<10000xf32, #tpu.memory_space<vmem>>) target_semaphore(%arg15 : memref<!tpu.dma_semaphore, #tpu.memory_space<semaphore_mem>>)
    "tpu.region"() ({
      %run_scoped3A = tpu.sem_alloc : memref<!tpu.dma_semaphore, #tpu.memory_space<semaphore_mem>>
      %dma_start3A_899 = arith.constant 0 : i32
      %dma_start3A_900 = tpu.memref_slice %arg21[%dma_start3A_899] : memref<100096xf32, #tpu.memory_space<vmem_shared>> -> memref<100096xf32, #tpu.memory_space<vmem_shared>>
      tpu.enqueue_indirect_dma source(%arg12 : memref<10000xf32, #tpu.memory_space<vmem>>) target(%dma_start3A_900 : memref<100096xf32, #tpu.memory_space<vmem_shared>>) offsets(%arg10 : memref<10000xi32, #tpu.memory_space<vmem>>) semaphore(%run_scoped3A : memref<!tpu.dma_semaphore, #tpu.memory_space<semaphore_mem>>) {add = true}
      %dma_wait3A_901 = arith.constant 0 : i32
      %dma_wait3A_902 = tpu.memref_slice %arg21[%dma_wait3A_901] : memref<100096xf32, #tpu.memory_space<vmem_shared>> -> memref<100096xf32, #tpu.memory_space<vmem_shared>>
      tpu.wait_indirect_dma semaphore(%run_scoped3A : memref<!tpu.dma_semaphore, #tpu.memory_space<semaphore_mem>>) src(%arg12 : memref<10000xf32, #tpu.memory_space<vmem>>) dst(%dma_wait3A_902 : memref<100096xf32, #tpu.memory_space<vmem_shared>>)
      tpu.yield
    }) : () -> ()
    %dma_wait3A_606 = tpu.memref_slice %arg7[%multiple_of3A_568] : memref<6400000xi32, #tpu.memory_space<hbm>> -> memref<10000xi32, #tpu.memory_space<hbm>>
    %dma_wait3A_607 = tpu.memref_slice %arg7[%multiple_of3A_568] : memref<6400000xi32, #tpu.memory_space<hbm>> -> memref<10000xi32, #tpu.memory_space<hbm>>
    tpu.wait_dma2 semaphore(%arg14 : memref<!tpu.dma_semaphore, #tpu.memory_space<semaphore_mem>>) src(%dma_wait3A_607 : memref<10000xi32, #tpu.memory_space<hbm>>) dst(%arg9 : memref<10000xi32, #tpu.memory_space<vmem>>)
    %add3A_608 = arith.constant 150000 : i32
    %add3A_609 = arith.addi %mul3A_10, %add3A_608 : i32
    %multiple_of3A_610 = tpu.assume_multiple %add3A_609, 16 : i32
    %dma_start3A_611 = tpu.memref_slice %arg7[%multiple_of3A_610] : memref<6400000xi32, #tpu.memory_space<hbm>> -> memref<10000xi32, #tpu.memory_space<hbm>>
    %dma_start3A_612 = tpu.memref_slice %arg7[%multiple_of3A_610] : memref<6400000xi32, #tpu.memory_space<hbm>> -> memref<10000xi32, #tpu.memory_space<hbm>>
    tpu.enqueue_dma source(%dma_start3A_612 : memref<10000xi32, #tpu.memory_space<hbm>>) target(%arg10 : memref<10000xi32, #tpu.memory_space<vmem>>) target_semaphore(%arg14 : memref<!tpu.dma_semaphore, #tpu.memory_space<semaphore_mem>>)
    %dma_wait3A_613 = tpu.memref_slice %arg2[%multiple_of3A_603] : memref<6400000xf32, #tpu.memory_space<hbm>> -> memref<10000xf32, #tpu.memory_space<hbm>>
    %dma_wait3A_614 = tpu.memref_slice %arg2[%multiple_of3A_603] : memref<6400000xf32, #tpu.memory_space<hbm>> -> memref<10000xf32, #tpu.memory_space<hbm>>
    tpu.wait_dma2 semaphore(%arg15 : memref<!tpu.dma_semaphore, #tpu.memory_space<semaphore_mem>>) src(%dma_wait3A_614 : memref<10000xf32, #tpu.memory_space<hbm>>) dst(%arg11 : memref<10000xf32, #tpu.memory_space<vmem>>)
    %add3A_615 = arith.constant 140000 : i32
    %add3A_616 = arith.addi %mul3A_10, %add3A_615 : i32
    %multiple_of3A_617 = tpu.assume_multiple %add3A_616, 16 : i32
    %dma_start3A_618 = tpu.memref_slice %arg3[%multiple_of3A_617] : memref<6400000xf32, #tpu.memory_space<hbm>> -> memref<10000xf32, #tpu.memory_space<hbm>>
    %dma_start3A_619 = tpu.memref_slice %arg3[%multiple_of3A_617] : memref<6400000xf32, #tpu.memory_space<hbm>> -> memref<10000xf32, #tpu.memory_space<hbm>>
    tpu.enqueue_dma source(%dma_start3A_619 : memref<10000xf32, #tpu.memory_space<hbm>>) target(%arg12 : memref<10000xf32, #tpu.memory_space<vmem>>) target_semaphore(%arg16 : memref<!tpu.dma_semaphore, #tpu.memory_space<semaphore_mem>>)
    "tpu.region"() ({
      %run_scoped3A = tpu.sem_alloc : memref<!tpu.dma_semaphore, #tpu.memory_space<semaphore_mem>>
      %dma_start3A_899 = arith.constant 0 : i32
      %dma_start3A_900 = tpu.memref_slice %arg17[%dma_start3A_899] : memref<100096xf32, #tpu.memory_space<vmem_shared>> -> memref<100096xf32, #tpu.memory_space<vmem_shared>>
      tpu.enqueue_indirect_dma source(%arg11 : memref<10000xf32, #tpu.memory_space<vmem>>) target(%dma_start3A_900 : memref<100096xf32, #tpu.memory_space<vmem_shared>>) offsets(%arg9 : memref<10000xi32, #tpu.memory_space<vmem>>) semaphore(%run_scoped3A : memref<!tpu.dma_semaphore, #tpu.memory_space<semaphore_mem>>) {add = true}
      %dma_wait3A_901 = arith.constant 0 : i32
      %dma_wait3A_902 = tpu.memref_slice %arg17[%dma_wait3A_901] : memref<100096xf32, #tpu.memory_space<vmem_shared>> -> memref<100096xf32, #tpu.memory_space<vmem_shared>>
      tpu.wait_indirect_dma semaphore(%run_scoped3A : memref<!tpu.dma_semaphore, #tpu.memory_space<semaphore_mem>>) src(%arg11 : memref<10000xf32, #tpu.memory_space<vmem>>) dst(%dma_wait3A_902 : memref<100096xf32, #tpu.memory_space<vmem_shared>>)
      tpu.yield
    }) : () -> ()
    %dma_wait3A_620 = tpu.memref_slice %arg3[%multiple_of3A_617] : memref<6400000xf32, #tpu.memory_space<hbm>> -> memref<10000xf32, #tpu.memory_space<hbm>>
    %dma_wait3A_621 = tpu.memref_slice %arg3[%multiple_of3A_617] : memref<6400000xf32, #tpu.memory_space<hbm>> -> memref<10000xf32, #tpu.memory_space<hbm>>
    tpu.wait_dma2 semaphore(%arg16 : memref<!tpu.dma_semaphore, #tpu.memory_space<semaphore_mem>>) src(%dma_wait3A_621 : memref<10000xf32, #tpu.memory_space<hbm>>) dst(%arg12 : memref<10000xf32, #tpu.memory_space<vmem>>)
    %add3A_622 = arith.constant 140000 : i32
    %add3A_623 = arith.addi %mul3A_10, %add3A_622 : i32
    %multiple_of3A_624 = tpu.assume_multiple %add3A_623, 16 : i32
    %dma_start3A_625 = tpu.memref_slice %arg4[%multiple_of3A_624] : memref<6400000xf32, #tpu.memory_space<hbm>> -> memref<10000xf32, #tpu.memory_space<hbm>>
    %dma_start3A_626 = tpu.memref_slice %arg4[%multiple_of3A_624] : memref<6400000xf32, #tpu.memory_space<hbm>> -> memref<10000xf32, #tpu.memory_space<hbm>>
    tpu.enqueue_dma source(%dma_start3A_626 : memref<10000xf32, #tpu.memory_space<hbm>>) target(%arg11 : memref<10000xf32, #tpu.memory_space<vmem>>) target_semaphore(%arg15 : memref<!tpu.dma_semaphore, #tpu.memory_space<semaphore_mem>>)
    "tpu.region"() ({
      %run_scoped3A = tpu.sem_alloc : memref<!tpu.dma_semaphore, #tpu.memory_space<semaphore_mem>>
      %dma_start3A_899 = arith.constant 0 : i32
      %dma_start3A_900 = tpu.memref_slice %arg18[%dma_start3A_899] : memref<100096xf32, #tpu.memory_space<vmem_shared>> -> memref<100096xf32, #tpu.memory_space<vmem_shared>>
      tpu.enqueue_indirect_dma source(%arg12 : memref<10000xf32, #tpu.memory_space<vmem>>) target(%dma_start3A_900 : memref<100096xf32, #tpu.memory_space<vmem_shared>>) offsets(%arg9 : memref<10000xi32, #tpu.memory_space<vmem>>) semaphore(%run_scoped3A : memref<!tpu.dma_semaphore, #tpu.memory_space<semaphore_mem>>) {add = true}
      %dma_wait3A_901 = arith.constant 0 : i32
      %dma_wait3A_902 = tpu.memref_slice %arg18[%dma_wait3A_901] : memref<100096xf32, #tpu.memory_space<vmem_shared>> -> memref<100096xf32, #tpu.memory_space<vmem_shared>>
      tpu.wait_indirect_dma semaphore(%run_scoped3A : memref<!tpu.dma_semaphore, #tpu.memory_space<semaphore_mem>>) src(%arg12 : memref<10000xf32, #tpu.memory_space<vmem>>) dst(%dma_wait3A_902 : memref<100096xf32, #tpu.memory_space<vmem_shared>>)
      tpu.yield
    }) : () -> ()
    %dma_wait3A_627 = tpu.memref_slice %arg4[%multiple_of3A_624] : memref<6400000xf32, #tpu.memory_space<hbm>> -> memref<10000xf32, #tpu.memory_space<hbm>>
    %dma_wait3A_628 = tpu.memref_slice %arg4[%multiple_of3A_624] : memref<6400000xf32, #tpu.memory_space<hbm>> -> memref<10000xf32, #tpu.memory_space<hbm>>
    tpu.wait_dma2 semaphore(%arg15 : memref<!tpu.dma_semaphore, #tpu.memory_space<semaphore_mem>>) src(%dma_wait3A_628 : memref<10000xf32, #tpu.memory_space<hbm>>) dst(%arg11 : memref<10000xf32, #tpu.memory_space<vmem>>)
    %add3A_629 = arith.constant 140000 : i32
    %add3A_630 = arith.addi %mul3A_10, %add3A_629 : i32
    %multiple_of3A_631 = tpu.assume_multiple %add3A_630, 16 : i32
    %dma_start3A_632 = tpu.memref_slice %arg5[%multiple_of3A_631] : memref<6400000xf32, #tpu.memory_space<hbm>> -> memref<10000xf32, #tpu.memory_space<hbm>>
    %dma_start3A_633 = tpu.memref_slice %arg5[%multiple_of3A_631] : memref<6400000xf32, #tpu.memory_space<hbm>> -> memref<10000xf32, #tpu.memory_space<hbm>>
    tpu.enqueue_dma source(%dma_start3A_633 : memref<10000xf32, #tpu.memory_space<hbm>>) target(%arg12 : memref<10000xf32, #tpu.memory_space<vmem>>) target_semaphore(%arg16 : memref<!tpu.dma_semaphore, #tpu.memory_space<semaphore_mem>>)
    "tpu.region"() ({
      %run_scoped3A = tpu.sem_alloc : memref<!tpu.dma_semaphore, #tpu.memory_space<semaphore_mem>>
      %dma_start3A_899 = arith.constant 0 : i32
      %dma_start3A_900 = tpu.memref_slice %arg19[%dma_start3A_899] : memref<100096xf32, #tpu.memory_space<vmem_shared>> -> memref<100096xf32, #tpu.memory_space<vmem_shared>>
      tpu.enqueue_indirect_dma source(%arg11 : memref<10000xf32, #tpu.memory_space<vmem>>) target(%dma_start3A_900 : memref<100096xf32, #tpu.memory_space<vmem_shared>>) offsets(%arg9 : memref<10000xi32, #tpu.memory_space<vmem>>) semaphore(%run_scoped3A : memref<!tpu.dma_semaphore, #tpu.memory_space<semaphore_mem>>) {add = true}
      %dma_wait3A_901 = arith.constant 0 : i32
      %dma_wait3A_902 = tpu.memref_slice %arg19[%dma_wait3A_901] : memref<100096xf32, #tpu.memory_space<vmem_shared>> -> memref<100096xf32, #tpu.memory_space<vmem_shared>>
      tpu.wait_indirect_dma semaphore(%run_scoped3A : memref<!tpu.dma_semaphore, #tpu.memory_space<semaphore_mem>>) src(%arg11 : memref<10000xf32, #tpu.memory_space<vmem>>) dst(%dma_wait3A_902 : memref<100096xf32, #tpu.memory_space<vmem_shared>>)
      tpu.yield
    }) : () -> ()
    %dma_wait3A_634 = tpu.memref_slice %arg5[%multiple_of3A_631] : memref<6400000xf32, #tpu.memory_space<hbm>> -> memref<10000xf32, #tpu.memory_space<hbm>>
    %dma_wait3A_635 = tpu.memref_slice %arg5[%multiple_of3A_631] : memref<6400000xf32, #tpu.memory_space<hbm>> -> memref<10000xf32, #tpu.memory_space<hbm>>
    tpu.wait_dma2 semaphore(%arg16 : memref<!tpu.dma_semaphore, #tpu.memory_space<semaphore_mem>>) src(%dma_wait3A_635 : memref<10000xf32, #tpu.memory_space<hbm>>) dst(%arg12 : memref<10000xf32, #tpu.memory_space<vmem>>)
    %add3A_636 = arith.constant 140000 : i32
    %add3A_637 = arith.addi %mul3A_10, %add3A_636 : i32
    %multiple_of3A_638 = tpu.assume_multiple %add3A_637, 16 : i32
    %dma_start3A_639 = tpu.memref_slice %arg6[%multiple_of3A_638] : memref<6400000xf32, #tpu.memory_space<hbm>> -> memref<10000xf32, #tpu.memory_space<hbm>>
    %dma_start3A_640 = tpu.memref_slice %arg6[%multiple_of3A_638] : memref<6400000xf32, #tpu.memory_space<hbm>> -> memref<10000xf32, #tpu.memory_space<hbm>>
    tpu.enqueue_dma source(%dma_start3A_640 : memref<10000xf32, #tpu.memory_space<hbm>>) target(%arg11 : memref<10000xf32, #tpu.memory_space<vmem>>) target_semaphore(%arg15 : memref<!tpu.dma_semaphore, #tpu.memory_space<semaphore_mem>>)
    "tpu.region"() ({
      %run_scoped3A = tpu.sem_alloc : memref<!tpu.dma_semaphore, #tpu.memory_space<semaphore_mem>>
      %dma_start3A_899 = arith.constant 0 : i32
      %dma_start3A_900 = tpu.memref_slice %arg20[%dma_start3A_899] : memref<100096xf32, #tpu.memory_space<vmem_shared>> -> memref<100096xf32, #tpu.memory_space<vmem_shared>>
      tpu.enqueue_indirect_dma source(%arg12 : memref<10000xf32, #tpu.memory_space<vmem>>) target(%dma_start3A_900 : memref<100096xf32, #tpu.memory_space<vmem_shared>>) offsets(%arg9 : memref<10000xi32, #tpu.memory_space<vmem>>) semaphore(%run_scoped3A : memref<!tpu.dma_semaphore, #tpu.memory_space<semaphore_mem>>) {add = true}
      %dma_wait3A_901 = arith.constant 0 : i32
      %dma_wait3A_902 = tpu.memref_slice %arg20[%dma_wait3A_901] : memref<100096xf32, #tpu.memory_space<vmem_shared>> -> memref<100096xf32, #tpu.memory_space<vmem_shared>>
      tpu.wait_indirect_dma semaphore(%run_scoped3A : memref<!tpu.dma_semaphore, #tpu.memory_space<semaphore_mem>>) src(%arg12 : memref<10000xf32, #tpu.memory_space<vmem>>) dst(%dma_wait3A_902 : memref<100096xf32, #tpu.memory_space<vmem_shared>>)
      tpu.yield
    }) : () -> ()
    %dma_wait3A_641 = tpu.memref_slice %arg6[%multiple_of3A_638] : memref<6400000xf32, #tpu.memory_space<hbm>> -> memref<10000xf32, #tpu.memory_space<hbm>>
    %dma_wait3A_642 = tpu.memref_slice %arg6[%multiple_of3A_638] : memref<6400000xf32, #tpu.memory_space<hbm>> -> memref<10000xf32, #tpu.memory_space<hbm>>
    tpu.wait_dma2 semaphore(%arg15 : memref<!tpu.dma_semaphore, #tpu.memory_space<semaphore_mem>>) src(%dma_wait3A_642 : memref<10000xf32, #tpu.memory_space<hbm>>) dst(%arg11 : memref<10000xf32, #tpu.memory_space<vmem>>)
    %add3A_643 = arith.constant 150000 : i32
    %add3A_644 = arith.addi %mul3A_10, %add3A_643 : i32
    %multiple_of3A_645 = tpu.assume_multiple %add3A_644, 16 : i32
    %dma_start3A_646 = tpu.memref_slice %arg2[%multiple_of3A_645] : memref<6400000xf32, #tpu.memory_space<hbm>> -> memref<10000xf32, #tpu.memory_space<hbm>>
    %dma_start3A_647 = tpu.memref_slice %arg2[%multiple_of3A_645] : memref<6400000xf32, #tpu.memory_space<hbm>> -> memref<10000xf32, #tpu.memory_space<hbm>>
    tpu.enqueue_dma source(%dma_start3A_647 : memref<10000xf32, #tpu.memory_space<hbm>>) target(%arg12 : memref<10000xf32, #tpu.memory_space<vmem>>) target_semaphore(%arg16 : memref<!tpu.dma_semaphore, #tpu.memory_space<semaphore_mem>>)
    "tpu.region"() ({
      %run_scoped3A = tpu.sem_alloc : memref<!tpu.dma_semaphore, #tpu.memory_space<semaphore_mem>>
      %dma_start3A_899 = arith.constant 0 : i32
      %dma_start3A_900 = tpu.memref_slice %arg21[%dma_start3A_899] : memref<100096xf32, #tpu.memory_space<vmem_shared>> -> memref<100096xf32, #tpu.memory_space<vmem_shared>>
      tpu.enqueue_indirect_dma source(%arg11 : memref<10000xf32, #tpu.memory_space<vmem>>) target(%dma_start3A_900 : memref<100096xf32, #tpu.memory_space<vmem_shared>>) offsets(%arg9 : memref<10000xi32, #tpu.memory_space<vmem>>) semaphore(%run_scoped3A : memref<!tpu.dma_semaphore, #tpu.memory_space<semaphore_mem>>) {add = true}
      %dma_wait3A_901 = arith.constant 0 : i32
      %dma_wait3A_902 = tpu.memref_slice %arg21[%dma_wait3A_901] : memref<100096xf32, #tpu.memory_space<vmem_shared>> -> memref<100096xf32, #tpu.memory_space<vmem_shared>>
      tpu.wait_indirect_dma semaphore(%run_scoped3A : memref<!tpu.dma_semaphore, #tpu.memory_space<semaphore_mem>>) src(%arg11 : memref<10000xf32, #tpu.memory_space<vmem>>) dst(%dma_wait3A_902 : memref<100096xf32, #tpu.memory_space<vmem_shared>>)
      tpu.yield
    }) : () -> ()
    %dma_wait3A_648 = tpu.memref_slice %arg7[%multiple_of3A_610] : memref<6400000xi32, #tpu.memory_space<hbm>> -> memref<10000xi32, #tpu.memory_space<hbm>>
    %dma_wait3A_649 = tpu.memref_slice %arg7[%multiple_of3A_610] : memref<6400000xi32, #tpu.memory_space<hbm>> -> memref<10000xi32, #tpu.memory_space<hbm>>
    tpu.wait_dma2 semaphore(%arg14 : memref<!tpu.dma_semaphore, #tpu.memory_space<semaphore_mem>>) src(%dma_wait3A_649 : memref<10000xi32, #tpu.memory_space<hbm>>) dst(%arg10 : memref<10000xi32, #tpu.memory_space<vmem>>)
    %add3A_650 = arith.constant 160000 : i32
    %add3A_651 = arith.addi %mul3A_10, %add3A_650 : i32
    %multiple_of3A_652 = tpu.assume_multiple %add3A_651, 16 : i32
    %dma_start3A_653 = tpu.memref_slice %arg7[%multiple_of3A_652] : memref<6400000xi32, #tpu.memory_space<hbm>> -> memref<10000xi32, #tpu.memory_space<hbm>>
    %dma_start3A_654 = tpu.memref_slice %arg7[%multiple_of3A_652] : memref<6400000xi32, #tpu.memory_space<hbm>> -> memref<10000xi32, #tpu.memory_space<hbm>>
    tpu.enqueue_dma source(%dma_start3A_654 : memref<10000xi32, #tpu.memory_space<hbm>>) target(%arg9 : memref<10000xi32, #tpu.memory_space<vmem>>) target_semaphore(%arg14 : memref<!tpu.dma_semaphore, #tpu.memory_space<semaphore_mem>>)
    %dma_wait3A_655 = tpu.memref_slice %arg2[%multiple_of3A_645] : memref<6400000xf32, #tpu.memory_space<hbm>> -> memref<10000xf32, #tpu.memory_space<hbm>>
    %dma_wait3A_656 = tpu.memref_slice %arg2[%multiple_of3A_645] : memref<6400000xf32, #tpu.memory_space<hbm>> -> memref<10000xf32, #tpu.memory_space<hbm>>
    tpu.wait_dma2 semaphore(%arg16 : memref<!tpu.dma_semaphore, #tpu.memory_space<semaphore_mem>>) src(%dma_wait3A_656 : memref<10000xf32, #tpu.memory_space<hbm>>) dst(%arg12 : memref<10000xf32, #tpu.memory_space<vmem>>)
    %add3A_657 = arith.constant 150000 : i32
    %add3A_658 = arith.addi %mul3A_10, %add3A_657 : i32
    %multiple_of3A_659 = tpu.assume_multiple %add3A_658, 16 : i32
    %dma_start3A_660 = tpu.memref_slice %arg3[%multiple_of3A_659] : memref<6400000xf32, #tpu.memory_space<hbm>> -> memref<10000xf32, #tpu.memory_space<hbm>>
    %dma_start3A_661 = tpu.memref_slice %arg3[%multiple_of3A_659] : memref<6400000xf32, #tpu.memory_space<hbm>> -> memref<10000xf32, #tpu.memory_space<hbm>>
    tpu.enqueue_dma source(%dma_start3A_661 : memref<10000xf32, #tpu.memory_space<hbm>>) target(%arg11 : memref<10000xf32, #tpu.memory_space<vmem>>) target_semaphore(%arg15 : memref<!tpu.dma_semaphore, #tpu.memory_space<semaphore_mem>>)
    "tpu.region"() ({
      %run_scoped3A = tpu.sem_alloc : memref<!tpu.dma_semaphore, #tpu.memory_space<semaphore_mem>>
      %dma_start3A_899 = arith.constant 0 : i32
      %dma_start3A_900 = tpu.memref_slice %arg17[%dma_start3A_899] : memref<100096xf32, #tpu.memory_space<vmem_shared>> -> memref<100096xf32, #tpu.memory_space<vmem_shared>>
      tpu.enqueue_indirect_dma source(%arg12 : memref<10000xf32, #tpu.memory_space<vmem>>) target(%dma_start3A_900 : memref<100096xf32, #tpu.memory_space<vmem_shared>>) offsets(%arg10 : memref<10000xi32, #tpu.memory_space<vmem>>) semaphore(%run_scoped3A : memref<!tpu.dma_semaphore, #tpu.memory_space<semaphore_mem>>) {add = true}
      %dma_wait3A_901 = arith.constant 0 : i32
      %dma_wait3A_902 = tpu.memref_slice %arg17[%dma_wait3A_901] : memref<100096xf32, #tpu.memory_space<vmem_shared>> -> memref<100096xf32, #tpu.memory_space<vmem_shared>>
      tpu.wait_indirect_dma semaphore(%run_scoped3A : memref<!tpu.dma_semaphore, #tpu.memory_space<semaphore_mem>>) src(%arg12 : memref<10000xf32, #tpu.memory_space<vmem>>) dst(%dma_wait3A_902 : memref<100096xf32, #tpu.memory_space<vmem_shared>>)
      tpu.yield
    }) : () -> ()
    %dma_wait3A_662 = tpu.memref_slice %arg3[%multiple_of3A_659] : memref<6400000xf32, #tpu.memory_space<hbm>> -> memref<10000xf32, #tpu.memory_space<hbm>>
    %dma_wait3A_663 = tpu.memref_slice %arg3[%multiple_of3A_659] : memref<6400000xf32, #tpu.memory_space<hbm>> -> memref<10000xf32, #tpu.memory_space<hbm>>
    tpu.wait_dma2 semaphore(%arg15 : memref<!tpu.dma_semaphore, #tpu.memory_space<semaphore_mem>>) src(%dma_wait3A_663 : memref<10000xf32, #tpu.memory_space<hbm>>) dst(%arg11 : memref<10000xf32, #tpu.memory_space<vmem>>)
    %add3A_664 = arith.constant 150000 : i32
    %add3A_665 = arith.addi %mul3A_10, %add3A_664 : i32
    %multiple_of3A_666 = tpu.assume_multiple %add3A_665, 16 : i32
    %dma_start3A_667 = tpu.memref_slice %arg4[%multiple_of3A_666] : memref<6400000xf32, #tpu.memory_space<hbm>> -> memref<10000xf32, #tpu.memory_space<hbm>>
    %dma_start3A_668 = tpu.memref_slice %arg4[%multiple_of3A_666] : memref<6400000xf32, #tpu.memory_space<hbm>> -> memref<10000xf32, #tpu.memory_space<hbm>>
    tpu.enqueue_dma source(%dma_start3A_668 : memref<10000xf32, #tpu.memory_space<hbm>>) target(%arg12 : memref<10000xf32, #tpu.memory_space<vmem>>) target_semaphore(%arg16 : memref<!tpu.dma_semaphore, #tpu.memory_space<semaphore_mem>>)
    "tpu.region"() ({
      %run_scoped3A = tpu.sem_alloc : memref<!tpu.dma_semaphore, #tpu.memory_space<semaphore_mem>>
      %dma_start3A_899 = arith.constant 0 : i32
      %dma_start3A_900 = tpu.memref_slice %arg18[%dma_start3A_899] : memref<100096xf32, #tpu.memory_space<vmem_shared>> -> memref<100096xf32, #tpu.memory_space<vmem_shared>>
      tpu.enqueue_indirect_dma source(%arg11 : memref<10000xf32, #tpu.memory_space<vmem>>) target(%dma_start3A_900 : memref<100096xf32, #tpu.memory_space<vmem_shared>>) offsets(%arg10 : memref<10000xi32, #tpu.memory_space<vmem>>) semaphore(%run_scoped3A : memref<!tpu.dma_semaphore, #tpu.memory_space<semaphore_mem>>) {add = true}
      %dma_wait3A_901 = arith.constant 0 : i32
      %dma_wait3A_902 = tpu.memref_slice %arg18[%dma_wait3A_901] : memref<100096xf32, #tpu.memory_space<vmem_shared>> -> memref<100096xf32, #tpu.memory_space<vmem_shared>>
      tpu.wait_indirect_dma semaphore(%run_scoped3A : memref<!tpu.dma_semaphore, #tpu.memory_space<semaphore_mem>>) src(%arg11 : memref<10000xf32, #tpu.memory_space<vmem>>) dst(%dma_wait3A_902 : memref<100096xf32, #tpu.memory_space<vmem_shared>>)
      tpu.yield
    }) : () -> ()
    %dma_wait3A_669 = tpu.memref_slice %arg4[%multiple_of3A_666] : memref<6400000xf32, #tpu.memory_space<hbm>> -> memref<10000xf32, #tpu.memory_space<hbm>>
    %dma_wait3A_670 = tpu.memref_slice %arg4[%multiple_of3A_666] : memref<6400000xf32, #tpu.memory_space<hbm>> -> memref<10000xf32, #tpu.memory_space<hbm>>
    tpu.wait_dma2 semaphore(%arg16 : memref<!tpu.dma_semaphore, #tpu.memory_space<semaphore_mem>>) src(%dma_wait3A_670 : memref<10000xf32, #tpu.memory_space<hbm>>) dst(%arg12 : memref<10000xf32, #tpu.memory_space<vmem>>)
    %add3A_671 = arith.constant 150000 : i32
    %add3A_672 = arith.addi %mul3A_10, %add3A_671 : i32
    %multiple_of3A_673 = tpu.assume_multiple %add3A_672, 16 : i32
    %dma_start3A_674 = tpu.memref_slice %arg5[%multiple_of3A_673] : memref<6400000xf32, #tpu.memory_space<hbm>> -> memref<10000xf32, #tpu.memory_space<hbm>>
    %dma_start3A_675 = tpu.memref_slice %arg5[%multiple_of3A_673] : memref<6400000xf32, #tpu.memory_space<hbm>> -> memref<10000xf32, #tpu.memory_space<hbm>>
    tpu.enqueue_dma source(%dma_start3A_675 : memref<10000xf32, #tpu.memory_space<hbm>>) target(%arg11 : memref<10000xf32, #tpu.memory_space<vmem>>) target_semaphore(%arg15 : memref<!tpu.dma_semaphore, #tpu.memory_space<semaphore_mem>>)
    "tpu.region"() ({
      %run_scoped3A = tpu.sem_alloc : memref<!tpu.dma_semaphore, #tpu.memory_space<semaphore_mem>>
      %dma_start3A_899 = arith.constant 0 : i32
      %dma_start3A_900 = tpu.memref_slice %arg19[%dma_start3A_899] : memref<100096xf32, #tpu.memory_space<vmem_shared>> -> memref<100096xf32, #tpu.memory_space<vmem_shared>>
      tpu.enqueue_indirect_dma source(%arg12 : memref<10000xf32, #tpu.memory_space<vmem>>) target(%dma_start3A_900 : memref<100096xf32, #tpu.memory_space<vmem_shared>>) offsets(%arg10 : memref<10000xi32, #tpu.memory_space<vmem>>) semaphore(%run_scoped3A : memref<!tpu.dma_semaphore, #tpu.memory_space<semaphore_mem>>) {add = true}
      %dma_wait3A_901 = arith.constant 0 : i32
      %dma_wait3A_902 = tpu.memref_slice %arg19[%dma_wait3A_901] : memref<100096xf32, #tpu.memory_space<vmem_shared>> -> memref<100096xf32, #tpu.memory_space<vmem_shared>>
      tpu.wait_indirect_dma semaphore(%run_scoped3A : memref<!tpu.dma_semaphore, #tpu.memory_space<semaphore_mem>>) src(%arg12 : memref<10000xf32, #tpu.memory_space<vmem>>) dst(%dma_wait3A_902 : memref<100096xf32, #tpu.memory_space<vmem_shared>>)
      tpu.yield
    }) : () -> ()
    %dma_wait3A_676 = tpu.memref_slice %arg5[%multiple_of3A_673] : memref<6400000xf32, #tpu.memory_space<hbm>> -> memref<10000xf32, #tpu.memory_space<hbm>>
    %dma_wait3A_677 = tpu.memref_slice %arg5[%multiple_of3A_673] : memref<6400000xf32, #tpu.memory_space<hbm>> -> memref<10000xf32, #tpu.memory_space<hbm>>
    tpu.wait_dma2 semaphore(%arg15 : memref<!tpu.dma_semaphore, #tpu.memory_space<semaphore_mem>>) src(%dma_wait3A_677 : memref<10000xf32, #tpu.memory_space<hbm>>) dst(%arg11 : memref<10000xf32, #tpu.memory_space<vmem>>)
    %add3A_678 = arith.constant 150000 : i32
    %add3A_679 = arith.addi %mul3A_10, %add3A_678 : i32
    %multiple_of3A_680 = tpu.assume_multiple %add3A_679, 16 : i32
    %dma_start3A_681 = tpu.memref_slice %arg6[%multiple_of3A_680] : memref<6400000xf32, #tpu.memory_space<hbm>> -> memref<10000xf32, #tpu.memory_space<hbm>>
    %dma_start3A_682 = tpu.memref_slice %arg6[%multiple_of3A_680] : memref<6400000xf32, #tpu.memory_space<hbm>> -> memref<10000xf32, #tpu.memory_space<hbm>>
    tpu.enqueue_dma source(%dma_start3A_682 : memref<10000xf32, #tpu.memory_space<hbm>>) target(%arg12 : memref<10000xf32, #tpu.memory_space<vmem>>) target_semaphore(%arg16 : memref<!tpu.dma_semaphore, #tpu.memory_space<semaphore_mem>>)
    "tpu.region"() ({
      %run_scoped3A = tpu.sem_alloc : memref<!tpu.dma_semaphore, #tpu.memory_space<semaphore_mem>>
      %dma_start3A_899 = arith.constant 0 : i32
      %dma_start3A_900 = tpu.memref_slice %arg20[%dma_start3A_899] : memref<100096xf32, #tpu.memory_space<vmem_shared>> -> memref<100096xf32, #tpu.memory_space<vmem_shared>>
      tpu.enqueue_indirect_dma source(%arg11 : memref<10000xf32, #tpu.memory_space<vmem>>) target(%dma_start3A_900 : memref<100096xf32, #tpu.memory_space<vmem_shared>>) offsets(%arg10 : memref<10000xi32, #tpu.memory_space<vmem>>) semaphore(%run_scoped3A : memref<!tpu.dma_semaphore, #tpu.memory_space<semaphore_mem>>) {add = true}
      %dma_wait3A_901 = arith.constant 0 : i32
      %dma_wait3A_902 = tpu.memref_slice %arg20[%dma_wait3A_901] : memref<100096xf32, #tpu.memory_space<vmem_shared>> -> memref<100096xf32, #tpu.memory_space<vmem_shared>>
      tpu.wait_indirect_dma semaphore(%run_scoped3A : memref<!tpu.dma_semaphore, #tpu.memory_space<semaphore_mem>>) src(%arg11 : memref<10000xf32, #tpu.memory_space<vmem>>) dst(%dma_wait3A_902 : memref<100096xf32, #tpu.memory_space<vmem_shared>>)
      tpu.yield
    }) : () -> ()
    %dma_wait3A_683 = tpu.memref_slice %arg6[%multiple_of3A_680] : memref<6400000xf32, #tpu.memory_space<hbm>> -> memref<10000xf32, #tpu.memory_space<hbm>>
    %dma_wait3A_684 = tpu.memref_slice %arg6[%multiple_of3A_680] : memref<6400000xf32, #tpu.memory_space<hbm>> -> memref<10000xf32, #tpu.memory_space<hbm>>
    tpu.wait_dma2 semaphore(%arg16 : memref<!tpu.dma_semaphore, #tpu.memory_space<semaphore_mem>>) src(%dma_wait3A_684 : memref<10000xf32, #tpu.memory_space<hbm>>) dst(%arg12 : memref<10000xf32, #tpu.memory_space<vmem>>)
    %add3A_685 = arith.constant 160000 : i32
    %add3A_686 = arith.addi %mul3A_10, %add3A_685 : i32
    %multiple_of3A_687 = tpu.assume_multiple %add3A_686, 16 : i32
    %dma_start3A_688 = tpu.memref_slice %arg2[%multiple_of3A_687] : memref<6400000xf32, #tpu.memory_space<hbm>> -> memref<10000xf32, #tpu.memory_space<hbm>>
    %dma_start3A_689 = tpu.memref_slice %arg2[%multiple_of3A_687] : memref<6400000xf32, #tpu.memory_space<hbm>> -> memref<10000xf32, #tpu.memory_space<hbm>>
    tpu.enqueue_dma source(%dma_start3A_689 : memref<10000xf32, #tpu.memory_space<hbm>>) target(%arg11 : memref<10000xf32, #tpu.memory_space<vmem>>) target_semaphore(%arg15 : memref<!tpu.dma_semaphore, #tpu.memory_space<semaphore_mem>>)
    "tpu.region"() ({
      %run_scoped3A = tpu.sem_alloc : memref<!tpu.dma_semaphore, #tpu.memory_space<semaphore_mem>>
      %dma_start3A_899 = arith.constant 0 : i32
      %dma_start3A_900 = tpu.memref_slice %arg21[%dma_start3A_899] : memref<100096xf32, #tpu.memory_space<vmem_shared>> -> memref<100096xf32, #tpu.memory_space<vmem_shared>>
      tpu.enqueue_indirect_dma source(%arg12 : memref<10000xf32, #tpu.memory_space<vmem>>) target(%dma_start3A_900 : memref<100096xf32, #tpu.memory_space<vmem_shared>>) offsets(%arg10 : memref<10000xi32, #tpu.memory_space<vmem>>) semaphore(%run_scoped3A : memref<!tpu.dma_semaphore, #tpu.memory_space<semaphore_mem>>) {add = true}
      %dma_wait3A_901 = arith.constant 0 : i32
      %dma_wait3A_902 = tpu.memref_slice %arg21[%dma_wait3A_901] : memref<100096xf32, #tpu.memory_space<vmem_shared>> -> memref<100096xf32, #tpu.memory_space<vmem_shared>>
      tpu.wait_indirect_dma semaphore(%run_scoped3A : memref<!tpu.dma_semaphore, #tpu.memory_space<semaphore_mem>>) src(%arg12 : memref<10000xf32, #tpu.memory_space<vmem>>) dst(%dma_wait3A_902 : memref<100096xf32, #tpu.memory_space<vmem_shared>>)
      tpu.yield
    }) : () -> ()
    %dma_wait3A_690 = tpu.memref_slice %arg7[%multiple_of3A_652] : memref<6400000xi32, #tpu.memory_space<hbm>> -> memref<10000xi32, #tpu.memory_space<hbm>>
    %dma_wait3A_691 = tpu.memref_slice %arg7[%multiple_of3A_652] : memref<6400000xi32, #tpu.memory_space<hbm>> -> memref<10000xi32, #tpu.memory_space<hbm>>
    tpu.wait_dma2 semaphore(%arg14 : memref<!tpu.dma_semaphore, #tpu.memory_space<semaphore_mem>>) src(%dma_wait3A_691 : memref<10000xi32, #tpu.memory_space<hbm>>) dst(%arg9 : memref<10000xi32, #tpu.memory_space<vmem>>)
    %add3A_692 = arith.constant 170000 : i32
    %add3A_693 = arith.addi %mul3A_10, %add3A_692 : i32
    %multiple_of3A_694 = tpu.assume_multiple %add3A_693, 16 : i32
    %dma_start3A_695 = tpu.memref_slice %arg7[%multiple_of3A_694] : memref<6400000xi32, #tpu.memory_space<hbm>> -> memref<10000xi32, #tpu.memory_space<hbm>>
    %dma_start3A_696 = tpu.memref_slice %arg7[%multiple_of3A_694] : memref<6400000xi32, #tpu.memory_space<hbm>> -> memref<10000xi32, #tpu.memory_space<hbm>>
    tpu.enqueue_dma source(%dma_start3A_696 : memref<10000xi32, #tpu.memory_space<hbm>>) target(%arg10 : memref<10000xi32, #tpu.memory_space<vmem>>) target_semaphore(%arg14 : memref<!tpu.dma_semaphore, #tpu.memory_space<semaphore_mem>>)
    %dma_wait3A_697 = tpu.memref_slice %arg2[%multiple_of3A_687] : memref<6400000xf32, #tpu.memory_space<hbm>> -> memref<10000xf32, #tpu.memory_space<hbm>>
    %dma_wait3A_698 = tpu.memref_slice %arg2[%multiple_of3A_687] : memref<6400000xf32, #tpu.memory_space<hbm>> -> memref<10000xf32, #tpu.memory_space<hbm>>
    tpu.wait_dma2 semaphore(%arg15 : memref<!tpu.dma_semaphore, #tpu.memory_space<semaphore_mem>>) src(%dma_wait3A_698 : memref<10000xf32, #tpu.memory_space<hbm>>) dst(%arg11 : memref<10000xf32, #tpu.memory_space<vmem>>)
    %add3A_699 = arith.constant 160000 : i32
    %add3A_700 = arith.addi %mul3A_10, %add3A_699 : i32
    %multiple_of3A_701 = tpu.assume_multiple %add3A_700, 16 : i32
    %dma_start3A_702 = tpu.memref_slice %arg3[%multiple_of3A_701] : memref<6400000xf32, #tpu.memory_space<hbm>> -> memref<10000xf32, #tpu.memory_space<hbm>>
    %dma_start3A_703 = tpu.memref_slice %arg3[%multiple_of3A_701] : memref<6400000xf32, #tpu.memory_space<hbm>> -> memref<10000xf32, #tpu.memory_space<hbm>>
    tpu.enqueue_dma source(%dma_start3A_703 : memref<10000xf32, #tpu.memory_space<hbm>>) target(%arg12 : memref<10000xf32, #tpu.memory_space<vmem>>) target_semaphore(%arg16 : memref<!tpu.dma_semaphore, #tpu.memory_space<semaphore_mem>>)
    "tpu.region"() ({
      %run_scoped3A = tpu.sem_alloc : memref<!tpu.dma_semaphore, #tpu.memory_space<semaphore_mem>>
      %dma_start3A_899 = arith.constant 0 : i32
      %dma_start3A_900 = tpu.memref_slice %arg17[%dma_start3A_899] : memref<100096xf32, #tpu.memory_space<vmem_shared>> -> memref<100096xf32, #tpu.memory_space<vmem_shared>>
      tpu.enqueue_indirect_dma source(%arg11 : memref<10000xf32, #tpu.memory_space<vmem>>) target(%dma_start3A_900 : memref<100096xf32, #tpu.memory_space<vmem_shared>>) offsets(%arg9 : memref<10000xi32, #tpu.memory_space<vmem>>) semaphore(%run_scoped3A : memref<!tpu.dma_semaphore, #tpu.memory_space<semaphore_mem>>) {add = true}
      %dma_wait3A_901 = arith.constant 0 : i32
      %dma_wait3A_902 = tpu.memref_slice %arg17[%dma_wait3A_901] : memref<100096xf32, #tpu.memory_space<vmem_shared>> -> memref<100096xf32, #tpu.memory_space<vmem_shared>>
      tpu.wait_indirect_dma semaphore(%run_scoped3A : memref<!tpu.dma_semaphore, #tpu.memory_space<semaphore_mem>>) src(%arg11 : memref<10000xf32, #tpu.memory_space<vmem>>) dst(%dma_wait3A_902 : memref<100096xf32, #tpu.memory_space<vmem_shared>>)
      tpu.yield
    }) : () -> ()
    %dma_wait3A_704 = tpu.memref_slice %arg3[%multiple_of3A_701] : memref<6400000xf32, #tpu.memory_space<hbm>> -> memref<10000xf32, #tpu.memory_space<hbm>>
    %dma_wait3A_705 = tpu.memref_slice %arg3[%multiple_of3A_701] : memref<6400000xf32, #tpu.memory_space<hbm>> -> memref<10000xf32, #tpu.memory_space<hbm>>
    tpu.wait_dma2 semaphore(%arg16 : memref<!tpu.dma_semaphore, #tpu.memory_space<semaphore_mem>>) src(%dma_wait3A_705 : memref<10000xf32, #tpu.memory_space<hbm>>) dst(%arg12 : memref<10000xf32, #tpu.memory_space<vmem>>)
    %add3A_706 = arith.constant 160000 : i32
    %add3A_707 = arith.addi %mul3A_10, %add3A_706 : i32
    %multiple_of3A_708 = tpu.assume_multiple %add3A_707, 16 : i32
    %dma_start3A_709 = tpu.memref_slice %arg4[%multiple_of3A_708] : memref<6400000xf32, #tpu.memory_space<hbm>> -> memref<10000xf32, #tpu.memory_space<hbm>>
    %dma_start3A_710 = tpu.memref_slice %arg4[%multiple_of3A_708] : memref<6400000xf32, #tpu.memory_space<hbm>> -> memref<10000xf32, #tpu.memory_space<hbm>>
    tpu.enqueue_dma source(%dma_start3A_710 : memref<10000xf32, #tpu.memory_space<hbm>>) target(%arg11 : memref<10000xf32, #tpu.memory_space<vmem>>) target_semaphore(%arg15 : memref<!tpu.dma_semaphore, #tpu.memory_space<semaphore_mem>>)
    "tpu.region"() ({
      %run_scoped3A = tpu.sem_alloc : memref<!tpu.dma_semaphore, #tpu.memory_space<semaphore_mem>>
      %dma_start3A_899 = arith.constant 0 : i32
      %dma_start3A_900 = tpu.memref_slice %arg18[%dma_start3A_899] : memref<100096xf32, #tpu.memory_space<vmem_shared>> -> memref<100096xf32, #tpu.memory_space<vmem_shared>>
      tpu.enqueue_indirect_dma source(%arg12 : memref<10000xf32, #tpu.memory_space<vmem>>) target(%dma_start3A_900 : memref<100096xf32, #tpu.memory_space<vmem_shared>>) offsets(%arg9 : memref<10000xi32, #tpu.memory_space<vmem>>) semaphore(%run_scoped3A : memref<!tpu.dma_semaphore, #tpu.memory_space<semaphore_mem>>) {add = true}
      %dma_wait3A_901 = arith.constant 0 : i32
      %dma_wait3A_902 = tpu.memref_slice %arg18[%dma_wait3A_901] : memref<100096xf32, #tpu.memory_space<vmem_shared>> -> memref<100096xf32, #tpu.memory_space<vmem_shared>>
      tpu.wait_indirect_dma semaphore(%run_scoped3A : memref<!tpu.dma_semaphore, #tpu.memory_space<semaphore_mem>>) src(%arg12 : memref<10000xf32, #tpu.memory_space<vmem>>) dst(%dma_wait3A_902 : memref<100096xf32, #tpu.memory_space<vmem_shared>>)
      tpu.yield
    }) : () -> ()
    %dma_wait3A_711 = tpu.memref_slice %arg4[%multiple_of3A_708] : memref<6400000xf32, #tpu.memory_space<hbm>> -> memref<10000xf32, #tpu.memory_space<hbm>>
    %dma_wait3A_712 = tpu.memref_slice %arg4[%multiple_of3A_708] : memref<6400000xf32, #tpu.memory_space<hbm>> -> memref<10000xf32, #tpu.memory_space<hbm>>
    tpu.wait_dma2 semaphore(%arg15 : memref<!tpu.dma_semaphore, #tpu.memory_space<semaphore_mem>>) src(%dma_wait3A_712 : memref<10000xf32, #tpu.memory_space<hbm>>) dst(%arg11 : memref<10000xf32, #tpu.memory_space<vmem>>)
    %add3A_713 = arith.constant 160000 : i32
    %add3A_714 = arith.addi %mul3A_10, %add3A_713 : i32
    %multiple_of3A_715 = tpu.assume_multiple %add3A_714, 16 : i32
    %dma_start3A_716 = tpu.memref_slice %arg5[%multiple_of3A_715] : memref<6400000xf32, #tpu.memory_space<hbm>> -> memref<10000xf32, #tpu.memory_space<hbm>>
    %dma_start3A_717 = tpu.memref_slice %arg5[%multiple_of3A_715] : memref<6400000xf32, #tpu.memory_space<hbm>> -> memref<10000xf32, #tpu.memory_space<hbm>>
    tpu.enqueue_dma source(%dma_start3A_717 : memref<10000xf32, #tpu.memory_space<hbm>>) target(%arg12 : memref<10000xf32, #tpu.memory_space<vmem>>) target_semaphore(%arg16 : memref<!tpu.dma_semaphore, #tpu.memory_space<semaphore_mem>>)
    "tpu.region"() ({
      %run_scoped3A = tpu.sem_alloc : memref<!tpu.dma_semaphore, #tpu.memory_space<semaphore_mem>>
      %dma_start3A_899 = arith.constant 0 : i32
      %dma_start3A_900 = tpu.memref_slice %arg19[%dma_start3A_899] : memref<100096xf32, #tpu.memory_space<vmem_shared>> -> memref<100096xf32, #tpu.memory_space<vmem_shared>>
      tpu.enqueue_indirect_dma source(%arg11 : memref<10000xf32, #tpu.memory_space<vmem>>) target(%dma_start3A_900 : memref<100096xf32, #tpu.memory_space<vmem_shared>>) offsets(%arg9 : memref<10000xi32, #tpu.memory_space<vmem>>) semaphore(%run_scoped3A : memref<!tpu.dma_semaphore, #tpu.memory_space<semaphore_mem>>) {add = true}
      %dma_wait3A_901 = arith.constant 0 : i32
      %dma_wait3A_902 = tpu.memref_slice %arg19[%dma_wait3A_901] : memref<100096xf32, #tpu.memory_space<vmem_shared>> -> memref<100096xf32, #tpu.memory_space<vmem_shared>>
      tpu.wait_indirect_dma semaphore(%run_scoped3A : memref<!tpu.dma_semaphore, #tpu.memory_space<semaphore_mem>>) src(%arg11 : memref<10000xf32, #tpu.memory_space<vmem>>) dst(%dma_wait3A_902 : memref<100096xf32, #tpu.memory_space<vmem_shared>>)
      tpu.yield
    }) : () -> ()
    %dma_wait3A_718 = tpu.memref_slice %arg5[%multiple_of3A_715] : memref<6400000xf32, #tpu.memory_space<hbm>> -> memref<10000xf32, #tpu.memory_space<hbm>>
    %dma_wait3A_719 = tpu.memref_slice %arg5[%multiple_of3A_715] : memref<6400000xf32, #tpu.memory_space<hbm>> -> memref<10000xf32, #tpu.memory_space<hbm>>
    tpu.wait_dma2 semaphore(%arg16 : memref<!tpu.dma_semaphore, #tpu.memory_space<semaphore_mem>>) src(%dma_wait3A_719 : memref<10000xf32, #tpu.memory_space<hbm>>) dst(%arg12 : memref<10000xf32, #tpu.memory_space<vmem>>)
    %add3A_720 = arith.constant 160000 : i32
    %add3A_721 = arith.addi %mul3A_10, %add3A_720 : i32
    %multiple_of3A_722 = tpu.assume_multiple %add3A_721, 16 : i32
    %dma_start3A_723 = tpu.memref_slice %arg6[%multiple_of3A_722] : memref<6400000xf32, #tpu.memory_space<hbm>> -> memref<10000xf32, #tpu.memory_space<hbm>>
    %dma_start3A_724 = tpu.memref_slice %arg6[%multiple_of3A_722] : memref<6400000xf32, #tpu.memory_space<hbm>> -> memref<10000xf32, #tpu.memory_space<hbm>>
    tpu.enqueue_dma source(%dma_start3A_724 : memref<10000xf32, #tpu.memory_space<hbm>>) target(%arg11 : memref<10000xf32, #tpu.memory_space<vmem>>) target_semaphore(%arg15 : memref<!tpu.dma_semaphore, #tpu.memory_space<semaphore_mem>>)
    "tpu.region"() ({
      %run_scoped3A = tpu.sem_alloc : memref<!tpu.dma_semaphore, #tpu.memory_space<semaphore_mem>>
      %dma_start3A_899 = arith.constant 0 : i32
      %dma_start3A_900 = tpu.memref_slice %arg20[%dma_start3A_899] : memref<100096xf32, #tpu.memory_space<vmem_shared>> -> memref<100096xf32, #tpu.memory_space<vmem_shared>>
      tpu.enqueue_indirect_dma source(%arg12 : memref<10000xf32, #tpu.memory_space<vmem>>) target(%dma_start3A_900 : memref<100096xf32, #tpu.memory_space<vmem_shared>>) offsets(%arg9 : memref<10000xi32, #tpu.memory_space<vmem>>) semaphore(%run_scoped3A : memref<!tpu.dma_semaphore, #tpu.memory_space<semaphore_mem>>) {add = true}
      %dma_wait3A_901 = arith.constant 0 : i32
      %dma_wait3A_902 = tpu.memref_slice %arg20[%dma_wait3A_901] : memref<100096xf32, #tpu.memory_space<vmem_shared>> -> memref<100096xf32, #tpu.memory_space<vmem_shared>>
      tpu.wait_indirect_dma semaphore(%run_scoped3A : memref<!tpu.dma_semaphore, #tpu.memory_space<semaphore_mem>>) src(%arg12 : memref<10000xf32, #tpu.memory_space<vmem>>) dst(%dma_wait3A_902 : memref<100096xf32, #tpu.memory_space<vmem_shared>>)
      tpu.yield
    }) : () -> ()
    %dma_wait3A_725 = tpu.memref_slice %arg6[%multiple_of3A_722] : memref<6400000xf32, #tpu.memory_space<hbm>> -> memref<10000xf32, #tpu.memory_space<hbm>>
    %dma_wait3A_726 = tpu.memref_slice %arg6[%multiple_of3A_722] : memref<6400000xf32, #tpu.memory_space<hbm>> -> memref<10000xf32, #tpu.memory_space<hbm>>
    tpu.wait_dma2 semaphore(%arg15 : memref<!tpu.dma_semaphore, #tpu.memory_space<semaphore_mem>>) src(%dma_wait3A_726 : memref<10000xf32, #tpu.memory_space<hbm>>) dst(%arg11 : memref<10000xf32, #tpu.memory_space<vmem>>)
    %add3A_727 = arith.constant 170000 : i32
    %add3A_728 = arith.addi %mul3A_10, %add3A_727 : i32
    %multiple_of3A_729 = tpu.assume_multiple %add3A_728, 16 : i32
    %dma_start3A_730 = tpu.memref_slice %arg2[%multiple_of3A_729] : memref<6400000xf32, #tpu.memory_space<hbm>> -> memref<10000xf32, #tpu.memory_space<hbm>>
    %dma_start3A_731 = tpu.memref_slice %arg2[%multiple_of3A_729] : memref<6400000xf32, #tpu.memory_space<hbm>> -> memref<10000xf32, #tpu.memory_space<hbm>>
    tpu.enqueue_dma source(%dma_start3A_731 : memref<10000xf32, #tpu.memory_space<hbm>>) target(%arg12 : memref<10000xf32, #tpu.memory_space<vmem>>) target_semaphore(%arg16 : memref<!tpu.dma_semaphore, #tpu.memory_space<semaphore_mem>>)
    "tpu.region"() ({
      %run_scoped3A = tpu.sem_alloc : memref<!tpu.dma_semaphore, #tpu.memory_space<semaphore_mem>>
      %dma_start3A_899 = arith.constant 0 : i32
      %dma_start3A_900 = tpu.memref_slice %arg21[%dma_start3A_899] : memref<100096xf32, #tpu.memory_space<vmem_shared>> -> memref<100096xf32, #tpu.memory_space<vmem_shared>>
      tpu.enqueue_indirect_dma source(%arg11 : memref<10000xf32, #tpu.memory_space<vmem>>) target(%dma_start3A_900 : memref<100096xf32, #tpu.memory_space<vmem_shared>>) offsets(%arg9 : memref<10000xi32, #tpu.memory_space<vmem>>) semaphore(%run_scoped3A : memref<!tpu.dma_semaphore, #tpu.memory_space<semaphore_mem>>) {add = true}
      %dma_wait3A_901 = arith.constant 0 : i32
      %dma_wait3A_902 = tpu.memref_slice %arg21[%dma_wait3A_901] : memref<100096xf32, #tpu.memory_space<vmem_shared>> -> memref<100096xf32, #tpu.memory_space<vmem_shared>>
      tpu.wait_indirect_dma semaphore(%run_scoped3A : memref<!tpu.dma_semaphore, #tpu.memory_space<semaphore_mem>>) src(%arg11 : memref<10000xf32, #tpu.memory_space<vmem>>) dst(%dma_wait3A_902 : memref<100096xf32, #tpu.memory_space<vmem_shared>>)
      tpu.yield
    }) : () -> ()
    %dma_wait3A_732 = tpu.memref_slice %arg7[%multiple_of3A_694] : memref<6400000xi32, #tpu.memory_space<hbm>> -> memref<10000xi32, #tpu.memory_space<hbm>>
    %dma_wait3A_733 = tpu.memref_slice %arg7[%multiple_of3A_694] : memref<6400000xi32, #tpu.memory_space<hbm>> -> memref<10000xi32, #tpu.memory_space<hbm>>
    tpu.wait_dma2 semaphore(%arg14 : memref<!tpu.dma_semaphore, #tpu.memory_space<semaphore_mem>>) src(%dma_wait3A_733 : memref<10000xi32, #tpu.memory_space<hbm>>) dst(%arg10 : memref<10000xi32, #tpu.memory_space<vmem>>)
    %add3A_734 = arith.constant 180000 : i32
    %add3A_735 = arith.addi %mul3A_10, %add3A_734 : i32
    %multiple_of3A_736 = tpu.assume_multiple %add3A_735, 16 : i32
    %dma_start3A_737 = tpu.memref_slice %arg7[%multiple_of3A_736] : memref<6400000xi32, #tpu.memory_space<hbm>> -> memref<10000xi32, #tpu.memory_space<hbm>>
    %dma_start3A_738 = tpu.memref_slice %arg7[%multiple_of3A_736] : memref<6400000xi32, #tpu.memory_space<hbm>> -> memref<10000xi32, #tpu.memory_space<hbm>>
    tpu.enqueue_dma source(%dma_start3A_738 : memref<10000xi32, #tpu.memory_space<hbm>>) target(%arg9 : memref<10000xi32, #tpu.memory_space<vmem>>) target_semaphore(%arg14 : memref<!tpu.dma_semaphore, #tpu.memory_space<semaphore_mem>>)
    %dma_wait3A_739 = tpu.memref_slice %arg2[%multiple_of3A_729] : memref<6400000xf32, #tpu.memory_space<hbm>> -> memref<10000xf32, #tpu.memory_space<hbm>>
    %dma_wait3A_740 = tpu.memref_slice %arg2[%multiple_of3A_729] : memref<6400000xf32, #tpu.memory_space<hbm>> -> memref<10000xf32, #tpu.memory_space<hbm>>
    tpu.wait_dma2 semaphore(%arg16 : memref<!tpu.dma_semaphore, #tpu.memory_space<semaphore_mem>>) src(%dma_wait3A_740 : memref<10000xf32, #tpu.memory_space<hbm>>) dst(%arg12 : memref<10000xf32, #tpu.memory_space<vmem>>)
    %add3A_741 = arith.constant 170000 : i32
    %add3A_742 = arith.addi %mul3A_10, %add3A_741 : i32
    %multiple_of3A_743 = tpu.assume_multiple %add3A_742, 16 : i32
    %dma_start3A_744 = tpu.memref_slice %arg3[%multiple_of3A_743] : memref<6400000xf32, #tpu.memory_space<hbm>> -> memref<10000xf32, #tpu.memory_space<hbm>>
    %dma_start3A_745 = tpu.memref_slice %arg3[%multiple_of3A_743] : memref<6400000xf32, #tpu.memory_space<hbm>> -> memref<10000xf32, #tpu.memory_space<hbm>>
    tpu.enqueue_dma source(%dma_start3A_745 : memref<10000xf32, #tpu.memory_space<hbm>>) target(%arg11 : memref<10000xf32, #tpu.memory_space<vmem>>) target_semaphore(%arg15 : memref<!tpu.dma_semaphore, #tpu.memory_space<semaphore_mem>>)
    "tpu.region"() ({
      %run_scoped3A = tpu.sem_alloc : memref<!tpu.dma_semaphore, #tpu.memory_space<semaphore_mem>>
      %dma_start3A_899 = arith.constant 0 : i32
      %dma_start3A_900 = tpu.memref_slice %arg17[%dma_start3A_899] : memref<100096xf32, #tpu.memory_space<vmem_shared>> -> memref<100096xf32, #tpu.memory_space<vmem_shared>>
      tpu.enqueue_indirect_dma source(%arg12 : memref<10000xf32, #tpu.memory_space<vmem>>) target(%dma_start3A_900 : memref<100096xf32, #tpu.memory_space<vmem_shared>>) offsets(%arg10 : memref<10000xi32, #tpu.memory_space<vmem>>) semaphore(%run_scoped3A : memref<!tpu.dma_semaphore, #tpu.memory_space<semaphore_mem>>) {add = true}
      %dma_wait3A_901 = arith.constant 0 : i32
      %dma_wait3A_902 = tpu.memref_slice %arg17[%dma_wait3A_901] : memref<100096xf32, #tpu.memory_space<vmem_shared>> -> memref<100096xf32, #tpu.memory_space<vmem_shared>>
      tpu.wait_indirect_dma semaphore(%run_scoped3A : memref<!tpu.dma_semaphore, #tpu.memory_space<semaphore_mem>>) src(%arg12 : memref<10000xf32, #tpu.memory_space<vmem>>) dst(%dma_wait3A_902 : memref<100096xf32, #tpu.memory_space<vmem_shared>>)
      tpu.yield
    }) : () -> ()
    %dma_wait3A_746 = tpu.memref_slice %arg3[%multiple_of3A_743] : memref<6400000xf32, #tpu.memory_space<hbm>> -> memref<10000xf32, #tpu.memory_space<hbm>>
    %dma_wait3A_747 = tpu.memref_slice %arg3[%multiple_of3A_743] : memref<6400000xf32, #tpu.memory_space<hbm>> -> memref<10000xf32, #tpu.memory_space<hbm>>
    tpu.wait_dma2 semaphore(%arg15 : memref<!tpu.dma_semaphore, #tpu.memory_space<semaphore_mem>>) src(%dma_wait3A_747 : memref<10000xf32, #tpu.memory_space<hbm>>) dst(%arg11 : memref<10000xf32, #tpu.memory_space<vmem>>)
    %add3A_748 = arith.constant 170000 : i32
    %add3A_749 = arith.addi %mul3A_10, %add3A_748 : i32
    %multiple_of3A_750 = tpu.assume_multiple %add3A_749, 16 : i32
    %dma_start3A_751 = tpu.memref_slice %arg4[%multiple_of3A_750] : memref<6400000xf32, #tpu.memory_space<hbm>> -> memref<10000xf32, #tpu.memory_space<hbm>>
    %dma_start3A_752 = tpu.memref_slice %arg4[%multiple_of3A_750] : memref<6400000xf32, #tpu.memory_space<hbm>> -> memref<10000xf32, #tpu.memory_space<hbm>>
    tpu.enqueue_dma source(%dma_start3A_752 : memref<10000xf32, #tpu.memory_space<hbm>>) target(%arg12 : memref<10000xf32, #tpu.memory_space<vmem>>) target_semaphore(%arg16 : memref<!tpu.dma_semaphore, #tpu.memory_space<semaphore_mem>>)
    "tpu.region"() ({
      %run_scoped3A = tpu.sem_alloc : memref<!tpu.dma_semaphore, #tpu.memory_space<semaphore_mem>>
      %dma_start3A_899 = arith.constant 0 : i32
      %dma_start3A_900 = tpu.memref_slice %arg18[%dma_start3A_899] : memref<100096xf32, #tpu.memory_space<vmem_shared>> -> memref<100096xf32, #tpu.memory_space<vmem_shared>>
      tpu.enqueue_indirect_dma source(%arg11 : memref<10000xf32, #tpu.memory_space<vmem>>) target(%dma_start3A_900 : memref<100096xf32, #tpu.memory_space<vmem_shared>>) offsets(%arg10 : memref<10000xi32, #tpu.memory_space<vmem>>) semaphore(%run_scoped3A : memref<!tpu.dma_semaphore, #tpu.memory_space<semaphore_mem>>) {add = true}
      %dma_wait3A_901 = arith.constant 0 : i32
      %dma_wait3A_902 = tpu.memref_slice %arg18[%dma_wait3A_901] : memref<100096xf32, #tpu.memory_space<vmem_shared>> -> memref<100096xf32, #tpu.memory_space<vmem_shared>>
      tpu.wait_indirect_dma semaphore(%run_scoped3A : memref<!tpu.dma_semaphore, #tpu.memory_space<semaphore_mem>>) src(%arg11 : memref<10000xf32, #tpu.memory_space<vmem>>) dst(%dma_wait3A_902 : memref<100096xf32, #tpu.memory_space<vmem_shared>>)
      tpu.yield
    }) : () -> ()
    %dma_wait3A_753 = tpu.memref_slice %arg4[%multiple_of3A_750] : memref<6400000xf32, #tpu.memory_space<hbm>> -> memref<10000xf32, #tpu.memory_space<hbm>>
    %dma_wait3A_754 = tpu.memref_slice %arg4[%multiple_of3A_750] : memref<6400000xf32, #tpu.memory_space<hbm>> -> memref<10000xf32, #tpu.memory_space<hbm>>
    tpu.wait_dma2 semaphore(%arg16 : memref<!tpu.dma_semaphore, #tpu.memory_space<semaphore_mem>>) src(%dma_wait3A_754 : memref<10000xf32, #tpu.memory_space<hbm>>) dst(%arg12 : memref<10000xf32, #tpu.memory_space<vmem>>)
    %add3A_755 = arith.constant 170000 : i32
    %add3A_756 = arith.addi %mul3A_10, %add3A_755 : i32
    %multiple_of3A_757 = tpu.assume_multiple %add3A_756, 16 : i32
    %dma_start3A_758 = tpu.memref_slice %arg5[%multiple_of3A_757] : memref<6400000xf32, #tpu.memory_space<hbm>> -> memref<10000xf32, #tpu.memory_space<hbm>>
    %dma_start3A_759 = tpu.memref_slice %arg5[%multiple_of3A_757] : memref<6400000xf32, #tpu.memory_space<hbm>> -> memref<10000xf32, #tpu.memory_space<hbm>>
    tpu.enqueue_dma source(%dma_start3A_759 : memref<10000xf32, #tpu.memory_space<hbm>>) target(%arg11 : memref<10000xf32, #tpu.memory_space<vmem>>) target_semaphore(%arg15 : memref<!tpu.dma_semaphore, #tpu.memory_space<semaphore_mem>>)
    "tpu.region"() ({
      %run_scoped3A = tpu.sem_alloc : memref<!tpu.dma_semaphore, #tpu.memory_space<semaphore_mem>>
      %dma_start3A_899 = arith.constant 0 : i32
      %dma_start3A_900 = tpu.memref_slice %arg19[%dma_start3A_899] : memref<100096xf32, #tpu.memory_space<vmem_shared>> -> memref<100096xf32, #tpu.memory_space<vmem_shared>>
      tpu.enqueue_indirect_dma source(%arg12 : memref<10000xf32, #tpu.memory_space<vmem>>) target(%dma_start3A_900 : memref<100096xf32, #tpu.memory_space<vmem_shared>>) offsets(%arg10 : memref<10000xi32, #tpu.memory_space<vmem>>) semaphore(%run_scoped3A : memref<!tpu.dma_semaphore, #tpu.memory_space<semaphore_mem>>) {add = true}
      %dma_wait3A_901 = arith.constant 0 : i32
      %dma_wait3A_902 = tpu.memref_slice %arg19[%dma_wait3A_901] : memref<100096xf32, #tpu.memory_space<vmem_shared>> -> memref<100096xf32, #tpu.memory_space<vmem_shared>>
      tpu.wait_indirect_dma semaphore(%run_scoped3A : memref<!tpu.dma_semaphore, #tpu.memory_space<semaphore_mem>>) src(%arg12 : memref<10000xf32, #tpu.memory_space<vmem>>) dst(%dma_wait3A_902 : memref<100096xf32, #tpu.memory_space<vmem_shared>>)
      tpu.yield
    }) : () -> ()
    %dma_wait3A_760 = tpu.memref_slice %arg5[%multiple_of3A_757] : memref<6400000xf32, #tpu.memory_space<hbm>> -> memref<10000xf32, #tpu.memory_space<hbm>>
    %dma_wait3A_761 = tpu.memref_slice %arg5[%multiple_of3A_757] : memref<6400000xf32, #tpu.memory_space<hbm>> -> memref<10000xf32, #tpu.memory_space<hbm>>
    tpu.wait_dma2 semaphore(%arg15 : memref<!tpu.dma_semaphore, #tpu.memory_space<semaphore_mem>>) src(%dma_wait3A_761 : memref<10000xf32, #tpu.memory_space<hbm>>) dst(%arg11 : memref<10000xf32, #tpu.memory_space<vmem>>)
    %add3A_762 = arith.constant 170000 : i32
    %add3A_763 = arith.addi %mul3A_10, %add3A_762 : i32
    %multiple_of3A_764 = tpu.assume_multiple %add3A_763, 16 : i32
    %dma_start3A_765 = tpu.memref_slice %arg6[%multiple_of3A_764] : memref<6400000xf32, #tpu.memory_space<hbm>> -> memref<10000xf32, #tpu.memory_space<hbm>>
    %dma_start3A_766 = tpu.memref_slice %arg6[%multiple_of3A_764] : memref<6400000xf32, #tpu.memory_space<hbm>> -> memref<10000xf32, #tpu.memory_space<hbm>>
    tpu.enqueue_dma source(%dma_start3A_766 : memref<10000xf32, #tpu.memory_space<hbm>>) target(%arg12 : memref<10000xf32, #tpu.memory_space<vmem>>) target_semaphore(%arg16 : memref<!tpu.dma_semaphore, #tpu.memory_space<semaphore_mem>>)
    "tpu.region"() ({
      %run_scoped3A = tpu.sem_alloc : memref<!tpu.dma_semaphore, #tpu.memory_space<semaphore_mem>>
      %dma_start3A_899 = arith.constant 0 : i32
      %dma_start3A_900 = tpu.memref_slice %arg20[%dma_start3A_899] : memref<100096xf32, #tpu.memory_space<vmem_shared>> -> memref<100096xf32, #tpu.memory_space<vmem_shared>>
      tpu.enqueue_indirect_dma source(%arg11 : memref<10000xf32, #tpu.memory_space<vmem>>) target(%dma_start3A_900 : memref<100096xf32, #tpu.memory_space<vmem_shared>>) offsets(%arg10 : memref<10000xi32, #tpu.memory_space<vmem>>) semaphore(%run_scoped3A : memref<!tpu.dma_semaphore, #tpu.memory_space<semaphore_mem>>) {add = true}
      %dma_wait3A_901 = arith.constant 0 : i32
      %dma_wait3A_902 = tpu.memref_slice %arg20[%dma_wait3A_901] : memref<100096xf32, #tpu.memory_space<vmem_shared>> -> memref<100096xf32, #tpu.memory_space<vmem_shared>>
      tpu.wait_indirect_dma semaphore(%run_scoped3A : memref<!tpu.dma_semaphore, #tpu.memory_space<semaphore_mem>>) src(%arg11 : memref<10000xf32, #tpu.memory_space<vmem>>) dst(%dma_wait3A_902 : memref<100096xf32, #tpu.memory_space<vmem_shared>>)
      tpu.yield
    }) : () -> ()
    %dma_wait3A_767 = tpu.memref_slice %arg6[%multiple_of3A_764] : memref<6400000xf32, #tpu.memory_space<hbm>> -> memref<10000xf32, #tpu.memory_space<hbm>>
    %dma_wait3A_768 = tpu.memref_slice %arg6[%multiple_of3A_764] : memref<6400000xf32, #tpu.memory_space<hbm>> -> memref<10000xf32, #tpu.memory_space<hbm>>
    tpu.wait_dma2 semaphore(%arg16 : memref<!tpu.dma_semaphore, #tpu.memory_space<semaphore_mem>>) src(%dma_wait3A_768 : memref<10000xf32, #tpu.memory_space<hbm>>) dst(%arg12 : memref<10000xf32, #tpu.memory_space<vmem>>)
    %add3A_769 = arith.constant 180000 : i32
    %add3A_770 = arith.addi %mul3A_10, %add3A_769 : i32
    %multiple_of3A_771 = tpu.assume_multiple %add3A_770, 16 : i32
    %dma_start3A_772 = tpu.memref_slice %arg2[%multiple_of3A_771] : memref<6400000xf32, #tpu.memory_space<hbm>> -> memref<10000xf32, #tpu.memory_space<hbm>>
    %dma_start3A_773 = tpu.memref_slice %arg2[%multiple_of3A_771] : memref<6400000xf32, #tpu.memory_space<hbm>> -> memref<10000xf32, #tpu.memory_space<hbm>>
    tpu.enqueue_dma source(%dma_start3A_773 : memref<10000xf32, #tpu.memory_space<hbm>>) target(%arg11 : memref<10000xf32, #tpu.memory_space<vmem>>) target_semaphore(%arg15 : memref<!tpu.dma_semaphore, #tpu.memory_space<semaphore_mem>>)
    "tpu.region"() ({
      %run_scoped3A = tpu.sem_alloc : memref<!tpu.dma_semaphore, #tpu.memory_space<semaphore_mem>>
      %dma_start3A_899 = arith.constant 0 : i32
      %dma_start3A_900 = tpu.memref_slice %arg21[%dma_start3A_899] : memref<100096xf32, #tpu.memory_space<vmem_shared>> -> memref<100096xf32, #tpu.memory_space<vmem_shared>>
      tpu.enqueue_indirect_dma source(%arg12 : memref<10000xf32, #tpu.memory_space<vmem>>) target(%dma_start3A_900 : memref<100096xf32, #tpu.memory_space<vmem_shared>>) offsets(%arg10 : memref<10000xi32, #tpu.memory_space<vmem>>) semaphore(%run_scoped3A : memref<!tpu.dma_semaphore, #tpu.memory_space<semaphore_mem>>) {add = true}
      %dma_wait3A_901 = arith.constant 0 : i32
      %dma_wait3A_902 = tpu.memref_slice %arg21[%dma_wait3A_901] : memref<100096xf32, #tpu.memory_space<vmem_shared>> -> memref<100096xf32, #tpu.memory_space<vmem_shared>>
      tpu.wait_indirect_dma semaphore(%run_scoped3A : memref<!tpu.dma_semaphore, #tpu.memory_space<semaphore_mem>>) src(%arg12 : memref<10000xf32, #tpu.memory_space<vmem>>) dst(%dma_wait3A_902 : memref<100096xf32, #tpu.memory_space<vmem_shared>>)
      tpu.yield
    }) : () -> ()
    %dma_wait3A_774 = tpu.memref_slice %arg7[%multiple_of3A_736] : memref<6400000xi32, #tpu.memory_space<hbm>> -> memref<10000xi32, #tpu.memory_space<hbm>>
    %dma_wait3A_775 = tpu.memref_slice %arg7[%multiple_of3A_736] : memref<6400000xi32, #tpu.memory_space<hbm>> -> memref<10000xi32, #tpu.memory_space<hbm>>
    tpu.wait_dma2 semaphore(%arg14 : memref<!tpu.dma_semaphore, #tpu.memory_space<semaphore_mem>>) src(%dma_wait3A_775 : memref<10000xi32, #tpu.memory_space<hbm>>) dst(%arg9 : memref<10000xi32, #tpu.memory_space<vmem>>)
    %add3A_776 = arith.constant 190000 : i32
    %add3A_777 = arith.addi %mul3A_10, %add3A_776 : i32
    %multiple_of3A_778 = tpu.assume_multiple %add3A_777, 16 : i32
    %dma_start3A_779 = tpu.memref_slice %arg7[%multiple_of3A_778] : memref<6400000xi32, #tpu.memory_space<hbm>> -> memref<10000xi32, #tpu.memory_space<hbm>>
    %dma_start3A_780 = tpu.memref_slice %arg7[%multiple_of3A_778] : memref<6400000xi32, #tpu.memory_space<hbm>> -> memref<10000xi32, #tpu.memory_space<hbm>>
    tpu.enqueue_dma source(%dma_start3A_780 : memref<10000xi32, #tpu.memory_space<hbm>>) target(%arg10 : memref<10000xi32, #tpu.memory_space<vmem>>) target_semaphore(%arg14 : memref<!tpu.dma_semaphore, #tpu.memory_space<semaphore_mem>>)
    %dma_wait3A_781 = tpu.memref_slice %arg2[%multiple_of3A_771] : memref<6400000xf32, #tpu.memory_space<hbm>> -> memref<10000xf32, #tpu.memory_space<hbm>>
    %dma_wait3A_782 = tpu.memref_slice %arg2[%multiple_of3A_771] : memref<6400000xf32, #tpu.memory_space<hbm>> -> memref<10000xf32, #tpu.memory_space<hbm>>
    tpu.wait_dma2 semaphore(%arg15 : memref<!tpu.dma_semaphore, #tpu.memory_space<semaphore_mem>>) src(%dma_wait3A_782 : memref<10000xf32, #tpu.memory_space<hbm>>) dst(%arg11 : memref<10000xf32, #tpu.memory_space<vmem>>)
    %add3A_783 = arith.constant 180000 : i32
    %add3A_784 = arith.addi %mul3A_10, %add3A_783 : i32
    %multiple_of3A_785 = tpu.assume_multiple %add3A_784, 16 : i32
    %dma_start3A_786 = tpu.memref_slice %arg3[%multiple_of3A_785] : memref<6400000xf32, #tpu.memory_space<hbm>> -> memref<10000xf32, #tpu.memory_space<hbm>>
    %dma_start3A_787 = tpu.memref_slice %arg3[%multiple_of3A_785] : memref<6400000xf32, #tpu.memory_space<hbm>> -> memref<10000xf32, #tpu.memory_space<hbm>>
    tpu.enqueue_dma source(%dma_start3A_787 : memref<10000xf32, #tpu.memory_space<hbm>>) target(%arg12 : memref<10000xf32, #tpu.memory_space<vmem>>) target_semaphore(%arg16 : memref<!tpu.dma_semaphore, #tpu.memory_space<semaphore_mem>>)
    "tpu.region"() ({
      %run_scoped3A = tpu.sem_alloc : memref<!tpu.dma_semaphore, #tpu.memory_space<semaphore_mem>>
      %dma_start3A_899 = arith.constant 0 : i32
      %dma_start3A_900 = tpu.memref_slice %arg17[%dma_start3A_899] : memref<100096xf32, #tpu.memory_space<vmem_shared>> -> memref<100096xf32, #tpu.memory_space<vmem_shared>>
      tpu.enqueue_indirect_dma source(%arg11 : memref<10000xf32, #tpu.memory_space<vmem>>) target(%dma_start3A_900 : memref<100096xf32, #tpu.memory_space<vmem_shared>>) offsets(%arg9 : memref<10000xi32, #tpu.memory_space<vmem>>) semaphore(%run_scoped3A : memref<!tpu.dma_semaphore, #tpu.memory_space<semaphore_mem>>) {add = true}
      %dma_wait3A_901 = arith.constant 0 : i32
      %dma_wait3A_902 = tpu.memref_slice %arg17[%dma_wait3A_901] : memref<100096xf32, #tpu.memory_space<vmem_shared>> -> memref<100096xf32, #tpu.memory_space<vmem_shared>>
      tpu.wait_indirect_dma semaphore(%run_scoped3A : memref<!tpu.dma_semaphore, #tpu.memory_space<semaphore_mem>>) src(%arg11 : memref<10000xf32, #tpu.memory_space<vmem>>) dst(%dma_wait3A_902 : memref<100096xf32, #tpu.memory_space<vmem_shared>>)
      tpu.yield
    }) : () -> ()
    %dma_wait3A_788 = tpu.memref_slice %arg3[%multiple_of3A_785] : memref<6400000xf32, #tpu.memory_space<hbm>> -> memref<10000xf32, #tpu.memory_space<hbm>>
    %dma_wait3A_789 = tpu.memref_slice %arg3[%multiple_of3A_785] : memref<6400000xf32, #tpu.memory_space<hbm>> -> memref<10000xf32, #tpu.memory_space<hbm>>
    tpu.wait_dma2 semaphore(%arg16 : memref<!tpu.dma_semaphore, #tpu.memory_space<semaphore_mem>>) src(%dma_wait3A_789 : memref<10000xf32, #tpu.memory_space<hbm>>) dst(%arg12 : memref<10000xf32, #tpu.memory_space<vmem>>)
    %add3A_790 = arith.constant 180000 : i32
    %add3A_791 = arith.addi %mul3A_10, %add3A_790 : i32
    %multiple_of3A_792 = tpu.assume_multiple %add3A_791, 16 : i32
    %dma_start3A_793 = tpu.memref_slice %arg4[%multiple_of3A_792] : memref<6400000xf32, #tpu.memory_space<hbm>> -> memref<10000xf32, #tpu.memory_space<hbm>>
    %dma_start3A_794 = tpu.memref_slice %arg4[%multiple_of3A_792] : memref<6400000xf32, #tpu.memory_space<hbm>> -> memref<10000xf32, #tpu.memory_space<hbm>>
    tpu.enqueue_dma source(%dma_start3A_794 : memref<10000xf32, #tpu.memory_space<hbm>>) target(%arg11 : memref<10000xf32, #tpu.memory_space<vmem>>) target_semaphore(%arg15 : memref<!tpu.dma_semaphore, #tpu.memory_space<semaphore_mem>>)
    "tpu.region"() ({
      %run_scoped3A = tpu.sem_alloc : memref<!tpu.dma_semaphore, #tpu.memory_space<semaphore_mem>>
      %dma_start3A_899 = arith.constant 0 : i32
      %dma_start3A_900 = tpu.memref_slice %arg18[%dma_start3A_899] : memref<100096xf32, #tpu.memory_space<vmem_shared>> -> memref<100096xf32, #tpu.memory_space<vmem_shared>>
      tpu.enqueue_indirect_dma source(%arg12 : memref<10000xf32, #tpu.memory_space<vmem>>) target(%dma_start3A_900 : memref<100096xf32, #tpu.memory_space<vmem_shared>>) offsets(%arg9 : memref<10000xi32, #tpu.memory_space<vmem>>) semaphore(%run_scoped3A : memref<!tpu.dma_semaphore, #tpu.memory_space<semaphore_mem>>) {add = true}
      %dma_wait3A_901 = arith.constant 0 : i32
      %dma_wait3A_902 = tpu.memref_slice %arg18[%dma_wait3A_901] : memref<100096xf32, #tpu.memory_space<vmem_shared>> -> memref<100096xf32, #tpu.memory_space<vmem_shared>>
      tpu.wait_indirect_dma semaphore(%run_scoped3A : memref<!tpu.dma_semaphore, #tpu.memory_space<semaphore_mem>>) src(%arg12 : memref<10000xf32, #tpu.memory_space<vmem>>) dst(%dma_wait3A_902 : memref<100096xf32, #tpu.memory_space<vmem_shared>>)
      tpu.yield
    }) : () -> ()
    %dma_wait3A_795 = tpu.memref_slice %arg4[%multiple_of3A_792] : memref<6400000xf32, #tpu.memory_space<hbm>> -> memref<10000xf32, #tpu.memory_space<hbm>>
    %dma_wait3A_796 = tpu.memref_slice %arg4[%multiple_of3A_792] : memref<6400000xf32, #tpu.memory_space<hbm>> -> memref<10000xf32, #tpu.memory_space<hbm>>
    tpu.wait_dma2 semaphore(%arg15 : memref<!tpu.dma_semaphore, #tpu.memory_space<semaphore_mem>>) src(%dma_wait3A_796 : memref<10000xf32, #tpu.memory_space<hbm>>) dst(%arg11 : memref<10000xf32, #tpu.memory_space<vmem>>)
    %add3A_797 = arith.constant 180000 : i32
    %add3A_798 = arith.addi %mul3A_10, %add3A_797 : i32
    %multiple_of3A_799 = tpu.assume_multiple %add3A_798, 16 : i32
    %dma_start3A_800 = tpu.memref_slice %arg5[%multiple_of3A_799] : memref<6400000xf32, #tpu.memory_space<hbm>> -> memref<10000xf32, #tpu.memory_space<hbm>>
    %dma_start3A_801 = tpu.memref_slice %arg5[%multiple_of3A_799] : memref<6400000xf32, #tpu.memory_space<hbm>> -> memref<10000xf32, #tpu.memory_space<hbm>>
    tpu.enqueue_dma source(%dma_start3A_801 : memref<10000xf32, #tpu.memory_space<hbm>>) target(%arg12 : memref<10000xf32, #tpu.memory_space<vmem>>) target_semaphore(%arg16 : memref<!tpu.dma_semaphore, #tpu.memory_space<semaphore_mem>>)
    "tpu.region"() ({
      %run_scoped3A = tpu.sem_alloc : memref<!tpu.dma_semaphore, #tpu.memory_space<semaphore_mem>>
      %dma_start3A_899 = arith.constant 0 : i32
      %dma_start3A_900 = tpu.memref_slice %arg19[%dma_start3A_899] : memref<100096xf32, #tpu.memory_space<vmem_shared>> -> memref<100096xf32, #tpu.memory_space<vmem_shared>>
      tpu.enqueue_indirect_dma source(%arg11 : memref<10000xf32, #tpu.memory_space<vmem>>) target(%dma_start3A_900 : memref<100096xf32, #tpu.memory_space<vmem_shared>>) offsets(%arg9 : memref<10000xi32, #tpu.memory_space<vmem>>) semaphore(%run_scoped3A : memref<!tpu.dma_semaphore, #tpu.memory_space<semaphore_mem>>) {add = true}
      %dma_wait3A_901 = arith.constant 0 : i32
      %dma_wait3A_902 = tpu.memref_slice %arg19[%dma_wait3A_901] : memref<100096xf32, #tpu.memory_space<vmem_shared>> -> memref<100096xf32, #tpu.memory_space<vmem_shared>>
      tpu.wait_indirect_dma semaphore(%run_scoped3A : memref<!tpu.dma_semaphore, #tpu.memory_space<semaphore_mem>>) src(%arg11 : memref<10000xf32, #tpu.memory_space<vmem>>) dst(%dma_wait3A_902 : memref<100096xf32, #tpu.memory_space<vmem_shared>>)
      tpu.yield
    }) : () -> ()
    %dma_wait3A_802 = tpu.memref_slice %arg5[%multiple_of3A_799] : memref<6400000xf32, #tpu.memory_space<hbm>> -> memref<10000xf32, #tpu.memory_space<hbm>>
    %dma_wait3A_803 = tpu.memref_slice %arg5[%multiple_of3A_799] : memref<6400000xf32, #tpu.memory_space<hbm>> -> memref<10000xf32, #tpu.memory_space<hbm>>
    tpu.wait_dma2 semaphore(%arg16 : memref<!tpu.dma_semaphore, #tpu.memory_space<semaphore_mem>>) src(%dma_wait3A_803 : memref<10000xf32, #tpu.memory_space<hbm>>) dst(%arg12 : memref<10000xf32, #tpu.memory_space<vmem>>)
    %add3A_804 = arith.constant 180000 : i32
    %add3A_805 = arith.addi %mul3A_10, %add3A_804 : i32
    %multiple_of3A_806 = tpu.assume_multiple %add3A_805, 16 : i32
    %dma_start3A_807 = tpu.memref_slice %arg6[%multiple_of3A_806] : memref<6400000xf32, #tpu.memory_space<hbm>> -> memref<10000xf32, #tpu.memory_space<hbm>>
    %dma_start3A_808 = tpu.memref_slice %arg6[%multiple_of3A_806] : memref<6400000xf32, #tpu.memory_space<hbm>> -> memref<10000xf32, #tpu.memory_space<hbm>>
    tpu.enqueue_dma source(%dma_start3A_808 : memref<10000xf32, #tpu.memory_space<hbm>>) target(%arg11 : memref<10000xf32, #tpu.memory_space<vmem>>) target_semaphore(%arg15 : memref<!tpu.dma_semaphore, #tpu.memory_space<semaphore_mem>>)
    "tpu.region"() ({
      %run_scoped3A = tpu.sem_alloc : memref<!tpu.dma_semaphore, #tpu.memory_space<semaphore_mem>>
      %dma_start3A_899 = arith.constant 0 : i32
      %dma_start3A_900 = tpu.memref_slice %arg20[%dma_start3A_899] : memref<100096xf32, #tpu.memory_space<vmem_shared>> -> memref<100096xf32, #tpu.memory_space<vmem_shared>>
      tpu.enqueue_indirect_dma source(%arg12 : memref<10000xf32, #tpu.memory_space<vmem>>) target(%dma_start3A_900 : memref<100096xf32, #tpu.memory_space<vmem_shared>>) offsets(%arg9 : memref<10000xi32, #tpu.memory_space<vmem>>) semaphore(%run_scoped3A : memref<!tpu.dma_semaphore, #tpu.memory_space<semaphore_mem>>) {add = true}
      %dma_wait3A_901 = arith.constant 0 : i32
      %dma_wait3A_902 = tpu.memref_slice %arg20[%dma_wait3A_901] : memref<100096xf32, #tpu.memory_space<vmem_shared>> -> memref<100096xf32, #tpu.memory_space<vmem_shared>>
      tpu.wait_indirect_dma semaphore(%run_scoped3A : memref<!tpu.dma_semaphore, #tpu.memory_space<semaphore_mem>>) src(%arg12 : memref<10000xf32, #tpu.memory_space<vmem>>) dst(%dma_wait3A_902 : memref<100096xf32, #tpu.memory_space<vmem_shared>>)
      tpu.yield
    }) : () -> ()
    %dma_wait3A_809 = tpu.memref_slice %arg6[%multiple_of3A_806] : memref<6400000xf32, #tpu.memory_space<hbm>> -> memref<10000xf32, #tpu.memory_space<hbm>>
    %dma_wait3A_810 = tpu.memref_slice %arg6[%multiple_of3A_806] : memref<6400000xf32, #tpu.memory_space<hbm>> -> memref<10000xf32, #tpu.memory_space<hbm>>
    tpu.wait_dma2 semaphore(%arg15 : memref<!tpu.dma_semaphore, #tpu.memory_space<semaphore_mem>>) src(%dma_wait3A_810 : memref<10000xf32, #tpu.memory_space<hbm>>) dst(%arg11 : memref<10000xf32, #tpu.memory_space<vmem>>)
    %add3A_811 = arith.constant 190000 : i32
    %add3A_812 = arith.addi %mul3A_10, %add3A_811 : i32
    %multiple_of3A_813 = tpu.assume_multiple %add3A_812, 16 : i32
    %dma_start3A_814 = tpu.memref_slice %arg2[%multiple_of3A_813] : memref<6400000xf32, #tpu.memory_space<hbm>> -> memref<10000xf32, #tpu.memory_space<hbm>>
    %dma_start3A_815 = tpu.memref_slice %arg2[%multiple_of3A_813] : memref<6400000xf32, #tpu.memory_space<hbm>> -> memref<10000xf32, #tpu.memory_space<hbm>>
    tpu.enqueue_dma source(%dma_start3A_815 : memref<10000xf32, #tpu.memory_space<hbm>>) target(%arg12 : memref<10000xf32, #tpu.memory_space<vmem>>) target_semaphore(%arg16 : memref<!tpu.dma_semaphore, #tpu.memory_space<semaphore_mem>>)
    "tpu.region"() ({
      %run_scoped3A = tpu.sem_alloc : memref<!tpu.dma_semaphore, #tpu.memory_space<semaphore_mem>>
      %dma_start3A_899 = arith.constant 0 : i32
      %dma_start3A_900 = tpu.memref_slice %arg21[%dma_start3A_899] : memref<100096xf32, #tpu.memory_space<vmem_shared>> -> memref<100096xf32, #tpu.memory_space<vmem_shared>>
      tpu.enqueue_indirect_dma source(%arg11 : memref<10000xf32, #tpu.memory_space<vmem>>) target(%dma_start3A_900 : memref<100096xf32, #tpu.memory_space<vmem_shared>>) offsets(%arg9 : memref<10000xi32, #tpu.memory_space<vmem>>) semaphore(%run_scoped3A : memref<!tpu.dma_semaphore, #tpu.memory_space<semaphore_mem>>) {add = true}
      %dma_wait3A_901 = arith.constant 0 : i32
      %dma_wait3A_902 = tpu.memref_slice %arg21[%dma_wait3A_901] : memref<100096xf32, #tpu.memory_space<vmem_shared>> -> memref<100096xf32, #tpu.memory_space<vmem_shared>>
      tpu.wait_indirect_dma semaphore(%run_scoped3A : memref<!tpu.dma_semaphore, #tpu.memory_space<semaphore_mem>>) src(%arg11 : memref<10000xf32, #tpu.memory_space<vmem>>) dst(%dma_wait3A_902 : memref<100096xf32, #tpu.memory_space<vmem_shared>>)
      tpu.yield
    }) : () -> ()
    %dma_wait3A_816 = tpu.memref_slice %arg7[%multiple_of3A_778] : memref<6400000xi32, #tpu.memory_space<hbm>> -> memref<10000xi32, #tpu.memory_space<hbm>>
    %dma_wait3A_817 = tpu.memref_slice %arg7[%multiple_of3A_778] : memref<6400000xi32, #tpu.memory_space<hbm>> -> memref<10000xi32, #tpu.memory_space<hbm>>
    tpu.wait_dma2 semaphore(%arg14 : memref<!tpu.dma_semaphore, #tpu.memory_space<semaphore_mem>>) src(%dma_wait3A_817 : memref<10000xi32, #tpu.memory_space<hbm>>) dst(%arg10 : memref<10000xi32, #tpu.memory_space<vmem>>)
    %dma_wait3A_818 = tpu.memref_slice %arg2[%multiple_of3A_813] : memref<6400000xf32, #tpu.memory_space<hbm>> -> memref<10000xf32, #tpu.memory_space<hbm>>
    %dma_wait3A_819 = tpu.memref_slice %arg2[%multiple_of3A_813] : memref<6400000xf32, #tpu.memory_space<hbm>> -> memref<10000xf32, #tpu.memory_space<hbm>>
    tpu.wait_dma2 semaphore(%arg16 : memref<!tpu.dma_semaphore, #tpu.memory_space<semaphore_mem>>) src(%dma_wait3A_819 : memref<10000xf32, #tpu.memory_space<hbm>>) dst(%arg12 : memref<10000xf32, #tpu.memory_space<vmem>>)
    %add3A_820 = arith.constant 190000 : i32
    %add3A_821 = arith.addi %mul3A_10, %add3A_820 : i32
    %multiple_of3A_822 = tpu.assume_multiple %add3A_821, 16 : i32
    %dma_start3A_823 = tpu.memref_slice %arg3[%multiple_of3A_822] : memref<6400000xf32, #tpu.memory_space<hbm>> -> memref<10000xf32, #tpu.memory_space<hbm>>
    %dma_start3A_824 = tpu.memref_slice %arg3[%multiple_of3A_822] : memref<6400000xf32, #tpu.memory_space<hbm>> -> memref<10000xf32, #tpu.memory_space<hbm>>
    tpu.enqueue_dma source(%dma_start3A_824 : memref<10000xf32, #tpu.memory_space<hbm>>) target(%arg11 : memref<10000xf32, #tpu.memory_space<vmem>>) target_semaphore(%arg15 : memref<!tpu.dma_semaphore, #tpu.memory_space<semaphore_mem>>)
    "tpu.region"() ({
      %run_scoped3A = tpu.sem_alloc : memref<!tpu.dma_semaphore, #tpu.memory_space<semaphore_mem>>
      %dma_start3A_899 = arith.constant 0 : i32
      %dma_start3A_900 = tpu.memref_slice %arg17[%dma_start3A_899] : memref<100096xf32, #tpu.memory_space<vmem_shared>> -> memref<100096xf32, #tpu.memory_space<vmem_shared>>
      tpu.enqueue_indirect_dma source(%arg12 : memref<10000xf32, #tpu.memory_space<vmem>>) target(%dma_start3A_900 : memref<100096xf32, #tpu.memory_space<vmem_shared>>) offsets(%arg10 : memref<10000xi32, #tpu.memory_space<vmem>>) semaphore(%run_scoped3A : memref<!tpu.dma_semaphore, #tpu.memory_space<semaphore_mem>>) {add = true}
      %dma_wait3A_901 = arith.constant 0 : i32
      %dma_wait3A_902 = tpu.memref_slice %arg17[%dma_wait3A_901] : memref<100096xf32, #tpu.memory_space<vmem_shared>> -> memref<100096xf32, #tpu.memory_space<vmem_shared>>
      tpu.wait_indirect_dma semaphore(%run_scoped3A : memref<!tpu.dma_semaphore, #tpu.memory_space<semaphore_mem>>) src(%arg12 : memref<10000xf32, #tpu.memory_space<vmem>>) dst(%dma_wait3A_902 : memref<100096xf32, #tpu.memory_space<vmem_shared>>)
      tpu.yield
    }) : () -> ()
    %dma_wait3A_825 = tpu.memref_slice %arg3[%multiple_of3A_822] : memref<6400000xf32, #tpu.memory_space<hbm>> -> memref<10000xf32, #tpu.memory_space<hbm>>
    %dma_wait3A_826 = tpu.memref_slice %arg3[%multiple_of3A_822] : memref<6400000xf32, #tpu.memory_space<hbm>> -> memref<10000xf32, #tpu.memory_space<hbm>>
    tpu.wait_dma2 semaphore(%arg15 : memref<!tpu.dma_semaphore, #tpu.memory_space<semaphore_mem>>) src(%dma_wait3A_826 : memref<10000xf32, #tpu.memory_space<hbm>>) dst(%arg11 : memref<10000xf32, #tpu.memory_space<vmem>>)
    %add3A_827 = arith.constant 190000 : i32
    %add3A_828 = arith.addi %mul3A_10, %add3A_827 : i32
    %multiple_of3A_829 = tpu.assume_multiple %add3A_828, 16 : i32
    %dma_start3A_830 = tpu.memref_slice %arg4[%multiple_of3A_829] : memref<6400000xf32, #tpu.memory_space<hbm>> -> memref<10000xf32, #tpu.memory_space<hbm>>
    %dma_start3A_831 = tpu.memref_slice %arg4[%multiple_of3A_829] : memref<6400000xf32, #tpu.memory_space<hbm>> -> memref<10000xf32, #tpu.memory_space<hbm>>
    tpu.enqueue_dma source(%dma_start3A_831 : memref<10000xf32, #tpu.memory_space<hbm>>) target(%arg12 : memref<10000xf32, #tpu.memory_space<vmem>>) target_semaphore(%arg16 : memref<!tpu.dma_semaphore, #tpu.memory_space<semaphore_mem>>)
    "tpu.region"() ({
      %run_scoped3A = tpu.sem_alloc : memref<!tpu.dma_semaphore, #tpu.memory_space<semaphore_mem>>
      %dma_start3A_899 = arith.constant 0 : i32
      %dma_start3A_900 = tpu.memref_slice %arg18[%dma_start3A_899] : memref<100096xf32, #tpu.memory_space<vmem_shared>> -> memref<100096xf32, #tpu.memory_space<vmem_shared>>
      tpu.enqueue_indirect_dma source(%arg11 : memref<10000xf32, #tpu.memory_space<vmem>>) target(%dma_start3A_900 : memref<100096xf32, #tpu.memory_space<vmem_shared>>) offsets(%arg10 : memref<10000xi32, #tpu.memory_space<vmem>>) semaphore(%run_scoped3A : memref<!tpu.dma_semaphore, #tpu.memory_space<semaphore_mem>>) {add = true}
      %dma_wait3A_901 = arith.constant 0 : i32
      %dma_wait3A_902 = tpu.memref_slice %arg18[%dma_wait3A_901] : memref<100096xf32, #tpu.memory_space<vmem_shared>> -> memref<100096xf32, #tpu.memory_space<vmem_shared>>
      tpu.wait_indirect_dma semaphore(%run_scoped3A : memref<!tpu.dma_semaphore, #tpu.memory_space<semaphore_mem>>) src(%arg11 : memref<10000xf32, #tpu.memory_space<vmem>>) dst(%dma_wait3A_902 : memref<100096xf32, #tpu.memory_space<vmem_shared>>)
      tpu.yield
    }) : () -> ()
    %dma_wait3A_832 = tpu.memref_slice %arg4[%multiple_of3A_829] : memref<6400000xf32, #tpu.memory_space<hbm>> -> memref<10000xf32, #tpu.memory_space<hbm>>
    %dma_wait3A_833 = tpu.memref_slice %arg4[%multiple_of3A_829] : memref<6400000xf32, #tpu.memory_space<hbm>> -> memref<10000xf32, #tpu.memory_space<hbm>>
    tpu.wait_dma2 semaphore(%arg16 : memref<!tpu.dma_semaphore, #tpu.memory_space<semaphore_mem>>) src(%dma_wait3A_833 : memref<10000xf32, #tpu.memory_space<hbm>>) dst(%arg12 : memref<10000xf32, #tpu.memory_space<vmem>>)
    %add3A_834 = arith.constant 190000 : i32
    %add3A_835 = arith.addi %mul3A_10, %add3A_834 : i32
    %multiple_of3A_836 = tpu.assume_multiple %add3A_835, 16 : i32
    %dma_start3A_837 = tpu.memref_slice %arg5[%multiple_of3A_836] : memref<6400000xf32, #tpu.memory_space<hbm>> -> memref<10000xf32, #tpu.memory_space<hbm>>
    %dma_start3A_838 = tpu.memref_slice %arg5[%multiple_of3A_836] : memref<6400000xf32, #tpu.memory_space<hbm>> -> memref<10000xf32, #tpu.memory_space<hbm>>
    tpu.enqueue_dma source(%dma_start3A_838 : memref<10000xf32, #tpu.memory_space<hbm>>) target(%arg11 : memref<10000xf32, #tpu.memory_space<vmem>>) target_semaphore(%arg15 : memref<!tpu.dma_semaphore, #tpu.memory_space<semaphore_mem>>)
    "tpu.region"() ({
      %run_scoped3A = tpu.sem_alloc : memref<!tpu.dma_semaphore, #tpu.memory_space<semaphore_mem>>
      %dma_start3A_899 = arith.constant 0 : i32
      %dma_start3A_900 = tpu.memref_slice %arg19[%dma_start3A_899] : memref<100096xf32, #tpu.memory_space<vmem_shared>> -> memref<100096xf32, #tpu.memory_space<vmem_shared>>
      tpu.enqueue_indirect_dma source(%arg12 : memref<10000xf32, #tpu.memory_space<vmem>>) target(%dma_start3A_900 : memref<100096xf32, #tpu.memory_space<vmem_shared>>) offsets(%arg10 : memref<10000xi32, #tpu.memory_space<vmem>>) semaphore(%run_scoped3A : memref<!tpu.dma_semaphore, #tpu.memory_space<semaphore_mem>>) {add = true}
      %dma_wait3A_901 = arith.constant 0 : i32
      %dma_wait3A_902 = tpu.memref_slice %arg19[%dma_wait3A_901] : memref<100096xf32, #tpu.memory_space<vmem_shared>> -> memref<100096xf32, #tpu.memory_space<vmem_shared>>
      tpu.wait_indirect_dma semaphore(%run_scoped3A : memref<!tpu.dma_semaphore, #tpu.memory_space<semaphore_mem>>) src(%arg12 : memref<10000xf32, #tpu.memory_space<vmem>>) dst(%dma_wait3A_902 : memref<100096xf32, #tpu.memory_space<vmem_shared>>)
      tpu.yield
    }) : () -> ()
    %dma_wait3A_839 = tpu.memref_slice %arg5[%multiple_of3A_836] : memref<6400000xf32, #tpu.memory_space<hbm>> -> memref<10000xf32, #tpu.memory_space<hbm>>
    %dma_wait3A_840 = tpu.memref_slice %arg5[%multiple_of3A_836] : memref<6400000xf32, #tpu.memory_space<hbm>> -> memref<10000xf32, #tpu.memory_space<hbm>>
    tpu.wait_dma2 semaphore(%arg15 : memref<!tpu.dma_semaphore, #tpu.memory_space<semaphore_mem>>) src(%dma_wait3A_840 : memref<10000xf32, #tpu.memory_space<hbm>>) dst(%arg11 : memref<10000xf32, #tpu.memory_space<vmem>>)
    %add3A_841 = arith.constant 190000 : i32
    %add3A_842 = arith.addi %mul3A_10, %add3A_841 : i32
    %multiple_of3A_843 = tpu.assume_multiple %add3A_842, 16 : i32
    %dma_start3A_844 = tpu.memref_slice %arg6[%multiple_of3A_843] : memref<6400000xf32, #tpu.memory_space<hbm>> -> memref<10000xf32, #tpu.memory_space<hbm>>
    %dma_start3A_845 = tpu.memref_slice %arg6[%multiple_of3A_843] : memref<6400000xf32, #tpu.memory_space<hbm>> -> memref<10000xf32, #tpu.memory_space<hbm>>
    tpu.enqueue_dma source(%dma_start3A_845 : memref<10000xf32, #tpu.memory_space<hbm>>) target(%arg12 : memref<10000xf32, #tpu.memory_space<vmem>>) target_semaphore(%arg16 : memref<!tpu.dma_semaphore, #tpu.memory_space<semaphore_mem>>)
    "tpu.region"() ({
      %run_scoped3A = tpu.sem_alloc : memref<!tpu.dma_semaphore, #tpu.memory_space<semaphore_mem>>
      %dma_start3A_899 = arith.constant 0 : i32
      %dma_start3A_900 = tpu.memref_slice %arg20[%dma_start3A_899] : memref<100096xf32, #tpu.memory_space<vmem_shared>> -> memref<100096xf32, #tpu.memory_space<vmem_shared>>
      tpu.enqueue_indirect_dma source(%arg11 : memref<10000xf32, #tpu.memory_space<vmem>>) target(%dma_start3A_900 : memref<100096xf32, #tpu.memory_space<vmem_shared>>) offsets(%arg10 : memref<10000xi32, #tpu.memory_space<vmem>>) semaphore(%run_scoped3A : memref<!tpu.dma_semaphore, #tpu.memory_space<semaphore_mem>>) {add = true}
      %dma_wait3A_901 = arith.constant 0 : i32
      %dma_wait3A_902 = tpu.memref_slice %arg20[%dma_wait3A_901] : memref<100096xf32, #tpu.memory_space<vmem_shared>> -> memref<100096xf32, #tpu.memory_space<vmem_shared>>
      tpu.wait_indirect_dma semaphore(%run_scoped3A : memref<!tpu.dma_semaphore, #tpu.memory_space<semaphore_mem>>) src(%arg11 : memref<10000xf32, #tpu.memory_space<vmem>>) dst(%dma_wait3A_902 : memref<100096xf32, #tpu.memory_space<vmem_shared>>)
      tpu.yield
    }) : () -> ()
    %dma_wait3A_846 = tpu.memref_slice %arg6[%multiple_of3A_843] : memref<6400000xf32, #tpu.memory_space<hbm>> -> memref<10000xf32, #tpu.memory_space<hbm>>
    %dma_wait3A_847 = tpu.memref_slice %arg6[%multiple_of3A_843] : memref<6400000xf32, #tpu.memory_space<hbm>> -> memref<10000xf32, #tpu.memory_space<hbm>>
    tpu.wait_dma2 semaphore(%arg16 : memref<!tpu.dma_semaphore, #tpu.memory_space<semaphore_mem>>) src(%dma_wait3A_847 : memref<10000xf32, #tpu.memory_space<hbm>>) dst(%arg12 : memref<10000xf32, #tpu.memory_space<vmem>>)
    "tpu.region"() ({
      %run_scoped3A = tpu.sem_alloc : memref<!tpu.dma_semaphore, #tpu.memory_space<semaphore_mem>>
      %dma_start3A_899 = arith.constant 0 : i32
      %dma_start3A_900 = tpu.memref_slice %arg21[%dma_start3A_899] : memref<100096xf32, #tpu.memory_space<vmem_shared>> -> memref<100096xf32, #tpu.memory_space<vmem_shared>>
      tpu.enqueue_indirect_dma source(%arg12 : memref<10000xf32, #tpu.memory_space<vmem>>) target(%dma_start3A_900 : memref<100096xf32, #tpu.memory_space<vmem_shared>>) offsets(%arg10 : memref<10000xi32, #tpu.memory_space<vmem>>) semaphore(%run_scoped3A : memref<!tpu.dma_semaphore, #tpu.memory_space<semaphore_mem>>) {add = true}
      %dma_wait3A_901 = arith.constant 0 : i32
      %dma_wait3A_902 = tpu.memref_slice %arg21[%dma_wait3A_901] : memref<100096xf32, #tpu.memory_space<vmem_shared>> -> memref<100096xf32, #tpu.memory_space<vmem_shared>>
      tpu.wait_indirect_dma semaphore(%run_scoped3A : memref<!tpu.dma_semaphore, #tpu.memory_space<semaphore_mem>>) src(%arg12 : memref<10000xf32, #tpu.memory_space<vmem>>) dst(%dma_wait3A_902 : memref<100096xf32, #tpu.memory_space<vmem_shared>>)
      tpu.yield
    }) : () -> ()
    %barrier3A_848 = arith.constant 0 : index
    tpu.barrier barrier_id(%barrier3A_848)
    %mul3A_849 = arith.constant 5 : i32
    %mul3A_850 = arith.muli %arg0, %mul3A_849 : i32
    %add3A_851 = arith.constant 0 : i32
    %add3A_852 = arith.addi %mul3A_850, %add3A_851 : i32
    %mul3A_853 = arith.constant 100096 : i32
    %mul3A_854 = arith.muli %add3A_852, %mul3A_853 : i32
    %mul3A_855 = arith.constant 6256 : i32
    %mul3A_856 = arith.muli %arg1, %mul3A_855 : i32
    %add3A_857 = arith.addi %mul3A_854, %mul3A_856 : i32
    %multiple_of3A_858 = tpu.assume_multiple %add3A_857, 16 : i32
    "tpu.region"() ({
      %run_scoped3A = tpu.sem_alloc : memref<!tpu.dma_semaphore, #tpu.memory_space<semaphore_mem>>
      %dma_start3A_899 = tpu.memref_slice %arg17[%mul3A_8] : memref<100096xf32, #tpu.memory_space<vmem_shared>> -> memref<6256xf32, #tpu.memory_space<vmem_shared>>
      %dma_start3A_900 = tpu.memref_slice %arg17[%mul3A_8] : memref<100096xf32, #tpu.memory_space<vmem_shared>> -> memref<6256xf32, #tpu.memory_space<vmem_shared>>
      tpu.enqueue_dma source(%dma_start3A_900 : memref<6256xf32, #tpu.memory_space<vmem_shared>>) target(%arg13 : memref<6256xf32, #tpu.memory_space<vmem>>) target_semaphore(%run_scoped3A : memref<!tpu.dma_semaphore, #tpu.memory_space<semaphore_mem>>)
      %dma_wait3A_901 = tpu.memref_slice %arg17[%mul3A_8] : memref<100096xf32, #tpu.memory_space<vmem_shared>> -> memref<6256xf32, #tpu.memory_space<vmem_shared>>
      %dma_wait3A_902 = tpu.memref_slice %arg17[%mul3A_8] : memref<100096xf32, #tpu.memory_space<vmem_shared>> -> memref<6256xf32, #tpu.memory_space<vmem_shared>>
      tpu.wait_dma2 semaphore(%run_scoped3A : memref<!tpu.dma_semaphore, #tpu.memory_space<semaphore_mem>>) src(%dma_wait3A_902 : memref<6256xf32, #tpu.memory_space<vmem_shared>>) dst(%arg13 : memref<6256xf32, #tpu.memory_space<vmem>>)
      tpu.yield
    }) : () -> ()
    "tpu.region"() ({
      %run_scoped3A = tpu.sem_alloc : memref<!tpu.dma_semaphore, #tpu.memory_space<semaphore_mem>>
      %dma_start3A_899 = tpu.memref_slice %arg8[%multiple_of3A_858] : memref<1000960xf32, #tpu.memory_space<hbm>> -> memref<6256xf32, #tpu.memory_space<hbm>>
      %dma_start3A_900 = tpu.memref_slice %arg8[%multiple_of3A_858] : memref<1000960xf32, #tpu.memory_space<hbm>> -> memref<6256xf32, #tpu.memory_space<hbm>>
      tpu.enqueue_dma source(%arg13 : memref<6256xf32, #tpu.memory_space<vmem>>) target(%dma_start3A_900 : memref<6256xf32, #tpu.memory_space<hbm>>) target_semaphore(%run_scoped3A : memref<!tpu.dma_semaphore, #tpu.memory_space<semaphore_mem>>)
      %dma_wait3A_901 = tpu.memref_slice %arg8[%multiple_of3A_858] : memref<1000960xf32, #tpu.memory_space<hbm>> -> memref<6256xf32, #tpu.memory_space<hbm>>
      %dma_wait3A_902 = tpu.memref_slice %arg8[%multiple_of3A_858] : memref<1000960xf32, #tpu.memory_space<hbm>> -> memref<6256xf32, #tpu.memory_space<hbm>>
      tpu.wait_dma2 semaphore(%run_scoped3A : memref<!tpu.dma_semaphore, #tpu.memory_space<semaphore_mem>>) src(%arg13 : memref<6256xf32, #tpu.memory_space<vmem>>) dst(%dma_wait3A_902 : memref<6256xf32, #tpu.memory_space<hbm>>)
      tpu.yield
    }) : () -> ()
    %mul3A_859 = arith.constant 5 : i32
    %mul3A_860 = arith.muli %arg0, %mul3A_859 : i32
    %add3A_861 = arith.constant 1 : i32
    %add3A_862 = arith.addi %mul3A_860, %add3A_861 : i32
    %mul3A_863 = arith.constant 100096 : i32
    %mul3A_864 = arith.muli %add3A_862, %mul3A_863 : i32
    %mul3A_865 = arith.constant 6256 : i32
    %mul3A_866 = arith.muli %arg1, %mul3A_865 : i32
    %add3A_867 = arith.addi %mul3A_864, %mul3A_866 : i32
    %multiple_of3A_868 = tpu.assume_multiple %add3A_867, 16 : i32
    "tpu.region"() ({
      %run_scoped3A = tpu.sem_alloc : memref<!tpu.dma_semaphore, #tpu.memory_space<semaphore_mem>>
      %dma_start3A_899 = tpu.memref_slice %arg18[%mul3A_8] : memref<100096xf32, #tpu.memory_space<vmem_shared>> -> memref<6256xf32, #tpu.memory_space<vmem_shared>>
      %dma_start3A_900 = tpu.memref_slice %arg18[%mul3A_8] : memref<100096xf32, #tpu.memory_space<vmem_shared>> -> memref<6256xf32, #tpu.memory_space<vmem_shared>>
      tpu.enqueue_dma source(%dma_start3A_900 : memref<6256xf32, #tpu.memory_space<vmem_shared>>) target(%arg13 : memref<6256xf32, #tpu.memory_space<vmem>>) target_semaphore(%run_scoped3A : memref<!tpu.dma_semaphore, #tpu.memory_space<semaphore_mem>>)
      %dma_wait3A_901 = tpu.memref_slice %arg18[%mul3A_8] : memref<100096xf32, #tpu.memory_space<vmem_shared>> -> memref<6256xf32, #tpu.memory_space<vmem_shared>>
      %dma_wait3A_902 = tpu.memref_slice %arg18[%mul3A_8] : memref<100096xf32, #tpu.memory_space<vmem_shared>> -> memref<6256xf32, #tpu.memory_space<vmem_shared>>
      tpu.wait_dma2 semaphore(%run_scoped3A : memref<!tpu.dma_semaphore, #tpu.memory_space<semaphore_mem>>) src(%dma_wait3A_902 : memref<6256xf32, #tpu.memory_space<vmem_shared>>) dst(%arg13 : memref<6256xf32, #tpu.memory_space<vmem>>)
      tpu.yield
    }) : () -> ()
    "tpu.region"() ({
      %run_scoped3A = tpu.sem_alloc : memref<!tpu.dma_semaphore, #tpu.memory_space<semaphore_mem>>
      %dma_start3A_899 = tpu.memref_slice %arg8[%multiple_of3A_868] : memref<1000960xf32, #tpu.memory_space<hbm>> -> memref<6256xf32, #tpu.memory_space<hbm>>
      %dma_start3A_900 = tpu.memref_slice %arg8[%multiple_of3A_868] : memref<1000960xf32, #tpu.memory_space<hbm>> -> memref<6256xf32, #tpu.memory_space<hbm>>
      tpu.enqueue_dma source(%arg13 : memref<6256xf32, #tpu.memory_space<vmem>>) target(%dma_start3A_900 : memref<6256xf32, #tpu.memory_space<hbm>>) target_semaphore(%run_scoped3A : memref<!tpu.dma_semaphore, #tpu.memory_space<semaphore_mem>>)
      %dma_wait3A_901 = tpu.memref_slice %arg8[%multiple_of3A_868] : memref<1000960xf32, #tpu.memory_space<hbm>> -> memref<6256xf32, #tpu.memory_space<hbm>>
      %dma_wait3A_902 = tpu.memref_slice %arg8[%multiple_of3A_868] : memref<1000960xf32, #tpu.memory_space<hbm>> -> memref<6256xf32, #tpu.memory_space<hbm>>
      tpu.wait_dma2 semaphore(%run_scoped3A : memref<!tpu.dma_semaphore, #tpu.memory_space<semaphore_mem>>) src(%arg13 : memref<6256xf32, #tpu.memory_space<vmem>>) dst(%dma_wait3A_902 : memref<6256xf32, #tpu.memory_space<hbm>>)
      tpu.yield
    }) : () -> ()
    %mul3A_869 = arith.constant 5 : i32
    %mul3A_870 = arith.muli %arg0, %mul3A_869 : i32
    %add3A_871 = arith.constant 2 : i32
    %add3A_872 = arith.addi %mul3A_870, %add3A_871 : i32
    %mul3A_873 = arith.constant 100096 : i32
    %mul3A_874 = arith.muli %add3A_872, %mul3A_873 : i32
    %mul3A_875 = arith.constant 6256 : i32
    %mul3A_876 = arith.muli %arg1, %mul3A_875 : i32
    %add3A_877 = arith.addi %mul3A_874, %mul3A_876 : i32
    %multiple_of3A_878 = tpu.assume_multiple %add3A_877, 16 : i32
    "tpu.region"() ({
      %run_scoped3A = tpu.sem_alloc : memref<!tpu.dma_semaphore, #tpu.memory_space<semaphore_mem>>
      %dma_start3A_899 = tpu.memref_slice %arg19[%mul3A_8] : memref<100096xf32, #tpu.memory_space<vmem_shared>> -> memref<6256xf32, #tpu.memory_space<vmem_shared>>
      %dma_start3A_900 = tpu.memref_slice %arg19[%mul3A_8] : memref<100096xf32, #tpu.memory_space<vmem_shared>> -> memref<6256xf32, #tpu.memory_space<vmem_shared>>
      tpu.enqueue_dma source(%dma_start3A_900 : memref<6256xf32, #tpu.memory_space<vmem_shared>>) target(%arg13 : memref<6256xf32, #tpu.memory_space<vmem>>) target_semaphore(%run_scoped3A : memref<!tpu.dma_semaphore, #tpu.memory_space<semaphore_mem>>)
      %dma_wait3A_901 = tpu.memref_slice %arg19[%mul3A_8] : memref<100096xf32, #tpu.memory_space<vmem_shared>> -> memref<6256xf32, #tpu.memory_space<vmem_shared>>
      %dma_wait3A_902 = tpu.memref_slice %arg19[%mul3A_8] : memref<100096xf32, #tpu.memory_space<vmem_shared>> -> memref<6256xf32, #tpu.memory_space<vmem_shared>>
      tpu.wait_dma2 semaphore(%run_scoped3A : memref<!tpu.dma_semaphore, #tpu.memory_space<semaphore_mem>>) src(%dma_wait3A_902 : memref<6256xf32, #tpu.memory_space<vmem_shared>>) dst(%arg13 : memref<6256xf32, #tpu.memory_space<vmem>>)
      tpu.yield
    }) : () -> ()
    "tpu.region"() ({
      %run_scoped3A = tpu.sem_alloc : memref<!tpu.dma_semaphore, #tpu.memory_space<semaphore_mem>>
      %dma_start3A_899 = tpu.memref_slice %arg8[%multiple_of3A_878] : memref<1000960xf32, #tpu.memory_space<hbm>> -> memref<6256xf32, #tpu.memory_space<hbm>>
      %dma_start3A_900 = tpu.memref_slice %arg8[%multiple_of3A_878] : memref<1000960xf32, #tpu.memory_space<hbm>> -> memref<6256xf32, #tpu.memory_space<hbm>>
      tpu.enqueue_dma source(%arg13 : memref<6256xf32, #tpu.memory_space<vmem>>) target(%dma_start3A_900 : memref<6256xf32, #tpu.memory_space<hbm>>) target_semaphore(%run_scoped3A : memref<!tpu.dma_semaphore, #tpu.memory_space<semaphore_mem>>)
      %dma_wait3A_901 = tpu.memref_slice %arg8[%multiple_of3A_878] : memref<1000960xf32, #tpu.memory_space<hbm>> -> memref<6256xf32, #tpu.memory_space<hbm>>
      %dma_wait3A_902 = tpu.memref_slice %arg8[%multiple_of3A_878] : memref<1000960xf32, #tpu.memory_space<hbm>> -> memref<6256xf32, #tpu.memory_space<hbm>>
      tpu.wait_dma2 semaphore(%run_scoped3A : memref<!tpu.dma_semaphore, #tpu.memory_space<semaphore_mem>>) src(%arg13 : memref<6256xf32, #tpu.memory_space<vmem>>) dst(%dma_wait3A_902 : memref<6256xf32, #tpu.memory_space<hbm>>)
      tpu.yield
    }) : () -> ()
    %mul3A_879 = arith.constant 5 : i32
    %mul3A_880 = arith.muli %arg0, %mul3A_879 : i32
    %add3A_881 = arith.constant 3 : i32
    %add3A_882 = arith.addi %mul3A_880, %add3A_881 : i32
    %mul3A_883 = arith.constant 100096 : i32
    %mul3A_884 = arith.muli %add3A_882, %mul3A_883 : i32
    %mul3A_885 = arith.constant 6256 : i32
    %mul3A_886 = arith.muli %arg1, %mul3A_885 : i32
    %add3A_887 = arith.addi %mul3A_884, %mul3A_886 : i32
    %multiple_of3A_888 = tpu.assume_multiple %add3A_887, 16 : i32
    "tpu.region"() ({
      %run_scoped3A = tpu.sem_alloc : memref<!tpu.dma_semaphore, #tpu.memory_space<semaphore_mem>>
      %dma_start3A_899 = tpu.memref_slice %arg20[%mul3A_8] : memref<100096xf32, #tpu.memory_space<vmem_shared>> -> memref<6256xf32, #tpu.memory_space<vmem_shared>>
      %dma_start3A_900 = tpu.memref_slice %arg20[%mul3A_8] : memref<100096xf32, #tpu.memory_space<vmem_shared>> -> memref<6256xf32, #tpu.memory_space<vmem_shared>>
      tpu.enqueue_dma source(%dma_start3A_900 : memref<6256xf32, #tpu.memory_space<vmem_shared>>) target(%arg13 : memref<6256xf32, #tpu.memory_space<vmem>>) target_semaphore(%run_scoped3A : memref<!tpu.dma_semaphore, #tpu.memory_space<semaphore_mem>>)
      %dma_wait3A_901 = tpu.memref_slice %arg20[%mul3A_8] : memref<100096xf32, #tpu.memory_space<vmem_shared>> -> memref<6256xf32, #tpu.memory_space<vmem_shared>>
      %dma_wait3A_902 = tpu.memref_slice %arg20[%mul3A_8] : memref<100096xf32, #tpu.memory_space<vmem_shared>> -> memref<6256xf32, #tpu.memory_space<vmem_shared>>
      tpu.wait_dma2 semaphore(%run_scoped3A : memref<!tpu.dma_semaphore, #tpu.memory_space<semaphore_mem>>) src(%dma_wait3A_902 : memref<6256xf32, #tpu.memory_space<vmem_shared>>) dst(%arg13 : memref<6256xf32, #tpu.memory_space<vmem>>)
      tpu.yield
    }) : () -> ()
    "tpu.region"() ({
      %run_scoped3A = tpu.sem_alloc : memref<!tpu.dma_semaphore, #tpu.memory_space<semaphore_mem>>
      %dma_start3A_899 = tpu.memref_slice %arg8[%multiple_of3A_888] : memref<1000960xf32, #tpu.memory_space<hbm>> -> memref<6256xf32, #tpu.memory_space<hbm>>
      %dma_start3A_900 = tpu.memref_slice %arg8[%multiple_of3A_888] : memref<1000960xf32, #tpu.memory_space<hbm>> -> memref<6256xf32, #tpu.memory_space<hbm>>
      tpu.enqueue_dma source(%arg13 : memref<6256xf32, #tpu.memory_space<vmem>>) target(%dma_start3A_900 : memref<6256xf32, #tpu.memory_space<hbm>>) target_semaphore(%run_scoped3A : memref<!tpu.dma_semaphore, #tpu.memory_space<semaphore_mem>>)
      %dma_wait3A_901 = tpu.memref_slice %arg8[%multiple_of3A_888] : memref<1000960xf32, #tpu.memory_space<hbm>> -> memref<6256xf32, #tpu.memory_space<hbm>>
      %dma_wait3A_902 = tpu.memref_slice %arg8[%multiple_of3A_888] : memref<1000960xf32, #tpu.memory_space<hbm>> -> memref<6256xf32, #tpu.memory_space<hbm>>
      tpu.wait_dma2 semaphore(%run_scoped3A : memref<!tpu.dma_semaphore, #tpu.memory_space<semaphore_mem>>) src(%arg13 : memref<6256xf32, #tpu.memory_space<vmem>>) dst(%dma_wait3A_902 : memref<6256xf32, #tpu.memory_space<hbm>>)
      tpu.yield
    }) : () -> ()
    %mul3A_889 = arith.constant 5 : i32
    %mul3A_890 = arith.muli %arg0, %mul3A_889 : i32
    %add3A_891 = arith.constant 4 : i32
    %add3A_892 = arith.addi %mul3A_890, %add3A_891 : i32
    %mul3A_893 = arith.constant 100096 : i32
    %mul3A_894 = arith.muli %add3A_892, %mul3A_893 : i32
    %mul3A_895 = arith.constant 6256 : i32
    %mul3A_896 = arith.muli %arg1, %mul3A_895 : i32
    %add3A_897 = arith.addi %mul3A_894, %mul3A_896 : i32
    %multiple_of3A_898 = tpu.assume_multiple %add3A_897, 16 : i32
    "tpu.region"() ({
      %run_scoped3A = tpu.sem_alloc : memref<!tpu.dma_semaphore, #tpu.memory_space<semaphore_mem>>
      %dma_start3A_899 = tpu.memref_slice %arg21[%mul3A_8] : memref<100096xf32, #tpu.memory_space<vmem_shared>> -> memref<6256xf32, #tpu.memory_space<vmem_shared>>
      %dma_start3A_900 = tpu.memref_slice %arg21[%mul3A_8] : memref<100096xf32, #tpu.memory_space<vmem_shared>> -> memref<6256xf32, #tpu.memory_space<vmem_shared>>
      tpu.enqueue_dma source(%dma_start3A_900 : memref<6256xf32, #tpu.memory_space<vmem_shared>>) target(%arg13 : memref<6256xf32, #tpu.memory_space<vmem>>) target_semaphore(%run_scoped3A : memref<!tpu.dma_semaphore, #tpu.memory_space<semaphore_mem>>)
      %dma_wait3A_901 = tpu.memref_slice %arg21[%mul3A_8] : memref<100096xf32, #tpu.memory_space<vmem_shared>> -> memref<6256xf32, #tpu.memory_space<vmem_shared>>
      %dma_wait3A_902 = tpu.memref_slice %arg21[%mul3A_8] : memref<100096xf32, #tpu.memory_space<vmem_shared>> -> memref<6256xf32, #tpu.memory_space<vmem_shared>>
      tpu.wait_dma2 semaphore(%run_scoped3A : memref<!tpu.dma_semaphore, #tpu.memory_space<semaphore_mem>>) src(%dma_wait3A_902 : memref<6256xf32, #tpu.memory_space<vmem_shared>>) dst(%arg13 : memref<6256xf32, #tpu.memory_space<vmem>>)
      tpu.yield
    }) : () -> ()
    "tpu.region"() ({
      %run_scoped3A = tpu.sem_alloc : memref<!tpu.dma_semaphore, #tpu.memory_space<semaphore_mem>>
      %dma_start3A_899 = tpu.memref_slice %arg8[%multiple_of3A_898] : memref<1000960xf32, #tpu.memory_space<hbm>> -> memref<6256xf32, #tpu.memory_space<hbm>>
      %dma_start3A_900 = tpu.memref_slice %arg8[%multiple_of3A_898] : memref<1000960xf32, #tpu.memory_space<hbm>> -> memref<6256xf32, #tpu.memory_space<hbm>>
      tpu.enqueue_dma source(%arg13 : memref<6256xf32, #tpu.memory_space<vmem>>) target(%dma_start3A_900 : memref<6256xf32, #tpu.memory_space<hbm>>) target_semaphore(%run_scoped3A : memref<!tpu.dma_semaphore, #tpu.memory_space<semaphore_mem>>)
      %dma_wait3A_901 = tpu.memref_slice %arg8[%multiple_of3A_898] : memref<1000960xf32, #tpu.memory_space<hbm>> -> memref<6256xf32, #tpu.memory_space<hbm>>
      %dma_wait3A_902 = tpu.memref_slice %arg8[%multiple_of3A_898] : memref<1000960xf32, #tpu.memory_space<hbm>> -> memref<6256xf32, #tpu.memory_space<hbm>>
      tpu.wait_dma2 semaphore(%run_scoped3A : memref<!tpu.dma_semaphore, #tpu.memory_space<semaphore_mem>>) src(%arg13 : memref<6256xf32, #tpu.memory_space<vmem>>) dst(%dma_wait3A_902 : memref<6256xf32, #tpu.memory_space<hbm>>)
      tpu.yield
    }) : () -> ()
    return
  }
}

module attributes {stable_mosaic.version = 14 : i64} {
  func.func @_hcols_body(%arg0: i32, %arg1: memref<5x400x128xf32, #tpu.memory_space<vmem>>, %arg2: memref<51200xf32, #tpu.memory_space<vmem>>, %arg3: memref<51200xf32, #tpu.memory_space<vmem>>, %arg4: memref<51200xf32, #tpu.memory_space<vmem>>, %arg5: memref<51200xf32, #tpu.memory_space<vmem>>, %arg6: memref<51200xf32, #tpu.memory_space<vmem>>) attributes {dimension_semantics = [#tpu.dimension_semantics<arbitrary>], iteration_bounds = array<i64: 125>, scalar_prefetch = 0 : i64, scratch_operands = 0 : i64, tpu.core_type = #tpu.core_type<tc>, window_params = [{transform_indices = @transform_0, window_bounds = array<i64: 5, 400, 128>}, {transform_indices = @transform_1, window_bounds = array<i64: 51200>}, {transform_indices = @transform_2, window_bounds = array<i64: 51200>}, {transform_indices = @transform_3, window_bounds = array<i64: 51200>}, {transform_indices = @transform_4, window_bounds = array<i64: 51200>}, {transform_indices = @transform_5, window_bounds = array<i64: 51200>}]} {
    %get3A = arith.constant 0 : index
    %get3A_0 = arith.constant 0 : index
    %get3A_1 = arith.constant 0 : index
    %get3A_2 = vector.load %arg1[%get3A, %get3A_0, %get3A_1] : memref<5x400x128xf32, #tpu.memory_space<vmem>>, vector<5x400x128xf32>
    %reduce_max3A = arith.constant dense<0xFF800000> : vector<400x128xf32>
    %reduce_max3A_3 = vector.multi_reduction <maximumf>, %get3A_2, %reduce_max3A [0] : vector<5x400x128xf32> to vector<400x128xf32>
    %broadcast_in_dim3A = vector.shape_cast %reduce_max3A_3 : vector<400x128xf32> to vector<1x400x128xf32>
    %sub3A = vector.broadcast %broadcast_in_dim3A : vector<1x400x128xf32> to vector<5x400x128xf32>
    %sub3A_4 = arith.subf %get3A_2, %sub3A : vector<5x400x128xf32>
    %exp3A = math.exp %sub3A_4 : vector<5x400x128xf32>
    %reduce_sum3A = arith.constant dense<0.000000e+00> : vector<400x128xf32>
    %reduce_sum3A_5 = vector.multi_reduction <add>, %exp3A, %reduce_sum3A [0] : vector<5x400x128xf32> to vector<400x128xf32>
    %log3A = math.log %reduce_sum3A_5 : vector<400x128xf32>
    %slice3A = vector.extract_strided_slice %sub3A_4 {offsets = [0, 0, 0], sizes = [1, 400, 128], strides = [1, 1, 1]} : vector<5x400x128xf32> to vector<1x400x128xf32>
    %squeeze3A = vector.shape_cast %slice3A : vector<1x400x128xf32> to vector<400x128xf32>
    %sub3A_6 = arith.subf %squeeze3A, %log3A : vector<400x128xf32>
    %reshape3A = vector.shape_cast %sub3A_6 : vector<400x128xf32> to vector<51200xf32>
    %swap3A = arith.constant 0 : index
    %swap3A_7 = vector.load %arg2[%swap3A] : memref<51200xf32, #tpu.memory_space<vmem>>, vector<51200xf32>
    tpu.vector_store %arg2[%swap3A], %reshape3A {strides = array<i32>} : memref<51200xf32, #tpu.memory_space<vmem>>, vector<51200xf32>,
    %slice3A_8 = vector.extract_strided_slice %sub3A_4 {offsets = [1, 0, 0], sizes = [1, 400, 128], strides = [1, 1, 1]} : vector<5x400x128xf32> to vector<1x400x128xf32>
    %squeeze3A_9 = vector.shape_cast %slice3A_8 : vector<1x400x128xf32> to vector<400x128xf32>
    %sub3A_10 = arith.subf %squeeze3A_9, %log3A : vector<400x128xf32>
    %reshape3A_11 = vector.shape_cast %sub3A_10 : vector<400x128xf32> to vector<51200xf32>
    %swap3A_12 = arith.constant 0 : index
    %swap3A_13 = vector.load %arg3[%swap3A_12] : memref<51200xf32, #tpu.memory_space<vmem>>, vector<51200xf32>
    tpu.vector_store %arg3[%swap3A_12], %reshape3A_11 {strides = array<i32>} : memref<51200xf32, #tpu.memory_space<vmem>>, vector<51200xf32>,
    %slice3A_14 = vector.extract_strided_slice %sub3A_4 {offsets = [2, 0, 0], sizes = [1, 400, 128], strides = [1, 1, 1]} : vector<5x400x128xf32> to vector<1x400x128xf32>
    %squeeze3A_15 = vector.shape_cast %slice3A_14 : vector<1x400x128xf32> to vector<400x128xf32>
    %sub3A_16 = arith.subf %squeeze3A_15, %log3A : vector<400x128xf32>
    %reshape3A_17 = vector.shape_cast %sub3A_16 : vector<400x128xf32> to vector<51200xf32>
    %swap3A_18 = arith.constant 0 : index
    %swap3A_19 = vector.load %arg4[%swap3A_18] : memref<51200xf32, #tpu.memory_space<vmem>>, vector<51200xf32>
    tpu.vector_store %arg4[%swap3A_18], %reshape3A_17 {strides = array<i32>} : memref<51200xf32, #tpu.memory_space<vmem>>, vector<51200xf32>,
    %slice3A_20 = vector.extract_strided_slice %sub3A_4 {offsets = [3, 0, 0], sizes = [1, 400, 128], strides = [1, 1, 1]} : vector<5x400x128xf32> to vector<1x400x128xf32>
    %squeeze3A_21 = vector.shape_cast %slice3A_20 : vector<1x400x128xf32> to vector<400x128xf32>
    %sub3A_22 = arith.subf %squeeze3A_21, %log3A : vector<400x128xf32>
    %reshape3A_23 = vector.shape_cast %sub3A_22 : vector<400x128xf32> to vector<51200xf32>
    %swap3A_24 = arith.constant 0 : index
    %swap3A_25 = vector.load %arg5[%swap3A_24] : memref<51200xf32, #tpu.memory_space<vmem>>, vector<51200xf32>
    tpu.vector_store %arg5[%swap3A_24], %reshape3A_23 {strides = array<i32>} : memref<51200xf32, #tpu.memory_space<vmem>>, vector<51200xf32>,
    %slice3A_26 = vector.extract_strided_slice %sub3A_4 {offsets = [4, 0, 0], sizes = [1, 400, 128], strides = [1, 1, 1]} : vector<5x400x128xf32> to vector<1x400x128xf32>
    %squeeze3A_27 = vector.shape_cast %slice3A_26 : vector<1x400x128xf32> to vector<400x128xf32>
    %sub3A_28 = arith.subf %squeeze3A_27, %log3A : vector<400x128xf32>
    %reshape3A_29 = vector.shape_cast %sub3A_28 : vector<400x128xf32> to vector<51200xf32>
    %swap3A_30 = arith.constant 0 : index
    %swap3A_31 = vector.load %arg6[%swap3A_30] : memref<51200xf32, #tpu.memory_space<vmem>>, vector<51200xf32>
    tpu.vector_store %arg6[%swap3A_30], %reshape3A_29 {strides = array<i32>} : memref<51200xf32, #tpu.memory_space<vmem>>, vector<51200xf32>,
    return
  }
  func.func @transform_0(%arg0: i32) -> (i32, i32, i32) {
    %c0_i32 = arith.constant 0 : i32
    %c0_i32_0 = arith.constant 0 : i32
    %c0_i32_1 = arith.constant 0 : i32
    return %c0_i32, %arg0, %c0_i32_0 : i32, i32, i32
  }
  func.func @transform_1(%arg0: i32) -> i32 {
    %c0_i32 = arith.constant 0 : i32
    return %arg0 : i32
  }
  func.func @transform_2(%arg0: i32) -> i32 {
    %c0_i32 = arith.constant 0 : i32
    return %arg0 : i32
  }
  func.func @transform_3(%arg0: i32) -> i32 {
    %c0_i32 = arith.constant 0 : i32
    return %arg0 : i32
  }
  func.func @transform_4(%arg0: i32) -> i32 {
    %c0_i32 = arith.constant 0 : i32
    return %arg0 : i32
  }
  func.func @transform_5(%arg0: i32) -> i32 {
    %c0_i32 = arith.constant 0 : i32
    return %arg0 : i32
  }
}

module attributes {stable_mosaic.version = 14 : i64} {
  func.func @_final_body(%arg0: memref<1000960xf32, #tpu.memory_space<vmem>>, %arg1: memref<200192xf32, #tpu.memory_space<vmem>>, %arg2: memref<1x5xf32, #tpu.memory_space<smem>>, %arg3: memref<1xf32, #tpu.memory_space<smem>>, %arg4: memref<100096xf32, #tpu.memory_space<vmem>>) attributes {dimension_semantics = [], scalar_prefetch = 0 : i64, scratch_operands = 0 : i64, tpu.core_type = #tpu.core_type<tc>} {
    %get3A = arith.constant 0 : index
    %get3A_0 = vector.load %arg1[%get3A] : memref<200192xf32, #tpu.memory_space<vmem>>, vector<100096xf32>
    %get3A_1 = arith.constant 100096 : index
    %get3A_2 = vector.load %arg1[%get3A_1] : memref<200192xf32, #tpu.memory_space<vmem>>, vector<100096xf32>
    %add3A = arith.addf %get3A_0, %get3A_2 : vector<100096xf32>
    %max3A = arith.constant 1.000000e+00 : f32
    %max3A_3 = vector.broadcast %max3A : f32 to vector<100096xf32>
    %max3A_4 = arith.maximumf %add3A, %max3A_3 : vector<100096xf32>
    %broadcast_in_dim3A = arith.constant 0.000000e+00 : f32
    %broadcast_in_dim3A_5 = vector.broadcast %broadcast_in_dim3A : f32 to vector<100096xf32>
    %get3A_6 = arith.constant 0 : index
    %get3A_7 = memref.load %arg3[%get3A_6] : memref<1xf32, #tpu.memory_space<smem>>
    %add3A_8 = vector.broadcast %get3A_7 : f32 to vector<100096xf32>
    %add3A_9 = arith.addf %broadcast_in_dim3A_5, %add3A_8 : vector<100096xf32>
    %get3A_10 = arith.constant 0 : index
    %get3A_11 = vector.load %arg0[%get3A_10] : memref<1000960xf32, #tpu.memory_space<vmem>>, vector<100096xf32>
    %get3A_12 = arith.constant 500480 : index
    %get3A_13 = vector.load %arg0[%get3A_12] : memref<1000960xf32, #tpu.memory_space<vmem>>, vector<100096xf32>
    %add3A_14 = arith.addf %get3A_11, %get3A_13 : vector<100096xf32>
    %div3A = arith.divf %add3A_14, %max3A_4 : vector<100096xf32>
    %bitcast_convert_type3A = tpu.bitcast %div3A : vector<100096xf32> -> vector<100096xi32>
    %shift_right_logical3A = arith.constant 16 : i32
    %shift_right_logical3A_15 = vector.broadcast %shift_right_logical3A : i32 to vector<100096xi32>
    %shift_right_logical3A_16 = arith.shrui %bitcast_convert_type3A, %shift_right_logical3A_15 : vector<100096xi32>
    %and3A = arith.constant 1 : i32
    %and3A_17 = vector.broadcast %and3A : i32 to vector<100096xi32>
    %and3A_18 = arith.andi %shift_right_logical3A_16, %and3A_17 : vector<100096xi32>
    %add3A_19 = arith.constant 32767 : i32
    %add3A_20 = vector.broadcast %add3A_19 : i32 to vector<100096xi32>
    %add3A_21 = arith.addi %bitcast_convert_type3A, %add3A_20 : vector<100096xi32>
    %add3A_22 = arith.addi %add3A_21, %and3A_18 : vector<100096xi32>
    %and3A_23 = arith.constant -65536 : i32
    %and3A_24 = vector.broadcast %and3A_23 : i32 to vector<100096xi32>
    %and3A_25 = arith.andi %add3A_22, %and3A_24 : vector<100096xi32>
    %bitcast_convert_type3A_26 = tpu.bitcast %and3A_25 : vector<100096xi32> -> vector<100096xf32>
    %get3A_27 = arith.constant 0 : index
    %get3A_28 = arith.constant 0 : index
    %get3A_29 = memref.load %arg2[%get3A_27, %get3A_28] : memref<1x5xf32, #tpu.memory_space<smem>>
    %bitcast_convert_type3A_30 = arith.bitcast %get3A_29 : f32 to i32
    %shift_right_logical3A_31 = arith.constant 16 : i32
    %shift_right_logical3A_32 = arith.shrui %bitcast_convert_type3A_30, %shift_right_logical3A_31 : i32
    %and3A_33 = arith.constant 1 : i32
    %and3A_34 = arith.andi %shift_right_logical3A_32, %and3A_33 : i32
    %add3A_35 = arith.constant 32767 : i32
    %add3A_36 = arith.addi %bitcast_convert_type3A_30, %add3A_35 : i32
    %add3A_37 = arith.addi %add3A_36, %and3A_34 : i32
    %and3A_38 = arith.constant -65536 : i32
    %and3A_39 = arith.andi %add3A_37, %and3A_38 : i32
    %bitcast_convert_type3A_40 = arith.bitcast %and3A_39 : i32 to f32
    %mul3A = vector.broadcast %bitcast_convert_type3A_40 : f32 to vector<100096xf32>
    %mul3A_41 = arith.mulf %bitcast_convert_type3A_26, %mul3A : vector<100096xf32>
    %add3A_42 = arith.addf %add3A_9, %mul3A_41 : vector<100096xf32>
    %get3A_43 = arith.constant 100096 : index
    %get3A_44 = vector.load %arg0[%get3A_43] : memref<1000960xf32, #tpu.memory_space<vmem>>, vector<100096xf32>
    %get3A_45 = arith.constant 600576 : index
    %get3A_46 = vector.load %arg0[%get3A_45] : memref<1000960xf32, #tpu.memory_space<vmem>>, vector<100096xf32>
    %add3A_47 = arith.addf %get3A_44, %get3A_46 : vector<100096xf32>
    %div3A_48 = arith.divf %add3A_47, %max3A_4 : vector<100096xf32>
    %bitcast_convert_type3A_49 = tpu.bitcast %div3A_48 : vector<100096xf32> -> vector<100096xi32>
    %shift_right_logical3A_50 = arith.constant 16 : i32
    %shift_right_logical3A_51 = vector.broadcast %shift_right_logical3A_50 : i32 to vector<100096xi32>
    %shift_right_logical3A_52 = arith.shrui %bitcast_convert_type3A_49, %shift_right_logical3A_51 : vector<100096xi32>
    %and3A_53 = arith.constant 1 : i32
    %and3A_54 = vector.broadcast %and3A_53 : i32 to vector<100096xi32>
    %and3A_55 = arith.andi %shift_right_logical3A_52, %and3A_54 : vector<100096xi32>
    %add3A_56 = arith.constant 32767 : i32
    %add3A_57 = vector.broadcast %add3A_56 : i32 to vector<100096xi32>
    %add3A_58 = arith.addi %bitcast_convert_type3A_49, %add3A_57 : vector<100096xi32>
    %add3A_59 = arith.addi %add3A_58, %and3A_55 : vector<100096xi32>
    %and3A_60 = arith.constant -65536 : i32
    %and3A_61 = vector.broadcast %and3A_60 : i32 to vector<100096xi32>
    %and3A_62 = arith.andi %add3A_59, %and3A_61 : vector<100096xi32>
    %bitcast_convert_type3A_63 = tpu.bitcast %and3A_62 : vector<100096xi32> -> vector<100096xf32>
    %get3A_64 = arith.constant 0 : index
    %get3A_65 = arith.constant 1 : index
    %get3A_66 = memref.load %arg2[%get3A_64, %get3A_65] : memref<1x5xf32, #tpu.memory_space<smem>>
    %bitcast_convert_type3A_67 = arith.bitcast %get3A_66 : f32 to i32
    %shift_right_logical3A_68 = arith.constant 16 : i32
    %shift_right_logical3A_69 = arith.shrui %bitcast_convert_type3A_67, %shift_right_logical3A_68 : i32
    %and3A_70 = arith.constant 1 : i32
    %and3A_71 = arith.andi %shift_right_logical3A_69, %and3A_70 : i32
    %add3A_72 = arith.constant 32767 : i32
    %add3A_73 = arith.addi %bitcast_convert_type3A_67, %add3A_72 : i32
    %add3A_74 = arith.addi %add3A_73, %and3A_71 : i32
    %and3A_75 = arith.constant -65536 : i32
    %and3A_76 = arith.andi %add3A_74, %and3A_75 : i32
    %bitcast_convert_type3A_77 = arith.bitcast %and3A_76 : i32 to f32
    %mul3A_78 = vector.broadcast %bitcast_convert_type3A_77 : f32 to vector<100096xf32>
    %mul3A_79 = arith.mulf %bitcast_convert_type3A_63, %mul3A_78 : vector<100096xf32>
    %add3A_80 = arith.addf %add3A_42, %mul3A_79 : vector<100096xf32>
    %get3A_81 = arith.constant 200192 : index
    %get3A_82 = vector.load %arg0[%get3A_81] : memref<1000960xf32, #tpu.memory_space<vmem>>, vector<100096xf32>
    %get3A_83 = arith.constant 700672 : index
    %get3A_84 = vector.load %arg0[%get3A_83] : memref<1000960xf32, #tpu.memory_space<vmem>>, vector<100096xf32>
    %add3A_85 = arith.addf %get3A_82, %get3A_84 : vector<100096xf32>
    %div3A_86 = arith.divf %add3A_85, %max3A_4 : vector<100096xf32>
    %bitcast_convert_type3A_87 = tpu.bitcast %div3A_86 : vector<100096xf32> -> vector<100096xi32>
    %shift_right_logical3A_88 = arith.constant 16 : i32
    %shift_right_logical3A_89 = vector.broadcast %shift_right_logical3A_88 : i32 to vector<100096xi32>
    %shift_right_logical3A_90 = arith.shrui %bitcast_convert_type3A_87, %shift_right_logical3A_89 : vector<100096xi32>
    %and3A_91 = arith.constant 1 : i32
    %and3A_92 = vector.broadcast %and3A_91 : i32 to vector<100096xi32>
    %and3A_93 = arith.andi %shift_right_logical3A_90, %and3A_92 : vector<100096xi32>
    %add3A_94 = arith.constant 32767 : i32
    %add3A_95 = vector.broadcast %add3A_94 : i32 to vector<100096xi32>
    %add3A_96 = arith.addi %bitcast_convert_type3A_87, %add3A_95 : vector<100096xi32>
    %add3A_97 = arith.addi %add3A_96, %and3A_93 : vector<100096xi32>
    %and3A_98 = arith.constant -65536 : i32
    %and3A_99 = vector.broadcast %and3A_98 : i32 to vector<100096xi32>
    %and3A_100 = arith.andi %add3A_97, %and3A_99 : vector<100096xi32>
    %bitcast_convert_type3A_101 = tpu.bitcast %and3A_100 : vector<100096xi32> -> vector<100096xf32>
    %get3A_102 = arith.constant 0 : index
    %get3A_103 = arith.constant 2 : index
    %get3A_104 = memref.load %arg2[%get3A_102, %get3A_103] : memref<1x5xf32, #tpu.memory_space<smem>>
    %bitcast_convert_type3A_105 = arith.bitcast %get3A_104 : f32 to i32
    %shift_right_logical3A_106 = arith.constant 16 : i32
    %shift_right_logical3A_107 = arith.shrui %bitcast_convert_type3A_105, %shift_right_logical3A_106 : i32
    %and3A_108 = arith.constant 1 : i32
    %and3A_109 = arith.andi %shift_right_logical3A_107, %and3A_108 : i32
    %add3A_110 = arith.constant 32767 : i32
    %add3A_111 = arith.addi %bitcast_convert_type3A_105, %add3A_110 : i32
    %add3A_112 = arith.addi %add3A_111, %and3A_109 : i32
    %and3A_113 = arith.constant -65536 : i32
    %and3A_114 = arith.andi %add3A_112, %and3A_113 : i32
    %bitcast_convert_type3A_115 = arith.bitcast %and3A_114 : i32 to f32
    %mul3A_116 = vector.broadcast %bitcast_convert_type3A_115 : f32 to vector<100096xf32>
    %mul3A_117 = arith.mulf %bitcast_convert_type3A_101, %mul3A_116 : vector<100096xf32>
    %add3A_118 = arith.addf %add3A_80, %mul3A_117 : vector<100096xf32>
    %get3A_119 = arith.constant 300288 : index
    %get3A_120 = vector.load %arg0[%get3A_119] : memref<1000960xf32, #tpu.memory_space<vmem>>, vector<100096xf32>
    %get3A_121 = arith.constant 800768 : index
    %get3A_122 = vector.load %arg0[%get3A_121] : memref<1000960xf32, #tpu.memory_space<vmem>>, vector<100096xf32>
    %add3A_123 = arith.addf %get3A_120, %get3A_122 : vector<100096xf32>
    %div3A_124 = arith.divf %add3A_123, %max3A_4 : vector<100096xf32>
    %bitcast_convert_type3A_125 = tpu.bitcast %div3A_124 : vector<100096xf32> -> vector<100096xi32>
    %shift_right_logical3A_126 = arith.constant 16 : i32
    %shift_right_logical3A_127 = vector.broadcast %shift_right_logical3A_126 : i32 to vector<100096xi32>
    %shift_right_logical3A_128 = arith.shrui %bitcast_convert_type3A_125, %shift_right_logical3A_127 : vector<100096xi32>
    %and3A_129 = arith.constant 1 : i32
    %and3A_130 = vector.broadcast %and3A_129 : i32 to vector<100096xi32>
    %and3A_131 = arith.andi %shift_right_logical3A_128, %and3A_130 : vector<100096xi32>
    %add3A_132 = arith.constant 32767 : i32
    %add3A_133 = vector.broadcast %add3A_132 : i32 to vector<100096xi32>
    %add3A_134 = arith.addi %bitcast_convert_type3A_125, %add3A_133 : vector<100096xi32>
    %add3A_135 = arith.addi %add3A_134, %and3A_131 : vector<100096xi32>
    %and3A_136 = arith.constant -65536 : i32
    %and3A_137 = vector.broadcast %and3A_136 : i32 to vector<100096xi32>
    %and3A_138 = arith.andi %add3A_135, %and3A_137 : vector<100096xi32>
    %bitcast_convert_type3A_139 = tpu.bitcast %and3A_138 : vector<100096xi32> -> vector<100096xf32>
    %get3A_140 = arith.constant 0 : index
    %get3A_141 = arith.constant 3 : index
    %get3A_142 = memref.load %arg2[%get3A_140, %get3A_141] : memref<1x5xf32, #tpu.memory_space<smem>>
    %bitcast_convert_type3A_143 = arith.bitcast %get3A_142 : f32 to i32
    %shift_right_logical3A_144 = arith.constant 16 : i32
    %shift_right_logical3A_145 = arith.shrui %bitcast_convert_type3A_143, %shift_right_logical3A_144 : i32
    %and3A_146 = arith.constant 1 : i32
    %and3A_147 = arith.andi %shift_right_logical3A_145, %and3A_146 : i32
    %add3A_148 = arith.constant 32767 : i32
    %add3A_149 = arith.addi %bitcast_convert_type3A_143, %add3A_148 : i32
    %add3A_150 = arith.addi %add3A_149, %and3A_147 : i32
    %and3A_151 = arith.constant -65536 : i32
    %and3A_152 = arith.andi %add3A_150, %and3A_151 : i32
    %bitcast_convert_type3A_153 = arith.bitcast %and3A_152 : i32 to f32
    %mul3A_154 = vector.broadcast %bitcast_convert_type3A_153 : f32 to vector<100096xf32>
    %mul3A_155 = arith.mulf %bitcast_convert_type3A_139, %mul3A_154 : vector<100096xf32>
    %add3A_156 = arith.addf %add3A_118, %mul3A_155 : vector<100096xf32>
    %get3A_157 = arith.constant 400384 : index
    %get3A_158 = vector.load %arg0[%get3A_157] : memref<1000960xf32, #tpu.memory_space<vmem>>, vector<100096xf32>
    %get3A_159 = arith.constant 900864 : index
    %get3A_160 = vector.load %arg0[%get3A_159] : memref<1000960xf32, #tpu.memory_space<vmem>>, vector<100096xf32>
    %add3A_161 = arith.addf %get3A_158, %get3A_160 : vector<100096xf32>
    %div3A_162 = arith.divf %add3A_161, %max3A_4 : vector<100096xf32>
    %bitcast_convert_type3A_163 = tpu.bitcast %div3A_162 : vector<100096xf32> -> vector<100096xi32>
    %shift_right_logical3A_164 = arith.constant 16 : i32
    %shift_right_logical3A_165 = vector.broadcast %shift_right_logical3A_164 : i32 to vector<100096xi32>
    %shift_right_logical3A_166 = arith.shrui %bitcast_convert_type3A_163, %shift_right_logical3A_165 : vector<100096xi32>
    %and3A_167 = arith.constant 1 : i32
    %and3A_168 = vector.broadcast %and3A_167 : i32 to vector<100096xi32>
    %and3A_169 = arith.andi %shift_right_logical3A_166, %and3A_168 : vector<100096xi32>
    %add3A_170 = arith.constant 32767 : i32
    %add3A_171 = vector.broadcast %add3A_170 : i32 to vector<100096xi32>
    %add3A_172 = arith.addi %bitcast_convert_type3A_163, %add3A_171 : vector<100096xi32>
    %add3A_173 = arith.addi %add3A_172, %and3A_169 : vector<100096xi32>
    %and3A_174 = arith.constant -65536 : i32
    %and3A_175 = vector.broadcast %and3A_174 : i32 to vector<100096xi32>
    %and3A_176 = arith.andi %add3A_173, %and3A_175 : vector<100096xi32>
    %bitcast_convert_type3A_177 = tpu.bitcast %and3A_176 : vector<100096xi32> -> vector<100096xf32>
    %get3A_178 = arith.constant 0 : index
    %get3A_179 = arith.constant 4 : index
    %get3A_180 = memref.load %arg2[%get3A_178, %get3A_179] : memref<1x5xf32, #tpu.memory_space<smem>>
    %bitcast_convert_type3A_181 = arith.bitcast %get3A_180 : f32 to i32
    %shift_right_logical3A_182 = arith.constant 16 : i32
    %shift_right_logical3A_183 = arith.shrui %bitcast_convert_type3A_181, %shift_right_logical3A_182 : i32
    %and3A_184 = arith.constant 1 : i32
    %and3A_185 = arith.andi %shift_right_logical3A_183, %and3A_184 : i32
    %add3A_186 = arith.constant 32767 : i32
    %add3A_187 = arith.addi %bitcast_convert_type3A_181, %add3A_186 : i32
    %add3A_188 = arith.addi %add3A_187, %and3A_185 : i32
    %and3A_189 = arith.constant -65536 : i32
    %and3A_190 = arith.andi %add3A_188, %and3A_189 : i32
    %bitcast_convert_type3A_191 = arith.bitcast %and3A_190 : i32 to f32
    %mul3A_192 = vector.broadcast %bitcast_convert_type3A_191 : f32 to vector<100096xf32>
    %mul3A_193 = arith.mulf %bitcast_convert_type3A_177, %mul3A_192 : vector<100096xf32>
    %add3A_194 = arith.addf %add3A_156, %mul3A_193 : vector<100096xf32>
    %swap3A = arith.constant 0 : index
    %swap3A_195 = vector.load %arg4[%swap3A] : memref<100096xf32, #tpu.memory_space<vmem>>, vector<100096xf32>
    tpu.vector_store %arg4[%swap3A], %add3A_194 {strides = array<i32>} : memref<100096xf32, #tpu.memory_space<vmem>>, vector<100096xf32>,
    return
  }
}

</mosaic_0001>

<sc_bundles>
// kernel: kernel.6.cloned.1.call-start
scs
__scs_entry_jumppad:
0x0: {  	(pc) =	sbr.rel $0x88, $3  }
0x1: {  	(tag) =	ssettag $0x0;
	lr =	simm.s32 $0x1  }
0x2: {  	[smem:$0x3F9D] =	sst lr;
	_ =	strace $0xD0000000  }
0x3: {  	_ = 	snop  }
0x4: {  	_ = 	snop  }
0x5: {  	_ = 	snop  }
0x6: {  	_ = 	snop  }
0x7: {  	_ = 	snop  }
__scs_overlays_trampoline_lowered:
0x8: {  	[smem:$0x3FAC] =	sst s0  }
0x9: {  	[smem:$0x3FAD] =	sst s1  }
0xa: {  	[smem:$0x3FAE] =	sst s2  }
0xb: {  	[smem:$0x3FAF] =	sst s3  }
0xc: {  	[smem:$0x3FB0] =	sst s4  }
0xd: {  	[smem:$0x3FB1] =	sst s5  }
0xe: {  	[smem:$0x3FB2] =	sst s6  }
0xf: {  	[smem:$0x3FB3] =	sst s7  }
0x10: {  	[smem:$0x3FB4] =	sst s8  }
0x11: {  	[smem:$0x3FB5] =	sst s9;
	s0 =	simm.s32 @!p0 $0x0  }
0x12: {  	s1 =	sld [smem:$0x3F9B];
	s0 =	simm.s32 @p0 $0x1  }
0x13: {  	[smem:$0x3FB6] =	sst s0;
	s0 =	simm.s32 @!p1 $0x0  }
0x14: {  	s2 =	sld [smem:$0x3F9A];
	s0 =	simm.s32 @p1 $0x1  }
0x15: {  	[smem:$0x3FB7] =	sst s0;
	s0 =	simm.s32 @!p2 $0x0  }
0x16: {  	s3 =	sld [smem:$0x3FDB];
	s0 =	simm.s32 @p2 $0x1  }
0x17: {  	s4 =	simm.s32 $0x1BF5;
	[smem:$0x3FB9] =	sst s0  }
0x18: {  	s0 =	sld [smem:$0x3F9C];
	_ =	swait.ge [sflag:s4], $0x0  }
0x19: {  	s7 =	sld [smem:$0x3F9D]  }
0x1a: {  	s8 =	sadd.s32 $0xFFFFE003, lr  }
0x1b: {  	s9 =	sadd.s32 $0xFFFFFEF7, lr;
	s5 =	simm.s32 $0xFFFFFFFF;
	p2 =	slt.u32 s8, $0xFFFFF086  }
0x1c: {  	p1 =	slt.u32 s9, $0xF7A;
	s5 =	simm.s32 @!p2 $0x0  }
0x1d: {  	s5 =	simm.s32 @p1 $0x1;
	p0 =	seq.s32 s7, s2  }
0x1e: {  	s7 =	smul.u32 @!p0 $0xF7A, s2;
	p2 =	seq.s32 @!p0 s5, $0x0  }
0x1f: {  	s9 =	smul.u32 $0xF7A, s1;
	s8 =	simm.s32 @!p0 $0x1BF5;
	p2 =	por !p2, p0  }
0x20: {  	[sflag:s8] =	ssyncset.s32 @!p0 $0xFFFFF086;
	s6 =	sadd.s32 @!p0 s3, s7;
	s7 =	simm.s32 @!p0 $0x108  }
0x21: {  	s3 =	sadd.s32 s3, s9;
	s6 =	sadd.s32 @!p0 $0x88, s6;
	s7 =	simm.s32 @p2 $0x1082  }
0x22: {  	[simem:s7], [sflag:s8] =	dma.local @!p0 [hbm:s6], $0xF7A  }
0x23: {  	s9 =	sor.u32 $0xD0000000, s2;
	s6 =	simm.s32 $0x108;
	_ =	swait.ge @!p0 [sflag:s8], $0x0  }
0x24: {  	s3 =	sadd.s32 $0x88, s3;
	s6 =	simm.s32 @!p1 $0x1082;
	[sflag:s4] =	ssyncset.s32 $0xFFFFF086  }
0x25: {  	[simem:s6], [sflag:s4] =	dma.local [hbm:s3], $0xF7A  }
0x26: {  	[smem:$0x3F9D] =	sst s1;
	(tag) =	ssettag s2;
	_ =	strace s9  }
0x27: {  	s1 =	sld [smem:$0x3FAD]  }
0x28: {  	s2 =	sld [smem:$0x3FAE]  }
0x29: {  	s4 =	sld [smem:$0x3FB0]  }
0x2a: {  	p0 =	seq.s32 s5, $0x0;
	s5 =	sld [smem:$0x3FB1]  }
0x2b: {  	s6 =	sld [smem:$0x3FB2]  }
0x2c: {  	s7 =	sld [smem:$0x3FB3]  }
0x2d: {  	s3 =	simm.s32 $0x108;
	s8 =	sld [smem:$0x3FB4]  }
0x2e: {  	s3 =	simm.s32 @!p0 $0x1082;
	s9 =	sld [smem:$0x3FB5]  }
0x2f: {  	lr =	sadd.s32 s0, s3;
	s0 =	sld [smem:$0x3FAC]  }
0x30: {  	s3 =	sld [smem:$0x3FAF]  }
0x31: {  	[smem:$0x3FB8] =	sst s10  }
0x32: {  	s10 =	sld [smem:$0x3FB6];
	_ =	sdelay $0x3  }
0x33: {  	p0 =	seq.s32 s10, $0x1;
	s10 =	sld [smem:$0x3FB8];
	_ =	sdelay $0x3  }
0x34: {  	[smem:$0x3FB8] =	sst s10  }
0x35: {  	s10 =	sld [smem:$0x3FB7];
	_ =	sdelay $0x3  }
0x36: {  	p1 =	seq.s32 s10, $0x1;
	s10 =	sld [smem:$0x3FB8];
	_ =	sdelay $0x3  }
0x37: {  	[smem:$0x3FB8] =	sst s10  }
0x38: {  	s10 =	sld [smem:$0x3FB9]  }
0x39: {  	_ = 	snop;
	(pc) =	sbr.ind lr, $3  }
0x3a: {  	_ = 	snop  }
0x3b: {  	_ = 	snop  }
0x3c: {  	p2 =	seq.s32 s10, $0x1;
	s10 =	sld [smem:$0x3FB8]  }
0x3d: {  	_ =	shalt  }
0x3e: {  	_ =	shalt  }
0x3f: {  	_ =	shalt  }
0x40: {  	_ =	shalt  }
0x41: {  	_ =	shalt  }
0x42: {  	_ =	shalt  }
0x43: {  	_ =	shalt  }
0x44: {  	_ =	shalt  }
0x45: {  	_ =	shalt  }
0x46: {  	_ =	shalt  }
0x47: {  	_ =	shalt  }
0x48: {  	_ =	shalt  }
0x49: {  	_ =	shalt  }
0x4a: {  	_ =	shalt  }
0x4b: {  	_ =	shalt  }
0x4c: {  	_ =	shalt  }
0x4d: {  	_ =	shalt  }
0x4e: {  	_ =	shalt  }
0x4f: {  	_ =	shalt  }
0x50: {  	_ =	shalt  }
0x51: {  	_ =	shalt  }
0x52: {  	_ =	shalt  }
0x53: {  	_ =	shalt  }
0x54: {  	_ =	shalt  }
0x55: {  	_ =	shalt  }
0x56: {  	_ =	shalt  }
0x57: {  	_ =	shalt  }
0x58: {  	_ =	shalt  }
0x59: {  	_ =	shalt  }
0x5a: {  	_ =	shalt  }
0x5b: {  	_ =	shalt  }
0x5c: {  	_ =	shalt  }
0x5d: {  	_ =	shalt  }
0x5e: {  	_ =	shalt  }
0x5f: {  	_ =	shalt  }
0x60: {  	_ =	shalt  }
0x61: {  	_ =	shalt  }
0x62: {  	_ =	shalt  }
0x63: {  	_ =	shalt  }
0x64: {  	_ =	shalt  }
0x65: {  	_ =	shalt  }
0x66: {  	_ =	shalt  }
0x67: {  	_ =	shalt  }
0x68: {  	_ =	shalt  }
0x69: {  	_ =	shalt  }
0x6a: {  	_ =	shalt  }
0x6b: {  	_ =	shalt  }
0x6c: {  	_ =	shalt  }
0x6d: {  	_ =	shalt  }
0x6e: {  	_ =	shalt  }
0x6f: {  	_ =	shalt  }
0x70: {  	_ =	shalt  }
0x71: {  	_ =	shalt  }
0x72: {  	_ =	shalt  }
0x73: {  	_ =	shalt  }
0x74: {  	_ =	shalt  }
0x75: {  	_ =	shalt  }
0x76: {  	_ =	shalt  }
0x77: {  	_ =	shalt  }
0x78: {  	_ =	shalt  }
0x79: {  	_ =	shalt  }
0x7a: {  	_ =	shalt  }
0x7b: {  	_ =	shalt  }
0x7c: {  	_ =	shalt  }
0x7d: {  	_ =	shalt  }
0x7e: {  	_ =	shalt  }
0x7f: {  	_ =	shalt  }
0x80: {  	_ =	shalt  }
0x81: {  	_ =	shalt  }
0x82: {  	_ =	shalt  }
0x83: {  	_ =	shalt  }
0x84: {  	_ =	shalt  }
0x85: {  	_ =	shalt  }
0x86: {  	_ =	shalt  }
0x87: {  	_ =	shalt  }
.Lfunc_end0:
.L_simem_size_0:
called_computation.1_lowered:
.L_overlay_start_0:
0x88: {  	s2 =	sld [smem:$0x3FD9]  }
0x89: {  	s3 =	sld [smem:$0x3FFE];
	_ =	sdelay $0x1  }
0x8a: {  	s1 =	srdreg.scid  }
0x8b: {  	s0 =	sand.u32 $0x1, s1  }
0x8c: {  	s17 =	sshll.u32 s0, $0xA;
	s2 =	sadd.s32 s3, s2  }
0x8d: {  	s2 =	sadd.s32 s2, s17  }
0x8e: {  	[smem:$0x3FC4] =	sst s2  }
0x8f: {  	_ = 	snop  }
0x90: {  	s18 =	sld [smem:$0x3FC8];
	(tm) =	ssettm $0x1  }
0x91: {  	s19 =	sld [smem:$0x3FFB];
	_ =	sdelay $0x3  }
0x92: {  	_ =	strace s19  }
0x93: {  	s2 =	sld [smem:$0x3FFC];
	_ =	sdelay $0x3  }
0x94: {  	_ =	strace s2  }
0x95: {  	s2 =	sld [smem:$0x3FFD];
	_ =	sdelay $0x3  }
0x96: {  	_ =	strace s2  }
0x97: {  	_ =	strace $0x8FFFFFFF  }
0x98: {  	s20 =	sld [smem:$0x3FDB];
	_ =	sdelay $0x1  }
0x99: {  	s4 =	simm.s32 $_scs_section_size  }
0x9a: {  	s5 =	simm.s32 $_size__tile_overlayer_lowered;
	s6 =	simm.s32 $_tile_overlayer_lowered  }
0x9b: {  	s7 =	simm.s32 $0x1BFF;
	s21 =	sshll.u32 s6, $0x1;
	s4 =	sadd.s32 s4, s20  }
0x9c: {  	s22 =	simm.s32 $0x0;
	s5 =	sshll.u32 s5, $0x1;
	s6 =	sadd.s32 s21, s4  }
0x9d: {  	[timem:s22], [sflag:s7] =	dma.local [hbm:s6], s5  }
0x9e: {  	_ =	swait.ge [sflag:s7], s5  }
0x9f: {  	s5 =	ssub.s32 $0x0, s5;
	[sflag:s7] =	ssyncset.done $0x0  }
0xa0: {  	[sflag:s7] =	ssyncadd.s32 s5;
	_ =	sdelay $0x1  }
0xa1: {  	s23 =	simm.s32 $0x1B8B  }
0xa2: {  	_ =	swait.ge [sflag:s23], $0x1  }
0xa3: {  	[sflag:s23] =	ssyncset.done $0x0  }
0xa4: {  	[sflag:s23] =	ssyncadd.s32 $0xFFFFFFFF  }
0xa5: {  	s5 =	sld [smem:$0x0]  }
0xa6: {  	s6 =	sand.u32 $0xFFFFFFFE, s1  }
0xa7: {  	p0 =	sne.s32 s1, s6  }
0xa8: {  	s6 =	sshll.u32 @p0 s6, $0xE  }
0xa9: {  	s6 =	sadd.s32 @p0 $0x11B8D, s6;
	s7 =	sshll.u32 @p0 s5, $0x11  }
0xaa: {  	s6 =	sor.u32 @p0 s7, s6  }
0xab: {  	[sflag:s6] =	ssyncadd.remote.s32 @p0 $0x1;
	_ =	sdelay $0x1  }
0xac: {  	s6 =	simm.s32 @p0 $0x1B8D  }
0xad: {  	_ =	swait.eq @p0 [sflag:s6], $0x1  }
0xae: {  	[sflag:s6] =	ssyncadd.s32 @p0 $0xFFFFFFFF  }
0xaf: {  	s7 =	sshll.u32 @!p0 s1, $0xE  }
0xb0: {  	s7 =	sor.u32 @!p0 $0x4000, s7;
	s6 =	simm.s32 @!p0 $0x1B8D  }
0xb1: {  	s5 =	sshll.u32 @!p0 s5, $0x11;
	s7 =	sadd.s32 @!p0 $0x11B8D, s7;
	_ =	swait.eq @!p0 [sflag:s6], $0x1  }
0xb2: {  	s5 =	sor.u32 @!p0 s5, s7;
	[sflag:s6] =	ssyncadd.s32 @!p0 $0xFFFFFFFF  }
0xb3: {  	s25 =	simm.s32 $0x1B8E;
	s24 =	sld [smem:$0x3FFE];
	[sflag:s5] =	ssyncadd.remote.s32 @!p0 $0x1  }
0xb4: {  	s26 =	simm.s32 $execute0_lowered;
	[smem:$0x3FD2] =	sst s25  }
0xb5: {  	s6 =	sshll.u32 s26, $0x1;
	_ =	strace $0x80000049;
	[dreg:$0x1] =	wrdreg $0xFFFFFFFF  }
0xb6: {  	s28 =	simm.s32 $_size_execute0_lowered;
	s4 =	sadd.s32 s4, s6;
	[dreg:$0x0] =	wrdreg $0x0  }
0xb7: {  	s6 =	sshll.u32 s28, $0x1;
	[dreg:$0x2] =	wrdreg s4  }
0xb8: {  	[dreg:$0x3] =	wrdreg s6  }
0xb9: {  	[dreg:$0x4] =	wrdreg $0xC0  }
0xba: {  	_ =	task [dreg:s22], $0x5FFFF  }
0xbb: {  	[dreg:$0x1] =	wrdreg $0xFFFFFFFF  }
0xbc: {  	[dreg:$0x0] =	wrdreg $0x60  }
0xbd: {  	[dreg:$0x2] =	wrdreg s18  }
0xbe: {  	[dreg:$0x3] =	wrdreg s24  }
0xbf: {  	[dreg:$0x4] =	wrdreg $0x8F000  }
0xc0: {  	[dreg:$0x5] =	wrdreg $0x9  }
0xc1: {  	_ =	task.clear_ibuf [dreg:s22], $0x6FFFF;
	_ =	strace $0x90000049  }
0xc2: {  	s29 =	simm.s32 $0x9;
	_ =	strace $0x8000004B  }
0xc3: {  	_ =	swait.ge [sflag:s29], $0x1  }
0xc4: {  	[sflag:s29] =	ssyncadd.s32 $0xFFFFFFFF  }
0xc5: {  	_ =	strace $0x9000004B  }
0xc6: {  	_ =	sfence  }
0xc7: {  	s30 =	sld [smem:$0x0];
	_ =	sdelay $0x2  }
0xc8: {  	s31 =	sshll.u32 s1, $0xD;
	s1 =	sshrl.u32 s1, $0x2  }
0xc9: {  	s4 =	sand.u32 $0x4000, s31;
	s1 =	sadd.s32 s1, s30  }
0xca: {  	s0 =	sor.u32 s4, s0;
	s1 =	sshll.u32 s1, $0x11  }
0xcb: {  	s0 =	sor.u32 s1, s0  }
0xcc: {  	s0 =	sadd.s32 $0x8F2B, s0  }
0xcd: {  	[sflag:s0] =	ssyncadd.remote.s32 $0x1  }
0xce: {  	_ =	sfence.sel $0xFFFF  }
0xcf: {  	[dreg:$0x0] =	wrdreg $0xFFFFFFFF;
	(pc) =	sbr.abs _section_cstart, $3  }
0xd0: {  	[dreg:$0x1] =	wrdreg $0xFFFFFFFF  }
0xd1: {  	_ =	task.clear_ibuf [dreg:s22], $0x2FFFF;
	_ =	strace $0x9FFFFFFF  }
0xd2: {  	(tm) =	ssettm $0x7FFFFFFF  }
0xd3: {  	_ =	shalt  }
tec
execute0_lowered:
.L_overlay_start_1:
0x0: {  	(tag) =	ssettag $0x1  }
0x1: {  	s0 =	rddreg [dreg:$0x0]  }
0x2: {  	s1 =	rddreg [dreg:$0x1];
	s3 =	srdreg.scid  }
0x3: {  	s2 =	rddreg [dreg:$0x2];
	s8 =	stileid.u32;
	s28 =	simm.s32 $0x7680  }
0x4: {  	s29 =	simm.s32 $0x2;
	s4 =	sand.u32 $0x1, s3;
	s5 =	smul.u32 $0x1870, s8  }
0x5: {  	s30 =	simm.s32 $0x1;
	s6 =	sshll.u32 s4, $0x4;
	s7 =	smul.u32 $0x18700, s4  }
0x6: {  	s31 =	simm.s32 $0x2780;
	s3 =	simm.s32 $0x0;
	s6 =	sor.u32 s8, s6  }
0x7: {  	[smem:$0x7FF] =	sst s3;
	s6 =	smul.u32 $0x30D40, s6;
	s7 =	sadd.s32 s5, s7  }
0x8: {  	s26 =	ssub.s32 $0x2, s4;
	_ =	strace $0x8000004A;
	s7 =	sshrl.u32 s7, $0x3  }
0x9: {  	s6 =	sshrl.u32 s6, $0x3;
	s1 =	sadd.s32 s7, s1;
	s7 =	sshrl.u32 s26, $0x1  }
0xa: {  	s5 =	sadd.s32 s5, s2;
	s4 =	sadd.s32 s0, s6;
	s8 =	ssub.s32 s26, s7  }
0xb: {  	s0 =	simm.s32 $0x2710;
	s6 =	simm.s32 $0x0;
	s24 =	sadd.s32 $0x4E2, s4  }
0xc: {  	s25 =	sadd.s32 $0x9C4, s4;
	s26 =	sadd.s32 $0xEA6, s4;
	s9 =	sadd.s32 $0x1388, s4  }
0xd: {  	s10 =	sadd.s32 $0x186A, s4;
	s11 =	sadd.s32 $0x1D4C, s4;
	s12 =	sadd.s32 $0x222E, s4  }
0xe: {  	s13 =	sadd.s32 $0x2710, s4;
	s14 =	sadd.s32 $0x2BF2, s4;
	s15 =	sadd.s32 $0x30D4, s4  }
0xf: {  	s16 =	sadd.s32 $0x35B6, s4;
	s17 =	sadd.s32 $0x3A98, s4;
	s18 =	sadd.s32 $0x3F7A, s4  }
0x10: {  	s19 =	sadd.s32 $0x445C, s4;
	s20 =	sadd.s32 $0x493E, s4;
	[dreg:$0x4] =	wrdreg s24  }
0x11: {  	s21 =	sadd.s32 $0x4E20, s4;
	s22 =	sadd.s32 $0x5302, s4;
	[dreg:$0x5] =	wrdreg s25  }
0x12: {  	s23 =	sadd.s32 $0x57E4, s4;
	[dreg:$0x6] =	wrdreg s26;
	s24 =	sadd.s32 $0x3D1E00, s1  }
0x13: {  	v0 =	vimm.f32 $0.0e+00;
	v1 =	vimm.f32 $1.000000000e+00;
	s25 =	smax.u32 s8, $0x1;
	s26 =	sadd.s32 $0x5CC6, s4;
	s1 =	simm.s32 $0x4F00  }
.LBB2_1:
0x14: {  	s7 =	simm.s32 $0x0  }
.LBB2_2:
0x15: {  	p0 =	sne.s32 s7, $0x6180  }
.Ltmp0:
0x16: {  	_ = 	snop;
	(pc) =	sbr.rel @p0 .LBB2_2-.Ltmp0, $3  }
0x17: {  	_ =	sdelay $0x1  }
0x18: {  	s8 =	sshra.s32 s7, $0x2  }
0x19: {  	s7 =	sadd.s32 $0x40, s7;
	[tilespmem:s8+$0x7680] =	vst v0  }
0x1a: {  	s7 =	simm.s32 $0x40;
	s8 =	simm.s32 $0x0  }
.LBB2_4:
0x1b: {  	p0 =	sne.s32 s7, $0x9C00;
	[tilespmem:s8+$0x4F00] =	vst v1;
	s8 =	smov.u32 s7;
	s7 =	sadd.s32 $0x40, s7  }
.Ltmp1:
0x1c: {  	(pc) =	sbr.rel @p0 .LBB2_4-.Ltmp1, $2  }
0x1d: {  	_ =	sdelay $0x2  }
0x1e: {  	s8 =	sshra.s32 s8, $0x2  }
0x1f: {  	[tilespmem:s8+$0x4F00] =	vst v1  }
0x20: {  	[spmem:s5] =	stream.linear.scatter [tilespmem:s28], [sflag:$0x2], $0x1870, $0x38;
	[tilespmem:$0xA770] =	vst v63  }
0x21: {  	_ =	swait.ge [sflag:s29], $0x1870  }
0x22: {  	[sflag:s29] =	ssyncset.done $0x0  }
0x23: {  	[sflag:s29] =	ssyncadd.s32 $0xFFFFE790  }
0x24: {  	[bflag:$0x0] =	sbarrier.arrive $0xFFFF  }
0x25: {  	[tilespmem:s3], [sflag:$0x1] =	stream.linear.gather [hbm4b:s4+s3], $0x2710, $0x38;
	[tilespmem:$0xA770] =	vst v63  }
0x26: {  	_ =	swait.ge [sflag:s30], $0x2710  }
0x27: {  	[sflag:s30] =	ssyncset.done $0x0  }
0x28: {  	s7 =	rddreg [dreg:$0x4];
	[sflag:s30] =	ssyncadd.s32 $0xFFFFD8F0  }
0x29: {  	[tilespmem:s31], [sflag:$0x1] =	stream.linear.gather [hbm4b:s7+s3], $0x2710, $0x38;
	[tilespmem:$0xA770] =	vst v63  }
0x2a: {  	_ = 	snop  }
0x2b: {  	[spmem:s2] =	stream.indirect.scatter.add.f32 [tilespmem:s1], [sflag:$0x2], $0x1, s3, s0, $0xb8;
	[tilespmem:$0xA770] =	vst v63  }
0x2c: {  	_ =	swait.ge [sflag:s29], $0x2710  }
0x2d: {  	[sflag:s29] =	ssyncset.done $0x0  }
0x2e: {  	[sflag:s29] =	ssyncadd.s32 $0xFFFFD8F0  }
0x2f: {  	_ =	swait.ge [sflag:s30], $0x2710  }
0x30: {  	[sflag:s30] =	ssyncset.done $0x0  }
0x31: {  	s8 =	rddreg [dreg:$0x5];
	[sflag:s30] =	ssyncadd.s32 $0xFFFFD8F0  }
0x32: {  	[tilespmem:s3], [sflag:$0x1] =	stream.linear.gather [hbm4b:s8+s3], $0x2710, $0x38;
	[tilespmem:$0xA770] =	vst v63  }
0x33: {  	_ = 	snop  }
0x34: {  	[spmem:s2] =	stream.indirect.scatter.add.f32 [tilespmem:s1], [sflag:$0x2], $0x1, s31, s0, $0xb8;
	[tilespmem:$0xA770] =	vst v63  }
0x35: {  	_ =	swait.ge [sflag:s29], $0x2710  }
0x36: {  	[sflag:s29] =	ssyncset.done $0x0  }
0x37: {  	[sflag:s29] =	ssyncadd.s32 $0xFFFFD8F0  }
0x38: {  	_ =	swait.ge [sflag:s30], $0x2710  }
0x39: {  	[sflag:s30] =	ssyncset.done $0x0  }
0x3a: {  	s8 =	rddreg [dreg:$0x6];
	[sflag:s30] =	ssyncadd.s32 $0xFFFFD8F0  }
0x3b: {  	[tilespmem:s31], [sflag:$0x1] =	stream.linear.gather [hbm4b:s8+s3], $0x2710, $0x38;
	[tilespmem:$0xA770] =	vst v63  }
0x3c: {  	_ = 	snop  }
0x3d: {  	[spmem:s2] =	stream.indirect.scatter.add.f32 [tilespmem:s1], [sflag:$0x2], $0x1, s3, s0, $0xb8;
	[tilespmem:$0xA770] =	vst v63  }
0x3e: {  	_ =	swait.ge [sflag:s29], $0x2710  }
0x3f: {  	[sflag:s29] =	ssyncset.done $0x0  }
0x40: {  	[sflag:s29] =	ssyncadd.s32 $0xFFFFD8F0  }
0x41: {  	_ =	swait.ge [sflag:s30], $0x2710  }
0x42: {  	[sflag:s30] =	ssyncset.done $0x0  }
0x43: {  	[sflag:s30] =	ssyncadd.s32 $0xFFFFD8F0  }
0x44: {  	[tilespmem:s3], [sflag:$0x1] =	stream.linear.gather [hbm4b:s9+s3], $0x2710, $0x38;
	[tilespmem:$0xA770] =	vst v63  }
0x45: {  	_ = 	snop  }
0x46: {  	[spmem:s2] =	stream.indirect.scatter.add.f32 [tilespmem:s1], [sflag:$0x2], $0x1, s31, s0, $0xb8;
	[tilespmem:$0xA770] =	vst v63  }
0x47: {  	_ =	swait.ge [sflag:s29], $0x2710  }
0x48: {  	[sflag:s29] =	ssyncset.done $0x0  }
0x49: {  	[sflag:s29] =	ssyncadd.s32 $0xFFFFD8F0  }
0x4a: {  	_ =	swait.ge [sflag:s30], $0x2710  }
0x4b: {  	[sflag:s30] =	ssyncset.done $0x0  }
0x4c: {  	[sflag:s30] =	ssyncadd.s32 $0xFFFFD8F0  }
0x4d: {  	[tilespmem:s31], [sflag:$0x1] =	stream.linear.gather [hbm4b:s10+s3], $0x2710, $0x38;
	[tilespmem:$0xA770] =	vst v63  }
0x4e: {  	_ = 	snop  }
0x4f: {  	[spmem:s2] =	stream.indirect.scatter.add.f32 [tilespmem:s1], [sflag:$0x2], $0x1, s3, s0, $0xb8;
	[tilespmem:$0xA770] =	vst v63  }
0x50: {  	_ =	swait.ge [sflag:s29], $0x2710  }
0x51: {  	[sflag:s29] =	ssyncset.done $0x0  }
0x52: {  	[sflag:s29] =	ssyncadd.s32 $0xFFFFD8F0  }
0x53: {  	_ =	swait.ge [sflag:s30], $0x2710  }
0x54: {  	[sflag:s30] =	ssyncset.done $0x0  }
0x55: {  	[sflag:s30] =	ssyncadd.s32 $0xFFFFD8F0  }
0x56: {  	[tilespmem:s3], [sflag:$0x1] =	stream.linear.gather [hbm4b:s11+s3], $0x2710, $0x38;
	[tilespmem:$0xA770] =	vst v63  }
0x57: {  	_ = 	snop  }
0x58: {  	[spmem:s2] =	stream.indirect.scatter.add.f32 [tilespmem:s1], [sflag:$0x2], $0x1, s31, s0, $0xb8;
	[tilespmem:$0xA770] =	vst v63  }
0x59: {  	_ =	swait.ge [sflag:s29], $0x2710  }
0x5a: {  	[sflag:s29] =	ssyncset.done $0x0  }
0x5b: {  	[sflag:s29] =	ssyncadd.s32 $0xFFFFD8F0  }
0x5c: {  	_ =	swait.ge [sflag:s30], $0x2710  }
0x5d: {  	[sflag:s30] =	ssyncset.done $0x0  }
0x5e: {  	[sflag:s30] =	ssyncadd.s32 $0xFFFFD8F0  }
0x5f: {  	[tilespmem:s31], [sflag:$0x1] =	stream.linear.gather [hbm4b:s12+s3], $0x2710, $0x38;
	[tilespmem:$0xA770] =	vst v63  }
0x60: {  	_ = 	snop  }
0x61: {  	[spmem:s2] =	stream.indirect.scatter.add.f32 [tilespmem:s1], [sflag:$0x2], $0x1, s3, s0, $0xb8;
	[tilespmem:$0xA770] =	vst v63  }
0x62: {  	_ =	swait.ge [sflag:s29], $0x2710  }
0x63: {  	[sflag:s29] =	ssyncset.done $0x0  }
0x64: {  	[sflag:s29] =	ssyncadd.s32 $0xFFFFD8F0  }
0x65: {  	_ =	swait.ge [sflag:s30], $0x2710  }
0x66: {  	[sflag:s30] =	ssyncset.done $0x0  }
0x67: {  	[sflag:s30] =	ssyncadd.s32 $0xFFFFD8F0  }
0x68: {  	[tilespmem:s3], [sflag:$0x1] =	stream.linear.gather [hbm4b:s13+s3], $0x2710, $0x38;
	[tilespmem:$0xA770] =	vst v63  }
0x69: {  	_ = 	snop  }
0x6a: {  	[spmem:s2] =	stream.indirect.scatter.add.f32 [tilespmem:s1], [sflag:$0x2], $0x1, s31, s0, $0xb8;
	[tilespmem:$0xA770] =	vst v63  }
0x6b: {  	_ =	swait.ge [sflag:s29], $0x2710  }
0x6c: {  	[sflag:s29] =	ssyncset.done $0x0  }
0x6d: {  	[sflag:s29] =	ssyncadd.s32 $0xFFFFD8F0  }
0x6e: {  	_ =	swait.ge [sflag:s30], $0x2710  }
0x6f: {  	[sflag:s30] =	ssyncset.done $0x0  }
0x70: {  	[sflag:s30] =	ssyncadd.s32 $0xFFFFD8F0  }
0x71: {  	[tilespmem:s31], [sflag:$0x1] =	stream.linear.gather [hbm4b:s14+s3], $0x2710, $0x38;
	[tilespmem:$0xA770] =	vst v63  }
0x72: {  	_ = 	snop  }
0x73: {  	[spmem:s2] =	stream.indirect.scatter.add.f32 [tilespmem:s1], [sflag:$0x2], $0x1, s3, s0, $0xb8;
	[tilespmem:$0xA770] =	vst v63  }
0x74: {  	_ =	swait.ge [sflag:s29], $0x2710  }
0x75: {  	[sflag:s29] =	ssyncset.done $0x0  }
0x76: {  	[sflag:s29] =	ssyncadd.s32 $0xFFFFD8F0  }
0x77: {  	_ =	swait.ge [sflag:s30], $0x2710  }
0x78: {  	[sflag:s30] =	ssyncset.done $0x0  }
0x79: {  	[sflag:s30] =	ssyncadd.s32 $0xFFFFD8F0  }
0x7a: {  	[tilespmem:s3], [sflag:$0x1] =	stream.linear.gather [hbm4b:s15+s3], $0x2710, $0x38;
	[tilespmem:$0xA770] =	vst v63  }
0x7b: {  	_ = 	snop  }
0x7c: {  	[spmem:s2] =	stream.indirect.scatter.add.f32 [tilespmem:s1], [sflag:$0x2], $0x1, s31, s0, $0xb8;
	[tilespmem:$0xA770] =	vst v63  }
0x7d: {  	_ =	swait.ge [sflag:s29], $0x2710  }
0x7e: {  	[sflag:s29] =	ssyncset.done $0x0  }
0x7f: {  	[sflag:s29] =	ssyncadd.s32 $0xFFFFD8F0  }
0x80: {  	_ =	swait.ge [sflag:s30], $0x2710  }
0x81: {  	[sflag:s30] =	ssyncset.done $0x0  }
0x82: {  	[sflag:s30] =	ssyncadd.s32 $0xFFFFD8F0  }
0x83: {  	[tilespmem:s31], [sflag:$0x1] =	stream.linear.gather [hbm4b:s16+s3], $0x2710, $0x38;
	[tilespmem:$0xA770] =	vst v63  }
0x84: {  	_ = 	snop  }
0x85: {  	[spmem:s2] =	stream.indirect.scatter.add.f32 [tilespmem:s1], [sflag:$0x2], $0x1, s3, s0, $0xb8;
	[tilespmem:$0xA770] =	vst v63  }
0x86: {  	_ =	swait.ge [sflag:s29], $0x2710  }
0x87: {  	[sflag:s29] =	ssyncset.done $0x0  }
0x88: {  	[sflag:s29] =	ssyncadd.s32 $0xFFFFD8F0  }
0x89: {  	_ =	swait.ge [sflag:s30], $0x2710  }
0x8a: {  	[sflag:s30] =	ssyncset.done $0x0  }
0x8b: {  	[sflag:s30] =	ssyncadd.s32 $0xFFFFD8F0  }
0x8c: {  	[tilespmem:s3], [sflag:$0x1] =	stream.linear.gather [hbm4b:s17+s3], $0x2710, $0x38;
	[tilespmem:$0xA770] =	vst v63  }
0x8d: {  	_ = 	snop  }
0x8e: {  	[spmem:s2] =	stream.indirect.scatter.add.f32 [tilespmem:s1], [sflag:$0x2], $0x1, s31, s0, $0xb8;
	[tilespmem:$0xA770] =	vst v63  }
0x8f: {  	_ =	swait.ge [sflag:s29], $0x2710  }
0x90: {  	[sflag:s29] =	ssyncset.done $0x0  }
0x91: {  	[sflag:s29] =	ssyncadd.s32 $0xFFFFD8F0  }
0x92: {  	_ =	swait.ge [sflag:s30], $0x2710  }
0x93: {  	[sflag:s30] =	ssyncset.done $0x0  }
0x94: {  	[sflag:s30] =	ssyncadd.s32 $0xFFFFD8F0  }
0x95: {  	[tilespmem:s31], [sflag:$0x1] =	stream.linear.gather [hbm4b:s18+s3], $0x2710, $0x38;
	[tilespmem:$0xA770] =	vst v63  }
0x96: {  	_ = 	snop  }
0x97: {  	[spmem:s2] =	stream.indirect.scatter.add.f32 [tilespmem:s1], [sflag:$0x2], $0x1, s3, s0, $0xb8;
	[tilespmem:$0xA770] =	vst v63  }
0x98: {  	_ =	swait.ge [sflag:s29], $0x2710  }
0x99: {  	[sflag:s29] =	ssyncset.done $0x0  }
0x9a: {  	[sflag:s29] =	ssyncadd.s32 $0xFFFFD8F0  }
0x9b: {  	_ =	swait.ge [sflag:s30], $0x2710  }
0x9c: {  	[sflag:s30] =	ssyncset.done $0x0  }
0x9d: {  	[sflag:s30] =	ssyncadd.s32 $0xFFFFD8F0  }
0x9e: {  	[tilespmem:s3], [sflag:$0x1] =	stream.linear.gather [hbm4b:s19+s3], $0x2710, $0x38;
	[tilespmem:$0xA770] =	vst v63  }
0x9f: {  	_ = 	snop  }
0xa0: {  	[spmem:s2] =	stream.indirect.scatter.add.f32 [tilespmem:s1], [sflag:$0x2], $0x1, s31, s0, $0xb8;
	[tilespmem:$0xA770] =	vst v63  }
0xa1: {  	_ =	swait.ge [sflag:s29], $0x2710  }
0xa2: {  	[sflag:s29] =	ssyncset.done $0x0  }
0xa3: {  	[sflag:s29] =	ssyncadd.s32 $0xFFFFD8F0  }
0xa4: {  	_ =	swait.ge [sflag:s30], $0x2710  }
0xa5: {  	[sflag:s30] =	ssyncset.done $0x0  }
0xa6: {  	[sflag:s30] =	ssyncadd.s32 $0xFFFFD8F0  }
0xa7: {  	[tilespmem:s31], [sflag:$0x1] =	stream.linear.gather [hbm4b:s20+s3], $0x2710, $0x38;
	[tilespmem:$0xA770] =	vst v63  }
0xa8: {  	_ = 	snop  }
0xa9: {  	[spmem:s2] =	stream.indirect.scatter.add.f32 [tilespmem:s1], [sflag:$0x2], $0x1, s3, s0, $0xb8;
	[tilespmem:$0xA770] =	vst v63  }
0xaa: {  	_ =	swait.ge [sflag:s29], $0x2710  }
0xab: {  	[sflag:s29] =	ssyncset.done $0x0  }
0xac: {  	[sflag:s29] =	ssyncadd.s32 $0xFFFFD8F0  }
0xad: {  	_ =	swait.ge [sflag:s30], $0x2710  }
0xae: {  	[sflag:s30] =	ssyncset.done $0x0  }
0xaf: {  	[sflag:s30] =	ssyncadd.s32 $0xFFFFD8F0  }
0xb0: {  	[tilespmem:s3], [sflag:$0x1] =	stream.linear.gather [hbm4b:s21+s3], $0x2710, $0x38;
	[tilespmem:$0xA770] =	vst v63  }
0xb1: {  	_ = 	snop  }
0xb2: {  	[spmem:s2] =	stream.indirect.scatter.add.f32 [tilespmem:s1], [sflag:$0x2], $0x1, s31, s0, $0xb8;
	[tilespmem:$0xA770] =	vst v63  }
0xb3: {  	_ =	swait.ge [sflag:s29], $0x2710  }
0xb4: {  	[sflag:s29] =	ssyncset.done $0x0  }
0xb5: {  	[sflag:s29] =	ssyncadd.s32 $0xFFFFD8F0  }
0xb6: {  	_ =	swait.ge [sflag:s30], $0x2710  }
0xb7: {  	[sflag:s30] =	ssyncset.done $0x0  }
0xb8: {  	[sflag:s30] =	ssyncadd.s32 $0xFFFFD8F0  }
0xb9: {  	[tilespmem:s31], [sflag:$0x1] =	stream.linear.gather [hbm4b:s22+s3], $0x2710, $0x38;
	[tilespmem:$0xA770] =	vst v63  }
0xba: {  	_ = 	snop  }
0xbb: {  	[spmem:s2] =	stream.indirect.scatter.add.f32 [tilespmem:s1], [sflag:$0x2], $0x1, s3, s0, $0xb8;
	[tilespmem:$0xA770] =	vst v63  }
0xbc: {  	_ =	swait.ge [sflag:s29], $0x2710  }
0xbd: {  	[sflag:s29] =	ssyncset.done $0x0  }
0xbe: {  	[sflag:s29] =	ssyncadd.s32 $0xFFFFD8F0  }
0xbf: {  	_ =	swait.ge [sflag:s30], $0x2710  }
0xc0: {  	[sflag:s30] =	ssyncset.done $0x0  }
0xc1: {  	[sflag:s30] =	ssyncadd.s32 $0xFFFFD8F0  }
0xc2: {  	[tilespmem:s3], [sflag:$0x1] =	stream.linear.gather [hbm4b:s23+s3], $0x2710, $0x38;
	[tilespmem:$0xA770] =	vst v63  }
0xc3: {  	_ = 	snop  }
0xc4: {  	[spmem:s2] =	stream.indirect.scatter.add.f32 [tilespmem:s1], [sflag:$0x2], $0x1, s31, s0, $0xb8;
	[tilespmem:$0xA770] =	vst v63  }
0xc5: {  	_ =	swait.ge [sflag:s29], $0x2710  }
0xc6: {  	[sflag:s29] =	ssyncset.done $0x0  }
0xc7: {  	[sflag:s29] =	ssyncadd.s32 $0xFFFFD8F0  }
0xc8: {  	_ =	swait.ge [sflag:s30], $0x2710  }
0xc9: {  	[sflag:s30] =	ssyncset.done $0x0  }
0xca: {  	[sflag:s30] =	ssyncadd.s32 $0xFFFFD8F0  }
0xcb: {  	[tilespmem:s31], [sflag:$0x1] =	stream.linear.gather [hbm4b:s26+s3], $0x2710, $0x38;
	[tilespmem:$0xA770] =	vst v63  }
0xcc: {  	_ = 	snop  }
0xcd: {  	[spmem:s2] =	stream.indirect.scatter.add.f32 [tilespmem:s1], [sflag:$0x2], $0x1, s3, s0, $0xb8;
	[tilespmem:$0xA770] =	vst v63  }
0xce: {  	_ =	swait.ge [sflag:s29], $0x2710  }
0xcf: {  	[sflag:s29] =	ssyncset.done $0x0  }
0xd0: {  	[sflag:s29] =	ssyncadd.s32 $0xFFFFD8F0  }
0xd1: {  	_ =	swait.ge [sflag:s30], $0x2710  }
0xd2: {  	[sflag:s30] =	ssyncset.done $0x0  }
0xd3: {  	[sflag:s30] =	ssyncadd.s32 $0xFFFFD8F0  }
0xd4: {  	[spmem:s2] =	stream.indirect.scatter.add.f32 [tilespmem:s1], [sflag:$0x2], $0x1, s31, s0, $0xb8;
	[tilespmem:$0xA770] =	vst v63  }
0xd5: {  	_ =	swait.ge [sflag:s29], $0x2710  }
0xd6: {  	[sflag:s29] =	ssyncset.done $0x0  }
0xd7: {  	[sflag:s29] =	ssyncadd.s32 $0xFFFFD8F0  }
0xd8: {  	[bflag:$0x0] =	sbarrier.arrive $0xFFFF  }
0xd9: {  	[tilespmem:s28], [sflag:$0x2] =	stream.linear.gather [spmem:s5], $0x1870, $0x38;
	[tilespmem:$0xA770] =	vst v63  }
0xda: {  	s6 =	sadd.s32 $0x1, s6;
	_ =	swait.ge [sflag:s29], $0x1870  }
0xdb: {  	p0 =	sne.s32 s6, s25;
	[sflag:s29] =	ssyncset.done $0x0  }
.Ltmp2:
0xdc: {  	[sflag:s29] =	ssyncadd.s32 $0xFFFFE790;
	(pc) =	sbr.rel @p0 .LBB2_1-.Ltmp2, $4  }
0xdd: {  	[hbm4b:s24+s3] =	stream.linear.scatter [tilespmem:s28], [sflag:$0x2], $0x1870, $0x38;
	[tilespmem:$0xA770] =	vst v63  }
0xde: {  	_ =	swait.ge [sflag:s29], $0x1870  }
0xdf: {  	[sflag:s29] =	ssyncset.done $0x0  }
0xe0: {  	[sflag:s29] =	ssyncadd.s32 $0xFFFFE790  }
0xe1: {  	_ =	sfence.sel $0x180000  }
0xe2: {  	[bflag:$0x0] =	sbarrier.arrive $0xFFFF  }
0xe3: {  	_ =	strace $0x9000004A  }
0xe4: {  	s0 =	stileid.u32;
	[bflag:$0x2] =	sbarrier.arrive $0xFFFF  }
0xe5: {  	p0 =	sne.s32 s0, $0x0;
	s0 =	rddreg [dreg:$0x3]  }
0xe6: {  	s0 =	sadd.s32 @!p0 $0x100000, s0  }
0xe7: {  	[sflag:s0] =	ssyncadd.tile.s32 @!p0 $0x1;
	_ =	shalt  }
.Lfunc_end2:
_tile_overlayer_lowered:
.L_overlay_start_2:
0xe8: {  	(tag) =	ssettag $0x2  }
0xe9: {  	s0 =	rddreg [dreg:$0x0];
	s2 =	stileid.u32  }
0xea: {  	s1 =	rddreg [dreg:$0x1];
	p0 =	sne.s32 s2, $0x0  }
0xeb: {  	s3 =	rddreg [dreg:$0x2];
	[bflag:$0x3] =	sbarrier.arrive $0xFFFF;
	s2 =	simm.s32 @!p0 $0x1C02  }
0xec: {  	[timem:s3], [sflag:s2] =	dma.local @!p0 [hbm:s0], s1  }
0xed: {  	s0 =	simm.s32 @!p0 $0x2  }
0xee: {  	_ =	swait.ge @!p0 [sflag:s0], s1  }
0xef: {  	s1 =	ssub.s32 @!p0 $0x0, s1;
	[sflag:s0] =	ssyncset.done @!p0 $0x0  }
0xf0: {  	[sflag:s0] =	ssyncadd.s32 @!p0 s1  }
0xf1: {  	[bflag:$0x3] =	sbarrier.arrive $0xFFFF  }
0xf2: {  	_ =	shalt  }

// kernel: kernel.9.cloned.1.call-start
scs
__scs_entry_jumppad:
0x0: {  	(pc) =	sbr.rel $0x88, $3  }
0x1: {  	(tag) =	ssettag $0x0;
	lr =	simm.s32 $0x1  }
0x2: {  	[smem:$0x3F9D] =	sst lr;
	_ =	strace $0xD0000000  }
0x3: {  	_ = 	snop  }
0x4: {  	_ = 	snop  }
0x5: {  	_ = 	snop  }
0x6: {  	_ = 	snop  }
0x7: {  	_ = 	snop  }
__scs_overlays_trampoline_lowered:
0x8: {  	[smem:$0x3FAC] =	sst s0  }
0x9: {  	[smem:$0x3FAD] =	sst s1  }
0xa: {  	[smem:$0x3FAE] =	sst s2  }
0xb: {  	[smem:$0x3FAF] =	sst s3  }
0xc: {  	[smem:$0x3FB0] =	sst s4  }
0xd: {  	[smem:$0x3FB1] =	sst s5  }
0xe: {  	[smem:$0x3FB2] =	sst s6  }
0xf: {  	[smem:$0x3FB3] =	sst s7  }
0x10: {  	[smem:$0x3FB4] =	sst s8  }
0x11: {  	[smem:$0x3FB5] =	sst s9;
	s0 =	simm.s32 @!p0 $0x0  }
0x12: {  	s1 =	sld [smem:$0x3F9B];
	s0 =	simm.s32 @p0 $0x1  }
0x13: {  	[smem:$0x3FB6] =	sst s0;
	s0 =	simm.s32 @!p1 $0x0  }
0x14: {  	s2 =	sld [smem:$0x3F9A];
	s0 =	simm.s32 @p1 $0x1  }
0x15: {  	[smem:$0x3FB7] =	sst s0;
	s0 =	simm.s32 @!p2 $0x0  }
0x16: {  	s3 =	sld [smem:$0x3FDB];
	s0 =	simm.s32 @p2 $0x1  }
0x17: {  	s4 =	simm.s32 $0x1BF5;
	[smem:$0x3FB9] =	sst s0  }
0x18: {  	s0 =	sld [smem:$0x3F9C];
	_ =	swait.ge [sflag:s4], $0x0  }
0x19: {  	s7 =	sld [smem:$0x3F9D]  }
0x1a: {  	s8 =	sadd.s32 $0xFFFFE003, lr  }
0x1b: {  	s9 =	sadd.s32 $0xFFFFFEF7, lr;
	s5 =	simm.s32 $0xFFFFFFFF;
	p2 =	slt.u32 s8, $0xFFFFF086  }
0x1c: {  	p1 =	slt.u32 s9, $0xF7A;
	s5 =	simm.s32 @!p2 $0x0  }
0x1d: {  	s5 =	simm.s32 @p1 $0x1;
	p0 =	seq.s32 s7, s2  }
0x1e: {  	s7 =	smul.u32 @!p0 $0xF7A, s2;
	p2 =	seq.s32 @!p0 s5, $0x0  }
0x1f: {  	s9 =	smul.u32 $0xF7A, s1;
	s8 =	simm.s32 @!p0 $0x1BF5;
	p2 =	por !p2, p0  }
0x20: {  	[sflag:s8] =	ssyncset.s32 @!p0 $0xFFFFF086;
	s6 =	sadd.s32 @!p0 s3, s7;
	s7 =	simm.s32 @!p0 $0x108  }
0x21: {  	s3 =	sadd.s32 s3, s9;
	s6 =	sadd.s32 @!p0 $0x88, s6;
	s7 =	simm.s32 @p2 $0x1082  }
0x22: {  	[simem:s7], [sflag:s8] =	dma.local @!p0 [hbm:s6], $0xF7A  }
0x23: {  	s9 =	sor.u32 $0xD0000000, s2;
	s6 =	simm.s32 $0x108;
	_ =	swait.ge @!p0 [sflag:s8], $0x0  }
0x24: {  	s3 =	sadd.s32 $0x88, s3;
	s6 =	simm.s32 @!p1 $0x1082;
	[sflag:s4] =	ssyncset.s32 $0xFFFFF086  }
0x25: {  	[simem:s6], [sflag:s4] =	dma.local [hbm:s3], $0xF7A  }
0x26: {  	[smem:$0x3F9D] =	sst s1;
	(tag) =	ssettag s2;
	_ =	strace s9  }
0x27: {  	s1 =	sld [smem:$0x3FAD]  }
0x28: {  	s2 =	sld [smem:$0x3FAE]  }
0x29: {  	s4 =	sld [smem:$0x3FB0]  }
0x2a: {  	p0 =	seq.s32 s5, $0x0;
	s5 =	sld [smem:$0x3FB1]  }
0x2b: {  	s6 =	sld [smem:$0x3FB2]  }
0x2c: {  	s7 =	sld [smem:$0x3FB3]  }
0x2d: {  	s3 =	simm.s32 $0x108;
	s8 =	sld [smem:$0x3FB4]  }
0x2e: {  	s3 =	simm.s32 @!p0 $0x1082;
	s9 =	sld [smem:$0x3FB5]  }
0x2f: {  	lr =	sadd.s32 s0, s3;
	s0 =	sld [smem:$0x3FAC]  }
0x30: {  	s3 =	sld [smem:$0x3FAF]  }
0x31: {  	[smem:$0x3FB8] =	sst s10  }
0x32: {  	s10 =	sld [smem:$0x3FB6];
	_ =	sdelay $0x3  }
0x33: {  	p0 =	seq.s32 s10, $0x1;
	s10 =	sld [smem:$0x3FB8];
	_ =	sdelay $0x3  }
0x34: {  	[smem:$0x3FB8] =	sst s10  }
0x35: {  	s10 =	sld [smem:$0x3FB7];
	_ =	sdelay $0x3  }
0x36: {  	p1 =	seq.s32 s10, $0x1;
	s10 =	sld [smem:$0x3FB8];
	_ =	sdelay $0x3  }
0x37: {  	[smem:$0x3FB8] =	sst s10  }
0x38: {  	s10 =	sld [smem:$0x3FB9]  }
0x39: {  	_ = 	snop;
	(pc) =	sbr.ind lr, $3  }
0x3a: {  	_ = 	snop  }
0x3b: {  	_ = 	snop  }
0x3c: {  	p2 =	seq.s32 s10, $0x1;
	s10 =	sld [smem:$0x3FB8]  }
0x3d: {  	_ =	shalt  }
0x3e: {  	_ =	shalt  }
0x3f: {  	_ =	shalt  }
0x40: {  	_ =	shalt  }
0x41: {  	_ =	shalt  }
0x42: {  	_ =	shalt  }
0x43: {  	_ =	shalt  }
0x44: {  	_ =	shalt  }
0x45: {  	_ =	shalt  }
0x46: {  	_ =	shalt  }
0x47: {  	_ =	shalt  }
0x48: {  	_ =	shalt  }
0x49: {  	_ =	shalt  }
0x4a: {  	_ =	shalt  }
0x4b: {  	_ =	shalt  }
0x4c: {  	_ =	shalt  }
0x4d: {  	_ =	shalt  }
0x4e: {  	_ =	shalt  }
0x4f: {  	_ =	shalt  }
0x50: {  	_ =	shalt  }
0x51: {  	_ =	shalt  }
0x52: {  	_ =	shalt  }
0x53: {  	_ =	shalt  }
0x54: {  	_ =	shalt  }
0x55: {  	_ =	shalt  }
0x56: {  	_ =	shalt  }
0x57: {  	_ =	shalt  }
0x58: {  	_ =	shalt  }
0x59: {  	_ =	shalt  }
0x5a: {  	_ =	shalt  }
0x5b: {  	_ =	shalt  }
0x5c: {  	_ =	shalt  }
0x5d: {  	_ =	shalt  }
0x5e: {  	_ =	shalt  }
0x5f: {  	_ =	shalt  }
0x60: {  	_ =	shalt  }
0x61: {  	_ =	shalt  }
0x62: {  	_ =	shalt  }
0x63: {  	_ =	shalt  }
0x64: {  	_ =	shalt  }
0x65: {  	_ =	shalt  }
0x66: {  	_ =	shalt  }
0x67: {  	_ =	shalt  }
0x68: {  	_ =	shalt  }
0x69: {  	_ =	shalt  }
0x6a: {  	_ =	shalt  }
0x6b: {  	_ =	shalt  }
0x6c: {  	_ =	shalt  }
0x6d: {  	_ =	shalt  }
0x6e: {  	_ =	shalt  }
0x6f: {  	_ =	shalt  }
0x70: {  	_ =	shalt  }
0x71: {  	_ =	shalt  }
0x72: {  	_ =	shalt  }
0x73: {  	_ =	shalt  }
0x74: {  	_ =	shalt  }
0x75: {  	_ =	shalt  }
0x76: {  	_ =	shalt  }
0x77: {  	_ =	shalt  }
0x78: {  	_ =	shalt  }
0x79: {  	_ =	shalt  }
0x7a: {  	_ =	shalt  }
0x7b: {  	_ =	shalt  }
0x7c: {  	_ =	shalt  }
0x7d: {  	_ =	shalt  }
0x7e: {  	_ =	shalt  }
0x7f: {  	_ =	shalt  }
0x80: {  	_ =	shalt  }
0x81: {  	_ =	shalt  }
0x82: {  	_ =	shalt  }
0x83: {  	_ =	shalt  }
0x84: {  	_ =	shalt  }
0x85: {  	_ =	shalt  }
0x86: {  	_ =	shalt  }
0x87: {  	_ =	shalt  }
.Lfunc_end0:
.L_simem_size_0:
called_computation.2_lowered:
.L_overlay_start_0:
0x88: {  	s2 =	sld [smem:$0x3FD9]  }
0x89: {  	s3 =	sld [smem:$0x3FFE];
	_ =	sdelay $0x1  }
0x8a: {  	s1 =	srdreg.scid  }
0x8b: {  	s0 =	sand.u32 $0x1, s1  }
0x8c: {  	s17 =	sshll.u32 s0, $0xA;
	s2 =	sadd.s32 s3, s2  }
0x8d: {  	s2 =	sadd.s32 s2, s17  }
0x8e: {  	[smem:$0x3FC4] =	sst s2  }
0x8f: {  	_ = 	snop  }
0x90: {  	s18 =	sld [smem:$0x3FC8];
	(tm) =	ssettm $0x1  }
0x91: {  	s19 =	sld [smem:$0x3FFB];
	_ =	sdelay $0x3  }
0x92: {  	_ =	strace s19  }
0x93: {  	s2 =	sld [smem:$0x3FFC];
	_ =	sdelay $0x3  }
0x94: {  	_ =	strace s2  }
0x95: {  	s2 =	sld [smem:$0x3FFD];
	_ =	sdelay $0x3  }
0x96: {  	_ =	strace s2  }
0x97: {  	_ =	strace $0x8FFFFFFF  }
0x98: {  	s20 =	sld [smem:$0x3FDB];
	_ =	sdelay $0x1  }
0x99: {  	s4 =	simm.s32 $_scs_section_size  }
0x9a: {  	s5 =	simm.s32 $_size__tile_overlayer_lowered;
	s6 =	simm.s32 $_tile_overlayer_lowered  }
0x9b: {  	s7 =	simm.s32 $0x1BFF;
	s21 =	sshll.u32 s6, $0x1;
	s4 =	sadd.s32 s4, s20  }
0x9c: {  	s22 =	simm.s32 $0x0;
	s5 =	sshll.u32 s5, $0x1;
	s6 =	sadd.s32 s21, s4  }
0x9d: {  	[timem:s22], [sflag:s7] =	dma.local [hbm:s6], s5  }
0x9e: {  	_ =	swait.ge [sflag:s7], s5  }
0x9f: {  	s5 =	ssub.s32 $0x0, s5;
	[sflag:s7] =	ssyncset.done $0x0  }
0xa0: {  	[sflag:s7] =	ssyncadd.s32 s5;
	_ =	sdelay $0x1  }
0xa1: {  	s23 =	simm.s32 $0x1B8B  }
0xa2: {  	_ =	swait.ge [sflag:s23], $0x1  }
0xa3: {  	[sflag:s23] =	ssyncset.done $0x0  }
0xa4: {  	[sflag:s23] =	ssyncadd.s32 $0xFFFFFFFF  }
0xa5: {  	s5 =	sld [smem:$0x0]  }
0xa6: {  	s6 =	sand.u32 $0xFFFFFFFE, s1  }
0xa7: {  	p0 =	sne.s32 s1, s6  }
0xa8: {  	s6 =	sshll.u32 @p0 s6, $0xE  }
0xa9: {  	s6 =	sadd.s32 @p0 $0x11B8D, s6;
	s7 =	sshll.u32 @p0 s5, $0x11  }
0xaa: {  	s6 =	sor.u32 @p0 s7, s6  }
0xab: {  	[sflag:s6] =	ssyncadd.remote.s32 @p0 $0x1;
	_ =	sdelay $0x1  }
0xac: {  	s6 =	simm.s32 @p0 $0x1B8D  }
0xad: {  	_ =	swait.eq @p0 [sflag:s6], $0x1  }
0xae: {  	[sflag:s6] =	ssyncadd.s32 @p0 $0xFFFFFFFF  }
0xaf: {  	s7 =	sshll.u32 @!p0 s1, $0xE  }
0xb0: {  	s7 =	sor.u32 @!p0 $0x4000, s7;
	s6 =	simm.s32 @!p0 $0x1B8D  }
0xb1: {  	s5 =	sshll.u32 @!p0 s5, $0x11;
	s7 =	sadd.s32 @!p0 $0x11B8D, s7;
	_ =	swait.eq @!p0 [sflag:s6], $0x1  }
0xb2: {  	s5 =	sor.u32 @!p0 s5, s7;
	[sflag:s6] =	ssyncadd.s32 @!p0 $0xFFFFFFFF  }
0xb3: {  	s25 =	simm.s32 $0x1B8E;
	s24 =	sld [smem:$0x3FFE];
	[sflag:s5] =	ssyncadd.remote.s32 @!p0 $0x1  }
0xb4: {  	s26 =	simm.s32 $execute0_lowered;
	[smem:$0x3FD2] =	sst s25  }
0xb5: {  	s6 =	sshll.u32 s26, $0x1;
	_ =	strace $0x8000004C;
	[dreg:$0x1] =	wrdreg $0xFFFFFFFF  }
0xb6: {  	s28 =	simm.s32 $_size_execute0_lowered;
	s4 =	sadd.s32 s4, s6;
	[dreg:$0x0] =	wrdreg $0x0  }
0xb7: {  	s6 =	sshll.u32 s28, $0x1;
	[dreg:$0x2] =	wrdreg s4  }
0xb8: {  	[dreg:$0x3] =	wrdreg s6  }
0xb9: {  	[dreg:$0x4] =	wrdreg $0xC0  }
0xba: {  	_ =	task [dreg:s22], $0x5FFFF  }
0xbb: {  	[dreg:$0x1] =	wrdreg $0xFFFFFFFF  }
0xbc: {  	[dreg:$0x0] =	wrdreg $0x60  }
0xbd: {  	[dreg:$0x2] =	wrdreg s24  }
0xbe: {  	[dreg:$0x3] =	wrdreg s18  }
0xbf: {  	[dreg:$0x4] =	wrdreg $0xB6800  }
0xc0: {  	[dreg:$0x5] =	wrdreg $0xCEF00  }
0xc1: {  	[dreg:$0x6] =	wrdreg $0xE7600  }
0xc2: {  	[dreg:$0x7] =	wrdreg $0xFFD00  }
0xc3: {  	[dreg:$0x8] =	wrdreg $0x118400  }
0xc4: {  	[dreg:$0x9] =	wrdreg $0xA  }
0xc5: {  	_ =	task.clear_ibuf [dreg:s22], $0xAFFFF;
	_ =	strace $0x9000004C  }
0xc6: {  	s29 =	simm.s32 $0xA;
	_ =	strace $0x8000004E  }
0xc7: {  	_ =	swait.ge [sflag:s29], $0x1  }
0xc8: {  	[sflag:s29] =	ssyncadd.s32 $0xFFFFFFFF  }
0xc9: {  	_ =	strace $0x9000004E  }
0xca: {  	_ =	sfence  }
0xcb: {  	s30 =	sld [smem:$0x0];
	_ =	sdelay $0x2  }
0xcc: {  	s31 =	sshll.u32 s1, $0xD;
	s1 =	sshrl.u32 s1, $0x2  }
0xcd: {  	s4 =	sand.u32 $0x4000, s31;
	s1 =	sadd.s32 s1, s30  }
0xce: {  	s0 =	sor.u32 s4, s0;
	s1 =	sshll.u32 s1, $0x11  }
0xcf: {  	s0 =	sor.u32 s1, s0  }
0xd0: {  	s0 =	sadd.s32 $0x8F2B, s0  }
0xd1: {  	[sflag:s0] =	ssyncadd.remote.s32 $0x1  }
0xd2: {  	_ =	sfence.sel $0xFFFF  }
0xd3: {  	[dreg:$0x0] =	wrdreg $0xFFFFFFFF;
	(pc) =	sbr.abs _section_cstart, $3  }
0xd4: {  	[dreg:$0x1] =	wrdreg $0xFFFFFFFF  }
0xd5: {  	_ =	task.clear_ibuf [dreg:s22], $0x2FFFF;
	_ =	strace $0x9FFFFFFF  }
0xd6: {  	(tm) =	ssettm $0x7FFFFFFF  }
0xd7: {  	_ =	shalt  }
tec
execute0_lowered:
.L_overlay_start_1:
0x0: {  	(tag) =	ssettag $0x1  }
0x1: {  	s0 =	srdreg.scid  }
0x2: {  	s9 =	sand.u32 $0x1, s0  }
0x3: {  	s10 =	stileid.u32;
	s6 =	sshll.u32 s9, $0x4  }
0x4: {  	s0 =	smul.u32 $0x1870, s10;
	s10 =	sor.u32 s10, s6  }
0x5: {  	s8 =	rddreg [dreg:$0x0];
	s10 =	smul.u32 $0x30D40, s10  }
0x6: {  	s2 =	rddreg [dreg:$0x1];
	s1 =	simm.s32 $0x0  }
0x7: {  	s7 =	smul.u32 $0x7A300, s9;
	s12 =	ssub.s32 $0x2, s9;
	s9 =	sshrl.u32 s10, $0x3  }
0x8: {  	[smem:$0x7FF] =	sst s1;
	s3 =	sadd.s32 $0x3D8000, s8;
	s13 =	sadd.s32 $0x4E2, s9  }
0x9: {  	s4 =	sadd.s32 $0x49B600, s8;
	s5 =	sadd.s32 $0x55EC00, s8;
	s14 =	sadd.s32 s2, s13  }
0xa: {  	s10 =	sadd.s32 $0x9C4, s9;
	s15 =	sadd.s32 s3, s13;
	[dreg:$0x8] =	wrdreg s14  }
0xb: {  	s6 =	sadd.s32 $0x622200, s8;
	s16 =	sadd.s32 s2, s10;
	[dreg:$0x9] =	wrdreg s15  }
0xc: {  	s11 =	sadd.s32 s0, s7;
	s17 =	sadd.s32 s4, s13;
	[dreg:$0xa] =	wrdreg s16  }
0xd: {  	s7 =	sadd.s32 $0x6E5800, s8;
	s20 =	sadd.s32 s5, s13;
	[dreg:$0xb] =	wrdreg s17  }
0xe: {  	s11 =	sshrl.u32 s11, $0x3;
	s21 =	sadd.s32 s6, s13;
	[dreg:$0xc] =	wrdreg s20  }
0xf: {  	s18 =	sadd.s32 s11, s8;
	s8 =	sadd.s32 s7, s13;
	[dreg:$0xd] =	wrdreg s21  }
0x10: {  	s23 =	sadd.s32 $0xEA6, s9;
	s22 =	sadd.s32 s3, s10;
	[dreg:$0xe] =	wrdreg s8  }
0x11: {  	s24 =	sadd.s32 s2, s23;
	[dreg:$0xf] =	wrdreg s22  }
0x12: {  	s25 =	sadd.s32 s4, s10;
	[dreg:$0x10] =	wrdreg s24  }
0x13: {  	s11 =	sshrl.u32 s12, $0x1;
	s26 =	sadd.s32 s5, s10;
	[dreg:$0x11] =	wrdreg s25  }
0x14: {  	s19 =	ssub.s32 s12, s11;
	s12 =	sadd.s32 s6, s10;
	[dreg:$0x12] =	wrdreg s26  }
0x15: {  	s10 =	sadd.s32 s7, s10;
	[dreg:$0x13] =	wrdreg s12  }
0x16: {  	s13 =	sadd.s32 s3, s23;
	[dreg:$0x14] =	wrdreg s10  }
0x17: {  	[dreg:$0x15] =	wrdreg s13;
	s15 =	sadd.s32 s4, s23  }
0x18: {  	s16 =	sadd.s32 s5, s23;
	[dreg:$0x16] =	wrdreg s15  }
0x19: {  	s17 =	sadd.s32 s6, s23;
	[dreg:$0x17] =	wrdreg s16  }
0x1a: {  	s14 =	sadd.s32 $0x1388, s9;
	s8 =	sadd.s32 s7, s23;
	[dreg:$0x18] =	wrdreg s17  }
0x1b: {  	[dreg:$0x19] =	wrdreg s8;
	s20 =	sadd.s32 s2, s14  }
0x1c: {  	s21 =	sadd.s32 s3, s14;
	[dreg:$0x1a] =	wrdreg s20  }
0x1d: {  	s22 =	sadd.s32 s4, s14;
	[dreg:$0x1b] =	wrdreg s21  }
0x1e: {  	s23 =	sadd.s32 s5, s14;
	[dreg:$0x1c] =	wrdreg s22  }
0x1f: {  	s24 =	sadd.s32 s6, s14;
	[dreg:$0x1d] =	wrdreg s23  }
0x20: {  	s26 =	sadd.s32 $0x186A, s9;
	s25 =	sadd.s32 s7, s14;
	[dreg:$0x1e] =	wrdreg s24  }
0x21: {  	s11 =	sadd.s32 s2, s26;
	[dreg:$0x1f] =	wrdreg s25  }
0x22: {  	s12 =	sadd.s32 s3, s26;
	[smem:$0x7A0] =	sst s11  }
0x23: {  	s14 =	sadd.s32 s4, s26;
	[smem:$0x7A1] =	sst s12  }
0x24: {  	s15 =	sadd.s32 s5, s26;
	[smem:$0x7A2] =	sst s14  }
0x25: {  	s16 =	sadd.s32 s6, s26;
	[smem:$0x7A3] =	sst s15  }
0x26: {  	s13 =	sadd.s32 $0x1D4C, s9;
	s8 =	sadd.s32 s7, s26;
	[smem:$0x7A4] =	sst s16  }
0x27: {  	s17 =	sadd.s32 s2, s13;
	[smem:$0x7A5] =	sst s8  }
0x28: {  	s10 =	sadd.s32 s7, s13;
	[smem:$0x7A6] =	sst s17  }
0x29: {  	s20 =	sadd.s32 s3, s13;
	[smem:$0x7AB] =	sst s10  }
0x2a: {  	s22 =	sadd.s32 s4, s13;
	[smem:$0x7A7] =	sst s20  }
0x2b: {  	s23 =	sadd.s32 s5, s13;
	[smem:$0x7A8] =	sst s22  }
0x2c: {  	s21 =	sadd.s32 $0x222E, s9;
	s24 =	sadd.s32 s6, s13;
	[smem:$0x7A9] =	sst s23  }
0x2d: {  	[smem:$0x7AA] =	sst s24;
	s25 =	sadd.s32 s2, s21  }
0x2e: {  	s26 =	sadd.s32 s3, s21;
	[smem:$0x7AC] =	sst s25  }
0x2f: {  	s11 =	sadd.s32 s4, s21;
	[smem:$0x7AD] =	sst s26  }
0x30: {  	s12 =	sadd.s32 s5, s21;
	[smem:$0x7AE] =	sst s11  }
0x31: {  	s13 =	sadd.s32 s6, s21;
	[smem:$0x7AF] =	sst s12  }
0x32: {  	s14 =	sadd.s32 $0x2710, s9;
	s8 =	sadd.s32 s7, s21;
	[smem:$0x7B0] =	sst s13  }
0x33: {  	s15 =	sadd.s32 s2, s14;
	[smem:$0x7B1] =	sst s8  }
0x34: {  	s16 =	sadd.s32 s3, s14;
	[smem:$0x7B2] =	sst s15  }
0x35: {  	s20 =	sadd.s32 s4, s14;
	[smem:$0x7B3] =	sst s16  }
0x36: {  	s21 =	sadd.s32 s5, s14;
	[smem:$0x7B4] =	sst s20  }
0x37: {  	s17 =	sadd.s32 $0x2BF2, s9;
	s22 =	sadd.s32 s6, s14;
	[smem:$0x7B5] =	sst s21  }
0x38: {  	s23 =	sadd.s32 s2, s17;
	[smem:$0x7B6] =	sst s22  }
0x39: {  	s24 =	sadd.s32 s3, s17;
	[smem:$0x7B8] =	sst s23  }
0x3a: {  	s10 =	sadd.s32 s7, s17;
	[smem:$0x7B9] =	sst s24  }
0x3b: {  	s8 =	sadd.s32 s7, s14;
	[smem:$0x7BD] =	sst s10  }
0x3c: {  	s26 =	sadd.s32 s4, s17;
	[smem:$0x7B7] =	sst s8  }
0x3d: {  	s12 =	sadd.s32 s5, s17;
	[smem:$0x7BA] =	sst s26  }
0x3e: {  	s25 =	sadd.s32 $0x30D4, s9;
	s13 =	sadd.s32 s6, s17;
	[smem:$0x7BB] =	sst s12  }
0x3f: {  	[smem:$0x7BC] =	sst s13;
	s14 =	sadd.s32 s2, s25  }
0x40: {  	s15 =	sadd.s32 s3, s25;
	[smem:$0x7BE] =	sst s14  }
0x41: {  	s16 =	sadd.s32 s4, s25;
	[smem:$0x7BF] =	sst s15  }
0x42: {  	s17 =	sadd.s32 s5, s25;
	[smem:$0x7C0] =	sst s16  }
0x43: {  	s20 =	sadd.s32 s6, s25;
	[smem:$0x7C1] =	sst s17  }
0x44: {  	s21 =	sadd.s32 $0x35B6, s9;
	s8 =	sadd.s32 s7, s25;
	[smem:$0x7C2] =	sst s20  }
0x45: {  	s22 =	sadd.s32 s2, s21;
	[smem:$0x7C3] =	sst s8  }
0x46: {  	s23 =	sadd.s32 s3, s21;
	[smem:$0x7C4] =	sst s22  }
0x47: {  	s25 =	sadd.s32 s4, s21;
	[smem:$0x7C5] =	sst s23  }
0x48: {  	s26 =	sadd.s32 s5, s21;
	[smem:$0x7C6] =	sst s25  }
0x49: {  	s24 =	sadd.s32 $0x3A98, s9;
	s12 =	sadd.s32 s6, s21;
	[smem:$0x7C7] =	sst s26  }
0x4a: {  	s13 =	sadd.s32 s2, s24;
	[smem:$0x7C8] =	sst s12  }
0x4b: {  	s10 =	sadd.s32 s7, s24;
	[smem:$0x7CA] =	sst s13  }
0x4c: {  	s8 =	sadd.s32 s7, s21;
	[smem:$0x7CF] =	sst s10  }
0x4d: {  	s14 =	sadd.s32 s3, s24;
	[smem:$0x7C9] =	sst s8  }
0x4e: {  	s16 =	sadd.s32 s4, s24;
	[smem:$0x7CB] =	sst s14  }
0x4f: {  	s17 =	sadd.s32 s5, s24;
	[smem:$0x7CC] =	sst s16  }
0x50: {  	s15 =	sadd.s32 $0x3F7A, s9;
	s20 =	sadd.s32 s6, s24;
	[smem:$0x7CD] =	sst s17  }
0x51: {  	[smem:$0x7CE] =	sst s20;
	s21 =	sadd.s32 s2, s15  }
0x52: {  	s22 =	sadd.s32 s3, s15;
	[smem:$0x7D0] =	sst s21  }
0x53: {  	s23 =	sadd.s32 s4, s15;
	[smem:$0x7D1] =	sst s22  }
0x54: {  	s24 =	sadd.s32 s5, s15;
	[smem:$0x7D2] =	sst s23  }
0x55: {  	s25 =	sadd.s32 s6, s15;
	[smem:$0x7D3] =	sst s24  }
0x56: {  	s26 =	sadd.s32 $0x445C, s9;
	s8 =	sadd.s32 s7, s15;
	[smem:$0x7D4] =	sst s25  }
0x57: {  	s11 =	sadd.s32 s2, s26;
	[smem:$0x7D5] =	sst s8  }
0x58: {  	s12 =	sadd.s32 s3, s26;
	[smem:$0x7D6] =	sst s11  }
0x59: {  	s14 =	sadd.s32 s4, s26;
	[smem:$0x7D7] =	sst s12  }
0x5a: {  	s15 =	sadd.s32 s5, s26;
	[smem:$0x7D8] =	sst s14  }
0x5b: {  	s13 =	sadd.s32 $0x493E, s9;
	s16 =	sadd.s32 s6, s26;
	[smem:$0x7D9] =	sst s15  }
0x5c: {  	s17 =	sadd.s32 s2, s13;
	[smem:$0x7DA] =	sst s16  }
0x5d: {  	s20 =	sadd.s32 s3, s13;
	[smem:$0x7DC] =	sst s17  }
0x5e: {  	s10 =	sadd.s32 s7, s13;
	[smem:$0x7DD] =	sst s20  }
0x5f: {  	s8 =	sadd.s32 s7, s26;
	[smem:$0x7E1] =	sst s10  }
0x60: {  	s22 =	sadd.s32 s4, s13;
	[smem:$0x7DB] =	sst s8  }
0x61: {  	s23 =	sadd.s32 s5, s13;
	[smem:$0x7DE] =	sst s22  }
0x62: {  	s21 =	sadd.s32 $0x4E20, s9;
	s24 =	sadd.s32 s6, s13;
	[smem:$0x7DF] =	sst s23  }
0x63: {  	[smem:$0x7E0] =	sst s24;
	s25 =	sadd.s32 s2, s21  }
0x64: {  	s26 =	sadd.s32 s3, s21;
	[smem:$0x7E2] =	sst s25  }
0x65: {  	s11 =	sadd.s32 s4, s21;
	[smem:$0x7E3] =	sst s26  }
0x66: {  	s12 =	sadd.s32 s5, s21;
	[smem:$0x7E4] =	sst s11  }
0x67: {  	s13 =	sadd.s32 s6, s21;
	[smem:$0x7E5] =	sst s12  }
0x68: {  	s8 =	sadd.s32 s7, s21;
	[smem:$0x7E6] =	sst s13  }
0x69: {  	s14 =	sadd.s32 $0x5302, s9;
	[smem:$0x7E7] =	sst s8  }
0x6a: {  	s15 =	sadd.s32 s2, s14;
	s8 =	rddreg [dreg:$0x2]  }
0x6b: {  	s16 =	sadd.s32 s3, s14;
	[smem:$0x7E8] =	sst s15  }
0x6c: {  	s17 =	sadd.s32 s4, s14;
	[smem:$0x7E9] =	sst s16  }
0x6d: {  	s20 =	sadd.s32 s5, s14;
	[smem:$0x7EA] =	sst s17  }
0x6e: {  	s21 =	sadd.s32 s6, s14;
	[smem:$0x7EB] =	sst s20  }
0x6f: {  	s10 =	sadd.s32 s7, s14;
	[smem:$0x7EC] =	sst s21  }
0x70: {  	[smem:$0x7ED] =	sst s10  }
0x71: {  	s22 =	sadd.s32 s2, s9;
	s15 =	rddreg [dreg:$0x3]  }
0x72: {  	s23 =	sadd.s32 s3, s9;
	[smem:$0x7EE] =	sst s22  }
0x73: {  	s24 =	sadd.s32 s4, s9;
	[smem:$0x7EF] =	sst s23  }
0x74: {  	[smem:$0x7F0] =	sst s24  }
0x75: {  	s25 =	sadd.s32 s5, s9;
	s22 =	rddreg [dreg:$0x4]  }
0x76: {  	s26 =	sadd.s32 s6, s9;
	[smem:$0x7F1] =	sst s25  }
0x77: {  	s11 =	sadd.s32 s7, s9;
	[smem:$0x7F2] =	sst s26  }
0x78: {  	s12 =	sadd.s32 $0x57E4, s9;
	[smem:$0x7F3] =	sst s11  }
0x79: {  	s9 =	sadd.s32 $0x5CC6, s9;
	s13 =	sadd.s32 s2, s12;
	s25 =	rddreg [dreg:$0x5]  }
0x7a: {  	s2 =	sadd.s32 s2, s9;
	[smem:$0x7F4] =	sst s13  }
0x7b: {  	s28 =	simm.s32 $0x2;
	s14 =	sadd.s32 s3, s12;
	[smem:$0x7F5] =	sst s2  }
0x7c: {  	s29 =	simm.s32 $0x7680;
	s16 =	sadd.s32 s4, s12;
	[smem:$0x7F6] =	sst s14  }
0x7d: {  	s30 =	simm.s32 $0x2710;
	s17 =	sadd.s32 s5, s12;
	[smem:$0x7F7] =	sst s16  }
0x7e: {  	s31 =	simm.s32 $0x3;
	s20 =	sadd.s32 s6, s12;
	[smem:$0x7F8] =	sst s17  }
0x7f: {  	s19 =	smax.u32 s19, $0x1;
	s21 =	sadd.s32 s7, s12;
	[smem:$0x7F9] =	sst s20  }
0x80: {  	s23 =	sadd.s32 s3, s9;
	s24 =	sadd.s32 s4, s9;
	[smem:$0x7FA] =	sst s21  }
0x81: {  	s26 =	sadd.s32 s5, s9;
	s5 =	sadd.s32 s6, s9;
	[smem:$0x7FB] =	sst s23  }
0x82: {  	s6 =	sadd.s32 s7, s9;
	s7 =	sadd.s32 s0, s8;
	s2 =	rddreg [dreg:$0x6]  }
0x83: {  	s9 =	sadd.s32 s0, s15;
	s10 =	sadd.s32 s0, s22;
	[smem:$0x7FC] =	sst s24  }
0x84: {  	[smem:$0x7FD] =	sst s26;
	s11 =	sadd.s32 s0, s25;
	s13 =	sadd.s32 $0x1400, s18  }
0x85: {  	s14 =	sadd.s32 $0x44E0, s18;
	s16 =	sadd.s32 $0x75C0, s18;
	s17 =	sadd.s32 $0xA6A0, s18  }
0x86: {  	s18 =	sadd.s32 $0xD780, s18;
	s20 =	simm.s32 $0x9E00;
	s21 =	simm.s32 $0x4  }
0x87: {  	s23 =	simm.s32 $0x4F00;
	s24 =	simm.s32 $0x1;
	s26 =	simm.s32 $0x2780  }
0x88: {  	v0 =	vimm.f32 $0.0e+00;
	_ =	strace $0x8000004D;
	s12 =	sadd.s32 s0, s2;
	s0 =	simm.s32 $0x0  }
.LBB2_1:
0x89: {  	s3 =	simm.s32 $0x40;
	s4 =	simm.s32 $0x0  }
.LBB2_2:
0x8a: {  	p0 =	sne.s32 s3, $0x6180;
	[tilespmem:s4+$0x9E00] =	vst v0;
	s4 =	smov.u32 s3;
	s3 =	sadd.s32 $0x40, s3  }
.Ltmp0:
0x8b: {  	(pc) =	sbr.rel @p0 .LBB2_2-.Ltmp0, $2  }
0x8c: {  	_ =	sdelay $0x2  }
0x8d: {  	s4 =	sshra.s32 s4, $0x2  }
0x8e: {  	[tilespmem:s4+$0x9E00] =	vst v0  }
0x8f: {  	[spmem:s7] =	stream.linear.scatter [tilespmem:s20], [sflag:$0x4], $0x1870, $0x38;
	[tilespmem:$0x130B0] =	vst v63  }
0x90: {  	_ =	swait.ge [sflag:s21], $0x1870  }
0x91: {  	[sflag:s21] =	ssyncset.done $0x0  }
0x92: {  	[sflag:s21] =	ssyncadd.s32 $0xFFFFE790  }
0x93: {  	[spmem:s9] =	stream.linear.scatter [tilespmem:s20], [sflag:$0x4], $0x1870, $0x38;
	[tilespmem:$0x130B0] =	vst v63  }
0x94: {  	_ =	swait.ge [sflag:s21], $0x1870  }
0x95: {  	[sflag:s21] =	ssyncset.done $0x0  }
0x96: {  	[sflag:s21] =	ssyncadd.s32 $0xFFFFE790  }
0x97: {  	[spmem:s10] =	stream.linear.scatter [tilespmem:s20], [sflag:$0x4], $0x1870, $0x38;
	[tilespmem:$0x130B0] =	vst v63  }
0x98: {  	_ =	swait.ge [sflag:s21], $0x1870  }
0x99: {  	[sflag:s21] =	ssyncset.done $0x0  }
0x9a: {  	[sflag:s21] =	ssyncadd.s32 $0xFFFFE790  }
0x9b: {  	[spmem:s11] =	stream.linear.scatter [tilespmem:s20], [sflag:$0x4], $0x1870, $0x38;
	[tilespmem:$0x130B0] =	vst v63  }
0x9c: {  	_ =	swait.ge [sflag:s21], $0x1870  }
0x9d: {  	[sflag:s21] =	ssyncset.done $0x0  }
0x9e: {  	[sflag:s21] =	ssyncadd.s32 $0xFFFFE790  }
0x9f: {  	[spmem:s12] =	stream.linear.scatter [tilespmem:s20], [sflag:$0x4], $0x1870, $0x38;
	[tilespmem:$0x130B0] =	vst v63  }
0xa0: {  	_ =	swait.ge [sflag:s21], $0x1870  }
0xa1: {  	[sflag:s21] =	ssyncset.done $0x0  }
0xa2: {  	[sflag:s21] =	ssyncadd.s32 $0xFFFFE790  }
0xa3: {  	[bflag:$0x0] =	sbarrier.arrive $0xFFFF  }
0xa4: {  	s3 =	sld [smem:$0x7EE];
	_ =	sdelay $0x1  }
0xa5: {  	s4 =	sld [smem:$0x7EF]  }
0xa6: {  	[tilespmem:s1], [sflag:$0x1] =	stream.linear.gather [hbm4b:s3+s1], $0x2710, $0x38;
	[tilespmem:$0x130B0] =	vst v63  }
0xa7: {  	_ = 	snop  }
0xa8: {  	[tilespmem:s23], [sflag:$0x2] =	stream.linear.gather [hbm4b:s4+s1], $0x2710, $0x38;
	[tilespmem:$0x130B0] =	vst v63  }
0xa9: {  	_ =	swait.ge [sflag:s24], $0x2710  }
0xaa: {  	[sflag:s24] =	ssyncset.done $0x0  }
0xab: {  	s4 =	rddreg [dreg:$0x8];
	[sflag:s24] =	ssyncadd.s32 $0xFFFFD8F0  }
0xac: {  	[tilespmem:s26], [sflag:$0x1] =	stream.linear.gather [hbm4b:s4+s1], $0x2710, $0x38;
	[tilespmem:$0x130B0] =	vst v63  }
0xad: {  	_ =	swait.ge [sflag:s28], $0x2710  }
0xae: {  	s4 =	sld [smem:$0x7F0]  }
0xaf: {  	[sflag:s28] =	ssyncset.done $0x0  }
0xb0: {  	[sflag:s28] =	ssyncadd.s32 $0xFFFFD8F0  }
0xb1: {  	[tilespmem:s29], [sflag:$0x3] =	stream.linear.gather [hbm4b:s4+s1], $0x2710, $0x38;
	[tilespmem:$0x130B0] =	vst v63  }
0xb2: {  	_ = 	snop  }
0xb3: {  	[spmem:s8] =	stream.indirect.scatter.add.f32 [tilespmem:s23], [sflag:$0x4], $0x1, s1, s30, $0xb8;
	[tilespmem:$0x130B0] =	vst v63  }
0xb4: {  	_ =	swait.ge [sflag:s21], $0x2710  }
0xb5: {  	[sflag:s21] =	ssyncset.done $0x0  }
0xb6: {  	[sflag:s21] =	ssyncadd.s32 $0xFFFFD8F0  }
0xb7: {  	_ =	swait.ge [sflag:s31], $0x2710  }
0xb8: {  	s4 =	sld [smem:$0x7F1]  }
0xb9: {  	[sflag:s31] =	ssyncset.done $0x0  }
0xba: {  	[sflag:s31] =	ssyncadd.s32 $0xFFFFD8F0  }
0xbb: {  	[tilespmem:s23], [sflag:$0x2] =	stream.linear.gather [hbm4b:s4+s1], $0x2710, $0x38;
	[tilespmem:$0x130B0] =	vst v63  }
0xbc: {  	_ = 	snop  }
0xbd: {  	[spmem:s15] =	stream.indirect.scatter.add.f32 [tilespmem:s29], [sflag:$0x4], $0x1, s1, s30, $0xb8;
	[tilespmem:$0x130B0] =	vst v63  }
0xbe: {  	_ =	swait.ge [sflag:s21], $0x2710  }
0xbf: {  	[sflag:s21] =	ssyncset.done $0x0  }
0xc0: {  	[sflag:s21] =	ssyncadd.s32 $0xFFFFD8F0  }
0xc1: {  	_ =	swait.ge [sflag:s28], $0x2710  }
0xc2: {  	s4 =	sld [smem:$0x7F2]  }
0xc3: {  	[sflag:s28] =	ssyncset.done $0x0  }
0xc4: {  	[sflag:s28] =	ssyncadd.s32 $0xFFFFD8F0  }
0xc5: {  	[tilespmem:s29], [sflag:$0x3] =	stream.linear.gather [hbm4b:s4+s1], $0x2710, $0x38;
	[tilespmem:$0x130B0] =	vst v63  }
0xc6: {  	_ = 	snop  }
0xc7: {  	[spmem:s22] =	stream.indirect.scatter.add.f32 [tilespmem:s23], [sflag:$0x4], $0x1, s1, s30, $0xb8;
	[tilespmem:$0x130B0] =	vst v63  }
0xc8: {  	_ =	swait.ge [sflag:s21], $0x2710  }
0xc9: {  	[sflag:s21] =	ssyncset.done $0x0  }
0xca: {  	[sflag:s21] =	ssyncadd.s32 $0xFFFFD8F0  }
0xcb: {  	_ =	swait.ge [sflag:s31], $0x2710  }
0xcc: {  	s4 =	sld [smem:$0x7F3]  }
0xcd: {  	[sflag:s31] =	ssyncset.done $0x0  }
0xce: {  	[sflag:s31] =	ssyncadd.s32 $0xFFFFD8F0  }
0xcf: {  	[tilespmem:s23], [sflag:$0x2] =	stream.linear.gather [hbm4b:s4+s1], $0x2710, $0x38;
	[tilespmem:$0x130B0] =	vst v63  }
0xd0: {  	_ = 	snop  }
0xd1: {  	[spmem:s25] =	stream.indirect.scatter.add.f32 [tilespmem:s29], [sflag:$0x4], $0x1, s1, s30, $0xb8;
	[tilespmem:$0x130B0] =	vst v63  }
0xd2: {  	_ =	swait.ge [sflag:s21], $0x2710  }
0xd3: {  	[sflag:s21] =	ssyncset.done $0x0  }
0xd4: {  	[sflag:s21] =	ssyncadd.s32 $0xFFFFD8F0  }
0xd5: {  	_ =	swait.ge [sflag:s28], $0x2710  }
0xd6: {  	[sflag:s28] =	ssyncset.done $0x0  }
0xd7: {  	s4 =	rddreg [dreg:$0x9];
	[sflag:s28] =	ssyncadd.s32 $0xFFFFD8F0  }
0xd8: {  	[tilespmem:s29], [sflag:$0x3] =	stream.linear.gather [hbm4b:s4+s1], $0x2710, $0x38;
	[tilespmem:$0x130B0] =	vst v63  }
0xd9: {  	_ = 	snop  }
0xda: {  	[spmem:s2] =	stream.indirect.scatter.add.f32 [tilespmem:s23], [sflag:$0x4], $0x1, s1, s30, $0xb8;
	[tilespmem:$0x130B0] =	vst v63  }
0xdb: {  	_ =	swait.ge [sflag:s21], $0x2710  }
0xdc: {  	[sflag:s21] =	ssyncset.done $0x0  }
0xdd: {  	[sflag:s21] =	ssyncadd.s32 $0xFFFFD8F0  }
0xde: {  	_ =	swait.ge [sflag:s24], $0x2710  }
0xdf: {  	[sflag:s24] =	ssyncset.done $0x0  }
0xe0: {  	s4 =	rddreg [dreg:$0xa];
	[sflag:s24] =	ssyncadd.s32 $0xFFFFD8F0  }
0xe1: {  	[tilespmem:s1], [sflag:$0x1] =	stream.linear.gather [hbm4b:s4+s1], $0x2710, $0x38;
	[tilespmem:$0x130B0] =	vst v63  }
0xe2: {  	_ =	swait.ge [sflag:s31], $0x2710  }
0xe3: {  	[sflag:s31] =	ssyncset.done $0x0  }
0xe4: {  	s4 =	rddreg [dreg:$0xb];
	[sflag:s31] =	ssyncadd.s32 $0xFFFFD8F0  }
0xe5: {  	[tilespmem:s23], [sflag:$0x2] =	stream.linear.gather [hbm4b:s4+s1], $0x2710, $0x38;
	[tilespmem:$0x130B0] =	vst v63  }
0xe6: {  	_ = 	snop  }
0xe7: {  	[spmem:s8] =	stream.indirect.scatter.add.f32 [tilespmem:s29], [sflag:$0x4], $0x1, s26, s30, $0xb8;
	[tilespmem:$0x130B0] =	vst v63  }
0xe8: {  	_ =	swait.ge [sflag:s21], $0x2710  }
0xe9: {  	[sflag:s21] =	ssyncset.done $0x0  }
0xea: {  	[sflag:s21] =	ssyncadd.s32 $0xFFFFD8F0  }
0xeb: {  	_ =	swait.ge [sflag:s28], $0x2710  }
0xec: {  	[sflag:s28] =	ssyncset.done $0x0  }
0xed: {  	s4 =	rddreg [dreg:$0xc];
	[sflag:s28] =	ssyncadd.s32 $0xFFFFD8F0  }
0xee: {  	[tilespmem:s29], [sflag:$0x3] =	stream.linear.gather [hbm4b:s4+s1], $0x2710, $0x38;
	[tilespmem:$0x130B0] =	vst v63  }
0xef: {  	_ = 	snop  }
0xf0: {  	[spmem:s15] =	stream.indirect.scatter.add.f32 [tilespmem:s23], [sflag:$0x4], $0x1, s26, s30, $0xb8;
	[tilespmem:$0x130B0] =	vst v63  }
0xf1: {  	_ =	swait.ge [sflag:s21], $0x2710  }
0xf2: {  	[sflag:s21] =	ssyncset.done $0x0  }
0xf3: {  	[sflag:s21] =	ssyncadd.s32 $0xFFFFD8F0  }
0xf4: {  	_ =	swait.ge [sflag:s31], $0x2710  }
0xf5: {  	[sflag:s31] =	ssyncset.done $0x0  }
0xf6: {  	s4 =	rddreg [dreg:$0xd];
	[sflag:s31] =	ssyncadd.s32 $0xFFFFD8F0  }
0xf7: {  	[tilespmem:s23], [sflag:$0x2] =	stream.linear.gather [hbm4b:s4+s1], $0x2710, $0x38;
	[tilespmem:$0x130B0] =	vst v63  }
0xf8: {  	_ = 	snop  }
0xf9: {  	[spmem:s22] =	stream.indirect.scatter.add.f32 [tilespmem:s29], [sflag:$0x4], $0x1, s26, s30, $0xb8;
	[tilespmem:$0x130B0] =	vst v63  }
0xfa: {  	_ =	swait.ge [sflag:s21], $0x2710  }
0xfb: {  	[sflag:s21] =	ssyncset.done $0x0  }
0xfc: {  	[sflag:s21] =	ssyncadd.s32 $0xFFFFD8F0  }
0xfd: {  	_ =	swait.ge [sflag:s28], $0x2710  }
0xfe: {  	[sflag:s28] =	ssyncset.done $0x0  }
0xff: {  	s4 =	rddreg [dreg:$0xe];
	[sflag:s28] =	ssyncadd.s32 $0xFFFFD8F0  }
0x100: {  	[tilespmem:s29], [sflag:$0x3] =	stream.linear.gather [hbm4b:s4+s1], $0x2710, $0x38;
	[tilespmem:$0x130B0] =	vst v63  }
0x101: {  	_ = 	snop  }
0x102: {  	[spmem:s25] =	stream.indirect.scatter.add.f32 [tilespmem:s23], [sflag:$0x4], $0x1, s26, s30, $0xb8;
	[tilespmem:$0x130B0] =	vst v63  }
0x103: {  	_ =	swait.ge [sflag:s21], $0x2710  }
0x104: {  	[sflag:s21] =	ssyncset.done $0x0  }
0x105: {  	[sflag:s21] =	ssyncadd.s32 $0xFFFFD8F0  }
0x106: {  	_ =	swait.ge [sflag:s31], $0x2710  }
0x107: {  	[sflag:s31] =	ssyncset.done $0x0  }
0x108: {  	s4 =	rddreg [dreg:$0xf];
	[sflag:s31] =	ssyncadd.s32 $0xFFFFD8F0  }
0x109: {  	[tilespmem:s23], [sflag:$0x2] =	stream.linear.gather [hbm4b:s4+s1], $0x2710, $0x38;
	[tilespmem:$0x130B0] =	vst v63  }
0x10a: {  	_ = 	snop  }
0x10b: {  	[spmem:s2] =	stream.indirect.scatter.add.f32 [tilespmem:s29], [sflag:$0x4], $0x1, s26, s30, $0xb8;
	[tilespmem:$0x130B0] =	vst v63  }
0x10c: {  	_ =	swait.ge [sflag:s21], $0x2710  }
0x10d: {  	[sflag:s21] =	ssyncset.done $0x0  }
0x10e: {  	[sflag:s21] =	ssyncadd.s32 $0xFFFFD8F0  }
0x10f: {  	_ =	swait.ge [sflag:s24], $0x2710  }
0x110: {  	[sflag:s24] =	ssyncset.done $0x0  }
0x111: {  	s4 =	rddreg [dreg:$0x10];
	[sflag:s24] =	ssyncadd.s32 $0xFFFFD8F0  }
0x112: {  	[tilespmem:s26], [sflag:$0x1] =	stream.linear.gather [hbm4b:s4+s1], $0x2710, $0x38;
	[tilespmem:$0x130B0] =	vst v63  }
0x113: {  	_ =	swait.ge [sflag:s28], $0x2710  }
0x114: {  	[sflag:s28] =	ssyncset.done $0x0  }
0x115: {  	s4 =	rddreg [dreg:$0x11];
	[sflag:s28] =	ssyncadd.s32 $0xFFFFD8F0  }
0x116: {  	[tilespmem:s29], [sflag:$0x3] =	stream.linear.gather [hbm4b:s4+s1], $0x2710, $0x38;
	[tilespmem:$0x130B0] =	vst v63  }
0x117: {  	_ = 	snop  }
0x118: {  	[spmem:s8] =	stream.indirect.scatter.add.f32 [tilespmem:s23], [sflag:$0x4], $0x1, s1, s30, $0xb8;
	[tilespmem:$0x130B0] =	vst v63  }
0x119: {  	_ =	swait.ge [sflag:s21], $0x2710  }
0x11a: {  	[sflag:s21] =	ssyncset.done $0x0  }
0x11b: {  	[sflag:s21] =	ssyncadd.s32 $0xFFFFD8F0  }
0x11c: {  	_ =	swait.ge [sflag:s31], $0x2710  }
0x11d: {  	[sflag:s31] =	ssyncset.done $0x0  }
0x11e: {  	s4 =	rddreg [dreg:$0x12];
	[sflag:s31] =	ssyncadd.s32 $0xFFFFD8F0  }
0x11f: {  	[tilespmem:s23], [sflag:$0x2] =	stream.linear.gather [hbm4b:s4+s1], $0x2710, $0x38;
	[tilespmem:$0x130B0] =	vst v63  }
0x120: {  	_ = 	snop  }
0x121: {  	[spmem:s15] =	stream.indirect.scatter.add.f32 [tilespmem:s29], [sflag:$0x4], $0x1, s1, s30, $0xb8;
	[tilespmem:$0x130B0] =	vst v63  }
0x122: {  	_ =	swait.ge [sflag:s21], $0x2710  }
0x123: {  	[sflag:s21] =	ssyncset.done $0x0  }
0x124: {  	[sflag:s21] =	ssyncadd.s32 $0xFFFFD8F0  }
0x125: {  	_ =	swait.ge [sflag:s28], $0x2710  }
0x126: {  	[sflag:s28] =	ssyncset.done $0x0  }
0x127: {  	s4 =	rddreg [dreg:$0x13];
	[sflag:s28] =	ssyncadd.s32 $0xFFFFD8F0  }
0x128: {  	[tilespmem:s29], [sflag:$0x3] =	stream.linear.gather [hbm4b:s4+s1], $0x2710, $0x38;
	[tilespmem:$0x130B0] =	vst v63  }
0x129: {  	_ = 	snop  }
0x12a: {  	[spmem:s22] =	stream.indirect.scatter.add.f32 [tilespmem:s23], [sflag:$0x4], $0x1, s1, s30, $0xb8;
	[tilespmem:$0x130B0] =	vst v63  }
0x12b: {  	_ =	swait.ge [sflag:s21], $0x2710  }
0x12c: {  	[sflag:s21] =	ssyncset.done $0x0  }
0x12d: {  	[sflag:s21] =	ssyncadd.s32 $0xFFFFD8F0  }
0x12e: {  	_ =	swait.ge [sflag:s31], $0x2710  }
0x12f: {  	[sflag:s31] =	ssyncset.done $0x0  }
0x130: {  	s4 =	rddreg [dreg:$0x14];
	[sflag:s31] =	ssyncadd.s32 $0xFFFFD8F0  }
0x131: {  	[tilespmem:s23], [sflag:$0x2] =	stream.linear.gather [hbm4b:s4+s1], $0x2710, $0x38;
	[tilespmem:$0x130B0] =	vst v63  }
0x132: {  	_ = 	snop  }
0x133: {  	[spmem:s25] =	stream.indirect.scatter.add.f32 [tilespmem:s29], [sflag:$0x4], $0x1, s1, s30, $0xb8;
	[tilespmem:$0x130B0] =	vst v63  }
0x134: {  	_ =	swait.ge [sflag:s21], $0x2710  }
0x135: {  	[sflag:s21] =	ssyncset.done $0x0  }
0x136: {  	[sflag:s21] =	ssyncadd.s32 $0xFFFFD8F0  }
0x137: {  	_ =	swait.ge [sflag:s28], $0x2710  }
0x138: {  	[sflag:s28] =	ssyncset.done $0x0  }
0x139: {  	s4 =	rddreg [dreg:$0x15];
	[sflag:s28] =	ssyncadd.s32 $0xFFFFD8F0  }
0x13a: {  	[tilespmem:s29], [sflag:$0x3] =	stream.linear.gather [hbm4b:s4+s1], $0x2710, $0x38;
	[tilespmem:$0x130B0] =	vst v63  }
0x13b: {  	_ = 	snop  }
0x13c: {  	[spmem:s2] =	stream.indirect.scatter.add.f32 [tilespmem:s23], [sflag:$0x4], $0x1, s1, s30, $0xb8;
	[tilespmem:$0x130B0] =	vst v63  }
0x13d: {  	_ =	swait.ge [sflag:s21], $0x2710  }
0x13e: {  	[sflag:s21] =	ssyncset.done $0x0  }
0x13f: {  	[sflag:s21] =	ssyncadd.s32 $0xFFFFD8F0  }
0x140: {  	_ =	swait.ge [sflag:s24], $0x2710  }
0x141: {  	[sflag:s24] =	ssyncset.done $0x0  }
0x142: {  	s4 =	rddreg [dreg:$0x1a];
	[sflag:s24] =	ssyncadd.s32 $0xFFFFD8F0  }
0x143: {  	[tilespmem:s1], [sflag:$0x1] =	stream.linear.gather [hbm4b:s4+s1], $0x2710, $0x38;
	[tilespmem:$0x130B0] =	vst v63  }
0x144: {  	_ =	swait.ge [sflag:s31], $0x2710  }
0x145: {  	[sflag:s31] =	ssyncset.done $0x0  }
0x146: {  	s4 =	rddreg [dreg:$0x16];
	[sflag:s31] =	ssyncadd.s32 $0xFFFFD8F0  }
0x147: {  	[tilespmem:s23], [sflag:$0x2] =	stream.linear.gather [hbm4b:s4+s1], $0x2710, $0x38;
	[tilespmem:$0x130B0] =	vst v63  }
0x148: {  	_ = 	snop  }
0x149: {  	[spmem:s8] =	stream.indirect.scatter.add.f32 [tilespmem:s29], [sflag:$0x4], $0x1, s26, s30, $0xb8;
	[tilespmem:$0x130B0] =	vst v63  }
0x14a: {  	_ =	swait.ge [sflag:s21], $0x2710  }
0x14b: {  	[sflag:s21] =	ssyncset.done $0x0  }
0x14c: {  	[sflag:s21] =	ssyncadd.s32 $0xFFFFD8F0  }
0x14d: {  	_ =	swait.ge [sflag:s28], $0x2710  }
0x14e: {  	[sflag:s28] =	ssyncset.done $0x0  }
0x14f: {  	s4 =	rddreg [dreg:$0x17];
	[sflag:s28] =	ssyncadd.s32 $0xFFFFD8F0  }
0x150: {  	[tilespmem:s29], [sflag:$0x3] =	stream.linear.gather [hbm4b:s4+s1], $0x2710, $0x38;
	[tilespmem:$0x130B0] =	vst v63  }
0x151: {  	_ = 	snop  }
0x152: {  	[spmem:s15] =	stream.indirect.scatter.add.f32 [tilespmem:s23], [sflag:$0x4], $0x1, s26, s30, $0xb8;
	[tilespmem:$0x130B0] =	vst v63  }
0x153: {  	_ =	swait.ge [sflag:s21], $0x2710  }
0x154: {  	[sflag:s21] =	ssyncset.done $0x0  }
0x155: {  	[sflag:s21] =	ssyncadd.s32 $0xFFFFD8F0  }
0x156: {  	_ =	swait.ge [sflag:s31], $0x2710  }
0x157: {  	[sflag:s31] =	ssyncset.done $0x0  }
0x158: {  	s4 =	rddreg [dreg:$0x18];
	[sflag:s31] =	ssyncadd.s32 $0xFFFFD8F0  }
0x159: {  	[tilespmem:s23], [sflag:$0x2] =	stream.linear.gather [hbm4b:s4+s1], $0x2710, $0x38;
	[tilespmem:$0x130B0] =	vst v63  }
0x15a: {  	_ = 	snop  }
0x15b: {  	[spmem:s22] =	stream.indirect.scatter.add.f32 [tilespmem:s29], [sflag:$0x4], $0x1, s26, s30, $0xb8;
	[tilespmem:$0x130B0] =	vst v63  }
0x15c: {  	_ =	swait.ge [sflag:s21], $0x2710  }
0x15d: {  	[sflag:s21] =	ssyncset.done $0x0  }
0x15e: {  	[sflag:s21] =	ssyncadd.s32 $0xFFFFD8F0  }
0x15f: {  	_ =	swait.ge [sflag:s28], $0x2710  }
0x160: {  	[sflag:s28] =	ssyncset.done $0x0  }
0x161: {  	s4 =	rddreg [dreg:$0x19];
	[sflag:s28] =	ssyncadd.s32 $0xFFFFD8F0  }
0x162: {  	[tilespmem:s29], [sflag:$0x3] =	stream.linear.gather [hbm4b:s4+s1], $0x2710, $0x38;
	[tilespmem:$0x130B0] =	vst v63  }
0x163: {  	_ = 	snop  }
0x164: {  	[spmem:s25] =	stream.indirect.scatter.add.f32 [tilespmem:s23], [sflag:$0x4], $0x1, s26, s30, $0xb8;
	[tilespmem:$0x130B0] =	vst v63  }
0x165: {  	_ =	swait.ge [sflag:s21], $0x2710  }
0x166: {  	[sflag:s21] =	ssyncset.done $0x0  }
0x167: {  	[sflag:s21] =	ssyncadd.s32 $0xFFFFD8F0  }
0x168: {  	_ =	swait.ge [sflag:s31], $0x2710  }
0x169: {  	[sflag:s31] =	ssyncset.done $0x0  }
0x16a: {  	s4 =	rddreg [dreg:$0x1b];
	[sflag:s31] =	ssyncadd.s32 $0xFFFFD8F0  }
0x16b: {  	[tilespmem:s23], [sflag:$0x2] =	stream.linear.gather [hbm4b:s4+s1], $0x2710, $0x38;
	[tilespmem:$0x130B0] =	vst v63  }
0x16c: {  	_ = 	snop  }
0x16d: {  	[spmem:s2] =	stream.indirect.scatter.add.f32 [tilespmem:s29], [sflag:$0x4], $0x1, s26, s30, $0xb8;
	[tilespmem:$0x130B0] =	vst v63  }
0x16e: {  	_ =	swait.ge [sflag:s21], $0x2710  }
0x16f: {  	[sflag:s21] =	ssyncset.done $0x0  }
0x170: {  	[sflag:s21] =	ssyncadd.s32 $0xFFFFD8F0  }
0x171: {  	_ =	swait.ge [sflag:s24], $0x2710  }
0x172: {  	s4 =	sld [smem:$0x7A0]  }
0x173: {  	[sflag:s24] =	ssyncset.done $0x0  }
0x174: {  	[sflag:s24] =	ssyncadd.s32 $0xFFFFD8F0  }
0x175: {  	[tilespmem:s26], [sflag:$0x1] =	stream.linear.gather [hbm4b:s4+s1], $0x2710, $0x38;
	[tilespmem:$0x130B0] =	vst v63  }
0x176: {  	_ =	swait.ge [sflag:s28], $0x2710  }
0x177: {  	[sflag:s28] =	ssyncset.done $0x0  }
0x178: {  	s4 =	rddreg [dreg:$0x1c];
	[sflag:s28] =	ssyncadd.s32 $0xFFFFD8F0  }
0x179: {  	[tilespmem:s29], [sflag:$0x3] =	stream.linear.gather [hbm4b:s4+s1], $0x2710, $0x38;
	[tilespmem:$0x130B0] =	vst v63  }
0x17a: {  	_ = 	snop  }
0x17b: {  	[spmem:s8] =	stream.indirect.scatter.add.f32 [tilespmem:s23], [sflag:$0x4], $0x1, s1, s30, $0xb8;
	[tilespmem:$0x130B0] =	vst v63  }
0x17c: {  	_ =	swait.ge [sflag:s21], $0x2710  }
0x17d: {  	[sflag:s21] =	ssyncset.done $0x0  }
0x17e: {  	[sflag:s21] =	ssyncadd.s32 $0xFFFFD8F0  }
0x17f: {  	_ =	swait.ge [sflag:s31], $0x2710  }
0x180: {  	[sflag:s31] =	ssyncset.done $0x0  }
0x181: {  	s4 =	rddreg [dreg:$0x1d];
	[sflag:s31] =	ssyncadd.s32 $0xFFFFD8F0  }
0x182: {  	[tilespmem:s23], [sflag:$0x2] =	stream.linear.gather [hbm4b:s4+s1], $0x2710, $0x38;
	[tilespmem:$0x130B0] =	vst v63  }
0x183: {  	_ = 	snop  }
0x184: {  	[spmem:s15] =	stream.indirect.scatter.add.f32 [tilespmem:s29], [sflag:$0x4], $0x1, s1, s30, $0xb8;
	[tilespmem:$0x130B0] =	vst v63  }
0x185: {  	_ =	swait.ge [sflag:s21], $0x2710  }
0x186: {  	[sflag:s21] =	ssyncset.done $0x0  }
0x187: {  	[sflag:s21] =	ssyncadd.s32 $0xFFFFD8F0  }
0x188: {  	_ =	swait.ge [sflag:s28], $0x2710  }
0x189: {  	[sflag:s28] =	ssyncset.done $0x0  }
0x18a: {  	s4 =	rddreg [dreg:$0x1e];
	[sflag:s28] =	ssyncadd.s32 $0xFFFFD8F0  }
0x18b: {  	[tilespmem:s29], [sflag:$0x3] =	stream.linear.gather [hbm4b:s4+s1], $0x2710, $0x38;
	[tilespmem:$0x130B0] =	vst v63  }
0x18c: {  	_ = 	snop  }
0x18d: {  	[spmem:s22] =	stream.indirect.scatter.add.f32 [tilespmem:s23], [sflag:$0x4], $0x1, s1, s30, $0xb8;
	[tilespmem:$0x130B0] =	vst v63  }
0x18e: {  	_ =	swait.ge [sflag:s21], $0x2710  }
0x18f: {  	[sflag:s21] =	ssyncset.done $0x0  }
0x190: {  	[sflag:s21] =	ssyncadd.s32 $0xFFFFD8F0  }
0x191: {  	_ =	swait.ge [sflag:s31], $0x2710  }
0x192: {  	[sflag:s31] =	ssyncset.done $0x0  }
0x193: {  	s4 =	rddreg [dreg:$0x1f];
	[sflag:s31] =	ssyncadd.s32 $0xFFFFD8F0  }
0x194: {  	[tilespmem:s23], [sflag:$0x2] =	stream.linear.gather [hbm4b:s4+s1], $0x2710, $0x38;
	[tilespmem:$0x130B0] =	vst v63  }
0x195: {  	_ = 	snop  }
0x196: {  	[spmem:s25] =	stream.indirect.scatter.add.f32 [tilespmem:s29], [sflag:$0x4], $0x1, s1, s30, $0xb8;
	[tilespmem:$0x130B0] =	vst v63  }
0x197: {  	_ =	swait.ge [sflag:s21], $0x2710  }
0x198: {  	[sflag:s21] =	ssyncset.done $0x0  }
0x199: {  	[sflag:s21] =	ssyncadd.s32 $0xFFFFD8F0  }
0x19a: {  	_ =	swait.ge [sflag:s28], $0x2710  }
0x19b: {  	s4 =	sld [smem:$0x7A1]  }
0x19c: {  	[sflag:s28] =	ssyncset.done $0x0  }
0x19d: {  	[sflag:s28] =	ssyncadd.s32 $0xFFFFD8F0  }
0x19e: {  	[tilespmem:s29], [sflag:$0x3] =	stream.linear.gather [hbm4b:s4+s1], $0x2710, $0x38;
	[tilespmem:$0x130B0] =	vst v63  }
0x19f: {  	_ = 	snop  }
0x1a0: {  	[spmem:s2] =	stream.indirect.scatter.add.f32 [tilespmem:s23], [sflag:$0x4], $0x1, s1, s30, $0xb8;
	[tilespmem:$0x130B0] =	vst v63  }
0x1a1: {  	_ =	swait.ge [sflag:s21], $0x2710  }
0x1a2: {  	[sflag:s21] =	ssyncset.done $0x0  }
0x1a3: {  	[sflag:s21] =	ssyncadd.s32 $0xFFFFD8F0  }
0x1a4: {  	_ =	swait.ge [sflag:s24], $0x2710  }
0x1a5: {  	s4 =	sld [smem:$0x7A6]  }
0x1a6: {  	[sflag:s24] =	ssyncset.done $0x0  }
0x1a7: {  	[sflag:s24] =	ssyncadd.s32 $0xFFFFD8F0  }
0x1a8: {  	[tilespmem:s1], [sflag:$0x1] =	stream.linear.gather [hbm4b:s4+s1], $0x2710, $0x38;
	[tilespmem:$0x130B0] =	vst v63  }
0x1a9: {  	_ =	swait.ge [sflag:s31], $0x2710  }
0x1aa: {  	s4 =	sld [smem:$0x7A2]  }
0x1ab: {  	[sflag:s31] =	ssyncset.done $0x0  }
0x1ac: {  	[sflag:s31] =	ssyncadd.s32 $0xFFFFD8F0  }
0x1ad: {  	[tilespmem:s23], [sflag:$0x2] =	stream.linear.gather [hbm4b:s4+s1], $0x2710, $0x38;
	[tilespmem:$0x130B0] =	vst v63  }
0x1ae: {  	_ = 	snop  }
0x1af: {  	[spmem:s8] =	stream.indirect.scatter.add.f32 [tilespmem:s29], [sflag:$0x4], $0x1, s26, s30, $0xb8;
	[tilespmem:$0x130B0] =	vst v63  }
0x1b0: {  	_ =	swait.ge [sflag:s21], $0x2710  }
0x1b1: {  	[sflag:s21] =	ssyncset.done $0x0  }
0x1b2: {  	[sflag:s21] =	ssyncadd.s32 $0xFFFFD8F0  }
0x1b3: {  	_ =	swait.ge [sflag:s28], $0x2710  }
0x1b4: {  	s4 =	sld [smem:$0x7A3]  }
0x1b5: {  	[sflag:s28] =	ssyncset.done $0x0  }
0x1b6: {  	[sflag:s28] =	ssyncadd.s32 $0xFFFFD8F0  }
0x1b7: {  	[tilespmem:s29], [sflag:$0x3] =	stream.linear.gather [hbm4b:s4+s1], $0x2710, $0x38;
	[tilespmem:$0x130B0] =	vst v63  }
0x1b8: {  	_ = 	snop  }
0x1b9: {  	[spmem:s15] =	stream.indirect.scatter.add.f32 [tilespmem:s23], [sflag:$0x4], $0x1, s26, s30, $0xb8;
	[tilespmem:$0x130B0] =	vst v63  }
0x1ba: {  	_ =	swait.ge [sflag:s21], $0x2710  }
0x1bb: {  	[sflag:s21] =	ssyncset.done $0x0  }
0x1bc: {  	[sflag:s21] =	ssyncadd.s32 $0xFFFFD8F0  }
0x1bd: {  	_ =	swait.ge [sflag:s31], $0x2710  }
0x1be: {  	s4 =	sld [smem:$0x7A4]  }
0x1bf: {  	[sflag:s31] =	ssyncset.done $0x0  }
0x1c0: {  	[sflag:s31] =	ssyncadd.s32 $0xFFFFD8F0  }
0x1c1: {  	[tilespmem:s23], [sflag:$0x2] =	stream.linear.gather [hbm4b:s4+s1], $0x2710, $0x38;
	[tilespmem:$0x130B0] =	vst v63  }
0x1c2: {  	_ = 	snop  }
0x1c3: {  	[spmem:s22] =	stream.indirect.scatter.add.f32 [tilespmem:s29], [sflag:$0x4], $0x1, s26, s30, $0xb8;
	[tilespmem:$0x130B0] =	vst v63  }
0x1c4: {  	_ =	swait.ge [sflag:s21], $0x2710  }
0x1c5: {  	[sflag:s21] =	ssyncset.done $0x0  }
0x1c6: {  	[sflag:s21] =	ssyncadd.s32 $0xFFFFD8F0  }
0x1c7: {  	_ =	swait.ge [sflag:s28], $0x2710  }
0x1c8: {  	s4 =	sld [smem:$0x7A5]  }
0x1c9: {  	[sflag:s28] =	ssyncset.done $0x0  }
0x1ca: {  	[sflag:s28] =	ssyncadd.s32 $0xFFFFD8F0  }
0x1cb: {  	[tilespmem:s29], [sflag:$0x3] =	stream.linear.gather [hbm4b:s4+s1], $0x2710, $0x38;
	[tilespmem:$0x130B0] =	vst v63  }
0x1cc: {  	_ = 	snop  }
0x1cd: {  	[spmem:s25] =	stream.indirect.scatter.add.f32 [tilespmem:s23], [sflag:$0x4], $0x1, s26, s30, $0xb8;
	[tilespmem:$0x130B0] =	vst v63  }
0x1ce: {  	_ =	swait.ge [sflag:s21], $0x2710  }
0x1cf: {  	[sflag:s21] =	ssyncset.done $0x0  }
0x1d0: {  	[sflag:s21] =	ssyncadd.s32 $0xFFFFD8F0  }
0x1d1: {  	_ =	swait.ge [sflag:s31], $0x2710  }
0x1d2: {  	s4 =	sld [smem:$0x7A7]  }
0x1d3: {  	[sflag:s31] =	ssyncset.done $0x0  }
0x1d4: {  	[sflag:s31] =	ssyncadd.s32 $0xFFFFD8F0  }
0x1d5: {  	[tilespmem:s23], [sflag:$0x2] =	stream.linear.gather [hbm4b:s4+s1], $0x2710, $0x38;
	[tilespmem:$0x130B0] =	vst v63  }
0x1d6: {  	_ = 	snop  }
0x1d7: {  	[spmem:s2] =	stream.indirect.scatter.add.f32 [tilespmem:s29], [sflag:$0x4], $0x1, s26, s30, $0xb8;
	[tilespmem:$0x130B0] =	vst v63  }
0x1d8: {  	_ =	swait.ge [sflag:s21], $0x2710  }
0x1d9: {  	[sflag:s21] =	ssyncset.done $0x0  }
0x1da: {  	[sflag:s21] =	ssyncadd.s32 $0xFFFFD8F0  }
0x1db: {  	_ =	swait.ge [sflag:s24], $0x2710  }
0x1dc: {  	s4 =	sld [smem:$0x7AC]  }
0x1dd: {  	[sflag:s24] =	ssyncset.done $0x0  }
0x1de: {  	[sflag:s24] =	ssyncadd.s32 $0xFFFFD8F0  }
0x1df: {  	[tilespmem:s26], [sflag:$0x1] =	stream.linear.gather [hbm4b:s4+s1], $0x2710, $0x38;
	[tilespmem:$0x130B0] =	vst v63  }
0x1e0: {  	_ =	swait.ge [sflag:s28], $0x2710  }
0x1e1: {  	s4 =	sld [smem:$0x7A8]  }
0x1e2: {  	[sflag:s28] =	ssyncset.done $0x0  }
0x1e3: {  	[sflag:s28] =	ssyncadd.s32 $0xFFFFD8F0  }
0x1e4: {  	[tilespmem:s29], [sflag:$0x3] =	stream.linear.gather [hbm4b:s4+s1], $0x2710, $0x38;
	[tilespmem:$0x130B0] =	vst v63  }
0x1e5: {  	_ = 	snop  }
0x1e6: {  	[spmem:s8] =	stream.indirect.scatter.add.f32 [tilespmem:s23], [sflag:$0x4], $0x1, s1, s30, $0xb8;
	[tilespmem:$0x130B0] =	vst v63  }
0x1e7: {  	_ =	swait.ge [sflag:s21], $0x2710  }
0x1e8: {  	[sflag:s21] =	ssyncset.done $0x0  }
0x1e9: {  	[sflag:s21] =	ssyncadd.s32 $0xFFFFD8F0  }
0x1ea: {  	_ =	swait.ge [sflag:s31], $0x2710  }
0x1eb: {  	s4 =	sld [smem:$0x7A9]  }
0x1ec: {  	[sflag:s31] =	ssyncset.done $0x0  }
0x1ed: {  	[sflag:s31] =	ssyncadd.s32 $0xFFFFD8F0  }
0x1ee: {  	[tilespmem:s23], [sflag:$0x2] =	stream.linear.gather [hbm4b:s4+s1], $0x2710, $0x38;
	[tilespmem:$0x130B0] =	vst v63  }
0x1ef: {  	_ = 	snop  }
0x1f0: {  	[spmem:s15] =	stream.indirect.scatter.add.f32 [tilespmem:s29], [sflag:$0x4], $0x1, s1, s30, $0xb8;
	[tilespmem:$0x130B0] =	vst v63  }
0x1f1: {  	_ =	swait.ge [sflag:s21], $0x2710  }
0x1f2: {  	[sflag:s21] =	ssyncset.done $0x0  }
0x1f3: {  	[sflag:s21] =	ssyncadd.s32 $0xFFFFD8F0  }
0x1f4: {  	_ =	swait.ge [sflag:s28], $0x2710  }
0x1f5: {  	s4 =	sld [smem:$0x7AA]  }
0x1f6: {  	[sflag:s28] =	ssyncset.done $0x0  }
0x1f7: {  	[sflag:s28] =	ssyncadd.s32 $0xFFFFD8F0  }
0x1f8: {  	[tilespmem:s29], [sflag:$0x3] =	stream.linear.gather [hbm4b:s4+s1], $0x2710, $0x38;
	[tilespmem:$0x130B0] =	vst v63  }
0x1f9: {  	_ = 	snop  }
0x1fa: {  	[spmem:s22] =	stream.indirect.scatter.add.f32 [tilespmem:s23], [sflag:$0x4], $0x1, s1, s30, $0xb8;
	[tilespmem:$0x130B0] =	vst v63  }
0x1fb: {  	_ =	swait.ge [sflag:s21], $0x2710  }
0x1fc: {  	[sflag:s21] =	ssyncset.done $0x0  }
0x1fd: {  	[sflag:s21] =	ssyncadd.s32 $0xFFFFD8F0  }
0x1fe: {  	_ =	swait.ge [sflag:s31], $0x2710  }
0x1ff: {  	s4 =	sld [smem:$0x7AB]  }
0x200: {  	[sflag:s31] =	ssyncset.done $0x0  }
0x201: {  	[sflag:s31] =	ssyncadd.s32 $0xFFFFD8F0  }
0x202: {  	[tilespmem:s23], [sflag:$0x2] =	stream.linear.gather [hbm4b:s4+s1], $0x2710, $0x38;
	[tilespmem:$0x130B0] =	vst v63  }
0x203: {  	_ = 	snop  }
0x204: {  	[spmem:s25] =	stream.indirect.scatter.add.f32 [tilespmem:s29], [sflag:$0x4], $0x1, s1, s30, $0xb8;
	[tilespmem:$0x130B0] =	vst v63  }
0x205: {  	_ =	swait.ge [sflag:s21], $0x2710  }
0x206: {  	[sflag:s21] =	ssyncset.done $0x0  }
0x207: {  	[sflag:s21] =	ssyncadd.s32 $0xFFFFD8F0  }
0x208: {  	_ =	swait.ge [sflag:s28], $0x2710  }
0x209: {  	s4 =	sld [smem:$0x7AD]  }
0x20a: {  	[sflag:s28] =	ssyncset.done $0x0  }
0x20b: {  	[sflag:s28] =	ssyncadd.s32 $0xFFFFD8F0  }
0x20c: {  	[tilespmem:s29], [sflag:$0x3] =	stream.linear.gather [hbm4b:s4+s1], $0x2710, $0x38;
	[tilespmem:$0x130B0] =	vst v63  }
0x20d: {  	_ = 	snop  }
0x20e: {  	[spmem:s2] =	stream.indirect.scatter.add.f32 [tilespmem:s23], [sflag:$0x4], $0x1, s1, s30, $0xb8;
	[tilespmem:$0x130B0] =	vst v63  }
0x20f: {  	_ =	swait.ge [sflag:s21], $0x2710  }
0x210: {  	[sflag:s21] =	ssyncset.done $0x0  }
0x211: {  	[sflag:s21] =	ssyncadd.s32 $0xFFFFD8F0  }
0x212: {  	_ =	swait.ge [sflag:s24], $0x2710  }
0x213: {  	s4 =	sld [smem:$0x7B2]  }
0x214: {  	[sflag:s24] =	ssyncset.done $0x0  }
0x215: {  	[sflag:s24] =	ssyncadd.s32 $0xFFFFD8F0  }
0x216: {  	[tilespmem:s1], [sflag:$0x1] =	stream.linear.gather [hbm4b:s4+s1], $0x2710, $0x38;
	[tilespmem:$0x130B0] =	vst v63  }
0x217: {  	_ =	swait.ge [sflag:s31], $0x2710  }
0x218: {  	s4 =	sld [smem:$0x7AE]  }
0x219: {  	[sflag:s31] =	ssyncset.done $0x0  }
0x21a: {  	[sflag:s31] =	ssyncadd.s32 $0xFFFFD8F0  }
0x21b: {  	[tilespmem:s23], [sflag:$0x2] =	stream.linear.gather [hbm4b:s4+s1], $0x2710, $0x38;
	[tilespmem:$0x130B0] =	vst v63  }
0x21c: {  	_ = 	snop  }
0x21d: {  	[spmem:s8] =	stream.indirect.scatter.add.f32 [tilespmem:s29], [sflag:$0x4], $0x1, s26, s30, $0xb8;
	[tilespmem:$0x130B0] =	vst v63  }
0x21e: {  	_ =	swait.ge [sflag:s21], $0x2710  }
0x21f: {  	[sflag:s21] =	ssyncset.done $0x0  }
0x220: {  	[sflag:s21] =	ssyncadd.s32 $0xFFFFD8F0  }
0x221: {  	_ =	swait.ge [sflag:s28], $0x2710  }
0x222: {  	s4 =	sld [smem:$0x7AF]  }
0x223: {  	[sflag:s28] =	ssyncset.done $0x0  }
0x224: {  	[sflag:s28] =	ssyncadd.s32 $0xFFFFD8F0  }
0x225: {  	[tilespmem:s29], [sflag:$0x3] =	stream.linear.gather [hbm4b:s4+s1], $0x2710, $0x38;
	[tilespmem:$0x130B0] =	vst v63  }
0x226: {  	_ = 	snop  }
0x227: {  	[spmem:s15] =	stream.indirect.scatter.add.f32 [tilespmem:s23], [sflag:$0x4], $0x1, s26, s30, $0xb8;
	[tilespmem:$0x130B0] =	vst v63  }
0x228: {  	_ =	swait.ge [sflag:s21], $0x2710  }
0x229: {  	[sflag:s21] =	ssyncset.done $0x0  }
0x22a: {  	[sflag:s21] =	ssyncadd.s32 $0xFFFFD8F0  }
0x22b: {  	_ =	swait.ge [sflag:s31], $0x2710  }
0x22c: {  	s4 =	sld [smem:$0x7B0]  }
0x22d: {  	[sflag:s31] =	ssyncset.done $0x0  }
0x22e: {  	[sflag:s31] =	ssyncadd.s32 $0xFFFFD8F0  }
0x22f: {  	[tilespmem:s23], [sflag:$0x2] =	stream.linear.gather [hbm4b:s4+s1], $0x2710, $0x38;
	[tilespmem:$0x130B0] =	vst v63  }
0x230: {  	_ = 	snop  }
0x231: {  	[spmem:s22] =	stream.indirect.scatter.add.f32 [tilespmem:s29], [sflag:$0x4], $0x1, s26, s30, $0xb8;
	[tilespmem:$0x130B0] =	vst v63  }
0x232: {  	_ =	swait.ge [sflag:s21], $0x2710  }
0x233: {  	[sflag:s21] =	ssyncset.done $0x0  }
0x234: {  	[sflag:s21] =	ssyncadd.s32 $0xFFFFD8F0  }
0x235: {  	_ =	swait.ge [sflag:s28], $0x2710  }
0x236: {  	s4 =	sld [smem:$0x7B1]  }
0x237: {  	[sflag:s28] =	ssyncset.done $0x0  }
0x238: {  	[sflag:s28] =	ssyncadd.s32 $0xFFFFD8F0  }
0x239: {  	[tilespmem:s29], [sflag:$0x3] =	stream.linear.gather [hbm4b:s4+s1], $0x2710, $0x38;
	[tilespmem:$0x130B0] =	vst v63  }
0x23a: {  	_ = 	snop  }
0x23b: {  	[spmem:s25] =	stream.indirect.scatter.add.f32 [tilespmem:s23], [sflag:$0x4], $0x1, s26, s30, $0xb8;
	[tilespmem:$0x130B0] =	vst v63  }
0x23c: {  	_ =	swait.ge [sflag:s21], $0x2710  }
0x23d: {  	[sflag:s21] =	ssyncset.done $0x0  }
0x23e: {  	[sflag:s21] =	ssyncadd.s32 $0xFFFFD8F0  }
0x23f: {  	_ =	swait.ge [sflag:s31], $0x2710  }
0x240: {  	s4 =	sld [smem:$0x7B3]  }
0x241: {  	[sflag:s31] =	ssyncset.done $0x0  }
0x242: {  	[sflag:s31] =	ssyncadd.s32 $0xFFFFD8F0  }
0x243: {  	[tilespmem:s23], [sflag:$0x2] =	stream.linear.gather [hbm4b:s4+s1], $0x2710, $0x38;
	[tilespmem:$0x130B0] =	vst v63  }
0x244: {  	_ = 	snop  }
0x245: {  	[spmem:s2] =	stream.indirect.scatter.add.f32 [tilespmem:s29], [sflag:$0x4], $0x1, s26, s30, $0xb8;
	[tilespmem:$0x130B0] =	vst v63  }
0x246: {  	_ =	swait.ge [sflag:s21], $0x2710  }
0x247: {  	[sflag:s21] =	ssyncset.done $0x0  }
0x248: {  	[sflag:s21] =	ssyncadd.s32 $0xFFFFD8F0  }
0x249: {  	_ =	swait.ge [sflag:s24], $0x2710  }
0x24a: {  	s4 =	sld [smem:$0x7B8]  }
0x24b: {  	[sflag:s24] =	ssyncset.done $0x0  }
0x24c: {  	[sflag:s24] =	ssyncadd.s32 $0xFFFFD8F0  }
0x24d: {  	[tilespmem:s26], [sflag:$0x1] =	stream.linear.gather [hbm4b:s4+s1], $0x2710, $0x38;
	[tilespmem:$0x130B0] =	vst v63  }
0x24e: {  	_ =	swait.ge [sflag:s28], $0x2710  }
0x24f: {  	s4 =	sld [smem:$0x7B4]  }
0x250: {  	[sflag:s28] =	ssyncset.done $0x0  }
0x251: {  	[sflag:s28] =	ssyncadd.s32 $0xFFFFD8F0  }
0x252: {  	[tilespmem:s29], [sflag:$0x3] =	stream.linear.gather [hbm4b:s4+s1], $0x2710, $0x38;
	[tilespmem:$0x130B0] =	vst v63  }
0x253: {  	_ = 	snop  }
0x254: {  	[spmem:s8] =	stream.indirect.scatter.add.f32 [tilespmem:s23], [sflag:$0x4], $0x1, s1, s30, $0xb8;
	[tilespmem:$0x130B0] =	vst v63  }
0x255: {  	_ =	swait.ge [sflag:s21], $0x2710  }
0x256: {  	[sflag:s21] =	ssyncset.done $0x0  }
0x257: {  	[sflag:s21] =	ssyncadd.s32 $0xFFFFD8F0  }
0x258: {  	_ =	swait.ge [sflag:s31], $0x2710  }
0x259: {  	s4 =	sld [smem:$0x7B5]  }
0x25a: {  	[sflag:s31] =	ssyncset.done $0x0  }
0x25b: {  	[sflag:s31] =	ssyncadd.s32 $0xFFFFD8F0  }
0x25c: {  	[tilespmem:s23], [sflag:$0x2] =	stream.linear.gather [hbm4b:s4+s1], $0x2710, $0x38;
	[tilespmem:$0x130B0] =	vst v63  }
0x25d: {  	_ = 	snop  }
0x25e: {  	[spmem:s15] =	stream.indirect.scatter.add.f32 [tilespmem:s29], [sflag:$0x4], $0x1, s1, s30, $0xb8;
	[tilespmem:$0x130B0] =	vst v63  }
0x25f: {  	_ =	swait.ge [sflag:s21], $0x2710  }
0x260: {  	[sflag:s21] =	ssyncset.done $0x0  }
0x261: {  	[sflag:s21] =	ssyncadd.s32 $0xFFFFD8F0  }
0x262: {  	_ =	swait.ge [sflag:s28], $0x2710  }
0x263: {  	s4 =	sld [smem:$0x7B6]  }
0x264: {  	[sflag:s28] =	ssyncset.done $0x0  }
0x265: {  	[sflag:s28] =	ssyncadd.s32 $0xFFFFD8F0  }
0x266: {  	[tilespmem:s29], [sflag:$0x3] =	stream.linear.gather [hbm4b:s4+s1], $0x2710, $0x38;
	[tilespmem:$0x130B0] =	vst v63  }
0x267: {  	_ = 	snop  }
0x268: {  	[spmem:s22] =	stream.indirect.scatter.add.f32 [tilespmem:s23], [sflag:$0x4], $0x1, s1, s30, $0xb8;
	[tilespmem:$0x130B0] =	vst v63  }
0x269: {  	_ =	swait.ge [sflag:s21], $0x2710  }
0x26a: {  	[sflag:s21] =	ssyncset.done $0x0  }
0x26b: {  	[sflag:s21] =	ssyncadd.s32 $0xFFFFD8F0  }
0x26c: {  	_ =	swait.ge [sflag:s31], $0x2710  }
0x26d: {  	s4 =	sld [smem:$0x7B7]  }
0x26e: {  	[sflag:s31] =	ssyncset.done $0x0  }
0x26f: {  	[sflag:s31] =	ssyncadd.s32 $0xFFFFD8F0  }
0x270: {  	[tilespmem:s23], [sflag:$0x2] =	stream.linear.gather [hbm4b:s4+s1], $0x2710, $0x38;
	[tilespmem:$0x130B0] =	vst v63  }
0x271: {  	_ = 	snop  }
0x272: {  	[spmem:s25] =	stream.indirect.scatter.add.f32 [tilespmem:s29], [sflag:$0x4], $0x1, s1, s30, $0xb8;
	[tilespmem:$0x130B0] =	vst v63  }
0x273: {  	_ =	swait.ge [sflag:s21], $0x2710  }
0x274: {  	[sflag:s21] =	ssyncset.done $0x0  }
0x275: {  	[sflag:s21] =	ssyncadd.s32 $0xFFFFD8F0  }
0x276: {  	_ =	swait.ge [sflag:s28], $0x2710  }
0x277: {  	s4 =	sld [smem:$0x7B9]  }
0x278: {  	[sflag:s28] =	ssyncset.done $0x0  }
0x279: {  	[sflag:s28] =	ssyncadd.s32 $0xFFFFD8F0  }
0x27a: {  	[tilespmem:s29], [sflag:$0x3] =	stream.linear.gather [hbm4b:s4+s1], $0x2710, $0x38;
	[tilespmem:$0x130B0] =	vst v63  }
0x27b: {  	_ = 	snop  }
0x27c: {  	[spmem:s2] =	stream.indirect.scatter.add.f32 [tilespmem:s23], [sflag:$0x4], $0x1, s1, s30, $0xb8;
	[tilespmem:$0x130B0] =	vst v63  }
0x27d: {  	_ =	swait.ge [sflag:s21], $0x2710  }
0x27e: {  	[sflag:s21] =	ssyncset.done $0x0  }
0x27f: {  	[sflag:s21] =	ssyncadd.s32 $0xFFFFD8F0  }
0x280: {  	_ =	swait.ge [sflag:s24], $0x2710  }
0x281: {  	s4 =	sld [smem:$0x7BE]  }
0x282: {  	[sflag:s24] =	ssyncset.done $0x0  }
0x283: {  	[sflag:s24] =	ssyncadd.s32 $0xFFFFD8F0  }
0x284: {  	[tilespmem:s1], [sflag:$0x1] =	stream.linear.gather [hbm4b:s4+s1], $0x2710, $0x38;
	[tilespmem:$0x130B0] =	vst v63  }
0x285: {  	_ =	swait.ge [sflag:s31], $0x2710  }
0x286: {  	s4 =	sld [smem:$0x7BA]  }
0x287: {  	[sflag:s31] =	ssyncset.done $0x0  }
0x288: {  	[sflag:s31] =	ssyncadd.s32 $0xFFFFD8F0  }
0x289: {  	[tilespmem:s23], [sflag:$0x2] =	stream.linear.gather [hbm4b:s4+s1], $0x2710, $0x38;
	[tilespmem:$0x130B0] =	vst v63  }
0x28a: {  	_ = 	snop  }
0x28b: {  	[spmem:s8] =	stream.indirect.scatter.add.f32 [tilespmem:s29], [sflag:$0x4], $0x1, s26, s30, $0xb8;
	[tilespmem:$0x130B0] =	vst v63  }
0x28c: {  	_ =	swait.ge [sflag:s21], $0x2710  }
0x28d: {  	[sflag:s21] =	ssyncset.done $0x0  }
0x28e: {  	[sflag:s21] =	ssyncadd.s32 $0xFFFFD8F0  }
0x28f: {  	_ =	swait.ge [sflag:s28], $0x2710  }
0x290: {  	s4 =	sld [smem:$0x7BB]  }
0x291: {  	[sflag:s28] =	ssyncset.done $0x0  }
0x292: {  	[sflag:s28] =	ssyncadd.s32 $0xFFFFD8F0  }
0x293: {  	[tilespmem:s29], [sflag:$0x3] =	stream.linear.gather [hbm4b:s4+s1], $0x2710, $0x38;
	[tilespmem:$0x130B0] =	vst v63  }
0x294: {  	_ = 	snop  }
0x295: {  	[spmem:s15] =	stream.indirect.scatter.add.f32 [tilespmem:s23], [sflag:$0x4], $0x1, s26, s30, $0xb8;
	[tilespmem:$0x130B0] =	vst v63  }
0x296: {  	_ =	swait.ge [sflag:s21], $0x2710  }
0x297: {  	[sflag:s21] =	ssyncset.done $0x0  }
0x298: {  	[sflag:s21] =	ssyncadd.s32 $0xFFFFD8F0  }
0x299: {  	_ =	swait.ge [sflag:s31], $0x2710  }
0x29a: {  	s4 =	sld [smem:$0x7BC]  }
0x29b: {  	[sflag:s31] =	ssyncset.done $0x0  }
0x29c: {  	[sflag:s31] =	ssyncadd.s32 $0xFFFFD8F0  }
0x29d: {  	[tilespmem:s23], [sflag:$0x2] =	stream.linear.gather [hbm4b:s4+s1], $0x2710, $0x38;
	[tilespmem:$0x130B0] =	vst v63  }
0x29e: {  	_ = 	snop  }
0x29f: {  	[spmem:s22] =	stream.indirect.scatter.add.f32 [tilespmem:s29], [sflag:$0x4], $0x1, s26, s30, $0xb8;
	[tilespmem:$0x130B0] =	vst v63  }
0x2a0: {  	_ =	swait.ge [sflag:s21], $0x2710  }
0x2a1: {  	[sflag:s21] =	ssyncset.done $0x0  }
0x2a2: {  	[sflag:s21] =	ssyncadd.s32 $0xFFFFD8F0  }
0x2a3: {  	_ =	swait.ge [sflag:s28], $0x2710  }
0x2a4: {  	s4 =	sld [smem:$0x7BD]  }
0x2a5: {  	[sflag:s28] =	ssyncset.done $0x0  }
0x2a6: {  	[sflag:s28] =	ssyncadd.s32 $0xFFFFD8F0  }
0x2a7: {  	[tilespmem:s29], [sflag:$0x3] =	stream.linear.gather [hbm4b:s4+s1], $0x2710, $0x38;
	[tilespmem:$0x130B0] =	vst v63  }
0x2a8: {  	_ = 	snop  }
0x2a9: {  	[spmem:s25] =	stream.indirect.scatter.add.f32 [tilespmem:s23], [sflag:$0x4], $0x1, s26, s30, $0xb8;
	[tilespmem:$0x130B0] =	vst v63  }
0x2aa: {  	_ =	swait.ge [sflag:s21], $0x2710  }
0x2ab: {  	[sflag:s21] =	ssyncset.done $0x0  }
0x2ac: {  	[sflag:s21] =	ssyncadd.s32 $0xFFFFD8F0  }
0x2ad: {  	_ =	swait.ge [sflag:s31], $0x2710  }
0x2ae: {  	s4 =	sld [smem:$0x7BF]  }
0x2af: {  	[sflag:s31] =	ssyncset.done $0x0  }
0x2b0: {  	[sflag:s31] =	ssyncadd.s32 $0xFFFFD8F0  }
0x2b1: {  	[tilespmem:s23], [sflag:$0x2] =	stream.linear.gather [hbm4b:s4+s1], $0x2710, $0x38;
	[tilespmem:$0x130B0] =	vst v63  }
0x2b2: {  	_ = 	snop  }
0x2b3: {  	[spmem:s2] =	stream.indirect.scatter.add.f32 [tilespmem:s29], [sflag:$0x4], $0x1, s26, s30, $0xb8;
	[tilespmem:$0x130B0] =	vst v63  }
0x2b4: {  	_ =	swait.ge [sflag:s21], $0x2710  }
0x2b5: {  	[sflag:s21] =	ssyncset.done $0x0  }
0x2b6: {  	[sflag:s21] =	ssyncadd.s32 $0xFFFFD8F0  }
0x2b7: {  	_ =	swait.ge [sflag:s24], $0x2710  }
0x2b8: {  	s4 =	sld [smem:$0x7C4]  }
0x2b9: {  	[sflag:s24] =	ssyncset.done $0x0  }
0x2ba: {  	[sflag:s24] =	ssyncadd.s32 $0xFFFFD8F0  }
0x2bb: {  	[tilespmem:s26], [sflag:$0x1] =	stream.linear.gather [hbm4b:s4+s1], $0x2710, $0x38;
	[tilespmem:$0x130B0] =	vst v63  }
0x2bc: {  	_ =	swait.ge [sflag:s28], $0x2710  }
0x2bd: {  	s4 =	sld [smem:$0x7C0]  }
0x2be: {  	[sflag:s28] =	ssyncset.done $0x0  }
0x2bf: {  	[sflag:s28] =	ssyncadd.s32 $0xFFFFD8F0  }
0x2c0: {  	[tilespmem:s29], [sflag:$0x3] =	stream.linear.gather [hbm4b:s4+s1], $0x2710, $0x38;
	[tilespmem:$0x130B0] =	vst v63  }
0x2c1: {  	_ = 	snop  }
0x2c2: {  	[spmem:s8] =	stream.indirect.scatter.add.f32 [tilespmem:s23], [sflag:$0x4], $0x1, s1, s30, $0xb8;
	[tilespmem:$0x130B0] =	vst v63  }
0x2c3: {  	_ =	swait.ge [sflag:s21], $0x2710  }
0x2c4: {  	[sflag:s21] =	ssyncset.done $0x0  }
0x2c5: {  	[sflag:s21] =	ssyncadd.s32 $0xFFFFD8F0  }
0x2c6: {  	_ =	swait.ge [sflag:s31], $0x2710  }
0x2c7: {  	s4 =	sld [smem:$0x7C1]  }
0x2c8: {  	[sflag:s31] =	ssyncset.done $0x0  }
0x2c9: {  	[sflag:s31] =	ssyncadd.s32 $0xFFFFD8F0  }
0x2ca: {  	[tilespmem:s23], [sflag:$0x2] =	stream.linear.gather [hbm4b:s4+s1], $0x2710, $0x38;
	[tilespmem:$0x130B0] =	vst v63  }
0x2cb: {  	_ = 	snop  }
0x2cc: {  	[spmem:s15] =	stream.indirect.scatter.add.f32 [tilespmem:s29], [sflag:$0x4], $0x1, s1, s30, $0xb8;
	[tilespmem:$0x130B0] =	vst v63  }
0x2cd: {  	_ =	swait.ge [sflag:s21], $0x2710  }
0x2ce: {  	[sflag:s21] =	ssyncset.done $0x0  }
0x2cf: {  	[sflag:s21] =	ssyncadd.s32 $0xFFFFD8F0  }
0x2d0: {  	_ =	swait.ge [sflag:s28], $0x2710  }
0x2d1: {  	s4 =	sld [smem:$0x7C2]  }
0x2d2: {  	[sflag:s28] =	ssyncset.done $0x0  }
0x2d3: {  	[sflag:s28] =	ssyncadd.s32 $0xFFFFD8F0  }
0x2d4: {  	[tilespmem:s29], [sflag:$0x3] =	stream.linear.gather [hbm4b:s4+s1], $0x2710, $0x38;
	[tilespmem:$0x130B0] =	vst v63  }
0x2d5: {  	_ = 	snop  }
0x2d6: {  	[spmem:s22] =	stream.indirect.scatter.add.f32 [tilespmem:s23], [sflag:$0x4], $0x1, s1, s30, $0xb8;
	[tilespmem:$0x130B0] =	vst v63  }
0x2d7: {  	_ =	swait.ge [sflag:s21], $0x2710  }
0x2d8: {  	[sflag:s21] =	ssyncset.done $0x0  }
0x2d9: {  	[sflag:s21] =	ssyncadd.s32 $0xFFFFD8F0  }
0x2da: {  	_ =	swait.ge [sflag:s31], $0x2710  }
0x2db: {  	s4 =	sld [smem:$0x7C3]  }
0x2dc: {  	[sflag:s31] =	ssyncset.done $0x0  }
0x2dd: {  	[sflag:s31] =	ssyncadd.s32 $0xFFFFD8F0  }
0x2de: {  	[tilespmem:s23], [sflag:$0x2] =	stream.linear.gather [hbm4b:s4+s1], $0x2710, $0x38;
	[tilespmem:$0x130B0] =	vst v63  }
0x2df: {  	_ = 	snop  }
0x2e0: {  	[spmem:s25] =	stream.indirect.scatter.add.f32 [tilespmem:s29], [sflag:$0x4], $0x1, s1, s30, $0xb8;
	[tilespmem:$0x130B0] =	vst v63  }
0x2e1: {  	_ =	swait.ge [sflag:s21], $0x2710  }
0x2e2: {  	[sflag:s21] =	ssyncset.done $0x0  }
0x2e3: {  	[sflag:s21] =	ssyncadd.s32 $0xFFFFD8F0  }
0x2e4: {  	_ =	swait.ge [sflag:s28], $0x2710  }
0x2e5: {  	s4 =	sld [smem:$0x7C5]  }
0x2e6: {  	[sflag:s28] =	ssyncset.done $0x0  }
0x2e7: {  	[sflag:s28] =	ssyncadd.s32 $0xFFFFD8F0  }
0x2e8: {  	[tilespmem:s29], [sflag:$0x3] =	stream.linear.gather [hbm4b:s4+s1], $0x2710, $0x38;
	[tilespmem:$0x130B0] =	vst v63  }
0x2e9: {  	_ = 	snop  }
0x2ea: {  	[spmem:s2] =	stream.indirect.scatter.add.f32 [tilespmem:s23], [sflag:$0x4], $0x1, s1, s30, $0xb8;
	[tilespmem:$0x130B0] =	vst v63  }
0x2eb: {  	_ =	swait.ge [sflag:s21], $0x2710  }
0x2ec: {  	[sflag:s21] =	ssyncset.done $0x0  }
0x2ed: {  	[sflag:s21] =	ssyncadd.s32 $0xFFFFD8F0  }
0x2ee: {  	_ =	swait.ge [sflag:s24], $0x2710  }
0x2ef: {  	s4 =	sld [smem:$0x7CA]  }
0x2f0: {  	[sflag:s24] =	ssyncset.done $0x0  }
0x2f1: {  	[sflag:s24] =	ssyncadd.s32 $0xFFFFD8F0  }
0x2f2: {  	[tilespmem:s1], [sflag:$0x1] =	stream.linear.gather [hbm4b:s4+s1], $0x2710, $0x38;
	[tilespmem:$0x130B0] =	vst v63  }
0x2f3: {  	_ =	swait.ge [sflag:s31], $0x2710  }
0x2f4: {  	s4 =	sld [smem:$0x7C6]  }
0x2f5: {  	[sflag:s31] =	ssyncset.done $0x0  }
0x2f6: {  	[sflag:s31] =	ssyncadd.s32 $0xFFFFD8F0  }
0x2f7: {  	[tilespmem:s23], [sflag:$0x2] =	stream.linear.gather [hbm4b:s4+s1], $0x2710, $0x38;
	[tilespmem:$0x130B0] =	vst v63  }
0x2f8: {  	_ = 	snop  }
0x2f9: {  	[spmem:s8] =	stream.indirect.scatter.add.f32 [tilespmem:s29], [sflag:$0x4], $0x1, s26, s30, $0xb8;
	[tilespmem:$0x130B0] =	vst v63  }
0x2fa: {  	_ =	swait.ge [sflag:s21], $0x2710  }
0x2fb: {  	[sflag:s21] =	ssyncset.done $0x0  }
0x2fc: {  	[sflag:s21] =	ssyncadd.s32 $0xFFFFD8F0  }
0x2fd: {  	_ =	swait.ge [sflag:s28], $0x2710  }
0x2fe: {  	s4 =	sld [smem:$0x7C7]  }
0x2ff: {  	[sflag:s28] =	ssyncset.done $0x0  }
0x300: {  	[sflag:s28] =	ssyncadd.s32 $0xFFFFD8F0  }
0x301: {  	[tilespmem:s29], [sflag:$0x3] =	stream.linear.gather [hbm4b:s4+s1], $0x2710, $0x38;
	[tilespmem:$0x130B0] =	vst v63  }
0x302: {  	_ = 	snop  }
0x303: {  	[spmem:s15] =	stream.indirect.scatter.add.f32 [tilespmem:s23], [sflag:$0x4], $0x1, s26, s30, $0xb8;
	[tilespmem:$0x130B0] =	vst v63  }
0x304: {  	_ =	swait.ge [sflag:s21], $0x2710  }
0x305: {  	[sflag:s21] =	ssyncset.done $0x0  }
0x306: {  	[sflag:s21] =	ssyncadd.s32 $0xFFFFD8F0  }
0x307: {  	_ =	swait.ge [sflag:s31], $0x2710  }
0x308: {  	s4 =	sld [smem:$0x7C8]  }
0x309: {  	[sflag:s31] =	ssyncset.done $0x0  }
0x30a: {  	[sflag:s31] =	ssyncadd.s32 $0xFFFFD8F0  }
0x30b: {  	[tilespmem:s23], [sflag:$0x2] =	stream.linear.gather [hbm4b:s4+s1], $0x2710, $0x38;
	[tilespmem:$0x130B0] =	vst v63  }
0x30c: {  	_ = 	snop  }
0x30d: {  	[spmem:s22] =	stream.indirect.scatter.add.f32 [tilespmem:s29], [sflag:$0x4], $0x1, s26, s30, $0xb8;
	[tilespmem:$0x130B0] =	vst v63  }
0x30e: {  	_ =	swait.ge [sflag:s21], $0x2710  }
0x30f: {  	[sflag:s21] =	ssyncset.done $0x0  }
0x310: {  	[sflag:s21] =	ssyncadd.s32 $0xFFFFD8F0  }
0x311: {  	_ =	swait.ge [sflag:s28], $0x2710  }
0x312: {  	s4 =	sld [smem:$0x7C9]  }
0x313: {  	[sflag:s28] =	ssyncset.done $0x0  }
0x314: {  	[sflag:s28] =	ssyncadd.s32 $0xFFFFD8F0  }
0x315: {  	[tilespmem:s29], [sflag:$0x3] =	stream.linear.gather [hbm4b:s4+s1], $0x2710, $0x38;
	[tilespmem:$0x130B0] =	vst v63  }
0x316: {  	_ = 	snop  }
0x317: {  	[spmem:s25] =	stream.indirect.scatter.add.f32 [tilespmem:s23], [sflag:$0x4], $0x1, s26, s30, $0xb8;
	[tilespmem:$0x130B0] =	vst v63  }
0x318: {  	_ =	swait.ge [sflag:s21], $0x2710  }
0x319: {  	[sflag:s21] =	ssyncset.done $0x0  }
0x31a: {  	[sflag:s21] =	ssyncadd.s32 $0xFFFFD8F0  }
0x31b: {  	_ =	swait.ge [sflag:s31], $0x2710  }
0x31c: {  	s4 =	sld [smem:$0x7CB]  }
0x31d: {  	[sflag:s31] =	ssyncset.done $0x0  }
0x31e: {  	[sflag:s31] =	ssyncadd.s32 $0xFFFFD8F0  }
0x31f: {  	[tilespmem:s23], [sflag:$0x2] =	stream.linear.gather [hbm4b:s4+s1], $0x2710, $0x38;
	[tilespmem:$0x130B0] =	vst v63  }
0x320: {  	_ = 	snop  }
0x321: {  	[spmem:s2] =	stream.indirect.scatter.add.f32 [tilespmem:s29], [sflag:$0x4], $0x1, s26, s30, $0xb8;
	[tilespmem:$0x130B0] =	vst v63  }
0x322: {  	_ =	swait.ge [sflag:s21], $0x2710  }
0x323: {  	[sflag:s21] =	ssyncset.done $0x0  }
0x324: {  	[sflag:s21] =	ssyncadd.s32 $0xFFFFD8F0  }
0x325: {  	_ =	swait.ge [sflag:s24], $0x2710  }
0x326: {  	s4 =	sld [smem:$0x7D0]  }
0x327: {  	[sflag:s24] =	ssyncset.done $0x0  }
0x328: {  	[sflag:s24] =	ssyncadd.s32 $0xFFFFD8F0  }
0x329: {  	[tilespmem:s26], [sflag:$0x1] =	stream.linear.gather [hbm4b:s4+s1], $0x2710, $0x38;
	[tilespmem:$0x130B0] =	vst v63  }
0x32a: {  	_ =	swait.ge [sflag:s28], $0x2710  }
0x32b: {  	s4 =	sld [smem:$0x7CC]  }
0x32c: {  	[sflag:s28] =	ssyncset.done $0x0  }
0x32d: {  	[sflag:s28] =	ssyncadd.s32 $0xFFFFD8F0  }
0x32e: {  	[tilespmem:s29], [sflag:$0x3] =	stream.linear.gather [hbm4b:s4+s1], $0x2710, $0x38;
	[tilespmem:$0x130B0] =	vst v63  }
0x32f: {  	_ = 	snop  }
0x330: {  	[spmem:s8] =	stream.indirect.scatter.add.f32 [tilespmem:s23], [sflag:$0x4], $0x1, s1, s30, $0xb8;
	[tilespmem:$0x130B0] =	vst v63  }
0x331: {  	_ =	swait.ge [sflag:s21], $0x2710  }
0x332: {  	[sflag:s21] =	ssyncset.done $0x0  }
0x333: {  	[sflag:s21] =	ssyncadd.s32 $0xFFFFD8F0  }
0x334: {  	_ =	swait.ge [sflag:s31], $0x2710  }
0x335: {  	s4 =	sld [smem:$0x7CD]  }
0x336: {  	[sflag:s31] =	ssyncset.done $0x0  }
0x337: {  	[sflag:s31] =	ssyncadd.s32 $0xFFFFD8F0  }
0x338: {  	[tilespmem:s23], [sflag:$0x2] =	stream.linear.gather [hbm4b:s4+s1], $0x2710, $0x38;
	[tilespmem:$0x130B0] =	vst v63  }
0x339: {  	_ = 	snop  }
0x33a: {  	[spmem:s15] =	stream.indirect.scatter.add.f32 [tilespmem:s29], [sflag:$0x4], $0x1, s1, s30, $0xb8;
	[tilespmem:$0x130B0] =	vst v63  }
0x33b: {  	_ =	swait.ge [sflag:s21], $0x2710  }
0x33c: {  	[sflag:s21] =	ssyncset.done $0x0  }
0x33d: {  	[sflag:s21] =	ssyncadd.s32 $0xFFFFD8F0  }
0x33e: {  	_ =	swait.ge [sflag:s28], $0x2710  }
0x33f: {  	s4 =	sld [smem:$0x7CE]  }
0x340: {  	[sflag:s28] =	ssyncset.done $0x0  }
0x341: {  	[sflag:s28] =	ssyncadd.s32 $0xFFFFD8F0  }
0x342: {  	[tilespmem:s29], [sflag:$0x3] =	stream.linear.gather [hbm4b:s4+s1], $0x2710, $0x38;
	[tilespmem:$0x130B0] =	vst v63  }
0x343: {  	_ = 	snop  }
0x344: {  	[spmem:s22] =	stream.indirect.scatter.add.f32 [tilespmem:s23], [sflag:$0x4], $0x1, s1, s30, $0xb8;
	[tilespmem:$0x130B0] =	vst v63  }
0x345: {  	_ =	swait.ge [sflag:s21], $0x2710  }
0x346: {  	[sflag:s21] =	ssyncset.done $0x0  }
0x347: {  	[sflag:s21] =	ssyncadd.s32 $0xFFFFD8F0  }
0x348: {  	_ =	swait.ge [sflag:s31], $0x2710  }
0x349: {  	s4 =	sld [smem:$0x7CF]  }
0x34a: {  	[sflag:s31] =	ssyncset.done $0x0  }
0x34b: {  	[sflag:s31] =	ssyncadd.s32 $0xFFFFD8F0  }
0x34c: {  	[tilespmem:s23], [sflag:$0x2] =	stream.linear.gather [hbm4b:s4+s1], $0x2710, $0x38;
	[tilespmem:$0x130B0] =	vst v63  }
0x34d: {  	_ = 	snop  }
0x34e: {  	[spmem:s25] =	stream.indirect.scatter.add.f32 [tilespmem:s29], [sflag:$0x4], $0x1, s1, s30, $0xb8;
	[tilespmem:$0x130B0] =	vst v63  }
0x34f: {  	_ =	swait.ge [sflag:s21], $0x2710  }
0x350: {  	[sflag:s21] =	ssyncset.done $0x0  }
0x351: {  	[sflag:s21] =	ssyncadd.s32 $0xFFFFD8F0  }
0x352: {  	_ =	swait.ge [sflag:s28], $0x2710  }
0x353: {  	s4 =	sld [smem:$0x7D1]  }
0x354: {  	[sflag:s28] =	ssyncset.done $0x0  }
0x355: {  	[sflag:s28] =	ssyncadd.s32 $0xFFFFD8F0  }
0x356: {  	[tilespmem:s29], [sflag:$0x3] =	stream.linear.gather [hbm4b:s4+s1], $0x2710, $0x38;
	[tilespmem:$0x130B0] =	vst v63  }
0x357: {  	_ = 	snop  }
0x358: {  	[spmem:s2] =	stream.indirect.scatter.add.f32 [tilespmem:s23], [sflag:$0x4], $0x1, s1, s30, $0xb8;
	[tilespmem:$0x130B0] =	vst v63  }
0x359: {  	_ =	swait.ge [sflag:s21], $0x2710  }
0x35a: {  	[sflag:s21] =	ssyncset.done $0x0  }
0x35b: {  	[sflag:s21] =	ssyncadd.s32 $0xFFFFD8F0  }
0x35c: {  	_ =	swait.ge [sflag:s24], $0x2710  }
0x35d: {  	s4 =	sld [smem:$0x7D6]  }
0x35e: {  	[sflag:s24] =	ssyncset.done $0x0  }
0x35f: {  	[sflag:s24] =	ssyncadd.s32 $0xFFFFD8F0  }
0x360: {  	[tilespmem:s1], [sflag:$0x1] =	stream.linear.gather [hbm4b:s4+s1], $0x2710, $0x38;
	[tilespmem:$0x130B0] =	vst v63  }
0x361: {  	_ =	swait.ge [sflag:s31], $0x2710  }
0x362: {  	s4 =	sld [smem:$0x7D2]  }
0x363: {  	[sflag:s31] =	ssyncset.done $0x0  }
0x364: {  	[sflag:s31] =	ssyncadd.s32 $0xFFFFD8F0  }
0x365: {  	[tilespmem:s23], [sflag:$0x2] =	stream.linear.gather [hbm4b:s4+s1], $0x2710, $0x38;
	[tilespmem:$0x130B0] =	vst v63  }
0x366: {  	_ = 	snop  }
0x367: {  	[spmem:s8] =	stream.indirect.scatter.add.f32 [tilespmem:s29], [sflag:$0x4], $0x1, s26, s30, $0xb8;
	[tilespmem:$0x130B0] =	vst v63  }
0x368: {  	_ =	swait.ge [sflag:s21], $0x2710  }
0x369: {  	[sflag:s21] =	ssyncset.done $0x0  }
0x36a: {  	[sflag:s21] =	ssyncadd.s32 $0xFFFFD8F0  }
0x36b: {  	_ =	swait.ge [sflag:s28], $0x2710  }
0x36c: {  	s4 =	sld [smem:$0x7D3]  }
0x36d: {  	[sflag:s28] =	ssyncset.done $0x0  }
0x36e: {  	[sflag:s28] =	ssyncadd.s32 $0xFFFFD8F0  }
0x36f: {  	[tilespmem:s29], [sflag:$0x3] =	stream.linear.gather [hbm4b:s4+s1], $0x2710, $0x38;
	[tilespmem:$0x130B0] =	vst v63  }
0x370: {  	_ = 	snop  }
0x371: {  	[spmem:s15] =	stream.indirect.scatter.add.f32 [tilespmem:s23], [sflag:$0x4], $0x1, s26, s30, $0xb8;
	[tilespmem:$0x130B0] =	vst v63  }
0x372: {  	_ =	swait.ge [sflag:s21], $0x2710  }
0x373: {  	[sflag:s21] =	ssyncset.done $0x0  }
0x374: {  	[sflag:s21] =	ssyncadd.s32 $0xFFFFD8F0  }
0x375: {  	_ =	swait.ge [sflag:s31], $0x2710  }
0x376: {  	s4 =	sld [smem:$0x7D4]  }
0x377: {  	[sflag:s31] =	ssyncset.done $0x0  }
0x378: {  	[sflag:s31] =	ssyncadd.s32 $0xFFFFD8F0  }
0x379: {  	[tilespmem:s23], [sflag:$0x2] =	stream.linear.gather [hbm4b:s4+s1], $0x2710, $0x38;
	[tilespmem:$0x130B0] =	vst v63  }
0x37a: {  	_ = 	snop  }
0x37b: {  	[spmem:s22] =	stream.indirect.scatter.add.f32 [tilespmem:s29], [sflag:$0x4], $0x1, s26, s30, $0xb8;
	[tilespmem:$0x130B0] =	vst v63  }
0x37c: {  	_ =	swait.ge [sflag:s21], $0x2710  }
0x37d: {  	[sflag:s21] =	ssyncset.done $0x0  }
0x37e: {  	[sflag:s21] =	ssyncadd.s32 $0xFFFFD8F0  }
0x37f: {  	_ =	swait.ge [sflag:s28], $0x2710  }
0x380: {  	s4 =	sld [smem:$0x7D5]  }
0x381: {  	[sflag:s28] =	ssyncset.done $0x0  }
0x382: {  	[sflag:s28] =	ssyncadd.s32 $0xFFFFD8F0  }
0x383: {  	[tilespmem:s29], [sflag:$0x3] =	stream.linear.gather [hbm4b:s4+s1], $0x2710, $0x38;
	[tilespmem:$0x130B0] =	vst v63  }
0x384: {  	_ = 	snop  }
0x385: {  	[spmem:s25] =	stream.indirect.scatter.add.f32 [tilespmem:s23], [sflag:$0x4], $0x1, s26, s30, $0xb8;
	[tilespmem:$0x130B0] =	vst v63  }
0x386: {  	_ =	swait.ge [sflag:s21], $0x2710  }
0x387: {  	[sflag:s21] =	ssyncset.done $0x0  }
0x388: {  	[sflag:s21] =	ssyncadd.s32 $0xFFFFD8F0  }
0x389: {  	_ =	swait.ge [sflag:s31], $0x2710  }
0x38a: {  	s4 =	sld [smem:$0x7D7]  }
0x38b: {  	[sflag:s31] =	ssyncset.done $0x0  }
0x38c: {  	[sflag:s31] =	ssyncadd.s32 $0xFFFFD8F0  }
0x38d: {  	[tilespmem:s23], [sflag:$0x2] =	stream.linear.gather [hbm4b:s4+s1], $0x2710, $0x38;
	[tilespmem:$0x130B0] =	vst v63  }
0x38e: {  	_ = 	snop  }
0x38f: {  	[spmem:s2] =	stream.indirect.scatter.add.f32 [tilespmem:s29], [sflag:$0x4], $0x1, s26, s30, $0xb8;
	[tilespmem:$0x130B0] =	vst v63  }
0x390: {  	_ =	swait.ge [sflag:s21], $0x2710  }
0x391: {  	[sflag:s21] =	ssyncset.done $0x0  }
0x392: {  	[sflag:s21] =	ssyncadd.s32 $0xFFFFD8F0  }
0x393: {  	_ =	swait.ge [sflag:s24], $0x2710  }
0x394: {  	s4 =	sld [smem:$0x7DC]  }
0x395: {  	[sflag:s24] =	ssyncset.done $0x0  }
0x396: {  	[sflag:s24] =	ssyncadd.s32 $0xFFFFD8F0  }
0x397: {  	[tilespmem:s26], [sflag:$0x1] =	stream.linear.gather [hbm4b:s4+s1], $0x2710, $0x38;
	[tilespmem:$0x130B0] =	vst v63  }
0x398: {  	_ =	swait.ge [sflag:s28], $0x2710  }
0x399: {  	s4 =	sld [smem:$0x7D8]  }
0x39a: {  	[sflag:s28] =	ssyncset.done $0x0  }
0x39b: {  	[sflag:s28] =	ssyncadd.s32 $0xFFFFD8F0  }
0x39c: {  	[tilespmem:s29], [sflag:$0x3] =	stream.linear.gather [hbm4b:s4+s1], $0x2710, $0x38;
	[tilespmem:$0x130B0] =	vst v63  }
0x39d: {  	_ = 	snop  }
0x39e: {  	[spmem:s8] =	stream.indirect.scatter.add.f32 [tilespmem:s23], [sflag:$0x4], $0x1, s1, s30, $0xb8;
	[tilespmem:$0x130B0] =	vst v63  }
0x39f: {  	_ =	swait.ge [sflag:s21], $0x2710  }
0x3a0: {  	[sflag:s21] =	ssyncset.done $0x0  }
0x3a1: {  	[sflag:s21] =	ssyncadd.s32 $0xFFFFD8F0  }
0x3a2: {  	_ =	swait.ge [sflag:s31], $0x2710  }
0x3a3: {  	s4 =	sld [smem:$0x7D9]  }
0x3a4: {  	[sflag:s31] =	ssyncset.done $0x0  }
0x3a5: {  	[sflag:s31] =	ssyncadd.s32 $0xFFFFD8F0  }
0x3a6: {  	[tilespmem:s23], [sflag:$0x2] =	stream.linear.gather [hbm4b:s4+s1], $0x2710, $0x38;
	[tilespmem:$0x130B0] =	vst v63  }
0x3a7: {  	_ = 	snop  }
0x3a8: {  	[spmem:s15] =	stream.indirect.scatter.add.f32 [tilespmem:s29], [sflag:$0x4], $0x1, s1, s30, $0xb8;
	[tilespmem:$0x130B0] =	vst v63  }
0x3a9: {  	_ =	swait.ge [sflag:s21], $0x2710  }
0x3aa: {  	[sflag:s21] =	ssyncset.done $0x0  }
0x3ab: {  	[sflag:s21] =	ssyncadd.s32 $0xFFFFD8F0  }
0x3ac: {  	_ =	swait.ge [sflag:s28], $0x2710  }
0x3ad: {  	s4 =	sld [smem:$0x7DA]  }
0x3ae: {  	[sflag:s28] =	ssyncset.done $0x0  }
0x3af: {  	[sflag:s28] =	ssyncadd.s32 $0xFFFFD8F0  }
0x3b0: {  	[tilespmem:s29], [sflag:$0x3] =	stream.linear.gather [hbm4b:s4+s1], $0x2710, $0x38;
	[tilespmem:$0x130B0] =	vst v63  }
0x3b1: {  	_ = 	snop  }
0x3b2: {  	[spmem:s22] =	stream.indirect.scatter.add.f32 [tilespmem:s23], [sflag:$0x4], $0x1, s1, s30, $0xb8;
	[tilespmem:$0x130B0] =	vst v63  }
0x3b3: {  	_ =	swait.ge [sflag:s21], $0x2710  }
0x3b4: {  	[sflag:s21] =	ssyncset.done $0x0  }
0x3b5: {  	[sflag:s21] =	ssyncadd.s32 $0xFFFFD8F0  }
0x3b6: {  	_ =	swait.ge [sflag:s31], $0x2710  }
0x3b7: {  	s4 =	sld [smem:$0x7DB]  }
0x3b8: {  	[sflag:s31] =	ssyncset.done $0x0  }
0x3b9: {  	[sflag:s31] =	ssyncadd.s32 $0xFFFFD8F0  }
0x3ba: {  	[tilespmem:s23], [sflag:$0x2] =	stream.linear.gather [hbm4b:s4+s1], $0x2710, $0x38;
	[tilespmem:$0x130B0] =	vst v63  }
0x3bb: {  	_ = 	snop  }
0x3bc: {  	[spmem:s25] =	stream.indirect.scatter.add.f32 [tilespmem:s29], [sflag:$0x4], $0x1, s1, s30, $0xb8;
	[tilespmem:$0x130B0] =	vst v63  }
0x3bd: {  	_ =	swait.ge [sflag:s21], $0x2710  }
0x3be: {  	[sflag:s21] =	ssyncset.done $0x0  }
0x3bf: {  	[sflag:s21] =	ssyncadd.s32 $0xFFFFD8F0  }
0x3c0: {  	_ =	swait.ge [sflag:s28], $0x2710  }
0x3c1: {  	s4 =	sld [smem:$0x7DD]  }
0x3c2: {  	[sflag:s28] =	ssyncset.done $0x0  }
0x3c3: {  	[sflag:s28] =	ssyncadd.s32 $0xFFFFD8F0  }
0x3c4: {  	[tilespmem:s29], [sflag:$0x3] =	stream.linear.gather [hbm4b:s4+s1], $0x2710, $0x38;
	[tilespmem:$0x130B0] =	vst v63  }
0x3c5: {  	_ = 	snop  }
0x3c6: {  	[spmem:s2] =	stream.indirect.scatter.add.f32 [tilespmem:s23], [sflag:$0x4], $0x1, s1, s30, $0xb8;
	[tilespmem:$0x130B0] =	vst v63  }
0x3c7: {  	_ =	swait.ge [sflag:s21], $0x2710  }
0x3c8: {  	[sflag:s21] =	ssyncset.done $0x0  }
0x3c9: {  	[sflag:s21] =	ssyncadd.s32 $0xFFFFD8F0  }
0x3ca: {  	_ =	swait.ge [sflag:s24], $0x2710  }
0x3cb: {  	s4 =	sld [smem:$0x7E2]  }
0x3cc: {  	[sflag:s24] =	ssyncset.done $0x0  }
0x3cd: {  	[sflag:s24] =	ssyncadd.s32 $0xFFFFD8F0  }
0x3ce: {  	[tilespmem:s1], [sflag:$0x1] =	stream.linear.gather [hbm4b:s4+s1], $0x2710, $0x38;
	[tilespmem:$0x130B0] =	vst v63  }
0x3cf: {  	_ =	swait.ge [sflag:s31], $0x2710  }
0x3d0: {  	s4 =	sld [smem:$0x7DE]  }
0x3d1: {  	[sflag:s31] =	ssyncset.done $0x0  }
0x3d2: {  	[sflag:s31] =	ssyncadd.s32 $0xFFFFD8F0  }
0x3d3: {  	[tilespmem:s23], [sflag:$0x2] =	stream.linear.gather [hbm4b:s4+s1], $0x2710, $0x38;
	[tilespmem:$0x130B0] =	vst v63  }
0x3d4: {  	_ = 	snop  }
0x3d5: {  	[spmem:s8] =	stream.indirect.scatter.add.f32 [tilespmem:s29], [sflag:$0x4], $0x1, s26, s30, $0xb8;
	[tilespmem:$0x130B0] =	vst v63  }
0x3d6: {  	_ =	swait.ge [sflag:s21], $0x2710  }
0x3d7: {  	[sflag:s21] =	ssyncset.done $0x0  }
0x3d8: {  	[sflag:s21] =	ssyncadd.s32 $0xFFFFD8F0  }
0x3d9: {  	_ =	swait.ge [sflag:s28], $0x2710  }
0x3da: {  	s4 =	sld [smem:$0x7DF]  }
0x3db: {  	[sflag:s28] =	ssyncset.done $0x0  }
0x3dc: {  	[sflag:s28] =	ssyncadd.s32 $0xFFFFD8F0  }
0x3dd: {  	[tilespmem:s29], [sflag:$0x3] =	stream.linear.gather [hbm4b:s4+s1], $0x2710, $0x38;
	[tilespmem:$0x130B0] =	vst v63  }
0x3de: {  	_ = 	snop  }
0x3df: {  	[spmem:s15] =	stream.indirect.scatter.add.f32 [tilespmem:s23], [sflag:$0x4], $0x1, s26, s30, $0xb8;
	[tilespmem:$0x130B0] =	vst v63  }
0x3e0: {  	_ =	swait.ge [sflag:s21], $0x2710  }
0x3e1: {  	[sflag:s21] =	ssyncset.done $0x0  }
0x3e2: {  	[sflag:s21] =	ssyncadd.s32 $0xFFFFD8F0  }
0x3e3: {  	_ =	swait.ge [sflag:s31], $0x2710  }
0x3e4: {  	s4 =	sld [smem:$0x7E0]  }
0x3e5: {  	[sflag:s31] =	ssyncset.done $0x0  }
0x3e6: {  	[sflag:s31] =	ssyncadd.s32 $0xFFFFD8F0  }
0x3e7: {  	[tilespmem:s23], [sflag:$0x2] =	stream.linear.gather [hbm4b:s4+s1], $0x2710, $0x38;
	[tilespmem:$0x130B0] =	vst v63  }
0x3e8: {  	_ = 	snop  }
0x3e9: {  	[spmem:s22] =	stream.indirect.scatter.add.f32 [tilespmem:s29], [sflag:$0x4], $0x1, s26, s30, $0xb8;
	[tilespmem:$0x130B0] =	vst v63  }
0x3ea: {  	_ =	swait.ge [sflag:s21], $0x2710  }
0x3eb: {  	[sflag:s21] =	ssyncset.done $0x0  }
0x3ec: {  	[sflag:s21] =	ssyncadd.s32 $0xFFFFD8F0  }
0x3ed: {  	_ =	swait.ge [sflag:s28], $0x2710  }
0x3ee: {  	s4 =	sld [smem:$0x7E1]  }
0x3ef: {  	[sflag:s28] =	ssyncset.done $0x0  }
0x3f0: {  	[sflag:s28] =	ssyncadd.s32 $0xFFFFD8F0  }
0x3f1: {  	[tilespmem:s29], [sflag:$0x3] =	stream.linear.gather [hbm4b:s4+s1], $0x2710, $0x38;
	[tilespmem:$0x130B0] =	vst v63  }
0x3f2: {  	_ = 	snop  }
0x3f3: {  	[spmem:s25] =	stream.indirect.scatter.add.f32 [tilespmem:s23], [sflag:$0x4], $0x1, s26, s30, $0xb8;
	[tilespmem:$0x130B0] =	vst v63  }
0x3f4: {  	_ =	swait.ge [sflag:s21], $0x2710  }
0x3f5: {  	[sflag:s21] =	ssyncset.done $0x0  }
0x3f6: {  	[sflag:s21] =	ssyncadd.s32 $0xFFFFD8F0  }
0x3f7: {  	_ =	swait.ge [sflag:s31], $0x2710  }
0x3f8: {  	s4 =	sld [smem:$0x7E3]  }
0x3f9: {  	[sflag:s31] =	ssyncset.done $0x0  }
0x3fa: {  	[sflag:s31] =	ssyncadd.s32 $0xFFFFD8F0  }
0x3fb: {  	[tilespmem:s23], [sflag:$0x2] =	stream.linear.gather [hbm4b:s4+s1], $0x2710, $0x38;
	[tilespmem:$0x130B0] =	vst v63  }
0x3fc: {  	_ = 	snop  }
0x3fd: {  	[spmem:s2] =	stream.indirect.scatter.add.f32 [tilespmem:s29], [sflag:$0x4], $0x1, s26, s30, $0xb8;
	[tilespmem:$0x130B0] =	vst v63  }
0x3fe: {  	_ =	swait.ge [sflag:s21], $0x2710  }
0x3ff: {  	[sflag:s21] =	ssyncset.done $0x0  }
0x400: {  	[sflag:s21] =	ssyncadd.s32 $0xFFFFD8F0  }
0x401: {  	_ =	swait.ge [sflag:s24], $0x2710  }
0x402: {  	s4 =	sld [smem:$0x7E8]  }
0x403: {  	[sflag:s24] =	ssyncset.done $0x0  }
0x404: {  	[sflag:s24] =	ssyncadd.s32 $0xFFFFD8F0  }
0x405: {  	[tilespmem:s26], [sflag:$0x1] =	stream.linear.gather [hbm4b:s4+s1], $0x2710, $0x38;
	[tilespmem:$0x130B0] =	vst v63  }
0x406: {  	_ =	swait.ge [sflag:s28], $0x2710  }
0x407: {  	s4 =	sld [smem:$0x7E4]  }
0x408: {  	[sflag:s28] =	ssyncset.done $0x0  }
0x409: {  	[sflag:s28] =	ssyncadd.s32 $0xFFFFD8F0  }
0x40a: {  	[tilespmem:s29], [sflag:$0x3] =	stream.linear.gather [hbm4b:s4+s1], $0x2710, $0x38;
	[tilespmem:$0x130B0] =	vst v63  }
0x40b: {  	_ = 	snop  }
0x40c: {  	[spmem:s8] =	stream.indirect.scatter.add.f32 [tilespmem:s23], [sflag:$0x4], $0x1, s1, s30, $0xb8;
	[tilespmem:$0x130B0] =	vst v63  }
0x40d: {  	_ =	swait.ge [sflag:s21], $0x2710  }
0x40e: {  	[sflag:s21] =	ssyncset.done $0x0  }
0x40f: {  	[sflag:s21] =	ssyncadd.s32 $0xFFFFD8F0  }
0x410: {  	_ =	swait.ge [sflag:s31], $0x2710  }
0x411: {  	s4 =	sld [smem:$0x7E5]  }
0x412: {  	[sflag:s31] =	ssyncset.done $0x0  }
0x413: {  	[sflag:s31] =	ssyncadd.s32 $0xFFFFD8F0  }
0x414: {  	[tilespmem:s23], [sflag:$0x2] =	stream.linear.gather [hbm4b:s4+s1], $0x2710, $0x38;
	[tilespmem:$0x130B0] =	vst v63  }
0x415: {  	_ = 	snop  }
0x416: {  	[spmem:s15] =	stream.indirect.scatter.add.f32 [tilespmem:s29], [sflag:$0x4], $0x1, s1, s30, $0xb8;
	[tilespmem:$0x130B0] =	vst v63  }
0x417: {  	_ =	swait.ge [sflag:s21], $0x2710  }
0x418: {  	[sflag:s21] =	ssyncset.done $0x0  }
0x419: {  	[sflag:s21] =	ssyncadd.s32 $0xFFFFD8F0  }
0x41a: {  	_ =	swait.ge [sflag:s28], $0x2710  }
0x41b: {  	s4 =	sld [smem:$0x7E6]  }
0x41c: {  	[sflag:s28] =	ssyncset.done $0x0  }
0x41d: {  	[sflag:s28] =	ssyncadd.s32 $0xFFFFD8F0  }
0x41e: {  	[tilespmem:s29], [sflag:$0x3] =	stream.linear.gather [hbm4b:s4+s1], $0x2710, $0x38;
	[tilespmem:$0x130B0] =	vst v63  }
0x41f: {  	_ = 	snop  }
0x420: {  	[spmem:s22] =	stream.indirect.scatter.add.f32 [tilespmem:s23], [sflag:$0x4], $0x1, s1, s30, $0xb8;
	[tilespmem:$0x130B0] =	vst v63  }
0x421: {  	_ =	swait.ge [sflag:s21], $0x2710  }
0x422: {  	[sflag:s21] =	ssyncset.done $0x0  }
0x423: {  	[sflag:s21] =	ssyncadd.s32 $0xFFFFD8F0  }
0x424: {  	_ =	swait.ge [sflag:s31], $0x2710  }
0x425: {  	s4 =	sld [smem:$0x7E7]  }
0x426: {  	[sflag:s31] =	ssyncset.done $0x0  }
0x427: {  	[sflag:s31] =	ssyncadd.s32 $0xFFFFD8F0  }
0x428: {  	[tilespmem:s23], [sflag:$0x2] =	stream.linear.gather [hbm4b:s4+s1], $0x2710, $0x38;
	[tilespmem:$0x130B0] =	vst v63  }
0x429: {  	_ = 	snop  }
0x42a: {  	[spmem:s25] =	stream.indirect.scatter.add.f32 [tilespmem:s29], [sflag:$0x4], $0x1, s1, s30, $0xb8;
	[tilespmem:$0x130B0] =	vst v63  }
0x42b: {  	_ =	swait.ge [sflag:s21], $0x2710  }
0x42c: {  	[sflag:s21] =	ssyncset.done $0x0  }
0x42d: {  	[sflag:s21] =	ssyncadd.s32 $0xFFFFD8F0  }
0x42e: {  	_ =	swait.ge [sflag:s28], $0x2710  }
0x42f: {  	s4 =	sld [smem:$0x7E9]  }
0x430: {  	[sflag:s28] =	ssyncset.done $0x0  }
0x431: {  	[sflag:s28] =	ssyncadd.s32 $0xFFFFD8F0  }
0x432: {  	[tilespmem:s29], [sflag:$0x3] =	stream.linear.gather [hbm4b:s4+s1], $0x2710, $0x38;
	[tilespmem:$0x130B0] =	vst v63  }
0x433: {  	_ = 	snop  }
0x434: {  	[spmem:s2] =	stream.indirect.scatter.add.f32 [tilespmem:s23], [sflag:$0x4], $0x1, s1, s30, $0xb8;
	[tilespmem:$0x130B0] =	vst v63  }
0x435: {  	_ =	swait.ge [sflag:s21], $0x2710  }
0x436: {  	[sflag:s21] =	ssyncset.done $0x0  }
0x437: {  	[sflag:s21] =	ssyncadd.s32 $0xFFFFD8F0  }
0x438: {  	_ =	swait.ge [sflag:s24], $0x2710  }
0x439: {  	s4 =	sld [smem:$0x7F4]  }
0x43a: {  	[sflag:s24] =	ssyncset.done $0x0  }
0x43b: {  	[sflag:s24] =	ssyncadd.s32 $0xFFFFD8F0  }
0x43c: {  	[tilespmem:s1], [sflag:$0x1] =	stream.linear.gather [hbm4b:s4+s1], $0x2710, $0x38;
	[tilespmem:$0x130B0] =	vst v63  }
0x43d: {  	_ =	swait.ge [sflag:s31], $0x2710  }
0x43e: {  	s4 =	sld [smem:$0x7EA]  }
0x43f: {  	[sflag:s31] =	ssyncset.done $0x0  }
0x440: {  	[sflag:s31] =	ssyncadd.s32 $0xFFFFD8F0  }
0x441: {  	[tilespmem:s23], [sflag:$0x2] =	stream.linear.gather [hbm4b:s4+s1], $0x2710, $0x38;
	[tilespmem:$0x130B0] =	vst v63  }
0x442: {  	_ = 	snop  }
0x443: {  	[spmem:s8] =	stream.indirect.scatter.add.f32 [tilespmem:s29], [sflag:$0x4], $0x1, s26, s30, $0xb8;
	[tilespmem:$0x130B0] =	vst v63  }
0x444: {  	_ =	swait.ge [sflag:s21], $0x2710  }
0x445: {  	[sflag:s21] =	ssyncset.done $0x0  }
0x446: {  	[sflag:s21] =	ssyncadd.s32 $0xFFFFD8F0  }
0x447: {  	_ =	swait.ge [sflag:s28], $0x2710  }
0x448: {  	s4 =	sld [smem:$0x7EB]  }
0x449: {  	[sflag:s28] =	ssyncset.done $0x0  }
0x44a: {  	[sflag:s28] =	ssyncadd.s32 $0xFFFFD8F0  }
0x44b: {  	[tilespmem:s29], [sflag:$0x3] =	stream.linear.gather [hbm4b:s4+s1], $0x2710, $0x38;
	[tilespmem:$0x130B0] =	vst v63  }
0x44c: {  	_ = 	snop  }
0x44d: {  	[spmem:s15] =	stream.indirect.scatter.add.f32 [tilespmem:s23], [sflag:$0x4], $0x1, s26, s30, $0xb8;
	[tilespmem:$0x130B0] =	vst v63  }
0x44e: {  	_ =	swait.ge [sflag:s21], $0x2710  }
0x44f: {  	[sflag:s21] =	ssyncset.done $0x0  }
0x450: {  	[sflag:s21] =	ssyncadd.s32 $0xFFFFD8F0  }
0x451: {  	_ =	swait.ge [sflag:s31], $0x2710  }
0x452: {  	s4 =	sld [smem:$0x7EC]  }
0x453: {  	[sflag:s31] =	ssyncset.done $0x0  }
0x454: {  	[sflag:s31] =	ssyncadd.s32 $0xFFFFD8F0  }
0x455: {  	[tilespmem:s23], [sflag:$0x2] =	stream.linear.gather [hbm4b:s4+s1], $0x2710, $0x38;
	[tilespmem:$0x130B0] =	vst v63  }
0x456: {  	_ = 	snop  }
0x457: {  	[spmem:s22] =	stream.indirect.scatter.add.f32 [tilespmem:s29], [sflag:$0x4], $0x1, s26, s30, $0xb8;
	[tilespmem:$0x130B0] =	vst v63  }
0x458: {  	_ =	swait.ge [sflag:s21], $0x2710  }
0x459: {  	[sflag:s21] =	ssyncset.done $0x0  }
0x45a: {  	[sflag:s21] =	ssyncadd.s32 $0xFFFFD8F0  }
0x45b: {  	_ =	swait.ge [sflag:s28], $0x2710  }
0x45c: {  	s4 =	sld [smem:$0x7ED]  }
0x45d: {  	[sflag:s28] =	ssyncset.done $0x0  }
0x45e: {  	[sflag:s28] =	ssyncadd.s32 $0xFFFFD8F0  }
0x45f: {  	[tilespmem:s29], [sflag:$0x3] =	stream.linear.gather [hbm4b:s4+s1], $0x2710, $0x38;
	[tilespmem:$0x130B0] =	vst v63  }
0x460: {  	_ = 	snop  }
0x461: {  	[spmem:s25] =	stream.indirect.scatter.add.f32 [tilespmem:s23], [sflag:$0x4], $0x1, s26, s30, $0xb8;
	[tilespmem:$0x130B0] =	vst v63  }
0x462: {  	_ =	swait.ge [sflag:s21], $0x2710  }
0x463: {  	[sflag:s21] =	ssyncset.done $0x0  }
0x464: {  	[sflag:s21] =	ssyncadd.s32 $0xFFFFD8F0  }
0x465: {  	_ =	swait.ge [sflag:s31], $0x2710  }
0x466: {  	s4 =	sld [smem:$0x7F6]  }
0x467: {  	[sflag:s31] =	ssyncset.done $0x0  }
0x468: {  	[sflag:s31] =	ssyncadd.s32 $0xFFFFD8F0  }
0x469: {  	[tilespmem:s23], [sflag:$0x2] =	stream.linear.gather [hbm4b:s4+s1], $0x2710, $0x38;
	[tilespmem:$0x130B0] =	vst v63  }
0x46a: {  	_ = 	snop  }
0x46b: {  	[spmem:s2] =	stream.indirect.scatter.add.f32 [tilespmem:s29], [sflag:$0x4], $0x1, s26, s30, $0xb8;
	[tilespmem:$0x130B0] =	vst v63  }
0x46c: {  	_ =	swait.ge [sflag:s21], $0x2710  }
0x46d: {  	[sflag:s21] =	ssyncset.done $0x0  }
0x46e: {  	[sflag:s21] =	ssyncadd.s32 $0xFFFFD8F0  }
0x46f: {  	_ =	swait.ge [sflag:s24], $0x2710  }
0x470: {  	s4 =	sld [smem:$0x7F5]  }
0x471: {  	[sflag:s24] =	ssyncset.done $0x0  }
0x472: {  	[sflag:s24] =	ssyncadd.s32 $0xFFFFD8F0  }
0x473: {  	[tilespmem:s26], [sflag:$0x1] =	stream.linear.gather [hbm4b:s4+s1], $0x2710, $0x38;
	[tilespmem:$0x130B0] =	vst v63  }
0x474: {  	_ =	swait.ge [sflag:s28], $0x2710  }
0x475: {  	s4 =	sld [smem:$0x7F7]  }
0x476: {  	[sflag:s28] =	ssyncset.done $0x0  }
0x477: {  	[sflag:s28] =	ssyncadd.s32 $0xFFFFD8F0  }
0x478: {  	[tilespmem:s29], [sflag:$0x3] =	stream.linear.gather [hbm4b:s4+s1], $0x2710, $0x38;
	[tilespmem:$0x130B0] =	vst v63  }
0x479: {  	_ = 	snop  }
0x47a: {  	[spmem:s8] =	stream.indirect.scatter.add.f32 [tilespmem:s23], [sflag:$0x4], $0x1, s1, s30, $0xb8;
	[tilespmem:$0x130B0] =	vst v63  }
0x47b: {  	_ =	swait.ge [sflag:s21], $0x2710  }
0x47c: {  	[sflag:s21] =	ssyncset.done $0x0  }
0x47d: {  	[sflag:s21] =	ssyncadd.s32 $0xFFFFD8F0  }
0x47e: {  	_ =	swait.ge [sflag:s31], $0x2710  }
0x47f: {  	s4 =	sld [smem:$0x7F8]  }
0x480: {  	[sflag:s31] =	ssyncset.done $0x0  }
0x481: {  	[sflag:s31] =	ssyncadd.s32 $0xFFFFD8F0  }
0x482: {  	[tilespmem:s23], [sflag:$0x2] =	stream.linear.gather [hbm4b:s4+s1], $0x2710, $0x38;
	[tilespmem:$0x130B0] =	vst v63  }
0x483: {  	_ = 	snop  }
0x484: {  	[spmem:s15] =	stream.indirect.scatter.add.f32 [tilespmem:s29], [sflag:$0x4], $0x1, s1, s30, $0xb8;
	[tilespmem:$0x130B0] =	vst v63  }
0x485: {  	_ =	swait.ge [sflag:s21], $0x2710  }
0x486: {  	[sflag:s21] =	ssyncset.done $0x0  }
0x487: {  	[sflag:s21] =	ssyncadd.s32 $0xFFFFD8F0  }
0x488: {  	_ =	swait.ge [sflag:s28], $0x2710  }
0x489: {  	s4 =	sld [smem:$0x7F9]  }
0x48a: {  	[sflag:s28] =	ssyncset.done $0x0  }
0x48b: {  	[sflag:s28] =	ssyncadd.s32 $0xFFFFD8F0  }
0x48c: {  	[tilespmem:s29], [sflag:$0x3] =	stream.linear.gather [hbm4b:s4+s1], $0x2710, $0x38;
	[tilespmem:$0x130B0] =	vst v63  }
0x48d: {  	_ = 	snop  }
0x48e: {  	[spmem:s22] =	stream.indirect.scatter.add.f32 [tilespmem:s23], [sflag:$0x4], $0x1, s1, s30, $0xb8;
	[tilespmem:$0x130B0] =	vst v63  }
0x48f: {  	_ =	swait.ge [sflag:s21], $0x2710  }
0x490: {  	[sflag:s21] =	ssyncset.done $0x0  }
0x491: {  	[sflag:s21] =	ssyncadd.s32 $0xFFFFD8F0  }
0x492: {  	_ =	swait.ge [sflag:s31], $0x2710  }
0x493: {  	s4 =	sld [smem:$0x7FA]  }
0x494: {  	[sflag:s31] =	ssyncset.done $0x0  }
0x495: {  	[sflag:s31] =	ssyncadd.s32 $0xFFFFD8F0  }
0x496: {  	[tilespmem:s23], [sflag:$0x2] =	stream.linear.gather [hbm4b:s4+s1], $0x2710, $0x38;
	[tilespmem:$0x130B0] =	vst v63  }
0x497: {  	_ = 	snop  }
0x498: {  	[spmem:s25] =	stream.indirect.scatter.add.f32 [tilespmem:s29], [sflag:$0x4], $0x1, s1, s30, $0xb8;
	[tilespmem:$0x130B0] =	vst v63  }
0x499: {  	_ =	swait.ge [sflag:s21], $0x2710  }
0x49a: {  	[sflag:s21] =	ssyncset.done $0x0  }
0x49b: {  	[sflag:s21] =	ssyncadd.s32 $0xFFFFD8F0  }
0x49c: {  	_ =	swait.ge [sflag:s28], $0x2710  }
0x49d: {  	s4 =	sld [smem:$0x7FB]  }
0x49e: {  	[sflag:s28] =	ssyncset.done $0x0  }
0x49f: {  	[sflag:s28] =	ssyncadd.s32 $0xFFFFD8F0  }
0x4a0: {  	[tilespmem:s29], [sflag:$0x3] =	stream.linear.gather [hbm4b:s4+s1], $0x2710, $0x38;
	[tilespmem:$0x130B0] =	vst v63  }
0x4a1: {  	_ = 	snop  }
0x4a2: {  	[spmem:s2] =	stream.indirect.scatter.add.f32 [tilespmem:s23], [sflag:$0x4], $0x1, s1, s30, $0xb8;
	[tilespmem:$0x130B0] =	vst v63  }
0x4a3: {  	_ =	swait.ge [sflag:s21], $0x2710  }
0x4a4: {  	[sflag:s21] =	ssyncset.done $0x0  }
0x4a5: {  	[sflag:s21] =	ssyncadd.s32 $0xFFFFD8F0  }
0x4a6: {  	_ =	swait.ge [sflag:s24], $0x2710  }
0x4a7: {  	[sflag:s24] =	ssyncset.done $0x0  }
0x4a8: {  	[sflag:s24] =	ssyncadd.s32 $0xFFFFD8F0  }
0x4a9: {  	_ =	swait.ge [sflag:s31], $0x2710  }
0x4aa: {  	s4 =	sld [smem:$0x7FC]  }
0x4ab: {  	[sflag:s31] =	ssyncset.done $0x0  }
0x4ac: {  	[sflag:s31] =	ssyncadd.s32 $0xFFFFD8F0  }
0x4ad: {  	[tilespmem:s23], [sflag:$0x2] =	stream.linear.gather [hbm4b:s4+s1], $0x2710, $0x38;
	[tilespmem:$0x130B0] =	vst v63  }
0x4ae: {  	_ = 	snop  }
0x4af: {  	[spmem:s8] =	stream.indirect.scatter.add.f32 [tilespmem:s29], [sflag:$0x4], $0x1, s26, s30, $0xb8;
	[tilespmem:$0x130B0] =	vst v63  }
0x4b0: {  	_ =	swait.ge [sflag:s21], $0x2710  }
0x4b1: {  	[sflag:s21] =	ssyncset.done $0x0  }
0x4b2: {  	[sflag:s21] =	ssyncadd.s32 $0xFFFFD8F0  }
0x4b3: {  	_ =	swait.ge [sflag:s28], $0x2710  }
0x4b4: {  	s4 =	sld [smem:$0x7FD]  }
0x4b5: {  	[sflag:s28] =	ssyncset.done $0x0  }
0x4b6: {  	[sflag:s28] =	ssyncadd.s32 $0xFFFFD8F0  }
0x4b7: {  	[tilespmem:s29], [sflag:$0x3] =	stream.linear.gather [hbm4b:s4+s1], $0x2710, $0x38;
	[tilespmem:$0x130B0] =	vst v63  }
0x4b8: {  	_ = 	snop  }
0x4b9: {  	[spmem:s15] =	stream.indirect.scatter.add.f32 [tilespmem:s23], [sflag:$0x4], $0x1, s26, s30, $0xb8;
	[tilespmem:$0x130B0] =	vst v63  }
0x4ba: {  	_ =	swait.ge [sflag:s21], $0x2710  }
0x4bb: {  	[sflag:s21] =	ssyncset.done $0x0  }
0x4bc: {  	[sflag:s21] =	ssyncadd.s32 $0xFFFFD8F0  }
0x4bd: {  	_ =	swait.ge [sflag:s31], $0x2710  }
0x4be: {  	[sflag:s31] =	ssyncset.done $0x0  }
0x4bf: {  	[sflag:s31] =	ssyncadd.s32 $0xFFFFD8F0  }
0x4c0: {  	[tilespmem:s23], [sflag:$0x2] =	stream.linear.gather [hbm4b:s5+s1], $0x2710, $0x38;
	[tilespmem:$0x130B0] =	vst v63  }
0x4c1: {  	_ = 	snop  }
0x4c2: {  	[spmem:s22] =	stream.indirect.scatter.add.f32 [tilespmem:s29], [sflag:$0x4], $0x1, s26, s30, $0xb8;
	[tilespmem:$0x130B0] =	vst v63  }
0x4c3: {  	_ =	swait.ge [sflag:s21], $0x2710  }
0x4c4: {  	[sflag:s21] =	ssyncset.done $0x0  }
0x4c5: {  	[sflag:s21] =	ssyncadd.s32 $0xFFFFD8F0  }
0x4c6: {  	_ =	swait.ge [sflag:s28], $0x2710  }
0x4c7: {  	[sflag:s28] =	ssyncset.done $0x0  }
0x4c8: {  	[sflag:s28] =	ssyncadd.s32 $0xFFFFD8F0  }
0x4c9: {  	[tilespmem:s29], [sflag:$0x3] =	stream.linear.gather [hbm4b:s6+s1], $0x2710, $0x38;
	[tilespmem:$0x130B0] =	vst v63  }
0x4ca: {  	_ = 	snop  }
0x4cb: {  	[spmem:s25] =	stream.indirect.scatter.add.f32 [tilespmem:s23], [sflag:$0x4], $0x1, s26, s30, $0xb8;
	[tilespmem:$0x130B0] =	vst v63  }
0x4cc: {  	_ =	swait.ge [sflag:s21], $0x2710  }
0x4cd: {  	[sflag:s21] =	ssyncset.done $0x0  }
0x4ce: {  	[sflag:s21] =	ssyncadd.s32 $0xFFFFD8F0  }
0x4cf: {  	_ =	swait.ge [sflag:s31], $0x2710  }
0x4d0: {  	[sflag:s31] =	ssyncset.done $0x0  }
0x4d1: {  	[sflag:s31] =	ssyncadd.s32 $0xFFFFD8F0  }
0x4d2: {  	[spmem:s2] =	stream.indirect.scatter.add.f32 [tilespmem:s29], [sflag:$0x4], $0x1, s26, s30, $0xb8;
	[tilespmem:$0x130B0] =	vst v63  }
0x4d3: {  	_ =	swait.ge [sflag:s21], $0x2710  }
0x4d4: {  	[sflag:s21] =	ssyncset.done $0x0  }
0x4d5: {  	[sflag:s21] =	ssyncadd.s32 $0xFFFFD8F0  }
0x4d6: {  	[bflag:$0x0] =	sbarrier.arrive $0xFFFF  }
0x4d7: {  	[tilespmem:s20], [sflag:$0x4] =	stream.linear.gather [spmem:s7], $0x1870, $0x38;
	[tilespmem:$0x130B0] =	vst v63  }
0x4d8: {  	_ =	swait.ge [sflag:s21], $0x1870  }
0x4d9: {  	[sflag:s21] =	ssyncset.done $0x0  }
0x4da: {  	[sflag:s21] =	ssyncadd.s32 $0xFFFFE790  }
0x4db: {  	[hbm4b:s13+s1] =	stream.linear.scatter [tilespmem:s20], [sflag:$0x4], $0x1870, $0x38;
	[tilespmem:$0x130B0] =	vst v63  }
0x4dc: {  	_ =	swait.ge [sflag:s21], $0x1870  }
0x4dd: {  	[sflag:s21] =	ssyncset.done $0x0  }
0x4de: {  	[sflag:s21] =	ssyncadd.s32 $0xFFFFE790  }
0x4df: {  	[tilespmem:s20], [sflag:$0x4] =	stream.linear.gather [spmem:s9], $0x1870, $0x38;
	[tilespmem:$0x130B0] =	vst v63  }
0x4e0: {  	_ =	swait.ge [sflag:s21], $0x1870  }
0x4e1: {  	[sflag:s21] =	ssyncset.done $0x0  }
0x4e2: {  	[sflag:s21] =	ssyncadd.s32 $0xFFFFE790  }
0x4e3: {  	[hbm4b:s14+s1] =	stream.linear.scatter [tilespmem:s20], [sflag:$0x4], $0x1870, $0x38;
	[tilespmem:$0x130B0] =	vst v63  }
0x4e4: {  	_ =	swait.ge [sflag:s21], $0x1870  }
0x4e5: {  	[sflag:s21] =	ssyncset.done $0x0  }
0x4e6: {  	[sflag:s21] =	ssyncadd.s32 $0xFFFFE790  }
0x4e7: {  	[tilespmem:s20], [sflag:$0x4] =	stream.linear.gather [spmem:s10], $0x1870, $0x38;
	[tilespmem:$0x130B0] =	vst v63  }
0x4e8: {  	_ =	swait.ge [sflag:s21], $0x1870  }
0x4e9: {  	[sflag:s21] =	ssyncset.done $0x0  }
0x4ea: {  	[sflag:s21] =	ssyncadd.s32 $0xFFFFE790  }
0x4eb: {  	[hbm4b:s16+s1] =	stream.linear.scatter [tilespmem:s20], [sflag:$0x4], $0x1870, $0x38;
	[tilespmem:$0x130B0] =	vst v63  }
0x4ec: {  	_ =	swait.ge [sflag:s21], $0x1870  }
0x4ed: {  	[sflag:s21] =	ssyncset.done $0x0  }
0x4ee: {  	[sflag:s21] =	ssyncadd.s32 $0xFFFFE790  }
0x4ef: {  	[tilespmem:s20], [sflag:$0x4] =	stream.linear.gather [spmem:s11], $0x1870, $0x38;
	[tilespmem:$0x130B0] =	vst v63  }
0x4f0: {  	_ =	swait.ge [sflag:s21], $0x1870  }
0x4f1: {  	[sflag:s21] =	ssyncset.done $0x0  }
0x4f2: {  	[sflag:s21] =	ssyncadd.s32 $0xFFFFE790  }
0x4f3: {  	[hbm4b:s17+s1] =	stream.linear.scatter [tilespmem:s20], [sflag:$0x4], $0x1870, $0x38;
	[tilespmem:$0x130B0] =	vst v63  }
0x4f4: {  	_ =	swait.ge [sflag:s21], $0x1870  }
0x4f5: {  	[sflag:s21] =	ssyncset.done $0x0  }
0x4f6: {  	[sflag:s21] =	ssyncadd.s32 $0xFFFFE790  }
0x4f7: {  	[tilespmem:s20], [sflag:$0x4] =	stream.linear.gather [spmem:s12], $0x1870, $0x38;
	[tilespmem:$0x130B0] =	vst v63  }
0x4f8: {  	s0 =	sadd.s32 $0x1, s0;
	_ =	swait.ge [sflag:s21], $0x1870  }
0x4f9: {  	p0 =	sne.s32 s0, s19;
	[sflag:s21] =	ssyncset.done $0x0  }
.Ltmp1:
0x4fa: {  	[sflag:s21] =	ssyncadd.s32 $0xFFFFE790;
	(pc) =	sbr.rel @p0 .LBB2_1-.Ltmp1, $4  }
0x4fb: {  	[hbm4b:s18+s1] =	stream.linear.scatter [tilespmem:s20], [sflag:$0x4], $0x1870, $0x38;
	[tilespmem:$0x130B0] =	vst v63  }
0x4fc: {  	_ =	swait.ge [sflag:s21], $0x1870  }
0x4fd: {  	[sflag:s21] =	ssyncset.done $0x0  }
0x4fe: {  	[sflag:s21] =	ssyncadd.s32 $0xFFFFE790  }
0x4ff: {  	_ =	sfence.sel $0x180000  }
0x500: {  	[bflag:$0x0] =	sbarrier.arrive $0xFFFF  }
0x501: {  	_ =	strace $0x9000004D  }
0x502: {  	s0 =	stileid.u32;
	[bflag:$0x2] =	sbarrier.arrive $0xFFFF  }
0x503: {  	p0 =	sne.s32 s0, $0x0;
	s0 =	rddreg [dreg:$0x7]  }
0x504: {  	s0 =	sadd.s32 @!p0 $0x100000, s0  }
0x505: {  	[sflag:s0] =	ssyncadd.tile.s32 @!p0 $0x1;
	_ =	shalt  }
.Lfunc_end2:
_tile_overlayer_lowered:
.L_overlay_start_2:
0x506: {  	(tag) =	ssettag $0x2  }
0x507: {  	s0 =	rddreg [dreg:$0x0];
	s2 =	stileid.u32  }
0x508: {  	s1 =	rddreg [dreg:$0x1];
	p0 =	sne.s32 s2, $0x0  }
0x509: {  	s3 =	rddreg [dreg:$0x2];
	[bflag:$0x3] =	sbarrier.arrive $0xFFFF;
	s2 =	simm.s32 @!p0 $0x1C04  }
0x50a: {  	[timem:s3], [sflag:s2] =	dma.local @!p0 [hbm:s0], s1  }
0x50b: {  	s0 =	simm.s32 @!p0 $0x4  }
0x50c: {  	_ =	swait.ge @!p0 [sflag:s0], s1  }
0x50d: {  	s1 =	ssub.s32 @!p0 $0x0, s1;
	[sflag:s0] =	ssyncset.done @!p0 $0x0  }
0x50e: {  	[sflag:s0] =	ssyncadd.s32 @!p0 s1  }
0x50f: {  	[bflag:$0x3] =	sbarrier.arrive $0xFFFF  }
0x510: {  	_ =	shalt  }

// kernel: sparse-core-data-format-call.cloned.1.call-start
scs
called_computation_lowered:
.L_overlay_start_0:
0x0: {  	s2 =	sld [smem:$0x3FD9]  }
0x1: {  	s3 =	sld [smem:$0x3FFE];
	_ =	sdelay $0x1  }
0x2: {  	s1 =	srdreg.scid  }
0x3: {  	s0 =	sand.u32 $0x1, s1  }
0x4: {  	s18 =	sshll.u32 s0, $0xA;
	s2 =	sadd.s32 s3, s2  }
0x5: {  	s2 =	sadd.s32 s2, s18  }
0x6: {  	[smem:$0x3FC4] =	sst s2  }
0x7: {  	_ = 	snop  }
0x8: {  	s2 =	sld [smem:$0x3FC9];
	(tm) =	ssettm $0x1  }
0x9: {  	s19 =	sld [smem:$0x3FFB];
	_ =	sdelay $0x3  }
0xa: {  	_ =	strace s19  }
0xb: {  	s3 =	sld [smem:$0x3FFC];
	_ =	sdelay $0x3  }
0xc: {  	_ =	strace s3  }
0xd: {  	s3 =	sld [smem:$0x3FFD];
	_ =	sdelay $0x3  }
0xe: {  	_ =	strace s3  }
0xf: {  	_ =	strace $0x8FFFFFFF  }
0x10: {  	s20 =	sld [smem:$0x3FDB];
	_ =	sdelay $0x1  }
0x11: {  	s4 =	simm.s32 $_scs_section_size  }
0x12: {  	s5 =	simm.s32 $_size__tile_overlayer_lowered;
	s6 =	simm.s32 $_tile_overlayer_lowered  }
0x13: {  	s23 =	simm.s32 $0x1BFF;
	s22 =	sshll.u32 s6, $0x1;
	s3 =	sadd.s32 s4, s20  }
0x14: {  	s7 =	simm.s32 $0x0;
	s21 =	sshll.u32 s5, $0x1;
	s5 =	sadd.s32 s22, s3  }
0x15: {  	[timem:s7], [sflag:s23] =	dma.local [hbm:s5], s21  }
0x16: {  	_ =	swait.ge [sflag:s23], s21  }
0x17: {  	s4 =	ssub.s32 $0x0, s21;
	[sflag:s23] =	ssyncset.done $0x0  }
0x18: {  	[sflag:s23] =	ssyncadd.s32 s4;
	_ =	sdelay $0x1  }
0x19: {  	s24 =	simm.s32 $0x1B8B  }
0x1a: {  	_ =	swait.ge [sflag:s24], $0x1  }
0x1b: {  	[sflag:s24] =	ssyncset.done $0x0  }
0x1c: {  	s26 =	simm.s32 $0x1B8E;
	s25 =	sld [smem:$0x3FFE];
	[sflag:s24] =	ssyncadd.s32 $0xFFFFFFFF  }
0x1d: {  	s27 =	simm.s32 $execute0_lowered;
	[smem:$0x3FD2] =	sst s26  }
0x1e: {  	s5 =	sshll.u32 s27, $0x1;
	_ =	strace $0x80000046;
	[dreg:$0x1] =	wrdreg $0xFFFFFFFF  }
0x1f: {  	s28 =	simm.s32 $_size_execute0_lowered;
	s3 =	sadd.s32 s3, s5;
	[dreg:$0x0] =	wrdreg $0x0  }
0x20: {  	s5 =	sshll.u32 s28, $0x1;
	[dreg:$0x2] =	wrdreg s3  }
0x21: {  	[dreg:$0x3] =	wrdreg s5  }
0x22: {  	[dreg:$0x4] =	wrdreg $0xC0  }
0x23: {  	_ =	task [dreg:s7], $0x5FFFF  }
0x24: {  	[dreg:$0x1] =	wrdreg $0xFFFFFFFF  }
0x25: {  	[dreg:$0x0] =	wrdreg $0x60  }
0x26: {  	[dreg:$0x2] =	wrdreg s2  }
0x27: {  	[dreg:$0x3] =	wrdreg s25  }
0x28: {  	[dreg:$0x4] =	wrdreg $0xA  }
0x29: {  	_ =	task.clear_ibuf [dreg:s7], $0x5FFFF;
	_ =	strace $0x90000046  }
0x2a: {  	s29 =	simm.s32 $0xA;
	_ =	strace $0x80000048  }
0x2b: {  	_ =	swait.ge [sflag:s29], $0x1  }
0x2c: {  	[sflag:s29] =	ssyncadd.s32 $0xFFFFFFFF  }
0x2d: {  	_ =	strace $0x90000048  }
0x2e: {  	_ =	sfence  }
0x2f: {  	s30 =	sld [smem:$0x0];
	_ =	sdelay $0x2  }
0x30: {  	s31 =	sshll.u32 s1, $0xD;
	s1 =	sshrl.u32 s1, $0x2  }
0x31: {  	s3 =	sand.u32 $0x4000, s31;
	s1 =	sadd.s32 s1, s30  }
0x32: {  	s0 =	sor.u32 s3, s0;
	s1 =	sshll.u32 s1, $0x11  }
0x33: {  	s0 =	sor.u32 s1, s0  }
0x34: {  	s0 =	sadd.s32 $0x8F2B, s0  }
0x35: {  	[sflag:s0] =	ssyncadd.remote.s32 $0x1  }
0x36: {  	_ =	sfence.sel $0xFFFF  }
0x37: {  	[dreg:$0x0] =	wrdreg $0xFFFFFFFF;
	(pc) =	sbr.abs _section_cstart, $3  }
0x38: {  	[dreg:$0x1] =	wrdreg $0xFFFFFFFF  }
0x39: {  	_ =	task.clear_ibuf [dreg:s7], $0x2FFFF;
	_ =	strace $0x9FFFFFFF  }
0x3a: {  	(tm) =	ssettm $0x7FFFFFFF  }
0x3b: {  	_ =	shalt  }
tec
execute0_lowered:
.L_overlay_start_1:
0x0: {  	(tag) =	ssettag $0x1  }
0x1: {  	s2 =	rddreg [dreg:$0x0]  }
0x2: {  	s0 =	srdreg.scid;
	s5 =	rddreg [dreg:$0x1];
	s31 =	simm.s32 $0x2  }
0x3: {  	s8 =	simm.s32 $0x0;
	s9 =	simm.s32 $0x0;
	s1 =	sshll.u32 s0, $0x4  }
0x4: {  	s16 =	simm.s32 $0x0;
	s0 =	stileid.u32;
	s1 =	sand.u32 $0x10, s1  }
0x5: {  	s15 =	simm.s32 $0x0;
	s10 =	simm.s32 $0x0;
	s1 =	sor.u32 s0, s1  }
0x6: {  	s11 =	simm.s32 $0x0;
	s12 =	simm.s32 $0x0;
	s3 =	sshll.u32 s1, $0x7  }
.Ltmp0:
0x7: {  	s14 =	simm.s32 $0x0;
	s4 =	ssub.s32 $0xC300, s3;
	(pc) =	sbr.rel .LBB1_1-.Ltmp0, $4  }
0x8: {  	s23 =	simm.s32 $0x0;
	s1 =	rddreg [dreg:$0x2];
	s6 =	sshrl.u32 s4, $0xC  }
0x9: {  	_ =	strace $0x80000047;
	s4 =	simm.s32 $0x1;
	s7 =	smul.u32 $0x5, s6  }
0xa: {  	s5 =	sadd.s32 $0x1400, s5;
	s13 =	smov.u32 s3;
	[sflag:s4] =	ssyncpa.u1 $0x0  }
0xb: {  	[sflag:s31] =	ssyncpa.u1 $0x0;
	s6 =	sadd.s32 $0x5, s7;
	s7 =	sadd.s32 $0x6, s7  }
.LBB1_11:
0xc: {  	s20 =	sand.u32 $0x1FFFFFF, s11;
	p0 =	sgt.s32 s10, $0x4;
	s21 =	smov.u32 s10  }
0xd: {  	s22 =	smulhi.u32 $0x14F8B59, s20;
	s21 =	simm.s32 @!p0 $0x4  }
0xe: {  	s17 =	sadd.s32 s17, s21  }
0xf: {  	s27 =	sshrl.u32 s22, $0x8;
	s28 =	sadd.s32 $0xFFFFFFFC, s17  }
0x10: {  	s17 =	ssub.s32 $0x5, s17;
	s21 =	smul.u32 $0xC350, s27;
	p0 =	sgt.s32 s28, $0x0  }
0x11: {  	s29 =	smul.u32 $0xC3500, s10;
	s17 =	simm.s32 @p0 $0x0  }
0x12: {  	s20 =	ssub.s32 s20, s21;
	s17 =	smul.u32 s17, s18  }
0x13: {  	s31 =	sadd.s32 s5, s29;
	s30 =	sshll.u32 s20, $0x4  }
0x14: {  	s19 =	sor.u32 $0x8000, s19;
	s17 =	sand.u32 $0x3FFFFF80, s17;
	s18 =	sadd.s32 s30, s31  }
0x15: {  	[hbm4b:s18+s8] =	stream.linear.scatter [tilespmem:s19], [sflag:$0x2], s17, $0x38;
	[tilespmem:$0x10000] =	vst v63  }
.LBB1_12:
0x16: {  	p0 =	slt.u32 s14, $0x2  }
0x17: {  	p1 =	sgt.s32 @!p0 s16, $0x4  }
0x18: {  	s17 =	smov.u32 s16;
	s18 =	sshra.s32 @!p0 s16, $0x1F;
	p1 =	por !p1, p0  }
0x19: {  	s19 =	sshra.s32 @!p0 s15, $0x1F;
	s17 =	simm.s32 @p1 $0x4;
	p1 =	sgt.s32 @!p0 s15, $0xC2D0  }
0x1a: {  	s16 =	sand.u32 @!p0 s18, s16;
	s18 =	smov.u32 s15;
	p1 =	por !p1, p0  }
0x1b: {  	s15 =	sand.u32 @!p0 s19, s15;
	s18 =	simm.s32 @p1 $0xC2D0  }
0x1c: {  	s19 =	smov.u32 s13;
	s16 =	ssub.s32 @!p0 s17, s16;
	s15 =	ssub.s32 @!p0 s18, s15  }
0x1d: {  	s17 =	sadd.s32 @!p0 $0xFFFFFFFC, s16;
	s16 =	ssub.s32 @!p0 $0x5, s16;
	s15 =	sadd.s32 @!p0 $0xFFFF3D30, s15  }
0x1e: {  	p1 =	sgt.s32 @!p0 s17, $0x0;
	p2 =	sgt.s32 @!p0 s15, $0x7F;
	s15 =	sshll.u32 @!p0 s15, $0x7  }
0x1f: {  	p1 =	por !p1, p0;
	s15 =	ssub.s32 @!p0 $0x4000, s15;
	p2 =	por !p2, p0  }
0x20: {  	s17 =	sadd.s32 $0x1, s12;
	s16 =	simm.s32 @!p1 $0x0;
	s15 =	simm.s32 @!p2 $0x0  }
0x21: {  	p1 =	sgt.s32 s17, $0x4;
	s15 =	smul.u32 @!p0 s16, s15;
	s16 =	sadd.s32 $0x1000, s13  }
0x22: {  	s19 =	smov.u32 @p1 s16  }
0x23: {  	s17 =	simm.s32 @p1 $0x0;
	p1 =	sgt.s32 s19, $0xC34F  }
0x24: {  	s19 =	smov.u32 @p1 s3;
	p1 =	sne.s32 s14, s7  }
.Ltmp1:
0x25: {  	s9 =	sadd.s32 $0x4000, s9;
	s18 =	simm.s32 @!p0 $0x2;
	(pc) =	sbr.rel @!p1 .LBB1_13-.Ltmp1, $4  }
0x26: {  	s16 =	smov.u32 s10;
	s10 =	smov.u32 s12;
	s15 =	sand.u32 @!p0 $0x3FFFFF80, s15  }
0x27: {  	s12 =	smov.u32 s17;
	_ =	swait.ge @!p0 [sflag:s18], s15;
	s20 =	ssub.s32 @!p0 $0x0, s15  }
0x28: {  	s15 =	smov.u32 s11;
	s14 =	sadd.s32 $0x1, s14;
	[sflag:s18] =	ssyncset.done @!p0 $0x0  }
0x29: {  	s11 =	smov.u32 s13;
	s13 =	smov.u32 s19;
	[sflag:s18] =	ssyncadd.s32 @!p0 s20  }
.LBB1_1:
0x2a: {  	p0 =	sge.u32 s14, s6  }
0x2b: {  	p1 =	sgt.s32 @!p0 s13, $0xC2D0  }
0x2c: {  	s17 =	smov.u32 s13;
	s19 =	smov.u32 s12;
	p1 =	por !p1, p0  }
0x2d: {  	s18 =	sshra.s32 @!p0 s13, $0x1F;
	s17 =	simm.s32 @p1 $0xC2D0;
	p1 =	sgt.s32 @!p0 s12, $0x7  }
0x2e: {  	s20 =	sshra.s32 @!p0 s12, $0x1F;
	s18 =	sand.u32 @!p0 s18, s13;
	p1 =	por !p1, p0  }
0x2f: {  	s17 =	ssub.s32 @!p0 s17, s18;
	s18 =	sand.u32 @!p0 s20, s12;
	s19 =	simm.s32 @p1 $0x7  }
0x30: {  	s20 =	sshll.u32 @!p0 s12, $0x4;
	s17 =	sadd.s32 @!p0 $0xFFFF3D30, s17;
	s18 =	ssub.s32 @!p0 s19, s18  }
0x31: {  	p1 =	sgt.s32 @!p0 s17, $0x7F;
	s17 =	sshll.u32 @!p0 s17, $0x7;
	s19 =	sadd.s32 @!p0 $0xFFFFFFF9, s18  }
0x32: {  	s18 =	ssub.s32 @!p0 $0x8, s18;
	s17 =	ssub.s32 @!p0 $0x4000, s17;
	p2 =	sgt.s32 @!p0 s19, $0x0  }
0x33: {  	p1 =	por !p1, p0;
	s19 =	sxor.u32 @!p0 $0xFFFFFFFF, s14;
	p2 =	por !p2, p0  }
0x34: {  	s17 =	simm.s32 @!p1 $0x0;
	s19 =	sshll.u32 @!p0 s19, $0xE;
	s18 =	simm.s32 @!p2 $0x0  }
0x35: {  	s17 =	smul.u32 @!p0 s18, s17;
	s18 =	sand.u32 @!p0 $0x4000, s19;
	s19 =	sshll.u32 @!p0 s13, $0x7  }
0x36: {  	s21 =	simm.s32 @!p0 $0x400;
	s20 =	sand.u32 @!p0 $0x70, s20;
	s19 =	sadd.s32 @!p0 s2, s19  }
0x37: {  	s17 =	sand.u32 @!p0 $0x3FFFFF80, s17;
	s19 =	sadd.s32 @!p0 s20, s19;
	s20 =	simm.s32 @!p0 $0x80  }
0x38: {  	[tilespmem:s18], [sflag:$0x1] =	stream.strided.gather @!p0 [hbm4b:s19+s20], s17, s21, s20, $0x38;
	[tilespmem:$0x10000] =	vst v63  }
0x39: {  	p0 =	seq.s32 s14, $0x0  }
0x3a: {  	p1 =	sge.u32 @!p0 s14, s7  }
0x3b: {  	p0 =	por p0, p1  }
.Ltmp2:
0x3c: {  	_ = 	snop;
	(pc) =	sbr.rel @p0 .LBB1_12-.Ltmp2, $1  }
0x3d: {  	_ =	sdelay $0x3  }
0x3e: {  	p0 =	sgt.s32 s11, $0xC2D0;
	s17 =	smov.u32 s11;
	s18 =	sshra.s32 s11, $0x1F  }
0x3f: {  	s19 =	ssub.s32 $0x0, s10;
	s17 =	simm.s32 @!p0 $0xC2D0;
	s18 =	sand.u32 s18, s11  }
0x40: {  	s20 =	sshra.s32 s10, $0x1F;
	s21 =	smov.u32 s10;
	s18 =	ssub.s32 s17, s18  }
0x41: {  	p0 =	sgt.s32 s10, $0x7;
	s17 =	sand.u32 s19, s20;
	s18 =	sadd.s32 $0xFFFF3D30, s18  }
0x42: {  	s21 =	simm.s32 @!p0 $0x7;
	p0 =	sgt.s32 s18, $0x7F;
	s18 =	sshll.u32 s18, $0x7  }
0x43: {  	s20 =	sadd.s32 $0x80, s11;
	s19 =	sadd.s32 s17, s21;
	s18 =	ssub.s32 $0x4000, s18  }
0x44: {  	s21 =	sadd.s32 $0x1, s10;
	s18 =	simm.s32 @p0 $0x0;
	p0 =	slt.s32 s20, $0xC350  }
0x45: {  	s30 =	sadd.s32 $0xFFFFFFF9, s19;
	s20 =	simm.s32 @!p0 $0xC350;
	p0 =	slt.s32 s21, $0x5  }
0x46: {  	s19 =	ssub.s32 $0x8, s19;
	s20 =	ssub.s32 s20, s11;
	s21 =	simm.s32 @!p0 $0x5  }
0x47: {  	p1 =	sgt.s32 s30, $0x0;
	s21 =	ssub.s32 s21, s10;
	p0 =	slt.s32 s20, $0x1  }
0x48: {  	s19 =	simm.s32 @p1 $0x0;
	p1 =	slt.s32 @!p0 s21, $0x1  }
0x49: {  	s19 =	smul.u32 s19, s18;
	p0 =	por p0, p1  }
.Ltmp3:
0x4a: {  	_ = 	snop;
	(pc) =	sbr.rel @p0 .LBB1_11-.Ltmp3, $4  }
0x4b: {  	s19 =	sand.u32 $0x3FFFFF80, s19  }
0x4c: {  	_ =	swait.ge [sflag:s4], s19  }
0x4d: {  	s31 =	sshll.u32 s14, $0xE;
	s22 =	ssub.s32 $0x0, s19;
	[sflag:s4] =	ssyncset.done $0x0  }
0x4e: {  	s19 =	sand.u32 $0x4000, s31;
	[sflag:s4] =	ssyncadd.s32 s22  }
0x4f: {  	s22 =	sshll.u32 s9, $0x2  }
0x50: {  	s22 =	sand.u32 $0x10000, s22  }
0x51: {  	s22 =	sshrl.u32 s22, $0x2  }
0x52: {  	s24 =	simm.s32 $0x0;
	s25 =	simm.s32 $0x0;
	s22 =	sadd.s32 $0x8040, s22  }
.LBB1_4:
0x53: {  	s27 =	sshll.u32 s25, $0x7  }
0x54: {  	p1 =	sne.s32 s21, $0x1;
	s27 =	sadd.s32 s27, s19  }
.Ltmp4:
0x55: {  	v0 =	vmov s27;
	(pc) =	sbr.rel @!p1 .LBB1_5-.Ltmp4, $3  }
0x56: {  	_ =	sdelay $0x1  }
0x57: {  	s26 =	sand.u32 $0x3F80, s24;
	s28 =	sand.u32 $0x380, s23  }
0x58: {  	p0 =	por $0x0, $0x0;
	s26 =	sadd.s32 s26, s22;
	s27 =	sadd.s32 $0xFFFFFFFF, s21  }
0x59: {  	_ =	sdelay $0x3  }
0x5a: {  	v6 =	vld.idx.msk [tilespmem:v0+s28+$0x70 ss:$0x1], $0xffff  }
0x5b: {  	v7 =	vld.idx.msk [tilespmem:v0+s28+$0x0 ss:$0x1], $0xffff  }
0x5c: {  	v1 =	vld.idx.msk [tilespmem:v0+s28+$0x10 ss:$0x1], $0xffff;
	p1 =	sne.s32 s27, $0x1  }
.Ltmp5:
0x5d: {  	v2 =	vld.idx.msk [tilespmem:v0+s28+$0x20 ss:$0x1], $0xffff;
	(pc) =	sbr.rel @!p1 .LBB1_7-.Ltmp5, $4  }
0x5e: {  	v3 =	vld.idx.msk [tilespmem:v0+s28+$0x30 ss:$0x1], $0xffff  }
0x5f: {  	v4 =	vld.idx.msk [tilespmem:v0+s28+$0x40 ss:$0x1], $0xffff  }
0x60: {  	v5 =	vld.idx.msk [tilespmem:v0+s28+$0x50 ss:$0x1], $0xffff;
	s30 =	simm.s32 $0x80;
	s31 =	sadd.s32 $0xFFFFFFFF, s27;
	[tilespmem:s26+$0x30] =	vst v6  }
0x61: {  	p0 =	por $0x1, $0x1;
	s27 =	smov.u32 s26;
	s29 =	sand.u32 $0x380, s30;
	[tilespmem:s26+$0xFFFFFFC0] =	vst v7;
	v6 =	vld.idx.msk [tilespmem:v0+s28+$0x60 ss:$0x1], $0xffff  }
.LBB1_8:
0x62: {  	p1 =	sne.s32 s31, $0x1;
	v7 =	vld.idx.msk [tilespmem:v0+s29+$0x70 ss:$0x1], $0xffff;
	[tilespmem:s27+$0xFFFFFFD0] =	vst v1  }
0x63: {  	v8 =	vld.idx.msk [tilespmem:v0+s29+$0x0 ss:$0x1], $0xffff;
	[tilespmem:s27+$0xFFFFFFE0] =	vst v2  }
0x64: {  	v1 =	vld.idx.msk [tilespmem:v0+s29+$0x10 ss:$0x1], $0xffff;
	[tilespmem:s27+$0xFFFFFFF0] =	vst v3  }
.Ltmp6:
0x65: {  	v2 =	vld.idx.msk [tilespmem:v0+s29+$0x20 ss:$0x1], $0xffff;
	[tilespmem:s27+$0x0] =	vst v4;
	(pc) =	sbr.rel @p1 .LBB1_8-.Ltmp6, $4  }
0x66: {  	v3 =	vld.idx.msk [tilespmem:v0+s29+$0x30 ss:$0x1], $0xffff;
	[tilespmem:s27+$0x10] =	vst v5  }
0x67: {  	v4 =	vld.idx.msk [tilespmem:v0+s29+$0x40 ss:$0x1], $0xffff;
	[tilespmem:s27+$0x20] =	vst v6;
	s27 =	sadd.s32 $0x4000, s27  }
0x68: {  	s30 =	sadd.s32 $0x80, s30;
	v5 =	vld.idx.msk [tilespmem:v0+s29+$0x50 ss:$0x1], $0xffff;
	[tilespmem:s27+$0x30] =	vst v7  }
0x69: {  	s31 =	sadd.s32 $0xFFFFFFFF, s31;
	[tilespmem:s27+$0xFFFFFFC0] =	vst v8;
	v6 =	vld.idx.msk [tilespmem:v0+s29+$0x60 ss:$0x1], $0xffff;
	s29 =	sand.u32 $0x380, s30  }
0x6a: {  	s28 =	smov.u32 s29  }
.LBB1_10:
0x6b: {  	_ =	sdelay $0x2  }
0x6c: {  	[tilespmem:s27+$0xFFFFFFD0] =	vst @p0 v1  }
0x6d: {  	v56 =	vld.idx.msk [tilespmem:v0+s28+$0x70 ss:$0x1], $0xffff;
	[tilespmem:s27+$0xFFFFFFE0] =	vst @p0 v2  }
0x6e: {  	v57 =	vld.idx.msk [tilespmem:v0+s28+$0x0 ss:$0x1], $0xffff;
	[tilespmem:s27+$0xFFFFFFF0] =	vst @p0 v3  }
0x6f: {  	v58 =	vld.idx.msk [tilespmem:v0+s28+$0x10 ss:$0x1], $0xffff;
	[tilespmem:s27+$0x0] =	vst @p0 v4  }
0x70: {  	v59 =	vld.idx.msk [tilespmem:v0+s28+$0x20 ss:$0x1], $0xffff;
	s29 =	sadd.s32 @p0 $0x4000, s27;
	[tilespmem:s27+$0x10] =	vst @p0 v5  }
0x71: {  	v60 =	vld.idx.msk [tilespmem:v0+s28+$0x30 ss:$0x1], $0xffff;
	s26 =	smov.u32 @p0 s29;
	[tilespmem:s27+$0x20] =	vst @p0 v6  }
0x72: {  	v61 =	vld.idx.msk [tilespmem:v0+s28+$0x40 ss:$0x1], $0xffff;
	[tilespmem:s26+$0x30] =	vst v56  }
0x73: {  	v62 =	vld.idx.msk [tilespmem:v0+s28+$0x50 ss:$0x1], $0xffff;
	s25 =	sadd.s32 $0x1, s25;
	[tilespmem:s26+$0xFFFFFFC0] =	vst v57  }
0x74: {  	v63 =	vld.idx.msk [tilespmem:v0+s28+$0x60 ss:$0x1], $0xffff;
	p0 =	sne.s32 s25, s20;
	[tilespmem:s26+$0xFFFFFFD0] =	vst v58  }
.Ltmp7:
0x75: {  	[tilespmem:s26+$0xFFFFFFE0] =	vst v59;
	(pc) =	sbr.rel @p0 .LBB1_4-.Ltmp7, $4  }
.Ltmp8:
0x76: {  	[tilespmem:s26+$0xFFFFFFF0] =	vst v60;
	(pc) =	sbr.rel @!p0 .LBB1_11-.Ltmp8, $4  }
0x77: {  	[tilespmem:s26+$0x0] =	vst v61  }
0x78: {  	[tilespmem:s26+$0x10] =	vst v62  }
0x79: {  	s24 =	sadd.s32 $0x80, s24;
	[tilespmem:s26+$0x20] =	vst v63  }
0x7a: {  	_ = 	snop  }
.LBB1_5:
.Ltmp9:
0x7b: {  	(pc) =	sbr.rel .LBB1_10-.Ltmp9, $2  }
0x7c: {  	_ =	sdelay $0x2  }
0x7d: {  	s27 =	smov.u32 s26  }
.LBB1_7:
.Ltmp10:
0x7e: {  	(pc) =	sbr.rel .LBB1_10-.Ltmp10, $2  }
0x7f: {  	_ =	sdelay $0x2  }
0x80: {  	s28 =	smov.u32 s29;
	s27 =	smov.u32 s26  }
.LBB1_13:
0x81: {  	_ =	sfence.sel $0x180000  }
0x82: {  	s2 =	simm.s32 $0x1;
	[bflag:$0x0] =	sbarrier.arrive $0xFFFF  }
0x83: {  	s31 =	simm.s32 $0x2;
	[sflag:s2] =	ssyncpa.u1 $0x1  }
0x84: {  	[sflag:s31] =	ssyncpa.u1 $0x1  }
0x85: {  	p0 =	sne.s32 s0, $0x0;
	_ =	strace $0x90000047  }
0x86: {  	s0 =	sadd.s32 @!p0 $0x100000, s1;
	[bflag:$0x2] =	sbarrier.arrive $0xFFFF  }
0x87: {  	[sflag:s0] =	ssyncadd.tile.s32 @!p0 $0x1;
	_ =	shalt  }
.Lfunc_end1:
_tile_overlayer_lowered:
.L_overlay_start_2:
0x88: {  	(tag) =	ssettag $0x2  }
0x89: {  	s0 =	rddreg [dreg:$0x0];
	s2 =	stileid.u32  }
0x8a: {  	s1 =	rddreg [dreg:$0x1];
	p0 =	sne.s32 s2, $0x0  }
0x8b: {  	s3 =	rddreg [dreg:$0x2];
	[bflag:$0x3] =	sbarrier.arrive $0xFFFF;
	s2 =	simm.s32 @!p0 $0x1C01  }
0x8c: {  	[timem:s3], [sflag:s2] =	dma.local @!p0 [hbm:s0], s1  }
0x8d: {  	s0 =	simm.s32 @!p0 $0x1  }
0x8e: {  	_ =	swait.ge @!p0 [sflag:s0], s1  }
0x8f: {  	s1 =	ssub.s32 @!p0 $0x0, s1;
	[sflag:s0] =	ssyncset.done @!p0 $0x0  }
0x90: {  	[sflag:s0] =	ssyncadd.s32 @!p0 s1  }
0x91: {  	[bflag:$0x3] =	sbarrier.arrive $0xFFFF  }
0x92: {  	_ =	shalt  }

</sc_bundles>
